<compile_context>
chip_gen: v7x
topology: tpu7x:2x2x1
jax: 0.10.2.dev20260603
libtpu: 0.0.44.dev20260713+nightly
codegen_flags: <defaults>
</compile_context>

<pallas_src>
import jax
import jax.numpy as jnp
from jax import lax
from jax.experimental import pallas as pl
from jax.experimental.pallas import tpu as pltpu
from jax.experimental.pallas import tpu_sc as plsc

_VOCAB = 1000000
_DIM = 64
_BATCH = 4096
_BAG = 50

_C = 32768
_HC = _C // 2
_HBITS = _HC.bit_length() - 1
_Q = _C // 8
_QBITS = _Q.bit_length() - 1
_TC_GRID = (_VOCAB + _C - 1) // _C
_VPAD = _TC_GRID * _C
_REC = 32

_NC = 2
_NS = 16
_NW = _NC * _NS
_BPW = _BATCH // _NW
_NBUF = 4
_L = 16
_NV = _DIM // _L
_NIB = (0, 4, 2, 6)


def _tc_body(w_ref, out_ref):
    x = w_ref[...]
    m = jnp.max(jnp.abs(x), axis=0)
    scale = jnp.where(m == 0.0, 1.0, m / 7.0)
    q = jnp.round(x / scale[None, :])
    qi = q.astype(jnp.int32)
    z = jnp.concatenate([qi[:, :_HC], qi[:, _HC:]], axis=0) & 15
    a = z[0:64] | (z[64:128] << 4)
    b = a[0:32] | (a[32:64] << 8)
    c = b[0:16] | (b[16:32] << 16)
    sbits = lax.bitcast_convert_type(scale, jnp.int32)
    sa = sbits[None, :_HC]
    sb = sbits[None, _HC:]
    pads = jnp.zeros((_REC - 18, _Q), jnp.int32)
    pieces = []
    for t in range(4):
        sl = slice(t * _Q, (t + 1) * _Q)
        pieces += [c[:, sl], sa[:, sl], sb[:, sl], pads]
    u = jnp.concatenate(pieces, axis=0)
    out_ref[...] = u.T


_tc_quant = pl.pallas_call(
    _tc_body,
    grid=(_TC_GRID,),
    in_specs=[pl.BlockSpec((_DIM, _C), lambda k: (0, k))],
    out_specs=pl.BlockSpec((_C // 8, 4 * _REC), lambda k: (k, 0)),
    out_shape=jax.ShapeDtypeStruct((_VPAD // 8, 4 * _REC), jnp.int32),
)


def _sc_body(table_hbm, idx_hbm, cat_hbm, out_hbm, idx_v, idx_t, cat_v,
             rows_v, stage_v, sem):
    wid = lax.axis_index("s") * _NC + lax.axis_index("c")
    base = wid * _BPW

    pltpu.sync_copy(idx_hbm.at[pl.ds(base, _BPW)], idx_v)
    pltpu.sync_copy(cat_hbm.at[pl.ds(base, _BPW)], cat_v)

    def perm_body(r, carry):
        for off in (0, 16, 32, 34):
            v = idx_v[r, pl.ds(off, _L)]
            j = v & (_HC - 1)
            p = (lax.shift_right_logical(v & ~(_C - 1), 1)
                 | ((j & (_Q - 1)) << 2)
                 | lax.shift_right_logical(j, _QBITS))
            idx_t[r, pl.ds(off, _L)] = p
        return carry

    lax.fori_loop(0, _BPW, perm_body, 0, unroll=4)

    for s in range(_NBUF):
        pltpu.async_copy(table_hbm.at[idx_t.at[s]], rows_v.at[s], sem.at[s])

    _WINDOWS = ((0, range(0, 16)), (16, range(0, 16)), (32, range(0, 16)),
                (34, range(14, 16)))

    def bag_body(g, carry):
        s = g & (_NBUF - 1)
        pltpu.make_async_copy(
            table_hbm.at[idx_t.at[g]], rows_v.at[s], sem.at[s]).wait()
        acc = [jnp.zeros((_L,), jnp.float32) for _ in range(_NV)]
        for woff, lanes in _WINDOWS:
            hv = lax.shift_right_logical(
                idx_v[g, pl.ds(woff, _L)], _HBITS) & 1
            for lane in lanes:
                r = woff + lane
                w0 = rows_v[s, r, pl.ds(0, _L)]
                sv = lax.bitcast_convert_type(
                    rows_v[s, r, pl.ds(_L, _L)], jnp.float32)
                h = hv[lane]
                scale = jnp.where(h == 0, sv[0], sv[1])
                hs = 4 * h
                for k in range(_NV):
                    qk = lax.shift_right_arithmetic(
                        lax.shift_left(w0, (28 - 4 * _NIB[k]) - hs), 28)
                    acc[k] = acc[k] + qk.astype(jnp.float32) * scale
        gn = g + _NBUF

        @pl.when(gn < _BPW)
        def _():
            pltpu.async_copy(
                table_hbm.at[idx_t.at[gn]], rows_v.at[s], sem.at[s])

        for k in range(_NV):
            stage_v[g, pl.ds(k * _L, _L)] = acc[k]
            stage_v[g, pl.ds(_DIM + k * _L, _L)] = acc[k]
            stage_v[g, pl.ds(2 * _DIM + k * _L, _L)] = \
                cat_v[g, pl.ds(k * _L, _L)]
        return carry

    lax.fori_loop(0, _BPW, bag_body, 0)
    pltpu.sync_copy(stage_v, out_hbm.at[pl.ds(base, _BPW)])


import functools


@functools.cache
def _sc_embed():
    return pl.kernel(
        _sc_body,
        out_type=jax.ShapeDtypeStruct((_BATCH, 3 * _DIM), jnp.float32),
        mesh=plsc.VectorSubcoreMesh(core_axis_name="c",
                                    subcore_axis_name="s",
                                    num_cores=_NC, num_subcores=_NS),
        compiler_params=pltpu.CompilerParams(use_tc_tiling_on_sc=False),
        scratch_types=[
            pltpu.VMEM((_BPW, _BAG), jnp.int32),
            pltpu.VMEM((_BPW, _BAG), jnp.int32),
            pltpu.VMEM((_BPW, _DIM), jnp.float32),
            pltpu.VMEM((_NBUF, _BAG, _REC), jnp.int32),
            pltpu.VMEM((_BPW, 3 * _DIM), jnp.float32),
            pltpu.SemaphoreType.DMA((_NBUF,)),
        ],
    )


def kernel(weights, indices, offsets, cat_input, output_dtype):
    del offsets, output_dtype
    packed = _tc_quant(weights.T).reshape(_VPAD // 2, _REC)
    idx2d = indices.reshape(_BATCH, _BAG)
    return _sc_embed()(packed, idx2d, cat_input)

# --- scband reference (transcript-rebuilt; emitter-appended) ---
"""Pipeline reference for scband-custom-model-quant-embedding-group-7842610282551 (READ-ONLY COPY).

The authoritative reference and input builder live on the scoring server;
editing this copy changes nothing except your own understanding.
"""

import jax, jax.numpy as jnp
import numpy as np

VOCAB = 1000000
DIM = 64
BATCH = 4096
BAG = 50


def setup_inputs(seed: int = 0) -> dict:
    key = jax.random.key(seed)
    k1, k2, k3 = jax.random.split(key, 3)
    weights = jax.random.normal(k1, (VOCAB, DIM), dtype=jnp.float32)
    indices = jax.random.randint(k2, (BATCH * BAG,), 0, VOCAB, dtype=jnp.int32)
    offsets = jnp.arange(BATCH + 1, dtype=jnp.int32) * BAG  # include_last_offset=True -> last == len(indices)
    cat_input = jax.random.normal(k3, (BATCH, DIM), dtype=jnp.float32)
    return {"weights": weights, "indices": indices, "offsets": offsets, "cat_input": cat_input, "output_dtype": 6}


def _quant_embedding_bag(weights, indices, offsets):
    # Simulate zentorch 4-bit row-wise quantized embedding bag (sum pooling,
    # include_last_offset=True): rowwise symmetric int4 quant-dequant of the
    # table, gather rows, then segment-sum per bag.
    scale = jnp.max(jnp.abs(weights), axis=1, keepdims=True) / 7.0
    scale = jnp.where(scale == 0, jnp.ones_like(scale), scale)
    q = jnp.clip(jnp.round(weights / scale), -8.0, 7.0)
    deq = q * scale
    gathered = jnp.take(deq, indices, axis=0)
    num_bags = offsets.shape[0] - 1
    pos = jnp.arange(indices.shape[0], dtype=offsets.dtype)
    seg = jnp.searchsorted(offsets[1:], pos, side="right")
    return jax.ops.segment_sum(gathered, seg, num_segments=num_bags)


def reference(weights, indices, offsets, cat_input, output_dtype):
    eb1 = _quant_embedding_bag(weights, indices, offsets)
    eb2 = _quant_embedding_bag(weights, indices, offsets)
    res = jnp.concatenate([eb1, eb2, cat_input], axis=1)
    return res.astype(jnp.float32)  # output_dtype fixed to float32

if __name__ == "__main__":
    import jax
    _d = setup_inputs()
    print(jax.jit(kernel)(*tuple(_d.values())))

</pallas_src>

<mosaic_0001>
#map = affine_map<(d0, d1) -> (0, 0)>
module attributes {stable_mosaic.version = 14 : i64} {
  func.func @_sc_body(%arg0: i32, %arg1: i32, %arg2: memref<507904x32xi32, #tpu.memory_space<hbm>>, %arg3: memref<4096x50xi32, #tpu.memory_space<hbm>>, %arg4: memref<4096x64xf32, #tpu.memory_space<hbm>>, %arg5: memref<4096x192xf32, #tpu.memory_space<hbm>>, %arg6: memref<128x50xi32, #tpu.memory_space<vmem>>, %arg7: memref<128x50xi32, #tpu.memory_space<vmem>>, %arg8: memref<128x64xf32, #tpu.memory_space<vmem>>, %arg9: memref<4x50x32xi32, #tpu.memory_space<vmem>>, %arg10: memref<128x192xf32, #tpu.memory_space<vmem>>, %arg11: memref<4x!tpu.dma_semaphore, #tpu.memory_space<semaphore_mem>>) attributes {dimension_semantics = [#tpu.dimension_semantics<core_parallel>, #tpu.dimension_semantics<subcore_parallel>], iteration_bounds = array<i64: 2, 16>, scalar_prefetch = 0 : i64, scratch_operands = 6 : i64, tpu.core_type = #tpu.core_type<sc_vector_subcore>, window_params = [{transform_indices = #map}, {transform_indices = #map}, {transform_indices = #map}, {transform_indices = #map}]} {
    %mul3A = arith.constant 2 : i32
    %mul3A_0 = arith.muli %arg1, %mul3A : i32
    %add3A = arith.addi %mul3A_0, %arg0 : i32
    %mul3A_1 = arith.constant 128 : i32
    %mul3A_2 = arith.muli %add3A, %mul3A_1 : i32
    "tpu.region"() ({
      %run_scoped3A = tpu.sem_alloc : memref<!tpu.dma_semaphore, #tpu.memory_space<semaphore_mem>>
      %dma_start3A_73 = arith.constant 0 : i32
      %dma_start3A_74 = tpu.memref_slice %arg3[%mul3A_2, %dma_start3A_73] : memref<4096x50xi32, #tpu.memory_space<hbm>> -> memref<128x50xi32, #tpu.memory_space<hbm>>
      %dma_start3A_75 = arith.constant 0 : i32
      %dma_start3A_76 = tpu.memref_slice %arg3[%mul3A_2, %dma_start3A_75] : memref<4096x50xi32, #tpu.memory_space<hbm>> -> memref<128x50xi32, #tpu.memory_space<hbm>>
      tpu.enqueue_dma source(%dma_start3A_76 : memref<128x50xi32, #tpu.memory_space<hbm>>) target(%arg6 : memref<128x50xi32, #tpu.memory_space<vmem>>) target_semaphore(%run_scoped3A : memref<!tpu.dma_semaphore, #tpu.memory_space<semaphore_mem>>)
      %dma_wait3A = arith.constant 0 : i32
      %dma_wait3A_77 = tpu.memref_slice %arg3[%mul3A_2, %dma_wait3A] : memref<4096x50xi32, #tpu.memory_space<hbm>> -> memref<128x50xi32, #tpu.memory_space<hbm>>
      %dma_wait3A_78 = arith.constant 0 : i32
      %dma_wait3A_79 = tpu.memref_slice %arg3[%mul3A_2, %dma_wait3A_78] : memref<4096x50xi32, #tpu.memory_space<hbm>> -> memref<128x50xi32, #tpu.memory_space<hbm>>
      tpu.wait_dma2 semaphore(%run_scoped3A : memref<!tpu.dma_semaphore, #tpu.memory_space<semaphore_mem>>) src(%dma_wait3A_79 : memref<128x50xi32, #tpu.memory_space<hbm>>) dst(%arg6 : memref<128x50xi32, #tpu.memory_space<vmem>>)
      tpu.yield
    }) : () -> ()
    "tpu.region"() ({
      %run_scoped3A = tpu.sem_alloc : memref<!tpu.dma_semaphore, #tpu.memory_space<semaphore_mem>>
      %dma_start3A_73 = arith.constant 0 : i32
      %dma_start3A_74 = tpu.memref_slice %arg4[%mul3A_2, %dma_start3A_73] : memref<4096x64xf32, #tpu.memory_space<hbm>> -> memref<128x64xf32, #tpu.memory_space<hbm>>
      %dma_start3A_75 = arith.constant 0 : i32
      %dma_start3A_76 = tpu.memref_slice %arg4[%mul3A_2, %dma_start3A_75] : memref<4096x64xf32, #tpu.memory_space<hbm>> -> memref<128x64xf32, #tpu.memory_space<hbm>>
      tpu.enqueue_dma source(%dma_start3A_76 : memref<128x64xf32, #tpu.memory_space<hbm>>) target(%arg8 : memref<128x64xf32, #tpu.memory_space<vmem>>) target_semaphore(%run_scoped3A : memref<!tpu.dma_semaphore, #tpu.memory_space<semaphore_mem>>)
      %dma_wait3A = arith.constant 0 : i32
      %dma_wait3A_77 = tpu.memref_slice %arg4[%mul3A_2, %dma_wait3A] : memref<4096x64xf32, #tpu.memory_space<hbm>> -> memref<128x64xf32, #tpu.memory_space<hbm>>
      %dma_wait3A_78 = arith.constant 0 : i32
      %dma_wait3A_79 = tpu.memref_slice %arg4[%mul3A_2, %dma_wait3A_78] : memref<4096x64xf32, #tpu.memory_space<hbm>> -> memref<128x64xf32, #tpu.memory_space<hbm>>
      tpu.wait_dma2 semaphore(%run_scoped3A : memref<!tpu.dma_semaphore, #tpu.memory_space<semaphore_mem>>) src(%dma_wait3A_79 : memref<128x64xf32, #tpu.memory_space<hbm>>) dst(%arg8 : memref<128x64xf32, #tpu.memory_space<vmem>>)
      tpu.yield
    }) : () -> ()
    %scan3A = arith.constant 0 : i32
    %scan3A_3 = arith.constant 0 : i32
    %scan3A_4 = arith.constant 128 : i32
    %scan3A_5 = arith.addi %scan3A_3, %scan3A_4 : i32
    %scan3A_6 = arith.constant 4 : i32
    scf.for %scan3A_73 = %scan3A_3 to %scan3A_5 step %scan3A_6  : i32 {
      %get3A = arith.index_cast %scan3A_73 : i32 to index
      %get3A_74 = arith.constant 0 : index
      %get3A_75 = tpu.vector_load %arg6[%get3A, %get3A_74] {strides = array<i32>} : memref<128x50xi32, #tpu.memory_space<vmem>>, vector<1x16xi32>,
      %get3A_76 = vector.shape_cast %get3A_75 : vector<1x16xi32> to vector<16xi32>
      %and3A = arith.constant 16383 : i32
      %and3A_77 = vector.broadcast %and3A : i32 to vector<16xi32>
      %and3A_78 = arith.andi %get3A_76, %and3A_77 : vector<16xi32>
      %and3A_79 = arith.constant -32768 : i32
      %and3A_80 = vector.broadcast %and3A_79 : i32 to vector<16xi32>
      %and3A_81 = arith.andi %get3A_76, %and3A_80 : vector<16xi32>
      %shift_right_logical3A = arith.constant 1 : i32
      %shift_right_logical3A_82 = vector.broadcast %shift_right_logical3A : i32 to vector<16xi32>
      %shift_right_logical3A_83 = arith.shrui %and3A_81, %shift_right_logical3A_82 : vector<16xi32>
      %and3A_84 = arith.constant 4095 : i32
      %and3A_85 = vector.broadcast %and3A_84 : i32 to vector<16xi32>
      %and3A_86 = arith.andi %and3A_78, %and3A_85 : vector<16xi32>
      %shift_left3A = arith.constant 2 : i32
      %shift_left3A_87 = vector.broadcast %shift_left3A : i32 to vector<16xi32>
      %shift_left3A_88 = arith.shli %and3A_86, %shift_left3A_87 : vector<16xi32>
      %or3A = arith.ori %shift_right_logical3A_83, %shift_left3A_88 : vector<16xi32>
      %shift_right_logical3A_89 = arith.constant 12 : i32
      %shift_right_logical3A_90 = vector.broadcast %shift_right_logical3A_89 : i32 to vector<16xi32>
      %shift_right_logical3A_91 = arith.shrui %and3A_78, %shift_right_logical3A_90 : vector<16xi32>
      %or3A_92 = arith.ori %or3A, %shift_right_logical3A_91 : vector<16xi32>
      %swap3A = arith.index_cast %scan3A_73 : i32 to index
      %swap3A_93 = arith.constant 0 : index
      %swap3A_94 = tpu.vector_load %arg7[%swap3A, %swap3A_93] {strides = array<i32>} : memref<128x50xi32, #tpu.memory_space<vmem>>, vector<1x16xi32>,
      %swap3A_95 = vector.shape_cast %swap3A_94 : vector<1x16xi32> to vector<16xi32>
      %swap3A_96 = vector.shape_cast %or3A_92 : vector<16xi32> to vector<1x16xi32>
      tpu.vector_store %arg7[%swap3A, %swap3A_93], %swap3A_96 {strides = array<i32>} : memref<128x50xi32, #tpu.memory_space<vmem>>, vector<1x16xi32>,
      %get3A_97 = arith.index_cast %scan3A_73 : i32 to index
      %get3A_98 = arith.constant 16 : index
      %get3A_99 = tpu.vector_load %arg6[%get3A_97, %get3A_98] {strides = array<i32>} : memref<128x50xi32, #tpu.memory_space<vmem>>, vector<1x16xi32>,
      %get3A_100 = vector.shape_cast %get3A_99 : vector<1x16xi32> to vector<16xi32>
      %and3A_101 = arith.constant 16383 : i32
      %and3A_102 = vector.broadcast %and3A_101 : i32 to vector<16xi32>
      %and3A_103 = arith.andi %get3A_100, %and3A_102 : vector<16xi32>
      %and3A_104 = arith.constant -32768 : i32
      %and3A_105 = vector.broadcast %and3A_104 : i32 to vector<16xi32>
      %and3A_106 = arith.andi %get3A_100, %and3A_105 : vector<16xi32>
      %shift_right_logical3A_107 = arith.constant 1 : i32
      %shift_right_logical3A_108 = vector.broadcast %shift_right_logical3A_107 : i32 to vector<16xi32>
      %shift_right_logical3A_109 = arith.shrui %and3A_106, %shift_right_logical3A_108 : vector<16xi32>
      %and3A_110 = arith.constant 4095 : i32
      %and3A_111 = vector.broadcast %and3A_110 : i32 to vector<16xi32>
      %and3A_112 = arith.andi %and3A_103, %and3A_111 : vector<16xi32>
      %shift_left3A_113 = arith.constant 2 : i32
      %shift_left3A_114 = vector.broadcast %shift_left3A_113 : i32 to vector<16xi32>
      %shift_left3A_115 = arith.shli %and3A_112, %shift_left3A_114 : vector<16xi32>
      %or3A_116 = arith.ori %shift_right_logical3A_109, %shift_left3A_115 : vector<16xi32>
      %shift_right_logical3A_117 = arith.constant 12 : i32
      %shift_right_logical3A_118 = vector.broadcast %shift_right_logical3A_117 : i32 to vector<16xi32>
      %shift_right_logical3A_119 = arith.shrui %and3A_103, %shift_right_logical3A_118 : vector<16xi32>
      %or3A_120 = arith.ori %or3A_116, %shift_right_logical3A_119 : vector<16xi32>
      %swap3A_121 = arith.index_cast %scan3A_73 : i32 to index
      %swap3A_122 = arith.constant 16 : index
      %swap3A_123 = tpu.vector_load %arg7[%swap3A_121, %swap3A_122] {strides = array<i32>} : memref<128x50xi32, #tpu.memory_space<vmem>>, vector<1x16xi32>,
      %swap3A_124 = vector.shape_cast %swap3A_123 : vector<1x16xi32> to vector<16xi32>
      %swap3A_125 = vector.shape_cast %or3A_120 : vector<16xi32> to vector<1x16xi32>
      tpu.vector_store %arg7[%swap3A_121, %swap3A_122], %swap3A_125 {strides = array<i32>} : memref<128x50xi32, #tpu.memory_space<vmem>>, vector<1x16xi32>,
      %get3A_126 = arith.index_cast %scan3A_73 : i32 to index
      %get3A_127 = arith.constant 32 : index
      %get3A_128 = tpu.vector_load %arg6[%get3A_126, %get3A_127] {strides = array<i32>} : memref<128x50xi32, #tpu.memory_space<vmem>>, vector<1x16xi32>,
      %get3A_129 = vector.shape_cast %get3A_128 : vector<1x16xi32> to vector<16xi32>
      %and3A_130 = arith.constant 16383 : i32
      %and3A_131 = vector.broadcast %and3A_130 : i32 to vector<16xi32>
      %and3A_132 = arith.andi %get3A_129, %and3A_131 : vector<16xi32>
      %and3A_133 = arith.constant -32768 : i32
      %and3A_134 = vector.broadcast %and3A_133 : i32 to vector<16xi32>
      %and3A_135 = arith.andi %get3A_129, %and3A_134 : vector<16xi32>
      %shift_right_logical3A_136 = arith.constant 1 : i32
      %shift_right_logical3A_137 = vector.broadcast %shift_right_logical3A_136 : i32 to vector<16xi32>
      %shift_right_logical3A_138 = arith.shrui %and3A_135, %shift_right_logical3A_137 : vector<16xi32>
      %and3A_139 = arith.constant 4095 : i32
      %and3A_140 = vector.broadcast %and3A_139 : i32 to vector<16xi32>
      %and3A_141 = arith.andi %and3A_132, %and3A_140 : vector<16xi32>
      %shift_left3A_142 = arith.constant 2 : i32
      %shift_left3A_143 = vector.broadcast %shift_left3A_142 : i32 to vector<16xi32>
      %shift_left3A_144 = arith.shli %and3A_141, %shift_left3A_143 : vector<16xi32>
      %or3A_145 = arith.ori %shift_right_logical3A_138, %shift_left3A_144 : vector<16xi32>
      %shift_right_logical3A_146 = arith.constant 12 : i32
      %shift_right_logical3A_147 = vector.broadcast %shift_right_logical3A_146 : i32 to vector<16xi32>
      %shift_right_logical3A_148 = arith.shrui %and3A_132, %shift_right_logical3A_147 : vector<16xi32>
      %or3A_149 = arith.ori %or3A_145, %shift_right_logical3A_148 : vector<16xi32>
      %swap3A_150 = arith.index_cast %scan3A_73 : i32 to index
      %swap3A_151 = arith.constant 32 : index
      %swap3A_152 = tpu.vector_load %arg7[%swap3A_150, %swap3A_151] {strides = array<i32>} : memref<128x50xi32, #tpu.memory_space<vmem>>, vector<1x16xi32>,
      %swap3A_153 = vector.shape_cast %swap3A_152 : vector<1x16xi32> to vector<16xi32>
      %swap3A_154 = vector.shape_cast %or3A_149 : vector<16xi32> to vector<1x16xi32>
      tpu.vector_store %arg7[%swap3A_150, %swap3A_151], %swap3A_154 {strides = array<i32>} : memref<128x50xi32, #tpu.memory_space<vmem>>, vector<1x16xi32>,
      %get3A_155 = arith.index_cast %scan3A_73 : i32 to index
      %get3A_156 = arith.constant 34 : index
      %get3A_157 = tpu.vector_load %arg6[%get3A_155, %get3A_156] {strides = array<i32>} : memref<128x50xi32, #tpu.memory_space<vmem>>, vector<1x16xi32>,
      %get3A_158 = vector.shape_cast %get3A_157 : vector<1x16xi32> to vector<16xi32>
      %and3A_159 = arith.constant 16383 : i32
      %and3A_160 = vector.broadcast %and3A_159 : i32 to vector<16xi32>
      %and3A_161 = arith.andi %get3A_158, %and3A_160 : vector<16xi32>
      %and3A_162 = arith.constant -32768 : i32
      %and3A_163 = vector.broadcast %and3A_162 : i32 to vector<16xi32>
      %and3A_164 = arith.andi %get3A_158, %and3A_163 : vector<16xi32>
      %shift_right_logical3A_165 = arith.constant 1 : i32
      %shift_right_logical3A_166 = vector.broadcast %shift_right_logical3A_165 : i32 to vector<16xi32>
      %shift_right_logical3A_167 = arith.shrui %and3A_164, %shift_right_logical3A_166 : vector<16xi32>
      %and3A_168 = arith.constant 4095 : i32
      %and3A_169 = vector.broadcast %and3A_168 : i32 to vector<16xi32>
      %and3A_170 = arith.andi %and3A_161, %and3A_169 : vector<16xi32>
      %shift_left3A_171 = arith.constant 2 : i32
      %shift_left3A_172 = vector.broadcast %shift_left3A_171 : i32 to vector<16xi32>
      %shift_left3A_173 = arith.shli %and3A_170, %shift_left3A_172 : vector<16xi32>
      %or3A_174 = arith.ori %shift_right_logical3A_167, %shift_left3A_173 : vector<16xi32>
      %shift_right_logical3A_175 = arith.constant 12 : i32
      %shift_right_logical3A_176 = vector.broadcast %shift_right_logical3A_175 : i32 to vector<16xi32>
      %shift_right_logical3A_177 = arith.shrui %and3A_161, %shift_right_logical3A_176 : vector<16xi32>
      %or3A_178 = arith.ori %or3A_174, %shift_right_logical3A_177 : vector<16xi32>
      %swap3A_179 = arith.index_cast %scan3A_73 : i32 to index
      %swap3A_180 = arith.constant 34 : index
      %swap3A_181 = tpu.vector_load %arg7[%swap3A_179, %swap3A_180] {strides = array<i32>} : memref<128x50xi32, #tpu.memory_space<vmem>>, vector<1x16xi32>,
      %swap3A_182 = vector.shape_cast %swap3A_181 : vector<1x16xi32> to vector<16xi32>
      %swap3A_183 = vector.shape_cast %or3A_178 : vector<16xi32> to vector<1x16xi32>
      tpu.vector_store %arg7[%swap3A_179, %swap3A_180], %swap3A_183 {strides = array<i32>} : memref<128x50xi32, #tpu.memory_space<vmem>>, vector<1x16xi32>,
      %scan3A_184 = arith.constant 1 : i32
      %scan3A_185 = arith.addi %scan3A_73, %scan3A_184 : i32
      %get3A_186 = arith.index_cast %scan3A_185 : i32 to index
      %get3A_187 = arith.constant 0 : index
      %get3A_188 = tpu.vector_load %arg6[%get3A_186, %get3A_187] {strides = array<i32>} : memref<128x50xi32, #tpu.memory_space<vmem>>, vector<1x16xi32>,
      %get3A_189 = vector.shape_cast %get3A_188 : vector<1x16xi32> to vector<16xi32>
      %and3A_190 = arith.constant 16383 : i32
      %and3A_191 = vector.broadcast %and3A_190 : i32 to vector<16xi32>
      %and3A_192 = arith.andi %get3A_189, %and3A_191 : vector<16xi32>
      %and3A_193 = arith.constant -32768 : i32
      %and3A_194 = vector.broadcast %and3A_193 : i32 to vector<16xi32>
      %and3A_195 = arith.andi %get3A_189, %and3A_194 : vector<16xi32>
      %shift_right_logical3A_196 = arith.constant 1 : i32
      %shift_right_logical3A_197 = vector.broadcast %shift_right_logical3A_196 : i32 to vector<16xi32>
      %shift_right_logical3A_198 = arith.shrui %and3A_195, %shift_right_logical3A_197 : vector<16xi32>
      %and3A_199 = arith.constant 4095 : i32
      %and3A_200 = vector.broadcast %and3A_199 : i32 to vector<16xi32>
      %and3A_201 = arith.andi %and3A_192, %and3A_200 : vector<16xi32>
      %shift_left3A_202 = arith.constant 2 : i32
      %shift_left3A_203 = vector.broadcast %shift_left3A_202 : i32 to vector<16xi32>
      %shift_left3A_204 = arith.shli %and3A_201, %shift_left3A_203 : vector<16xi32>
      %or3A_205 = arith.ori %shift_right_logical3A_198, %shift_left3A_204 : vector<16xi32>
      %shift_right_logical3A_206 = arith.constant 12 : i32
      %shift_right_logical3A_207 = vector.broadcast %shift_right_logical3A_206 : i32 to vector<16xi32>
      %shift_right_logical3A_208 = arith.shrui %and3A_192, %shift_right_logical3A_207 : vector<16xi32>
      %or3A_209 = arith.ori %or3A_205, %shift_right_logical3A_208 : vector<16xi32>
      %swap3A_210 = arith.index_cast %scan3A_185 : i32 to index
      %swap3A_211 = arith.constant 0 : index
      %swap3A_212 = tpu.vector_load %arg7[%swap3A_210, %swap3A_211] {strides = array<i32>} : memref<128x50xi32, #tpu.memory_space<vmem>>, vector<1x16xi32>,
      %swap3A_213 = vector.shape_cast %swap3A_212 : vector<1x16xi32> to vector<16xi32>
      %swap3A_214 = vector.shape_cast %or3A_209 : vector<16xi32> to vector<1x16xi32>
      tpu.vector_store %arg7[%swap3A_210, %swap3A_211], %swap3A_214 {strides = array<i32>} : memref<128x50xi32, #tpu.memory_space<vmem>>, vector<1x16xi32>,
      %get3A_215 = arith.index_cast %scan3A_185 : i32 to index
      %get3A_216 = arith.constant 16 : index
      %get3A_217 = tpu.vector_load %arg6[%get3A_215, %get3A_216] {strides = array<i32>} : memref<128x50xi32, #tpu.memory_space<vmem>>, vector<1x16xi32>,
      %get3A_218 = vector.shape_cast %get3A_217 : vector<1x16xi32> to vector<16xi32>
      %and3A_219 = arith.constant 16383 : i32
      %and3A_220 = vector.broadcast %and3A_219 : i32 to vector<16xi32>
      %and3A_221 = arith.andi %get3A_218, %and3A_220 : vector<16xi32>
      %and3A_222 = arith.constant -32768 : i32
      %and3A_223 = vector.broadcast %and3A_222 : i32 to vector<16xi32>
      %and3A_224 = arith.andi %get3A_218, %and3A_223 : vector<16xi32>
      %shift_right_logical3A_225 = arith.constant 1 : i32
      %shift_right_logical3A_226 = vector.broadcast %shift_right_logical3A_225 : i32 to vector<16xi32>
      %shift_right_logical3A_227 = arith.shrui %and3A_224, %shift_right_logical3A_226 : vector<16xi32>
      %and3A_228 = arith.constant 4095 : i32
      %and3A_229 = vector.broadcast %and3A_228 : i32 to vector<16xi32>
      %and3A_230 = arith.andi %and3A_221, %and3A_229 : vector<16xi32>
      %shift_left3A_231 = arith.constant 2 : i32
      %shift_left3A_232 = vector.broadcast %shift_left3A_231 : i32 to vector<16xi32>
      %shift_left3A_233 = arith.shli %and3A_230, %shift_left3A_232 : vector<16xi32>
      %or3A_234 = arith.ori %shift_right_logical3A_227, %shift_left3A_233 : vector<16xi32>
      %shift_right_logical3A_235 = arith.constant 12 : i32
      %shift_right_logical3A_236 = vector.broadcast %shift_right_logical3A_235 : i32 to vector<16xi32>
      %shift_right_logical3A_237 = arith.shrui %and3A_221, %shift_right_logical3A_236 : vector<16xi32>
      %or3A_238 = arith.ori %or3A_234, %shift_right_logical3A_237 : vector<16xi32>
      %swap3A_239 = arith.index_cast %scan3A_185 : i32 to index
      %swap3A_240 = arith.constant 16 : index
      %swap3A_241 = tpu.vector_load %arg7[%swap3A_239, %swap3A_240] {strides = array<i32>} : memref<128x50xi32, #tpu.memory_space<vmem>>, vector<1x16xi32>,
      %swap3A_242 = vector.shape_cast %swap3A_241 : vector<1x16xi32> to vector<16xi32>
      %swap3A_243 = vector.shape_cast %or3A_238 : vector<16xi32> to vector<1x16xi32>
      tpu.vector_store %arg7[%swap3A_239, %swap3A_240], %swap3A_243 {strides = array<i32>} : memref<128x50xi32, #tpu.memory_space<vmem>>, vector<1x16xi32>,
      %get3A_244 = arith.index_cast %scan3A_185 : i32 to index
      %get3A_245 = arith.constant 32 : index
      %get3A_246 = tpu.vector_load %arg6[%get3A_244, %get3A_245] {strides = array<i32>} : memref<128x50xi32, #tpu.memory_space<vmem>>, vector<1x16xi32>,
      %get3A_247 = vector.shape_cast %get3A_246 : vector<1x16xi32> to vector<16xi32>
      %and3A_248 = arith.constant 16383 : i32
      %and3A_249 = vector.broadcast %and3A_248 : i32 to vector<16xi32>
      %and3A_250 = arith.andi %get3A_247, %and3A_249 : vector<16xi32>
      %and3A_251 = arith.constant -32768 : i32
      %and3A_252 = vector.broadcast %and3A_251 : i32 to vector<16xi32>
      %and3A_253 = arith.andi %get3A_247, %and3A_252 : vector<16xi32>
      %shift_right_logical3A_254 = arith.constant 1 : i32
      %shift_right_logical3A_255 = vector.broadcast %shift_right_logical3A_254 : i32 to vector<16xi32>
      %shift_right_logical3A_256 = arith.shrui %and3A_253, %shift_right_logical3A_255 : vector<16xi32>
      %and3A_257 = arith.constant 4095 : i32
      %and3A_258 = vector.broadcast %and3A_257 : i32 to vector<16xi32>
      %and3A_259 = arith.andi %and3A_250, %and3A_258 : vector<16xi32>
      %shift_left3A_260 = arith.constant 2 : i32
      %shift_left3A_261 = vector.broadcast %shift_left3A_260 : i32 to vector<16xi32>
      %shift_left3A_262 = arith.shli %and3A_259, %shift_left3A_261 : vector<16xi32>
      %or3A_263 = arith.ori %shift_right_logical3A_256, %shift_left3A_262 : vector<16xi32>
      %shift_right_logical3A_264 = arith.constant 12 : i32
      %shift_right_logical3A_265 = vector.broadcast %shift_right_logical3A_264 : i32 to vector<16xi32>
      %shift_right_logical3A_266 = arith.shrui %and3A_250, %shift_right_logical3A_265 : vector<16xi32>
      %or3A_267 = arith.ori %or3A_263, %shift_right_logical3A_266 : vector<16xi32>
      %swap3A_268 = arith.index_cast %scan3A_185 : i32 to index
      %swap3A_269 = arith.constant 32 : index
      %swap3A_270 = tpu.vector_load %arg7[%swap3A_268, %swap3A_269] {strides = array<i32>} : memref<128x50xi32, #tpu.memory_space<vmem>>, vector<1x16xi32>,
      %swap3A_271 = vector.shape_cast %swap3A_270 : vector<1x16xi32> to vector<16xi32>
      %swap3A_272 = vector.shape_cast %or3A_267 : vector<16xi32> to vector<1x16xi32>
      tpu.vector_store %arg7[%swap3A_268, %swap3A_269], %swap3A_272 {strides = array<i32>} : memref<128x50xi32, #tpu.memory_space<vmem>>, vector<1x16xi32>,
      %get3A_273 = arith.index_cast %scan3A_185 : i32 to index
      %get3A_274 = arith.constant 34 : index
      %get3A_275 = tpu.vector_load %arg6[%get3A_273, %get3A_274] {strides = array<i32>} : memref<128x50xi32, #tpu.memory_space<vmem>>, vector<1x16xi32>,
      %get3A_276 = vector.shape_cast %get3A_275 : vector<1x16xi32> to vector<16xi32>
      %and3A_277 = arith.constant 16383 : i32
      %and3A_278 = vector.broadcast %and3A_277 : i32 to vector<16xi32>
      %and3A_279 = arith.andi %get3A_276, %and3A_278 : vector<16xi32>
      %and3A_280 = arith.constant -32768 : i32
      %and3A_281 = vector.broadcast %and3A_280 : i32 to vector<16xi32>
      %and3A_282 = arith.andi %get3A_276, %and3A_281 : vector<16xi32>
      %shift_right_logical3A_283 = arith.constant 1 : i32
      %shift_right_logical3A_284 = vector.broadcast %shift_right_logical3A_283 : i32 to vector<16xi32>
      %shift_right_logical3A_285 = arith.shrui %and3A_282, %shift_right_logical3A_284 : vector<16xi32>
      %and3A_286 = arith.constant 4095 : i32
      %and3A_287 = vector.broadcast %and3A_286 : i32 to vector<16xi32>
      %and3A_288 = arith.andi %and3A_279, %and3A_287 : vector<16xi32>
      %shift_left3A_289 = arith.constant 2 : i32
      %shift_left3A_290 = vector.broadcast %shift_left3A_289 : i32 to vector<16xi32>
      %shift_left3A_291 = arith.shli %and3A_288, %shift_left3A_290 : vector<16xi32>
      %or3A_292 = arith.ori %shift_right_logical3A_285, %shift_left3A_291 : vector<16xi32>
      %shift_right_logical3A_293 = arith.constant 12 : i32
      %shift_right_logical3A_294 = vector.broadcast %shift_right_logical3A_293 : i32 to vector<16xi32>
      %shift_right_logical3A_295 = arith.shrui %and3A_279, %shift_right_logical3A_294 : vector<16xi32>
      %or3A_296 = arith.ori %or3A_292, %shift_right_logical3A_295 : vector<16xi32>
      %swap3A_297 = arith.index_cast %scan3A_185 : i32 to index
      %swap3A_298 = arith.constant 34 : index
      %swap3A_299 = tpu.vector_load %arg7[%swap3A_297, %swap3A_298] {strides = array<i32>} : memref<128x50xi32, #tpu.memory_space<vmem>>, vector<1x16xi32>,
      %swap3A_300 = vector.shape_cast %swap3A_299 : vector<1x16xi32> to vector<16xi32>
      %swap3A_301 = vector.shape_cast %or3A_296 : vector<16xi32> to vector<1x16xi32>
      tpu.vector_store %arg7[%swap3A_297, %swap3A_298], %swap3A_301 {strides = array<i32>} : memref<128x50xi32, #tpu.memory_space<vmem>>, vector<1x16xi32>,
      %scan3A_302 = arith.constant 2 : i32
      %scan3A_303 = arith.addi %scan3A_73, %scan3A_302 : i32
      %get3A_304 = arith.index_cast %scan3A_303 : i32 to index
      %get3A_305 = arith.constant 0 : index
      %get3A_306 = tpu.vector_load %arg6[%get3A_304, %get3A_305] {strides = array<i32>} : memref<128x50xi32, #tpu.memory_space<vmem>>, vector<1x16xi32>,
      %get3A_307 = vector.shape_cast %get3A_306 : vector<1x16xi32> to vector<16xi32>
      %and3A_308 = arith.constant 16383 : i32
      %and3A_309 = vector.broadcast %and3A_308 : i32 to vector<16xi32>
      %and3A_310 = arith.andi %get3A_307, %and3A_309 : vector<16xi32>
      %and3A_311 = arith.constant -32768 : i32
      %and3A_312 = vector.broadcast %and3A_311 : i32 to vector<16xi32>
      %and3A_313 = arith.andi %get3A_307, %and3A_312 : vector<16xi32>
      %shift_right_logical3A_314 = arith.constant 1 : i32
      %shift_right_logical3A_315 = vector.broadcast %shift_right_logical3A_314 : i32 to vector<16xi32>
      %shift_right_logical3A_316 = arith.shrui %and3A_313, %shift_right_logical3A_315 : vector<16xi32>
      %and3A_317 = arith.constant 4095 : i32
      %and3A_318 = vector.broadcast %and3A_317 : i32 to vector<16xi32>
      %and3A_319 = arith.andi %and3A_310, %and3A_318 : vector<16xi32>
      %shift_left3A_320 = arith.constant 2 : i32
      %shift_left3A_321 = vector.broadcast %shift_left3A_320 : i32 to vector<16xi32>
      %shift_left3A_322 = arith.shli %and3A_319, %shift_left3A_321 : vector<16xi32>
      %or3A_323 = arith.ori %shift_right_logical3A_316, %shift_left3A_322 : vector<16xi32>
      %shift_right_logical3A_324 = arith.constant 12 : i32
      %shift_right_logical3A_325 = vector.broadcast %shift_right_logical3A_324 : i32 to vector<16xi32>
      %shift_right_logical3A_326 = arith.shrui %and3A_310, %shift_right_logical3A_325 : vector<16xi32>
      %or3A_327 = arith.ori %or3A_323, %shift_right_logical3A_326 : vector<16xi32>
      %swap3A_328 = arith.index_cast %scan3A_303 : i32 to index
      %swap3A_329 = arith.constant 0 : index
      %swap3A_330 = tpu.vector_load %arg7[%swap3A_328, %swap3A_329] {strides = array<i32>} : memref<128x50xi32, #tpu.memory_space<vmem>>, vector<1x16xi32>,
      %swap3A_331 = vector.shape_cast %swap3A_330 : vector<1x16xi32> to vector<16xi32>
      %swap3A_332 = vector.shape_cast %or3A_327 : vector<16xi32> to vector<1x16xi32>
      tpu.vector_store %arg7[%swap3A_328, %swap3A_329], %swap3A_332 {strides = array<i32>} : memref<128x50xi32, #tpu.memory_space<vmem>>, vector<1x16xi32>,
      %get3A_333 = arith.index_cast %scan3A_303 : i32 to index
      %get3A_334 = arith.constant 16 : index
      %get3A_335 = tpu.vector_load %arg6[%get3A_333, %get3A_334] {strides = array<i32>} : memref<128x50xi32, #tpu.memory_space<vmem>>, vector<1x16xi32>,
      %get3A_336 = vector.shape_cast %get3A_335 : vector<1x16xi32> to vector<16xi32>
      %and3A_337 = arith.constant 16383 : i32
      %and3A_338 = vector.broadcast %and3A_337 : i32 to vector<16xi32>
      %and3A_339 = arith.andi %get3A_336, %and3A_338 : vector<16xi32>
      %and3A_340 = arith.constant -32768 : i32
      %and3A_341 = vector.broadcast %and3A_340 : i32 to vector<16xi32>
      %and3A_342 = arith.andi %get3A_336, %and3A_341 : vector<16xi32>
      %shift_right_logical3A_343 = arith.constant 1 : i32
      %shift_right_logical3A_344 = vector.broadcast %shift_right_logical3A_343 : i32 to vector<16xi32>
      %shift_right_logical3A_345 = arith.shrui %and3A_342, %shift_right_logical3A_344 : vector<16xi32>
      %and3A_346 = arith.constant 4095 : i32
      %and3A_347 = vector.broadcast %and3A_346 : i32 to vector<16xi32>
      %and3A_348 = arith.andi %and3A_339, %and3A_347 : vector<16xi32>
      %shift_left3A_349 = arith.constant 2 : i32
      %shift_left3A_350 = vector.broadcast %shift_left3A_349 : i32 to vector<16xi32>
      %shift_left3A_351 = arith.shli %and3A_348, %shift_left3A_350 : vector<16xi32>
      %or3A_352 = arith.ori %shift_right_logical3A_345, %shift_left3A_351 : vector<16xi32>
      %shift_right_logical3A_353 = arith.constant 12 : i32
      %shift_right_logical3A_354 = vector.broadcast %shift_right_logical3A_353 : i32 to vector<16xi32>
      %shift_right_logical3A_355 = arith.shrui %and3A_339, %shift_right_logical3A_354 : vector<16xi32>
      %or3A_356 = arith.ori %or3A_352, %shift_right_logical3A_355 : vector<16xi32>
      %swap3A_357 = arith.index_cast %scan3A_303 : i32 to index
      %swap3A_358 = arith.constant 16 : index
      %swap3A_359 = tpu.vector_load %arg7[%swap3A_357, %swap3A_358] {strides = array<i32>} : memref<128x50xi32, #tpu.memory_space<vmem>>, vector<1x16xi32>,
      %swap3A_360 = vector.shape_cast %swap3A_359 : vector<1x16xi32> to vector<16xi32>
      %swap3A_361 = vector.shape_cast %or3A_356 : vector<16xi32> to vector<1x16xi32>
      tpu.vector_store %arg7[%swap3A_357, %swap3A_358], %swap3A_361 {strides = array<i32>} : memref<128x50xi32, #tpu.memory_space<vmem>>, vector<1x16xi32>,
      %get3A_362 = arith.index_cast %scan3A_303 : i32 to index
      %get3A_363 = arith.constant 32 : index
      %get3A_364 = tpu.vector_load %arg6[%get3A_362, %get3A_363] {strides = array<i32>} : memref<128x50xi32, #tpu.memory_space<vmem>>, vector<1x16xi32>,
      %get3A_365 = vector.shape_cast %get3A_364 : vector<1x16xi32> to vector<16xi32>
      %and3A_366 = arith.constant 16383 : i32
      %and3A_367 = vector.broadcast %and3A_366 : i32 to vector<16xi32>
      %and3A_368 = arith.andi %get3A_365, %and3A_367 : vector<16xi32>
      %and3A_369 = arith.constant -32768 : i32
      %and3A_370 = vector.broadcast %and3A_369 : i32 to vector<16xi32>
      %and3A_371 = arith.andi %get3A_365, %and3A_370 : vector<16xi32>
      %shift_right_logical3A_372 = arith.constant 1 : i32
      %shift_right_logical3A_373 = vector.broadcast %shift_right_logical3A_372 : i32 to vector<16xi32>
      %shift_right_logical3A_374 = arith.shrui %and3A_371, %shift_right_logical3A_373 : vector<16xi32>
      %and3A_375 = arith.constant 4095 : i32
      %and3A_376 = vector.broadcast %and3A_375 : i32 to vector<16xi32>
      %and3A_377 = arith.andi %and3A_368, %and3A_376 : vector<16xi32>
      %shift_left3A_378 = arith.constant 2 : i32
      %shift_left3A_379 = vector.broadcast %shift_left3A_378 : i32 to vector<16xi32>
      %shift_left3A_380 = arith.shli %and3A_377, %shift_left3A_379 : vector<16xi32>
      %or3A_381 = arith.ori %shift_right_logical3A_374, %shift_left3A_380 : vector<16xi32>
      %shift_right_logical3A_382 = arith.constant 12 : i32
      %shift_right_logical3A_383 = vector.broadcast %shift_right_logical3A_382 : i32 to vector<16xi32>
      %shift_right_logical3A_384 = arith.shrui %and3A_368, %shift_right_logical3A_383 : vector<16xi32>
      %or3A_385 = arith.ori %or3A_381, %shift_right_logical3A_384 : vector<16xi32>
      %swap3A_386 = arith.index_cast %scan3A_303 : i32 to index
      %swap3A_387 = arith.constant 32 : index
      %swap3A_388 = tpu.vector_load %arg7[%swap3A_386, %swap3A_387] {strides = array<i32>} : memref<128x50xi32, #tpu.memory_space<vmem>>, vector<1x16xi32>,
      %swap3A_389 = vector.shape_cast %swap3A_388 : vector<1x16xi32> to vector<16xi32>
      %swap3A_390 = vector.shape_cast %or3A_385 : vector<16xi32> to vector<1x16xi32>
      tpu.vector_store %arg7[%swap3A_386, %swap3A_387], %swap3A_390 {strides = array<i32>} : memref<128x50xi32, #tpu.memory_space<vmem>>, vector<1x16xi32>,
      %get3A_391 = arith.index_cast %scan3A_303 : i32 to index
      %get3A_392 = arith.constant 34 : index
      %get3A_393 = tpu.vector_load %arg6[%get3A_391, %get3A_392] {strides = array<i32>} : memref<128x50xi32, #tpu.memory_space<vmem>>, vector<1x16xi32>,
      %get3A_394 = vector.shape_cast %get3A_393 : vector<1x16xi32> to vector<16xi32>
      %and3A_395 = arith.constant 16383 : i32
      %and3A_396 = vector.broadcast %and3A_395 : i32 to vector<16xi32>
      %and3A_397 = arith.andi %get3A_394, %and3A_396 : vector<16xi32>
      %and3A_398 = arith.constant -32768 : i32
      %and3A_399 = vector.broadcast %and3A_398 : i32 to vector<16xi32>
      %and3A_400 = arith.andi %get3A_394, %and3A_399 : vector<16xi32>
      %shift_right_logical3A_401 = arith.constant 1 : i32
      %shift_right_logical3A_402 = vector.broadcast %shift_right_logical3A_401 : i32 to vector<16xi32>
      %shift_right_logical3A_403 = arith.shrui %and3A_400, %shift_right_logical3A_402 : vector<16xi32>
      %and3A_404 = arith.constant 4095 : i32
      %and3A_405 = vector.broadcast %and3A_404 : i32 to vector<16xi32>
      %and3A_406 = arith.andi %and3A_397, %and3A_405 : vector<16xi32>
      %shift_left3A_407 = arith.constant 2 : i32
      %shift_left3A_408 = vector.broadcast %shift_left3A_407 : i32 to vector<16xi32>
      %shift_left3A_409 = arith.shli %and3A_406, %shift_left3A_408 : vector<16xi32>
      %or3A_410 = arith.ori %shift_right_logical3A_403, %shift_left3A_409 : vector<16xi32>
      %shift_right_logical3A_411 = arith.constant 12 : i32
      %shift_right_logical3A_412 = vector.broadcast %shift_right_logical3A_411 : i32 to vector<16xi32>
      %shift_right_logical3A_413 = arith.shrui %and3A_397, %shift_right_logical3A_412 : vector<16xi32>
      %or3A_414 = arith.ori %or3A_410, %shift_right_logical3A_413 : vector<16xi32>
      %swap3A_415 = arith.index_cast %scan3A_303 : i32 to index
      %swap3A_416 = arith.constant 34 : index
      %swap3A_417 = tpu.vector_load %arg7[%swap3A_415, %swap3A_416] {strides = array<i32>} : memref<128x50xi32, #tpu.memory_space<vmem>>, vector<1x16xi32>,
      %swap3A_418 = vector.shape_cast %swap3A_417 : vector<1x16xi32> to vector<16xi32>
      %swap3A_419 = vector.shape_cast %or3A_414 : vector<16xi32> to vector<1x16xi32>
      tpu.vector_store %arg7[%swap3A_415, %swap3A_416], %swap3A_419 {strides = array<i32>} : memref<128x50xi32, #tpu.memory_space<vmem>>, vector<1x16xi32>,
      %scan3A_420 = arith.constant 3 : i32
      %scan3A_421 = arith.addi %scan3A_73, %scan3A_420 : i32
      %get3A_422 = arith.index_cast %scan3A_421 : i32 to index
      %get3A_423 = arith.constant 0 : index
      %get3A_424 = tpu.vector_load %arg6[%get3A_422, %get3A_423] {strides = array<i32>} : memref<128x50xi32, #tpu.memory_space<vmem>>, vector<1x16xi32>,
      %get3A_425 = vector.shape_cast %get3A_424 : vector<1x16xi32> to vector<16xi32>
      %and3A_426 = arith.constant 16383 : i32
      %and3A_427 = vector.broadcast %and3A_426 : i32 to vector<16xi32>
      %and3A_428 = arith.andi %get3A_425, %and3A_427 : vector<16xi32>
      %and3A_429 = arith.constant -32768 : i32
      %and3A_430 = vector.broadcast %and3A_429 : i32 to vector<16xi32>
      %and3A_431 = arith.andi %get3A_425, %and3A_430 : vector<16xi32>
      %shift_right_logical3A_432 = arith.constant 1 : i32
      %shift_right_logical3A_433 = vector.broadcast %shift_right_logical3A_432 : i32 to vector<16xi32>
      %shift_right_logical3A_434 = arith.shrui %and3A_431, %shift_right_logical3A_433 : vector<16xi32>
      %and3A_435 = arith.constant 4095 : i32
      %and3A_436 = vector.broadcast %and3A_435 : i32 to vector<16xi32>
      %and3A_437 = arith.andi %and3A_428, %and3A_436 : vector<16xi32>
      %shift_left3A_438 = arith.constant 2 : i32
      %shift_left3A_439 = vector.broadcast %shift_left3A_438 : i32 to vector<16xi32>
      %shift_left3A_440 = arith.shli %and3A_437, %shift_left3A_439 : vector<16xi32>
      %or3A_441 = arith.ori %shift_right_logical3A_434, %shift_left3A_440 : vector<16xi32>
      %shift_right_logical3A_442 = arith.constant 12 : i32
      %shift_right_logical3A_443 = vector.broadcast %shift_right_logical3A_442 : i32 to vector<16xi32>
      %shift_right_logical3A_444 = arith.shrui %and3A_428, %shift_right_logical3A_443 : vector<16xi32>
      %or3A_445 = arith.ori %or3A_441, %shift_right_logical3A_444 : vector<16xi32>
      %swap3A_446 = arith.index_cast %scan3A_421 : i32 to index
      %swap3A_447 = arith.constant 0 : index
      %swap3A_448 = tpu.vector_load %arg7[%swap3A_446, %swap3A_447] {strides = array<i32>} : memref<128x50xi32, #tpu.memory_space<vmem>>, vector<1x16xi32>,
      %swap3A_449 = vector.shape_cast %swap3A_448 : vector<1x16xi32> to vector<16xi32>
      %swap3A_450 = vector.shape_cast %or3A_445 : vector<16xi32> to vector<1x16xi32>
      tpu.vector_store %arg7[%swap3A_446, %swap3A_447], %swap3A_450 {strides = array<i32>} : memref<128x50xi32, #tpu.memory_space<vmem>>, vector<1x16xi32>,
      %get3A_451 = arith.index_cast %scan3A_421 : i32 to index
      %get3A_452 = arith.constant 16 : index
      %get3A_453 = tpu.vector_load %arg6[%get3A_451, %get3A_452] {strides = array<i32>} : memref<128x50xi32, #tpu.memory_space<vmem>>, vector<1x16xi32>,
      %get3A_454 = vector.shape_cast %get3A_453 : vector<1x16xi32> to vector<16xi32>
      %and3A_455 = arith.constant 16383 : i32
      %and3A_456 = vector.broadcast %and3A_455 : i32 to vector<16xi32>
      %and3A_457 = arith.andi %get3A_454, %and3A_456 : vector<16xi32>
      %and3A_458 = arith.constant -32768 : i32
      %and3A_459 = vector.broadcast %and3A_458 : i32 to vector<16xi32>
      %and3A_460 = arith.andi %get3A_454, %and3A_459 : vector<16xi32>
      %shift_right_logical3A_461 = arith.constant 1 : i32
      %shift_right_logical3A_462 = vector.broadcast %shift_right_logical3A_461 : i32 to vector<16xi32>
      %shift_right_logical3A_463 = arith.shrui %and3A_460, %shift_right_logical3A_462 : vector<16xi32>
      %and3A_464 = arith.constant 4095 : i32
      %and3A_465 = vector.broadcast %and3A_464 : i32 to vector<16xi32>
      %and3A_466 = arith.andi %and3A_457, %and3A_465 : vector<16xi32>
      %shift_left3A_467 = arith.constant 2 : i32
      %shift_left3A_468 = vector.broadcast %shift_left3A_467 : i32 to vector<16xi32>
      %shift_left3A_469 = arith.shli %and3A_466, %shift_left3A_468 : vector<16xi32>
      %or3A_470 = arith.ori %shift_right_logical3A_463, %shift_left3A_469 : vector<16xi32>
      %shift_right_logical3A_471 = arith.constant 12 : i32
      %shift_right_logical3A_472 = vector.broadcast %shift_right_logical3A_471 : i32 to vector<16xi32>
      %shift_right_logical3A_473 = arith.shrui %and3A_457, %shift_right_logical3A_472 : vector<16xi32>
      %or3A_474 = arith.ori %or3A_470, %shift_right_logical3A_473 : vector<16xi32>
      %swap3A_475 = arith.index_cast %scan3A_421 : i32 to index
      %swap3A_476 = arith.constant 16 : index
      %swap3A_477 = tpu.vector_load %arg7[%swap3A_475, %swap3A_476] {strides = array<i32>} : memref<128x50xi32, #tpu.memory_space<vmem>>, vector<1x16xi32>,
      %swap3A_478 = vector.shape_cast %swap3A_477 : vector<1x16xi32> to vector<16xi32>
      %swap3A_479 = vector.shape_cast %or3A_474 : vector<16xi32> to vector<1x16xi32>
      tpu.vector_store %arg7[%swap3A_475, %swap3A_476], %swap3A_479 {strides = array<i32>} : memref<128x50xi32, #tpu.memory_space<vmem>>, vector<1x16xi32>,
      %get3A_480 = arith.index_cast %scan3A_421 : i32 to index
      %get3A_481 = arith.constant 32 : index
      %get3A_482 = tpu.vector_load %arg6[%get3A_480, %get3A_481] {strides = array<i32>} : memref<128x50xi32, #tpu.memory_space<vmem>>, vector<1x16xi32>,
      %get3A_483 = vector.shape_cast %get3A_482 : vector<1x16xi32> to vector<16xi32>
      %and3A_484 = arith.constant 16383 : i32
      %and3A_485 = vector.broadcast %and3A_484 : i32 to vector<16xi32>
      %and3A_486 = arith.andi %get3A_483, %and3A_485 : vector<16xi32>
      %and3A_487 = arith.constant -32768 : i32
      %and3A_488 = vector.broadcast %and3A_487 : i32 to vector<16xi32>
      %and3A_489 = arith.andi %get3A_483, %and3A_488 : vector<16xi32>
      %shift_right_logical3A_490 = arith.constant 1 : i32
      %shift_right_logical3A_491 = vector.broadcast %shift_right_logical3A_490 : i32 to vector<16xi32>
      %shift_right_logical3A_492 = arith.shrui %and3A_489, %shift_right_logical3A_491 : vector<16xi32>
      %and3A_493 = arith.constant 4095 : i32
      %and3A_494 = vector.broadcast %and3A_493 : i32 to vector<16xi32>
      %and3A_495 = arith.andi %and3A_486, %and3A_494 : vector<16xi32>
      %shift_left3A_496 = arith.constant 2 : i32
      %shift_left3A_497 = vector.broadcast %shift_left3A_496 : i32 to vector<16xi32>
      %shift_left3A_498 = arith.shli %and3A_495, %shift_left3A_497 : vector<16xi32>
      %or3A_499 = arith.ori %shift_right_logical3A_492, %shift_left3A_498 : vector<16xi32>
      %shift_right_logical3A_500 = arith.constant 12 : i32
      %shift_right_logical3A_501 = vector.broadcast %shift_right_logical3A_500 : i32 to vector<16xi32>
      %shift_right_logical3A_502 = arith.shrui %and3A_486, %shift_right_logical3A_501 : vector<16xi32>
      %or3A_503 = arith.ori %or3A_499, %shift_right_logical3A_502 : vector<16xi32>
      %swap3A_504 = arith.index_cast %scan3A_421 : i32 to index
      %swap3A_505 = arith.constant 32 : index
      %swap3A_506 = tpu.vector_load %arg7[%swap3A_504, %swap3A_505] {strides = array<i32>} : memref<128x50xi32, #tpu.memory_space<vmem>>, vector<1x16xi32>,
      %swap3A_507 = vector.shape_cast %swap3A_506 : vector<1x16xi32> to vector<16xi32>
      %swap3A_508 = vector.shape_cast %or3A_503 : vector<16xi32> to vector<1x16xi32>
      tpu.vector_store %arg7[%swap3A_504, %swap3A_505], %swap3A_508 {strides = array<i32>} : memref<128x50xi32, #tpu.memory_space<vmem>>, vector<1x16xi32>,
      %get3A_509 = arith.index_cast %scan3A_421 : i32 to index
      %get3A_510 = arith.constant 34 : index
      %get3A_511 = tpu.vector_load %arg6[%get3A_509, %get3A_510] {strides = array<i32>} : memref<128x50xi32, #tpu.memory_space<vmem>>, vector<1x16xi32>,
      %get3A_512 = vector.shape_cast %get3A_511 : vector<1x16xi32> to vector<16xi32>
      %and3A_513 = arith.constant 16383 : i32
      %and3A_514 = vector.broadcast %and3A_513 : i32 to vector<16xi32>
      %and3A_515 = arith.andi %get3A_512, %and3A_514 : vector<16xi32>
      %and3A_516 = arith.constant -32768 : i32
      %and3A_517 = vector.broadcast %and3A_516 : i32 to vector<16xi32>
      %and3A_518 = arith.andi %get3A_512, %and3A_517 : vector<16xi32>
      %shift_right_logical3A_519 = arith.constant 1 : i32
      %shift_right_logical3A_520 = vector.broadcast %shift_right_logical3A_519 : i32 to vector<16xi32>
      %shift_right_logical3A_521 = arith.shrui %and3A_518, %shift_right_logical3A_520 : vector<16xi32>
      %and3A_522 = arith.constant 4095 : i32
      %and3A_523 = vector.broadcast %and3A_522 : i32 to vector<16xi32>
      %and3A_524 = arith.andi %and3A_515, %and3A_523 : vector<16xi32>
      %shift_left3A_525 = arith.constant 2 : i32
      %shift_left3A_526 = vector.broadcast %shift_left3A_525 : i32 to vector<16xi32>
      %shift_left3A_527 = arith.shli %and3A_524, %shift_left3A_526 : vector<16xi32>
      %or3A_528 = arith.ori %shift_right_logical3A_521, %shift_left3A_527 : vector<16xi32>
      %shift_right_logical3A_529 = arith.constant 12 : i32
      %shift_right_logical3A_530 = vector.broadcast %shift_right_logical3A_529 : i32 to vector<16xi32>
      %shift_right_logical3A_531 = arith.shrui %and3A_515, %shift_right_logical3A_530 : vector<16xi32>
      %or3A_532 = arith.ori %or3A_528, %shift_right_logical3A_531 : vector<16xi32>
      %swap3A_533 = arith.index_cast %scan3A_421 : i32 to index
      %swap3A_534 = arith.constant 34 : index
      %swap3A_535 = tpu.vector_load %arg7[%swap3A_533, %swap3A_534] {strides = array<i32>} : memref<128x50xi32, #tpu.memory_space<vmem>>, vector<1x16xi32>,
      %swap3A_536 = vector.shape_cast %swap3A_535 : vector<1x16xi32> to vector<16xi32>
      %swap3A_537 = vector.shape_cast %or3A_532 : vector<16xi32> to vector<1x16xi32>
      tpu.vector_store %arg7[%swap3A_533, %swap3A_534], %swap3A_537 {strides = array<i32>} : memref<128x50xi32, #tpu.memory_space<vmem>>, vector<1x16xi32>,
    }
    %scan3A_7 = arith.constant 128 : i32
    %dma_start3A = arith.constant 0 : i32
    %dma_start3A_8 = arith.constant 0 : i32
    %dma_start3A_9 = arith.constant 0 : i32
    %dma_start3A_10 = arith.constant 0 : i32
    %dma_start3A_11 = arith.constant 0 : i32
    %dma_start3A_12 = tpu.memref_slice %arg9[%dma_start3A_8, %dma_start3A_10, %dma_start3A_11] : memref<4x50x32xi32, #tpu.memory_space<vmem>> -> memref<1x50x32xi32, #tpu.memory_space<vmem>>
    %dma_start3A_13 = tpu.memref_squeeze %dma_start3A_12 : memref<1x50x32xi32, #tpu.memory_space<vmem>> -> memref<50x32xi32, #tpu.memory_space<vmem>>
    %dma_start3A_14 = arith.constant 0 : i32
    %dma_start3A_15 = tpu.memref_slice %arg7[%dma_start3A, %dma_start3A_14] : memref<128x50xi32, #tpu.memory_space<vmem>> -> memref<1x50xi32, #tpu.memory_space<vmem>>
    %dma_start3A_16 = tpu.memref_squeeze %dma_start3A_15 : memref<1x50xi32, #tpu.memory_space<vmem>> -> memref<50xi32, #tpu.memory_space<vmem>>
    %dma_start3A_17 = arith.constant 0 : i32
    %dma_start3A_18 = arith.constant 0 : i32
    %dma_start3A_19 = tpu.memref_slice %arg2[%dma_start3A_17, %dma_start3A_18] : memref<507904x32xi32, #tpu.memory_space<hbm>> -> memref<507904x32xi32, #tpu.memory_space<hbm>>
    %dma_start3A_20 = tpu.memref_slice %arg11[%dma_start3A_9] : memref<4x!tpu.dma_semaphore, #tpu.memory_space<semaphore_mem>> -> memref<1x!tpu.dma_semaphore, #tpu.memory_space<semaphore_mem>>
    %dma_start3A_21 = tpu.memref_squeeze %dma_start3A_20 : memref<1x!tpu.dma_semaphore, #tpu.memory_space<semaphore_mem>> -> memref<!tpu.dma_semaphore, #tpu.memory_space<semaphore_mem>>
    tpu.enqueue_indirect_dma source(%dma_start3A_19 : memref<507904x32xi32, #tpu.memory_space<hbm>>) target(%dma_start3A_13 : memref<50x32xi32, #tpu.memory_space<vmem>>) offsets(%dma_start3A_16 : memref<50xi32, #tpu.memory_space<vmem>>) semaphore(%dma_start3A_21 : memref<!tpu.dma_semaphore, #tpu.memory_space<semaphore_mem>>)
    %dma_start3A_22 = arith.constant 1 : i32
    %dma_start3A_23 = arith.constant 1 : i32
    %dma_start3A_24 = arith.constant 1 : i32
    %dma_start3A_25 = arith.constant 0 : i32
    %dma_start3A_26 = arith.constant 0 : i32
    %dma_start3A_27 = tpu.memref_slice %arg9[%dma_start3A_23, %dma_start3A_25, %dma_start3A_26] : memref<4x50x32xi32, #tpu.memory_space<vmem>> -> memref<1x50x32xi32, #tpu.memory_space<vmem>>
    %dma_start3A_28 = tpu.memref_squeeze %dma_start3A_27 : memref<1x50x32xi32, #tpu.memory_space<vmem>> -> memref<50x32xi32, #tpu.memory_space<vmem>>
    %dma_start3A_29 = arith.constant 0 : i32
    %dma_start3A_30 = tpu.memref_slice %arg7[%dma_start3A_22, %dma_start3A_29] : memref<128x50xi32, #tpu.memory_space<vmem>> -> memref<1x50xi32, #tpu.memory_space<vmem>>
    %dma_start3A_31 = tpu.memref_squeeze %dma_start3A_30 : memref<1x50xi32, #tpu.memory_space<vmem>> -> memref<50xi32, #tpu.memory_space<vmem>>
    %dma_start3A_32 = arith.constant 0 : i32
    %dma_start3A_33 = arith.constant 0 : i32
    %dma_start3A_34 = tpu.memref_slice %arg2[%dma_start3A_32, %dma_start3A_33] : memref<507904x32xi32, #tpu.memory_space<hbm>> -> memref<507904x32xi32, #tpu.memory_space<hbm>>
    %dma_start3A_35 = tpu.memref_slice %arg11[%dma_start3A_24] : memref<4x!tpu.dma_semaphore, #tpu.memory_space<semaphore_mem>> -> memref<1x!tpu.dma_semaphore, #tpu.memory_space<semaphore_mem>>
    %dma_start3A_36 = tpu.memref_squeeze %dma_start3A_35 : memref<1x!tpu.dma_semaphore, #tpu.memory_space<semaphore_mem>> -> memref<!tpu.dma_semaphore, #tpu.memory_space<semaphore_mem>>
    tpu.enqueue_indirect_dma source(%dma_start3A_34 : memref<507904x32xi32, #tpu.memory_space<hbm>>) target(%dma_start3A_28 : memref<50x32xi32, #tpu.memory_space<vmem>>) offsets(%dma_start3A_31 : memref<50xi32, #tpu.memory_space<vmem>>) semaphore(%dma_start3A_36 : memref<!tpu.dma_semaphore, #tpu.memory_space<semaphore_mem>>)
    %dma_start3A_37 = arith.constant 2 : i32
    %dma_start3A_38 = arith.constant 2 : i32
    %dma_start3A_39 = arith.constant 2 : i32
    %dma_start3A_40 = arith.constant 0 : i32
    %dma_start3A_41 = arith.constant 0 : i32
    %dma_start3A_42 = tpu.memref_slice %arg9[%dma_start3A_38, %dma_start3A_40, %dma_start3A_41] : memref<4x50x32xi32, #tpu.memory_space<vmem>> -> memref<1x50x32xi32, #tpu.memory_space<vmem>>
    %dma_start3A_43 = tpu.memref_squeeze %dma_start3A_42 : memref<1x50x32xi32, #tpu.memory_space<vmem>> -> memref<50x32xi32, #tpu.memory_space<vmem>>
    %dma_start3A_44 = arith.constant 0 : i32
    %dma_start3A_45 = tpu.memref_slice %arg7[%dma_start3A_37, %dma_start3A_44] : memref<128x50xi32, #tpu.memory_space<vmem>> -> memref<1x50xi32, #tpu.memory_space<vmem>>
    %dma_start3A_46 = tpu.memref_squeeze %dma_start3A_45 : memref<1x50xi32, #tpu.memory_space<vmem>> -> memref<50xi32, #tpu.memory_space<vmem>>
    %dma_start3A_47 = arith.constant 0 : i32
    %dma_start3A_48 = arith.constant 0 : i32
    %dma_start3A_49 = tpu.memref_slice %arg2[%dma_start3A_47, %dma_start3A_48] : memref<507904x32xi32, #tpu.memory_space<hbm>> -> memref<507904x32xi32, #tpu.memory_space<hbm>>
    %dma_start3A_50 = tpu.memref_slice %arg11[%dma_start3A_39] : memref<4x!tpu.dma_semaphore, #tpu.memory_space<semaphore_mem>> -> memref<1x!tpu.dma_semaphore, #tpu.memory_space<semaphore_mem>>
    %dma_start3A_51 = tpu.memref_squeeze %dma_start3A_50 : memref<1x!tpu.dma_semaphore, #tpu.memory_space<semaphore_mem>> -> memref<!tpu.dma_semaphore, #tpu.memory_space<semaphore_mem>>
    tpu.enqueue_indirect_dma source(%dma_start3A_49 : memref<507904x32xi32, #tpu.memory_space<hbm>>) target(%dma_start3A_43 : memref<50x32xi32, #tpu.memory_space<vmem>>) offsets(%dma_start3A_46 : memref<50xi32, #tpu.memory_space<vmem>>) semaphore(%dma_start3A_51 : memref<!tpu.dma_semaphore, #tpu.memory_space<semaphore_mem>>)
    %dma_start3A_52 = arith.constant 3 : i32
    %dma_start3A_53 = arith.constant 3 : i32
    %dma_start3A_54 = arith.constant 3 : i32
    %dma_start3A_55 = arith.constant 0 : i32
    %dma_start3A_56 = arith.constant 0 : i32
    %dma_start3A_57 = tpu.memref_slice %arg9[%dma_start3A_53, %dma_start3A_55, %dma_start3A_56] : memref<4x50x32xi32, #tpu.memory_space<vmem>> -> memref<1x50x32xi32, #tpu.memory_space<vmem>>
    %dma_start3A_58 = tpu.memref_squeeze %dma_start3A_57 : memref<1x50x32xi32, #tpu.memory_space<vmem>> -> memref<50x32xi32, #tpu.memory_space<vmem>>
    %dma_start3A_59 = arith.constant 0 : i32
    %dma_start3A_60 = tpu.memref_slice %arg7[%dma_start3A_52, %dma_start3A_59] : memref<128x50xi32, #tpu.memory_space<vmem>> -> memref<1x50xi32, #tpu.memory_space<vmem>>
    %dma_start3A_61 = tpu.memref_squeeze %dma_start3A_60 : memref<1x50xi32, #tpu.memory_space<vmem>> -> memref<50xi32, #tpu.memory_space<vmem>>
    %dma_start3A_62 = arith.constant 0 : i32
    %dma_start3A_63 = arith.constant 0 : i32
    %dma_start3A_64 = tpu.memref_slice %arg2[%dma_start3A_62, %dma_start3A_63] : memref<507904x32xi32, #tpu.memory_space<hbm>> -> memref<507904x32xi32, #tpu.memory_space<hbm>>
    %dma_start3A_65 = tpu.memref_slice %arg11[%dma_start3A_54] : memref<4x!tpu.dma_semaphore, #tpu.memory_space<semaphore_mem>> -> memref<1x!tpu.dma_semaphore, #tpu.memory_space<semaphore_mem>>
    %dma_start3A_66 = tpu.memref_squeeze %dma_start3A_65 : memref<1x!tpu.dma_semaphore, #tpu.memory_space<semaphore_mem>> -> memref<!tpu.dma_semaphore, #tpu.memory_space<semaphore_mem>>
    tpu.enqueue_indirect_dma source(%dma_start3A_64 : memref<507904x32xi32, #tpu.memory_space<hbm>>) target(%dma_start3A_58 : memref<50x32xi32, #tpu.memory_space<vmem>>) offsets(%dma_start3A_61 : memref<50xi32, #tpu.memory_space<vmem>>) semaphore(%dma_start3A_66 : memref<!tpu.dma_semaphore, #tpu.memory_space<semaphore_mem>>)
    %scan3A_67 = arith.constant 0 : i32
    %scan3A_68 = arith.constant 0 : i32
    %scan3A_69 = arith.constant 128 : i32
    %scan3A_70 = arith.addi %scan3A_68, %scan3A_69 : i32
    %scan3A_71 = arith.constant 1 : i32
    scf.for %scan3A_73 = %scan3A_68 to %scan3A_70 step %scan3A_71  : i32 {
      %and3A = arith.constant 3 : i32
      %and3A_74 = arith.andi %scan3A_73, %and3A : i32
      %dma_wait3A = arith.constant 0 : i32
      %dma_wait3A_75 = arith.constant 0 : i32
      %dma_wait3A_76 = tpu.memref_slice %arg9[%and3A_74, %dma_wait3A, %dma_wait3A_75] : memref<4x50x32xi32, #tpu.memory_space<vmem>> -> memref<1x50x32xi32, #tpu.memory_space<vmem>>
      %dma_wait3A_77 = tpu.memref_squeeze %dma_wait3A_76 : memref<1x50x32xi32, #tpu.memory_space<vmem>> -> memref<50x32xi32, #tpu.memory_space<vmem>>
      %dma_wait3A_78 = arith.constant 0 : i32
      %dma_wait3A_79 = tpu.memref_slice %arg7[%scan3A_73, %dma_wait3A_78] : memref<128x50xi32, #tpu.memory_space<vmem>> -> memref<1x50xi32, #tpu.memory_space<vmem>>
      %dma_wait3A_80 = tpu.memref_squeeze %dma_wait3A_79 : memref<1x50xi32, #tpu.memory_space<vmem>> -> memref<50xi32, #tpu.memory_space<vmem>>
      %dma_wait3A_81 = arith.constant 0 : i32
      %dma_wait3A_82 = arith.constant 0 : i32
      %dma_wait3A_83 = tpu.memref_slice %arg2[%dma_wait3A_81, %dma_wait3A_82] : memref<507904x32xi32, #tpu.memory_space<hbm>> -> memref<507904x32xi32, #tpu.memory_space<hbm>>
      %dma_wait3A_84 = tpu.memref_slice %arg11[%and3A_74] : memref<4x!tpu.dma_semaphore, #tpu.memory_space<semaphore_mem>> -> memref<1x!tpu.dma_semaphore, #tpu.memory_space<semaphore_mem>>
      %dma_wait3A_85 = tpu.memref_squeeze %dma_wait3A_84 : memref<1x!tpu.dma_semaphore, #tpu.memory_space<semaphore_mem>> -> memref<!tpu.dma_semaphore, #tpu.memory_space<semaphore_mem>>
      tpu.wait_indirect_dma semaphore(%dma_wait3A_85 : memref<!tpu.dma_semaphore, #tpu.memory_space<semaphore_mem>>) src(%dma_wait3A_83 : memref<507904x32xi32, #tpu.memory_space<hbm>>) dst(%dma_wait3A_77 : memref<50x32xi32, #tpu.memory_space<vmem>>)
      %broadcast_in_dim3A = arith.constant 0.000000e+00 : f32
      %broadcast_in_dim3A_86 = vector.broadcast %broadcast_in_dim3A : f32 to vector<16xf32>
      %broadcast_in_dim3A_87 = arith.constant 0.000000e+00 : f32
      %broadcast_in_dim3A_88 = vector.broadcast %broadcast_in_dim3A_87 : f32 to vector<16xf32>
      %broadcast_in_dim3A_89 = arith.constant 0.000000e+00 : f32
      %broadcast_in_dim3A_90 = vector.broadcast %broadcast_in_dim3A_89 : f32 to vector<16xf32>
      %broadcast_in_dim3A_91 = arith.constant 0.000000e+00 : f32
      %broadcast_in_dim3A_92 = vector.broadcast %broadcast_in_dim3A_91 : f32 to vector<16xf32>
      %get3A = arith.index_cast %scan3A_73 : i32 to index
      %get3A_93 = arith.constant 0 : index
      %get3A_94 = tpu.vector_load %arg6[%get3A, %get3A_93] {strides = array<i32>} : memref<128x50xi32, #tpu.memory_space<vmem>>, vector<1x16xi32>,
      %get3A_95 = vector.shape_cast %get3A_94 : vector<1x16xi32> to vector<16xi32>
      %shift_right_logical3A = arith.constant 14 : i32
      %shift_right_logical3A_96 = vector.broadcast %shift_right_logical3A : i32 to vector<16xi32>
      %shift_right_logical3A_97 = arith.shrui %get3A_95, %shift_right_logical3A_96 : vector<16xi32>
      %and3A_98 = arith.constant 1 : i32
      %and3A_99 = vector.broadcast %and3A_98 : i32 to vector<16xi32>
      %and3A_100 = arith.andi %shift_right_logical3A_97, %and3A_99 : vector<16xi32>
      %get3A_101 = arith.constant 0 : i32
      %get3A_102 = arith.index_cast %and3A_74 : i32 to index
      %get3A_103 = arith.index_cast %get3A_101 : i32 to index
      %get3A_104 = arith.constant 0 : index
      %get3A_105 = tpu.vector_load %arg9[%get3A_102, %get3A_103, %get3A_104] {strides = array<i32>} : memref<4x50x32xi32, #tpu.memory_space<vmem>>, vector<1x1x16xi32>,
      %get3A_106 = vector.shape_cast %get3A_105 : vector<1x1x16xi32> to vector<16xi32>
      %get3A_107 = arith.constant 0 : i32
      %get3A_108 = arith.index_cast %and3A_74 : i32 to index
      %get3A_109 = arith.index_cast %get3A_107 : i32 to index
      %get3A_110 = arith.constant 16 : index
      %get3A_111 = tpu.vector_load %arg9[%get3A_108, %get3A_109, %get3A_110] {strides = array<i32>} : memref<4x50x32xi32, #tpu.memory_space<vmem>>, vector<1x1x16xi32>,
      %get3A_112 = vector.shape_cast %get3A_111 : vector<1x1x16xi32> to vector<16xi32>
      %bitcast_convert_type3A = tpu.bitcast %get3A_112 : vector<16xi32> -> vector<16xf32>
      %slice3A = vector.extract_strided_slice %and3A_100 {offsets = [0], sizes = [1], strides = [1]} : vector<16xi32> to vector<1xi32>
      %squeeze3A = vector.extract %slice3A[0] : i32 from vector<1xi32>
      %eq3A = arith.constant 0 : i32
      %eq3A_113 = arith.cmpi eq, %squeeze3A, %eq3A : i32
      %slice3A_114 = vector.extract_strided_slice %bitcast_convert_type3A {offsets = [0], sizes = [1], strides = [1]} : vector<16xf32> to vector<1xf32>
      %squeeze3A_115 = vector.extract %slice3A_114[0] : f32 from vector<1xf32>
      %slice3A_116 = vector.extract_strided_slice %bitcast_convert_type3A {offsets = [1], sizes = [1], strides = [1]} : vector<16xf32> to vector<1xf32>
      %squeeze3A_117 = vector.extract %slice3A_116[0] : f32 from vector<1xf32>
      %select_n3A = arith.select %eq3A_113, %squeeze3A_115, %squeeze3A_117 : f32
      %mul3A_118 = arith.constant 4 : i32
      %mul3A_119 = arith.muli %mul3A_118, %squeeze3A : i32
      %sub3A = arith.constant 28 : i32
      %sub3A_120 = arith.subi %sub3A, %mul3A_119 : i32
      %shift_left3A = vector.broadcast %sub3A_120 : i32 to vector<16xi32>
      %shift_left3A_121 = arith.shli %get3A_106, %shift_left3A : vector<16xi32>
      %shift_right_arithmetic3A = arith.constant 28 : i32
      %shift_right_arithmetic3A_122 = vector.broadcast %shift_right_arithmetic3A : i32 to vector<16xi32>
      %shift_right_arithmetic3A_123 = arith.shrsi %shift_left3A_121, %shift_right_arithmetic3A_122 : vector<16xi32>
      %convert_element_type3A = arith.sitofp %shift_right_arithmetic3A_123 : vector<16xi32> to vector<16xf32>
      %mul3A_124 = vector.broadcast %select_n3A : f32 to vector<16xf32>
      %mul3A_125 = arith.mulf %convert_element_type3A, %mul3A_124 : vector<16xf32>
      %add3A_126 = arith.addf %broadcast_in_dim3A_86, %mul3A_125 : vector<16xf32>
      %sub3A_127 = arith.constant 12 : i32
      %sub3A_128 = arith.subi %sub3A_127, %mul3A_119 : i32
      %shift_left3A_129 = vector.broadcast %sub3A_128 : i32 to vector<16xi32>
      %shift_left3A_130 = arith.shli %get3A_106, %shift_left3A_129 : vector<16xi32>
      %shift_right_arithmetic3A_131 = arith.constant 28 : i32
      %shift_right_arithmetic3A_132 = vector.broadcast %shift_right_arithmetic3A_131 : i32 to vector<16xi32>
      %shift_right_arithmetic3A_133 = arith.shrsi %shift_left3A_130, %shift_right_arithmetic3A_132 : vector<16xi32>
      %convert_element_type3A_134 = arith.sitofp %shift_right_arithmetic3A_133 : vector<16xi32> to vector<16xf32>
      %mul3A_135 = vector.broadcast %select_n3A : f32 to vector<16xf32>
      %mul3A_136 = arith.mulf %convert_element_type3A_134, %mul3A_135 : vector<16xf32>
      %add3A_137 = arith.addf %broadcast_in_dim3A_88, %mul3A_136 : vector<16xf32>
      %sub3A_138 = arith.constant 20 : i32
      %sub3A_139 = arith.subi %sub3A_138, %mul3A_119 : i32
      %shift_left3A_140 = vector.broadcast %sub3A_139 : i32 to vector<16xi32>
      %shift_left3A_141 = arith.shli %get3A_106, %shift_left3A_140 : vector<16xi32>
      %shift_right_arithmetic3A_142 = arith.constant 28 : i32
      %shift_right_arithmetic3A_143 = vector.broadcast %shift_right_arithmetic3A_142 : i32 to vector<16xi32>
      %shift_right_arithmetic3A_144 = arith.shrsi %shift_left3A_141, %shift_right_arithmetic3A_143 : vector<16xi32>
      %convert_element_type3A_145 = arith.sitofp %shift_right_arithmetic3A_144 : vector<16xi32> to vector<16xf32>
      %mul3A_146 = vector.broadcast %select_n3A : f32 to vector<16xf32>
      %mul3A_147 = arith.mulf %convert_element_type3A_145, %mul3A_146 : vector<16xf32>
      %add3A_148 = arith.addf %broadcast_in_dim3A_90, %mul3A_147 : vector<16xf32>
      %sub3A_149 = arith.constant 4 : i32
      %sub3A_150 = arith.subi %sub3A_149, %mul3A_119 : i32
      %shift_left3A_151 = vector.broadcast %sub3A_150 : i32 to vector<16xi32>
      %shift_left3A_152 = arith.shli %get3A_106, %shift_left3A_151 : vector<16xi32>
      %shift_right_arithmetic3A_153 = arith.constant 28 : i32
      %shift_right_arithmetic3A_154 = vector.broadcast %shift_right_arithmetic3A_153 : i32 to vector<16xi32>
      %shift_right_arithmetic3A_155 = arith.shrsi %shift_left3A_152, %shift_right_arithmetic3A_154 : vector<16xi32>
      %convert_element_type3A_156 = arith.sitofp %shift_right_arithmetic3A_155 : vector<16xi32> to vector<16xf32>
      %mul3A_157 = vector.broadcast %select_n3A : f32 to vector<16xf32>
      %mul3A_158 = arith.mulf %convert_element_type3A_156, %mul3A_157 : vector<16xf32>
      %add3A_159 = arith.addf %broadcast_in_dim3A_92, %mul3A_158 : vector<16xf32>
      %get3A_160 = arith.constant 1 : i32
      %get3A_161 = arith.index_cast %and3A_74 : i32 to index
      %get3A_162 = arith.index_cast %get3A_160 : i32 to index
      %get3A_163 = arith.constant 0 : index
      %get3A_164 = tpu.vector_load %arg9[%get3A_161, %get3A_162, %get3A_163] {strides = array<i32>} : memref<4x50x32xi32, #tpu.memory_space<vmem>>, vector<1x1x16xi32>,
      %get3A_165 = vector.shape_cast %get3A_164 : vector<1x1x16xi32> to vector<16xi32>
      %get3A_166 = arith.constant 1 : i32
      %get3A_167 = arith.index_cast %and3A_74 : i32 to index
      %get3A_168 = arith.index_cast %get3A_166 : i32 to index
      %get3A_169 = arith.constant 16 : index
      %get3A_170 = tpu.vector_load %arg9[%get3A_167, %get3A_168, %get3A_169] {strides = array<i32>} : memref<4x50x32xi32, #tpu.memory_space<vmem>>, vector<1x1x16xi32>,
      %get3A_171 = vector.shape_cast %get3A_170 : vector<1x1x16xi32> to vector<16xi32>
      %bitcast_convert_type3A_172 = tpu.bitcast %get3A_171 : vector<16xi32> -> vector<16xf32>
      %slice3A_173 = vector.extract_strided_slice %and3A_100 {offsets = [1], sizes = [1], strides = [1]} : vector<16xi32> to vector<1xi32>
      %squeeze3A_174 = vector.extract %slice3A_173[0] : i32 from vector<1xi32>
      %eq3A_175 = arith.constant 0 : i32
      %eq3A_176 = arith.cmpi eq, %squeeze3A_174, %eq3A_175 : i32
      %slice3A_177 = vector.extract_strided_slice %bitcast_convert_type3A_172 {offsets = [0], sizes = [1], strides = [1]} : vector<16xf32> to vector<1xf32>
      %squeeze3A_178 = vector.extract %slice3A_177[0] : f32 from vector<1xf32>
      %slice3A_179 = vector.extract_strided_slice %bitcast_convert_type3A_172 {offsets = [1], sizes = [1], strides = [1]} : vector<16xf32> to vector<1xf32>
      %squeeze3A_180 = vector.extract %slice3A_179[0] : f32 from vector<1xf32>
      %select_n3A_181 = arith.select %eq3A_176, %squeeze3A_178, %squeeze3A_180 : f32
      %mul3A_182 = arith.constant 4 : i32
      %mul3A_183 = arith.muli %mul3A_182, %squeeze3A_174 : i32
      %sub3A_184 = arith.constant 28 : i32
      %sub3A_185 = arith.subi %sub3A_184, %mul3A_183 : i32
      %shift_left3A_186 = vector.broadcast %sub3A_185 : i32 to vector<16xi32>
      %shift_left3A_187 = arith.shli %get3A_165, %shift_left3A_186 : vector<16xi32>
      %shift_right_arithmetic3A_188 = arith.constant 28 : i32
      %shift_right_arithmetic3A_189 = vector.broadcast %shift_right_arithmetic3A_188 : i32 to vector<16xi32>
      %shift_right_arithmetic3A_190 = arith.shrsi %shift_left3A_187, %shift_right_arithmetic3A_189 : vector<16xi32>
      %convert_element_type3A_191 = arith.sitofp %shift_right_arithmetic3A_190 : vector<16xi32> to vector<16xf32>
      %mul3A_192 = vector.broadcast %select_n3A_181 : f32 to vector<16xf32>
      %mul3A_193 = arith.mulf %convert_element_type3A_191, %mul3A_192 : vector<16xf32>
      %add3A_194 = arith.addf %add3A_126, %mul3A_193 : vector<16xf32>
      %sub3A_195 = arith.constant 12 : i32
      %sub3A_196 = arith.subi %sub3A_195, %mul3A_183 : i32
      %shift_left3A_197 = vector.broadcast %sub3A_196 : i32 to vector<16xi32>
      %shift_left3A_198 = arith.shli %get3A_165, %shift_left3A_197 : vector<16xi32>
      %shift_right_arithmetic3A_199 = arith.constant 28 : i32
      %shift_right_arithmetic3A_200 = vector.broadcast %shift_right_arithmetic3A_199 : i32 to vector<16xi32>
      %shift_right_arithmetic3A_201 = arith.shrsi %shift_left3A_198, %shift_right_arithmetic3A_200 : vector<16xi32>
      %convert_element_type3A_202 = arith.sitofp %shift_right_arithmetic3A_201 : vector<16xi32> to vector<16xf32>
      %mul3A_203 = vector.broadcast %select_n3A_181 : f32 to vector<16xf32>
      %mul3A_204 = arith.mulf %convert_element_type3A_202, %mul3A_203 : vector<16xf32>
      %add3A_205 = arith.addf %add3A_137, %mul3A_204 : vector<16xf32>
      %sub3A_206 = arith.constant 20 : i32
      %sub3A_207 = arith.subi %sub3A_206, %mul3A_183 : i32
      %shift_left3A_208 = vector.broadcast %sub3A_207 : i32 to vector<16xi32>
      %shift_left3A_209 = arith.shli %get3A_165, %shift_left3A_208 : vector<16xi32>
      %shift_right_arithmetic3A_210 = arith.constant 28 : i32
      %shift_right_arithmetic3A_211 = vector.broadcast %shift_right_arithmetic3A_210 : i32 to vector<16xi32>
      %shift_right_arithmetic3A_212 = arith.shrsi %shift_left3A_209, %shift_right_arithmetic3A_211 : vector<16xi32>
      %convert_element_type3A_213 = arith.sitofp %shift_right_arithmetic3A_212 : vector<16xi32> to vector<16xf32>
      %mul3A_214 = vector.broadcast %select_n3A_181 : f32 to vector<16xf32>
      %mul3A_215 = arith.mulf %convert_element_type3A_213, %mul3A_214 : vector<16xf32>
      %add3A_216 = arith.addf %add3A_148, %mul3A_215 : vector<16xf32>
      %sub3A_217 = arith.constant 4 : i32
      %sub3A_218 = arith.subi %sub3A_217, %mul3A_183 : i32
      %shift_left3A_219 = vector.broadcast %sub3A_218 : i32 to vector<16xi32>
      %shift_left3A_220 = arith.shli %get3A_165, %shift_left3A_219 : vector<16xi32>
      %shift_right_arithmetic3A_221 = arith.constant 28 : i32
      %shift_right_arithmetic3A_222 = vector.broadcast %shift_right_arithmetic3A_221 : i32 to vector<16xi32>
      %shift_right_arithmetic3A_223 = arith.shrsi %shift_left3A_220, %shift_right_arithmetic3A_222 : vector<16xi32>
      %convert_element_type3A_224 = arith.sitofp %shift_right_arithmetic3A_223 : vector<16xi32> to vector<16xf32>
      %mul3A_225 = vector.broadcast %select_n3A_181 : f32 to vector<16xf32>
      %mul3A_226 = arith.mulf %convert_element_type3A_224, %mul3A_225 : vector<16xf32>
      %add3A_227 = arith.addf %add3A_159, %mul3A_226 : vector<16xf32>
      %get3A_228 = arith.constant 2 : i32
      %get3A_229 = arith.index_cast %and3A_74 : i32 to index
      %get3A_230 = arith.index_cast %get3A_228 : i32 to index
      %get3A_231 = arith.constant 0 : index
      %get3A_232 = tpu.vector_load %arg9[%get3A_229, %get3A_230, %get3A_231] {strides = array<i32>} : memref<4x50x32xi32, #tpu.memory_space<vmem>>, vector<1x1x16xi32>,
      %get3A_233 = vector.shape_cast %get3A_232 : vector<1x1x16xi32> to vector<16xi32>
      %get3A_234 = arith.constant 2 : i32
      %get3A_235 = arith.index_cast %and3A_74 : i32 to index
      %get3A_236 = arith.index_cast %get3A_234 : i32 to index
      %get3A_237 = arith.constant 16 : index
      %get3A_238 = tpu.vector_load %arg9[%get3A_235, %get3A_236, %get3A_237] {strides = array<i32>} : memref<4x50x32xi32, #tpu.memory_space<vmem>>, vector<1x1x16xi32>,
      %get3A_239 = vector.shape_cast %get3A_238 : vector<1x1x16xi32> to vector<16xi32>
      %bitcast_convert_type3A_240 = tpu.bitcast %get3A_239 : vector<16xi32> -> vector<16xf32>
      %slice3A_241 = vector.extract_strided_slice %and3A_100 {offsets = [2], sizes = [1], strides = [1]} : vector<16xi32> to vector<1xi32>
      %squeeze3A_242 = vector.extract %slice3A_241[0] : i32 from vector<1xi32>
      %eq3A_243 = arith.constant 0 : i32
      %eq3A_244 = arith.cmpi eq, %squeeze3A_242, %eq3A_243 : i32
      %slice3A_245 = vector.extract_strided_slice %bitcast_convert_type3A_240 {offsets = [0], sizes = [1], strides = [1]} : vector<16xf32> to vector<1xf32>
      %squeeze3A_246 = vector.extract %slice3A_245[0] : f32 from vector<1xf32>
      %slice3A_247 = vector.extract_strided_slice %bitcast_convert_type3A_240 {offsets = [1], sizes = [1], strides = [1]} : vector<16xf32> to vector<1xf32>
      %squeeze3A_248 = vector.extract %slice3A_247[0] : f32 from vector<1xf32>
      %select_n3A_249 = arith.select %eq3A_244, %squeeze3A_246, %squeeze3A_248 : f32
      %mul3A_250 = arith.constant 4 : i32
      %mul3A_251 = arith.muli %mul3A_250, %squeeze3A_242 : i32
      %sub3A_252 = arith.constant 28 : i32
      %sub3A_253 = arith.subi %sub3A_252, %mul3A_251 : i32
      %shift_left3A_254 = vector.broadcast %sub3A_253 : i32 to vector<16xi32>
      %shift_left3A_255 = arith.shli %get3A_233, %shift_left3A_254 : vector<16xi32>
      %shift_right_arithmetic3A_256 = arith.constant 28 : i32
      %shift_right_arithmetic3A_257 = vector.broadcast %shift_right_arithmetic3A_256 : i32 to vector<16xi32>
      %shift_right_arithmetic3A_258 = arith.shrsi %shift_left3A_255, %shift_right_arithmetic3A_257 : vector<16xi32>
      %convert_element_type3A_259 = arith.sitofp %shift_right_arithmetic3A_258 : vector<16xi32> to vector<16xf32>
      %mul3A_260 = vector.broadcast %select_n3A_249 : f32 to vector<16xf32>
      %mul3A_261 = arith.mulf %convert_element_type3A_259, %mul3A_260 : vector<16xf32>
      %add3A_262 = arith.addf %add3A_194, %mul3A_261 : vector<16xf32>
      %sub3A_263 = arith.constant 12 : i32
      %sub3A_264 = arith.subi %sub3A_263, %mul3A_251 : i32
      %shift_left3A_265 = vector.broadcast %sub3A_264 : i32 to vector<16xi32>
      %shift_left3A_266 = arith.shli %get3A_233, %shift_left3A_265 : vector<16xi32>
      %shift_right_arithmetic3A_267 = arith.constant 28 : i32
      %shift_right_arithmetic3A_268 = vector.broadcast %shift_right_arithmetic3A_267 : i32 to vector<16xi32>
      %shift_right_arithmetic3A_269 = arith.shrsi %shift_left3A_266, %shift_right_arithmetic3A_268 : vector<16xi32>
      %convert_element_type3A_270 = arith.sitofp %shift_right_arithmetic3A_269 : vector<16xi32> to vector<16xf32>
      %mul3A_271 = vector.broadcast %select_n3A_249 : f32 to vector<16xf32>
      %mul3A_272 = arith.mulf %convert_element_type3A_270, %mul3A_271 : vector<16xf32>
      %add3A_273 = arith.addf %add3A_205, %mul3A_272 : vector<16xf32>
      %sub3A_274 = arith.constant 20 : i32
      %sub3A_275 = arith.subi %sub3A_274, %mul3A_251 : i32
      %shift_left3A_276 = vector.broadcast %sub3A_275 : i32 to vector<16xi32>
      %shift_left3A_277 = arith.shli %get3A_233, %shift_left3A_276 : vector<16xi32>
      %shift_right_arithmetic3A_278 = arith.constant 28 : i32
      %shift_right_arithmetic3A_279 = vector.broadcast %shift_right_arithmetic3A_278 : i32 to vector<16xi32>
      %shift_right_arithmetic3A_280 = arith.shrsi %shift_left3A_277, %shift_right_arithmetic3A_279 : vector<16xi32>
      %convert_element_type3A_281 = arith.sitofp %shift_right_arithmetic3A_280 : vector<16xi32> to vector<16xf32>
      %mul3A_282 = vector.broadcast %select_n3A_249 : f32 to vector<16xf32>
      %mul3A_283 = arith.mulf %convert_element_type3A_281, %mul3A_282 : vector<16xf32>
      %add3A_284 = arith.addf %add3A_216, %mul3A_283 : vector<16xf32>
      %sub3A_285 = arith.constant 4 : i32
      %sub3A_286 = arith.subi %sub3A_285, %mul3A_251 : i32
      %shift_left3A_287 = vector.broadcast %sub3A_286 : i32 to vector<16xi32>
      %shift_left3A_288 = arith.shli %get3A_233, %shift_left3A_287 : vector<16xi32>
      %shift_right_arithmetic3A_289 = arith.constant 28 : i32
      %shift_right_arithmetic3A_290 = vector.broadcast %shift_right_arithmetic3A_289 : i32 to vector<16xi32>
      %shift_right_arithmetic3A_291 = arith.shrsi %shift_left3A_288, %shift_right_arithmetic3A_290 : vector<16xi32>
      %convert_element_type3A_292 = arith.sitofp %shift_right_arithmetic3A_291 : vector<16xi32> to vector<16xf32>
      %mul3A_293 = vector.broadcast %select_n3A_249 : f32 to vector<16xf32>
      %mul3A_294 = arith.mulf %convert_element_type3A_292, %mul3A_293 : vector<16xf32>
      %add3A_295 = arith.addf %add3A_227, %mul3A_294 : vector<16xf32>
      %get3A_296 = arith.constant 3 : i32
      %get3A_297 = arith.index_cast %and3A_74 : i32 to index
      %get3A_298 = arith.index_cast %get3A_296 : i32 to index
      %get3A_299 = arith.constant 0 : index
      %get3A_300 = tpu.vector_load %arg9[%get3A_297, %get3A_298, %get3A_299] {strides = array<i32>} : memref<4x50x32xi32, #tpu.memory_space<vmem>>, vector<1x1x16xi32>,
      %get3A_301 = vector.shape_cast %get3A_300 : vector<1x1x16xi32> to vector<16xi32>
      %get3A_302 = arith.constant 3 : i32
      %get3A_303 = arith.index_cast %and3A_74 : i32 to index
      %get3A_304 = arith.index_cast %get3A_302 : i32 to index
      %get3A_305 = arith.constant 16 : index
      %get3A_306 = tpu.vector_load %arg9[%get3A_303, %get3A_304, %get3A_305] {strides = array<i32>} : memref<4x50x32xi32, #tpu.memory_space<vmem>>, vector<1x1x16xi32>,
      %get3A_307 = vector.shape_cast %get3A_306 : vector<1x1x16xi32> to vector<16xi32>
      %bitcast_convert_type3A_308 = tpu.bitcast %get3A_307 : vector<16xi32> -> vector<16xf32>
      %slice3A_309 = vector.extract_strided_slice %and3A_100 {offsets = [3], sizes = [1], strides = [1]} : vector<16xi32> to vector<1xi32>
      %squeeze3A_310 = vector.extract %slice3A_309[0] : i32 from vector<1xi32>
      %eq3A_311 = arith.constant 0 : i32
      %eq3A_312 = arith.cmpi eq, %squeeze3A_310, %eq3A_311 : i32
      %slice3A_313 = vector.extract_strided_slice %bitcast_convert_type3A_308 {offsets = [0], sizes = [1], strides = [1]} : vector<16xf32> to vector<1xf32>
      %squeeze3A_314 = vector.extract %slice3A_313[0] : f32 from vector<1xf32>
      %slice3A_315 = vector.extract_strided_slice %bitcast_convert_type3A_308 {offsets = [1], sizes = [1], strides = [1]} : vector<16xf32> to vector<1xf32>
      %squeeze3A_316 = vector.extract %slice3A_315[0] : f32 from vector<1xf32>
      %select_n3A_317 = arith.select %eq3A_312, %squeeze3A_314, %squeeze3A_316 : f32
      %mul3A_318 = arith.constant 4 : i32
      %mul3A_319 = arith.muli %mul3A_318, %squeeze3A_310 : i32
      %sub3A_320 = arith.constant 28 : i32
      %sub3A_321 = arith.subi %sub3A_320, %mul3A_319 : i32
      %shift_left3A_322 = vector.broadcast %sub3A_321 : i32 to vector<16xi32>
      %shift_left3A_323 = arith.shli %get3A_301, %shift_left3A_322 : vector<16xi32>
      %shift_right_arithmetic3A_324 = arith.constant 28 : i32
      %shift_right_arithmetic3A_325 = vector.broadcast %shift_right_arithmetic3A_324 : i32 to vector<16xi32>
      %shift_right_arithmetic3A_326 = arith.shrsi %shift_left3A_323, %shift_right_arithmetic3A_325 : vector<16xi32>
      %convert_element_type3A_327 = arith.sitofp %shift_right_arithmetic3A_326 : vector<16xi32> to vector<16xf32>
      %mul3A_328 = vector.broadcast %select_n3A_317 : f32 to vector<16xf32>
      %mul3A_329 = arith.mulf %convert_element_type3A_327, %mul3A_328 : vector<16xf32>
      %add3A_330 = arith.addf %add3A_262, %mul3A_329 : vector<16xf32>
      %sub3A_331 = arith.constant 12 : i32
      %sub3A_332 = arith.subi %sub3A_331, %mul3A_319 : i32
      %shift_left3A_333 = vector.broadcast %sub3A_332 : i32 to vector<16xi32>
      %shift_left3A_334 = arith.shli %get3A_301, %shift_left3A_333 : vector<16xi32>
      %shift_right_arithmetic3A_335 = arith.constant 28 : i32
      %shift_right_arithmetic3A_336 = vector.broadcast %shift_right_arithmetic3A_335 : i32 to vector<16xi32>
      %shift_right_arithmetic3A_337 = arith.shrsi %shift_left3A_334, %shift_right_arithmetic3A_336 : vector<16xi32>
      %convert_element_type3A_338 = arith.sitofp %shift_right_arithmetic3A_337 : vector<16xi32> to vector<16xf32>
      %mul3A_339 = vector.broadcast %select_n3A_317 : f32 to vector<16xf32>
      %mul3A_340 = arith.mulf %convert_element_type3A_338, %mul3A_339 : vector<16xf32>
      %add3A_341 = arith.addf %add3A_273, %mul3A_340 : vector<16xf32>
      %sub3A_342 = arith.constant 20 : i32
      %sub3A_343 = arith.subi %sub3A_342, %mul3A_319 : i32
      %shift_left3A_344 = vector.broadcast %sub3A_343 : i32 to vector<16xi32>
      %shift_left3A_345 = arith.shli %get3A_301, %shift_left3A_344 : vector<16xi32>
      %shift_right_arithmetic3A_346 = arith.constant 28 : i32
      %shift_right_arithmetic3A_347 = vector.broadcast %shift_right_arithmetic3A_346 : i32 to vector<16xi32>
      %shift_right_arithmetic3A_348 = arith.shrsi %shift_left3A_345, %shift_right_arithmetic3A_347 : vector<16xi32>
      %convert_element_type3A_349 = arith.sitofp %shift_right_arithmetic3A_348 : vector<16xi32> to vector<16xf32>
      %mul3A_350 = vector.broadcast %select_n3A_317 : f32 to vector<16xf32>
      %mul3A_351 = arith.mulf %convert_element_type3A_349, %mul3A_350 : vector<16xf32>
      %add3A_352 = arith.addf %add3A_284, %mul3A_351 : vector<16xf32>
      %sub3A_353 = arith.constant 4 : i32
      %sub3A_354 = arith.subi %sub3A_353, %mul3A_319 : i32
      %shift_left3A_355 = vector.broadcast %sub3A_354 : i32 to vector<16xi32>
      %shift_left3A_356 = arith.shli %get3A_301, %shift_left3A_355 : vector<16xi32>
      %shift_right_arithmetic3A_357 = arith.constant 28 : i32
      %shift_right_arithmetic3A_358 = vector.broadcast %shift_right_arithmetic3A_357 : i32 to vector<16xi32>
      %shift_right_arithmetic3A_359 = arith.shrsi %shift_left3A_356, %shift_right_arithmetic3A_358 : vector<16xi32>
      %convert_element_type3A_360 = arith.sitofp %shift_right_arithmetic3A_359 : vector<16xi32> to vector<16xf32>
      %mul3A_361 = vector.broadcast %select_n3A_317 : f32 to vector<16xf32>
      %mul3A_362 = arith.mulf %convert_element_type3A_360, %mul3A_361 : vector<16xf32>
      %add3A_363 = arith.addf %add3A_295, %mul3A_362 : vector<16xf32>
      %get3A_364 = arith.constant 4 : i32
      %get3A_365 = arith.index_cast %and3A_74 : i32 to index
      %get3A_366 = arith.index_cast %get3A_364 : i32 to index
      %get3A_367 = arith.constant 0 : index
      %get3A_368 = tpu.vector_load %arg9[%get3A_365, %get3A_366, %get3A_367] {strides = array<i32>} : memref<4x50x32xi32, #tpu.memory_space<vmem>>, vector<1x1x16xi32>,
      %get3A_369 = vector.shape_cast %get3A_368 : vector<1x1x16xi32> to vector<16xi32>
      %get3A_370 = arith.constant 4 : i32
      %get3A_371 = arith.index_cast %and3A_74 : i32 to index
      %get3A_372 = arith.index_cast %get3A_370 : i32 to index
      %get3A_373 = arith.constant 16 : index
      %get3A_374 = tpu.vector_load %arg9[%get3A_371, %get3A_372, %get3A_373] {strides = array<i32>} : memref<4x50x32xi32, #tpu.memory_space<vmem>>, vector<1x1x16xi32>,
      %get3A_375 = vector.shape_cast %get3A_374 : vector<1x1x16xi32> to vector<16xi32>
      %bitcast_convert_type3A_376 = tpu.bitcast %get3A_375 : vector<16xi32> -> vector<16xf32>
      %slice3A_377 = vector.extract_strided_slice %and3A_100 {offsets = [4], sizes = [1], strides = [1]} : vector<16xi32> to vector<1xi32>
      %squeeze3A_378 = vector.extract %slice3A_377[0] : i32 from vector<1xi32>
      %eq3A_379 = arith.constant 0 : i32
      %eq3A_380 = arith.cmpi eq, %squeeze3A_378, %eq3A_379 : i32
      %slice3A_381 = vector.extract_strided_slice %bitcast_convert_type3A_376 {offsets = [0], sizes = [1], strides = [1]} : vector<16xf32> to vector<1xf32>
      %squeeze3A_382 = vector.extract %slice3A_381[0] : f32 from vector<1xf32>
      %slice3A_383 = vector.extract_strided_slice %bitcast_convert_type3A_376 {offsets = [1], sizes = [1], strides = [1]} : vector<16xf32> to vector<1xf32>
      %squeeze3A_384 = vector.extract %slice3A_383[0] : f32 from vector<1xf32>
      %select_n3A_385 = arith.select %eq3A_380, %squeeze3A_382, %squeeze3A_384 : f32
      %mul3A_386 = arith.constant 4 : i32
      %mul3A_387 = arith.muli %mul3A_386, %squeeze3A_378 : i32
      %sub3A_388 = arith.constant 28 : i32
      %sub3A_389 = arith.subi %sub3A_388, %mul3A_387 : i32
      %shift_left3A_390 = vector.broadcast %sub3A_389 : i32 to vector<16xi32>
      %shift_left3A_391 = arith.shli %get3A_369, %shift_left3A_390 : vector<16xi32>
      %shift_right_arithmetic3A_392 = arith.constant 28 : i32
      %shift_right_arithmetic3A_393 = vector.broadcast %shift_right_arithmetic3A_392 : i32 to vector<16xi32>
      %shift_right_arithmetic3A_394 = arith.shrsi %shift_left3A_391, %shift_right_arithmetic3A_393 : vector<16xi32>
      %convert_element_type3A_395 = arith.sitofp %shift_right_arithmetic3A_394 : vector<16xi32> to vector<16xf32>
      %mul3A_396 = vector.broadcast %select_n3A_385 : f32 to vector<16xf32>
      %mul3A_397 = arith.mulf %convert_element_type3A_395, %mul3A_396 : vector<16xf32>
      %add3A_398 = arith.addf %add3A_330, %mul3A_397 : vector<16xf32>
      %sub3A_399 = arith.constant 12 : i32
      %sub3A_400 = arith.subi %sub3A_399, %mul3A_387 : i32
      %shift_left3A_401 = vector.broadcast %sub3A_400 : i32 to vector<16xi32>
      %shift_left3A_402 = arith.shli %get3A_369, %shift_left3A_401 : vector<16xi32>
      %shift_right_arithmetic3A_403 = arith.constant 28 : i32
      %shift_right_arithmetic3A_404 = vector.broadcast %shift_right_arithmetic3A_403 : i32 to vector<16xi32>
      %shift_right_arithmetic3A_405 = arith.shrsi %shift_left3A_402, %shift_right_arithmetic3A_404 : vector<16xi32>
      %convert_element_type3A_406 = arith.sitofp %shift_right_arithmetic3A_405 : vector<16xi32> to vector<16xf32>
      %mul3A_407 = vector.broadcast %select_n3A_385 : f32 to vector<16xf32>
      %mul3A_408 = arith.mulf %convert_element_type3A_406, %mul3A_407 : vector<16xf32>
      %add3A_409 = arith.addf %add3A_341, %mul3A_408 : vector<16xf32>
      %sub3A_410 = arith.constant 20 : i32
      %sub3A_411 = arith.subi %sub3A_410, %mul3A_387 : i32
      %shift_left3A_412 = vector.broadcast %sub3A_411 : i32 to vector<16xi32>
      %shift_left3A_413 = arith.shli %get3A_369, %shift_left3A_412 : vector<16xi32>
      %shift_right_arithmetic3A_414 = arith.constant 28 : i32
      %shift_right_arithmetic3A_415 = vector.broadcast %shift_right_arithmetic3A_414 : i32 to vector<16xi32>
      %shift_right_arithmetic3A_416 = arith.shrsi %shift_left3A_413, %shift_right_arithmetic3A_415 : vector<16xi32>
      %convert_element_type3A_417 = arith.sitofp %shift_right_arithmetic3A_416 : vector<16xi32> to vector<16xf32>
      %mul3A_418 = vector.broadcast %select_n3A_385 : f32 to vector<16xf32>
      %mul3A_419 = arith.mulf %convert_element_type3A_417, %mul3A_418 : vector<16xf32>
      %add3A_420 = arith.addf %add3A_352, %mul3A_419 : vector<16xf32>
      %sub3A_421 = arith.constant 4 : i32
      %sub3A_422 = arith.subi %sub3A_421, %mul3A_387 : i32
      %shift_left3A_423 = vector.broadcast %sub3A_422 : i32 to vector<16xi32>
      %shift_left3A_424 = arith.shli %get3A_369, %shift_left3A_423 : vector<16xi32>
      %shift_right_arithmetic3A_425 = arith.constant 28 : i32
      %shift_right_arithmetic3A_426 = vector.broadcast %shift_right_arithmetic3A_425 : i32 to vector<16xi32>
      %shift_right_arithmetic3A_427 = arith.shrsi %shift_left3A_424, %shift_right_arithmetic3A_426 : vector<16xi32>
      %convert_element_type3A_428 = arith.sitofp %shift_right_arithmetic3A_427 : vector<16xi32> to vector<16xf32>
      %mul3A_429 = vector.broadcast %select_n3A_385 : f32 to vector<16xf32>
      %mul3A_430 = arith.mulf %convert_element_type3A_428, %mul3A_429 : vector<16xf32>
      %add3A_431 = arith.addf %add3A_363, %mul3A_430 : vector<16xf32>
      %get3A_432 = arith.constant 5 : i32
      %get3A_433 = arith.index_cast %and3A_74 : i32 to index
      %get3A_434 = arith.index_cast %get3A_432 : i32 to index
      %get3A_435 = arith.constant 0 : index
      %get3A_436 = tpu.vector_load %arg9[%get3A_433, %get3A_434, %get3A_435] {strides = array<i32>} : memref<4x50x32xi32, #tpu.memory_space<vmem>>, vector<1x1x16xi32>,
      %get3A_437 = vector.shape_cast %get3A_436 : vector<1x1x16xi32> to vector<16xi32>
      %get3A_438 = arith.constant 5 : i32
      %get3A_439 = arith.index_cast %and3A_74 : i32 to index
      %get3A_440 = arith.index_cast %get3A_438 : i32 to index
      %get3A_441 = arith.constant 16 : index
      %get3A_442 = tpu.vector_load %arg9[%get3A_439, %get3A_440, %get3A_441] {strides = array<i32>} : memref<4x50x32xi32, #tpu.memory_space<vmem>>, vector<1x1x16xi32>,
      %get3A_443 = vector.shape_cast %get3A_442 : vector<1x1x16xi32> to vector<16xi32>
      %bitcast_convert_type3A_444 = tpu.bitcast %get3A_443 : vector<16xi32> -> vector<16xf32>
      %slice3A_445 = vector.extract_strided_slice %and3A_100 {offsets = [5], sizes = [1], strides = [1]} : vector<16xi32> to vector<1xi32>
      %squeeze3A_446 = vector.extract %slice3A_445[0] : i32 from vector<1xi32>
      %eq3A_447 = arith.constant 0 : i32
      %eq3A_448 = arith.cmpi eq, %squeeze3A_446, %eq3A_447 : i32
      %slice3A_449 = vector.extract_strided_slice %bitcast_convert_type3A_444 {offsets = [0], sizes = [1], strides = [1]} : vector<16xf32> to vector<1xf32>
      %squeeze3A_450 = vector.extract %slice3A_449[0] : f32 from vector<1xf32>
      %slice3A_451 = vector.extract_strided_slice %bitcast_convert_type3A_444 {offsets = [1], sizes = [1], strides = [1]} : vector<16xf32> to vector<1xf32>
      %squeeze3A_452 = vector.extract %slice3A_451[0] : f32 from vector<1xf32>
      %select_n3A_453 = arith.select %eq3A_448, %squeeze3A_450, %squeeze3A_452 : f32
      %mul3A_454 = arith.constant 4 : i32
      %mul3A_455 = arith.muli %mul3A_454, %squeeze3A_446 : i32
      %sub3A_456 = arith.constant 28 : i32
      %sub3A_457 = arith.subi %sub3A_456, %mul3A_455 : i32
      %shift_left3A_458 = vector.broadcast %sub3A_457 : i32 to vector<16xi32>
      %shift_left3A_459 = arith.shli %get3A_437, %shift_left3A_458 : vector<16xi32>
      %shift_right_arithmetic3A_460 = arith.constant 28 : i32
      %shift_right_arithmetic3A_461 = vector.broadcast %shift_right_arithmetic3A_460 : i32 to vector<16xi32>
      %shift_right_arithmetic3A_462 = arith.shrsi %shift_left3A_459, %shift_right_arithmetic3A_461 : vector<16xi32>
      %convert_element_type3A_463 = arith.sitofp %shift_right_arithmetic3A_462 : vector<16xi32> to vector<16xf32>
      %mul3A_464 = vector.broadcast %select_n3A_453 : f32 to vector<16xf32>
      %mul3A_465 = arith.mulf %convert_element_type3A_463, %mul3A_464 : vector<16xf32>
      %add3A_466 = arith.addf %add3A_398, %mul3A_465 : vector<16xf32>
      %sub3A_467 = arith.constant 12 : i32
      %sub3A_468 = arith.subi %sub3A_467, %mul3A_455 : i32
      %shift_left3A_469 = vector.broadcast %sub3A_468 : i32 to vector<16xi32>
      %shift_left3A_470 = arith.shli %get3A_437, %shift_left3A_469 : vector<16xi32>
      %shift_right_arithmetic3A_471 = arith.constant 28 : i32
      %shift_right_arithmetic3A_472 = vector.broadcast %shift_right_arithmetic3A_471 : i32 to vector<16xi32>
      %shift_right_arithmetic3A_473 = arith.shrsi %shift_left3A_470, %shift_right_arithmetic3A_472 : vector<16xi32>
      %convert_element_type3A_474 = arith.sitofp %shift_right_arithmetic3A_473 : vector<16xi32> to vector<16xf32>
      %mul3A_475 = vector.broadcast %select_n3A_453 : f32 to vector<16xf32>
      %mul3A_476 = arith.mulf %convert_element_type3A_474, %mul3A_475 : vector<16xf32>
      %add3A_477 = arith.addf %add3A_409, %mul3A_476 : vector<16xf32>
      %sub3A_478 = arith.constant 20 : i32
      %sub3A_479 = arith.subi %sub3A_478, %mul3A_455 : i32
      %shift_left3A_480 = vector.broadcast %sub3A_479 : i32 to vector<16xi32>
      %shift_left3A_481 = arith.shli %get3A_437, %shift_left3A_480 : vector<16xi32>
      %shift_right_arithmetic3A_482 = arith.constant 28 : i32
      %shift_right_arithmetic3A_483 = vector.broadcast %shift_right_arithmetic3A_482 : i32 to vector<16xi32>
      %shift_right_arithmetic3A_484 = arith.shrsi %shift_left3A_481, %shift_right_arithmetic3A_483 : vector<16xi32>
      %convert_element_type3A_485 = arith.sitofp %shift_right_arithmetic3A_484 : vector<16xi32> to vector<16xf32>
      %mul3A_486 = vector.broadcast %select_n3A_453 : f32 to vector<16xf32>
      %mul3A_487 = arith.mulf %convert_element_type3A_485, %mul3A_486 : vector<16xf32>
      %add3A_488 = arith.addf %add3A_420, %mul3A_487 : vector<16xf32>
      %sub3A_489 = arith.constant 4 : i32
      %sub3A_490 = arith.subi %sub3A_489, %mul3A_455 : i32
      %shift_left3A_491 = vector.broadcast %sub3A_490 : i32 to vector<16xi32>
      %shift_left3A_492 = arith.shli %get3A_437, %shift_left3A_491 : vector<16xi32>
      %shift_right_arithmetic3A_493 = arith.constant 28 : i32
      %shift_right_arithmetic3A_494 = vector.broadcast %shift_right_arithmetic3A_493 : i32 to vector<16xi32>
      %shift_right_arithmetic3A_495 = arith.shrsi %shift_left3A_492, %shift_right_arithmetic3A_494 : vector<16xi32>
      %convert_element_type3A_496 = arith.sitofp %shift_right_arithmetic3A_495 : vector<16xi32> to vector<16xf32>
      %mul3A_497 = vector.broadcast %select_n3A_453 : f32 to vector<16xf32>
      %mul3A_498 = arith.mulf %convert_element_type3A_496, %mul3A_497 : vector<16xf32>
      %add3A_499 = arith.addf %add3A_431, %mul3A_498 : vector<16xf32>
      %get3A_500 = arith.constant 6 : i32
      %get3A_501 = arith.index_cast %and3A_74 : i32 to index
      %get3A_502 = arith.index_cast %get3A_500 : i32 to index
      %get3A_503 = arith.constant 0 : index
      %get3A_504 = tpu.vector_load %arg9[%get3A_501, %get3A_502, %get3A_503] {strides = array<i32>} : memref<4x50x32xi32, #tpu.memory_space<vmem>>, vector<1x1x16xi32>,
      %get3A_505 = vector.shape_cast %get3A_504 : vector<1x1x16xi32> to vector<16xi32>
      %get3A_506 = arith.constant 6 : i32
      %get3A_507 = arith.index_cast %and3A_74 : i32 to index
      %get3A_508 = arith.index_cast %get3A_506 : i32 to index
      %get3A_509 = arith.constant 16 : index
      %get3A_510 = tpu.vector_load %arg9[%get3A_507, %get3A_508, %get3A_509] {strides = array<i32>} : memref<4x50x32xi32, #tpu.memory_space<vmem>>, vector<1x1x16xi32>,
      %get3A_511 = vector.shape_cast %get3A_510 : vector<1x1x16xi32> to vector<16xi32>
      %bitcast_convert_type3A_512 = tpu.bitcast %get3A_511 : vector<16xi32> -> vector<16xf32>
      %slice3A_513 = vector.extract_strided_slice %and3A_100 {offsets = [6], sizes = [1], strides = [1]} : vector<16xi32> to vector<1xi32>
      %squeeze3A_514 = vector.extract %slice3A_513[0] : i32 from vector<1xi32>
      %eq3A_515 = arith.constant 0 : i32
      %eq3A_516 = arith.cmpi eq, %squeeze3A_514, %eq3A_515 : i32
      %slice3A_517 = vector.extract_strided_slice %bitcast_convert_type3A_512 {offsets = [0], sizes = [1], strides = [1]} : vector<16xf32> to vector<1xf32>
      %squeeze3A_518 = vector.extract %slice3A_517[0] : f32 from vector<1xf32>
      %slice3A_519 = vector.extract_strided_slice %bitcast_convert_type3A_512 {offsets = [1], sizes = [1], strides = [1]} : vector<16xf32> to vector<1xf32>
      %squeeze3A_520 = vector.extract %slice3A_519[0] : f32 from vector<1xf32>
      %select_n3A_521 = arith.select %eq3A_516, %squeeze3A_518, %squeeze3A_520 : f32
      %mul3A_522 = arith.constant 4 : i32
      %mul3A_523 = arith.muli %mul3A_522, %squeeze3A_514 : i32
      %sub3A_524 = arith.constant 28 : i32
      %sub3A_525 = arith.subi %sub3A_524, %mul3A_523 : i32
      %shift_left3A_526 = vector.broadcast %sub3A_525 : i32 to vector<16xi32>
      %shift_left3A_527 = arith.shli %get3A_505, %shift_left3A_526 : vector<16xi32>
      %shift_right_arithmetic3A_528 = arith.constant 28 : i32
      %shift_right_arithmetic3A_529 = vector.broadcast %shift_right_arithmetic3A_528 : i32 to vector<16xi32>
      %shift_right_arithmetic3A_530 = arith.shrsi %shift_left3A_527, %shift_right_arithmetic3A_529 : vector<16xi32>
      %convert_element_type3A_531 = arith.sitofp %shift_right_arithmetic3A_530 : vector<16xi32> to vector<16xf32>
      %mul3A_532 = vector.broadcast %select_n3A_521 : f32 to vector<16xf32>
      %mul3A_533 = arith.mulf %convert_element_type3A_531, %mul3A_532 : vector<16xf32>
      %add3A_534 = arith.addf %add3A_466, %mul3A_533 : vector<16xf32>
      %sub3A_535 = arith.constant 12 : i32
      %sub3A_536 = arith.subi %sub3A_535, %mul3A_523 : i32
      %shift_left3A_537 = vector.broadcast %sub3A_536 : i32 to vector<16xi32>
      %shift_left3A_538 = arith.shli %get3A_505, %shift_left3A_537 : vector<16xi32>
      %shift_right_arithmetic3A_539 = arith.constant 28 : i32
      %shift_right_arithmetic3A_540 = vector.broadcast %shift_right_arithmetic3A_539 : i32 to vector<16xi32>
      %shift_right_arithmetic3A_541 = arith.shrsi %shift_left3A_538, %shift_right_arithmetic3A_540 : vector<16xi32>
      %convert_element_type3A_542 = arith.sitofp %shift_right_arithmetic3A_541 : vector<16xi32> to vector<16xf32>
      %mul3A_543 = vector.broadcast %select_n3A_521 : f32 to vector<16xf32>
      %mul3A_544 = arith.mulf %convert_element_type3A_542, %mul3A_543 : vector<16xf32>
      %add3A_545 = arith.addf %add3A_477, %mul3A_544 : vector<16xf32>
      %sub3A_546 = arith.constant 20 : i32
      %sub3A_547 = arith.subi %sub3A_546, %mul3A_523 : i32
      %shift_left3A_548 = vector.broadcast %sub3A_547 : i32 to vector<16xi32>
      %shift_left3A_549 = arith.shli %get3A_505, %shift_left3A_548 : vector<16xi32>
      %shift_right_arithmetic3A_550 = arith.constant 28 : i32
      %shift_right_arithmetic3A_551 = vector.broadcast %shift_right_arithmetic3A_550 : i32 to vector<16xi32>
      %shift_right_arithmetic3A_552 = arith.shrsi %shift_left3A_549, %shift_right_arithmetic3A_551 : vector<16xi32>
      %convert_element_type3A_553 = arith.sitofp %shift_right_arithmetic3A_552 : vector<16xi32> to vector<16xf32>
      %mul3A_554 = vector.broadcast %select_n3A_521 : f32 to vector<16xf32>
      %mul3A_555 = arith.mulf %convert_element_type3A_553, %mul3A_554 : vector<16xf32>
      %add3A_556 = arith.addf %add3A_488, %mul3A_555 : vector<16xf32>
      %sub3A_557 = arith.constant 4 : i32
      %sub3A_558 = arith.subi %sub3A_557, %mul3A_523 : i32
      %shift_left3A_559 = vector.broadcast %sub3A_558 : i32 to vector<16xi32>
      %shift_left3A_560 = arith.shli %get3A_505, %shift_left3A_559 : vector<16xi32>
      %shift_right_arithmetic3A_561 = arith.constant 28 : i32
      %shift_right_arithmetic3A_562 = vector.broadcast %shift_right_arithmetic3A_561 : i32 to vector<16xi32>
      %shift_right_arithmetic3A_563 = arith.shrsi %shift_left3A_560, %shift_right_arithmetic3A_562 : vector<16xi32>
      %convert_element_type3A_564 = arith.sitofp %shift_right_arithmetic3A_563 : vector<16xi32> to vector<16xf32>
      %mul3A_565 = vector.broadcast %select_n3A_521 : f32 to vector<16xf32>
      %mul3A_566 = arith.mulf %convert_element_type3A_564, %mul3A_565 : vector<16xf32>
      %add3A_567 = arith.addf %add3A_499, %mul3A_566 : vector<16xf32>
      %get3A_568 = arith.constant 7 : i32
      %get3A_569 = arith.index_cast %and3A_74 : i32 to index
      %get3A_570 = arith.index_cast %get3A_568 : i32 to index
      %get3A_571 = arith.constant 0 : index
      %get3A_572 = tpu.vector_load %arg9[%get3A_569, %get3A_570, %get3A_571] {strides = array<i32>} : memref<4x50x32xi32, #tpu.memory_space<vmem>>, vector<1x1x16xi32>,
      %get3A_573 = vector.shape_cast %get3A_572 : vector<1x1x16xi32> to vector<16xi32>
      %get3A_574 = arith.constant 7 : i32
      %get3A_575 = arith.index_cast %and3A_74 : i32 to index
      %get3A_576 = arith.index_cast %get3A_574 : i32 to index
      %get3A_577 = arith.constant 16 : index
      %get3A_578 = tpu.vector_load %arg9[%get3A_575, %get3A_576, %get3A_577] {strides = array<i32>} : memref<4x50x32xi32, #tpu.memory_space<vmem>>, vector<1x1x16xi32>,
      %get3A_579 = vector.shape_cast %get3A_578 : vector<1x1x16xi32> to vector<16xi32>
      %bitcast_convert_type3A_580 = tpu.bitcast %get3A_579 : vector<16xi32> -> vector<16xf32>
      %slice3A_581 = vector.extract_strided_slice %and3A_100 {offsets = [7], sizes = [1], strides = [1]} : vector<16xi32> to vector<1xi32>
      %squeeze3A_582 = vector.extract %slice3A_581[0] : i32 from vector<1xi32>
      %eq3A_583 = arith.constant 0 : i32
      %eq3A_584 = arith.cmpi eq, %squeeze3A_582, %eq3A_583 : i32
      %slice3A_585 = vector.extract_strided_slice %bitcast_convert_type3A_580 {offsets = [0], sizes = [1], strides = [1]} : vector<16xf32> to vector<1xf32>
      %squeeze3A_586 = vector.extract %slice3A_585[0] : f32 from vector<1xf32>
      %slice3A_587 = vector.extract_strided_slice %bitcast_convert_type3A_580 {offsets = [1], sizes = [1], strides = [1]} : vector<16xf32> to vector<1xf32>
      %squeeze3A_588 = vector.extract %slice3A_587[0] : f32 from vector<1xf32>
      %select_n3A_589 = arith.select %eq3A_584, %squeeze3A_586, %squeeze3A_588 : f32
      %mul3A_590 = arith.constant 4 : i32
      %mul3A_591 = arith.muli %mul3A_590, %squeeze3A_582 : i32
      %sub3A_592 = arith.constant 28 : i32
      %sub3A_593 = arith.subi %sub3A_592, %mul3A_591 : i32
      %shift_left3A_594 = vector.broadcast %sub3A_593 : i32 to vector<16xi32>
      %shift_left3A_595 = arith.shli %get3A_573, %shift_left3A_594 : vector<16xi32>
      %shift_right_arithmetic3A_596 = arith.constant 28 : i32
      %shift_right_arithmetic3A_597 = vector.broadcast %shift_right_arithmetic3A_596 : i32 to vector<16xi32>
      %shift_right_arithmetic3A_598 = arith.shrsi %shift_left3A_595, %shift_right_arithmetic3A_597 : vector<16xi32>
      %convert_element_type3A_599 = arith.sitofp %shift_right_arithmetic3A_598 : vector<16xi32> to vector<16xf32>
      %mul3A_600 = vector.broadcast %select_n3A_589 : f32 to vector<16xf32>
      %mul3A_601 = arith.mulf %convert_element_type3A_599, %mul3A_600 : vector<16xf32>
      %add3A_602 = arith.addf %add3A_534, %mul3A_601 : vector<16xf32>
      %sub3A_603 = arith.constant 12 : i32
      %sub3A_604 = arith.subi %sub3A_603, %mul3A_591 : i32
      %shift_left3A_605 = vector.broadcast %sub3A_604 : i32 to vector<16xi32>
      %shift_left3A_606 = arith.shli %get3A_573, %shift_left3A_605 : vector<16xi32>
      %shift_right_arithmetic3A_607 = arith.constant 28 : i32
      %shift_right_arithmetic3A_608 = vector.broadcast %shift_right_arithmetic3A_607 : i32 to vector<16xi32>
      %shift_right_arithmetic3A_609 = arith.shrsi %shift_left3A_606, %shift_right_arithmetic3A_608 : vector<16xi32>
      %convert_element_type3A_610 = arith.sitofp %shift_right_arithmetic3A_609 : vector<16xi32> to vector<16xf32>
      %mul3A_611 = vector.broadcast %select_n3A_589 : f32 to vector<16xf32>
      %mul3A_612 = arith.mulf %convert_element_type3A_610, %mul3A_611 : vector<16xf32>
      %add3A_613 = arith.addf %add3A_545, %mul3A_612 : vector<16xf32>
      %sub3A_614 = arith.constant 20 : i32
      %sub3A_615 = arith.subi %sub3A_614, %mul3A_591 : i32
      %shift_left3A_616 = vector.broadcast %sub3A_615 : i32 to vector<16xi32>
      %shift_left3A_617 = arith.shli %get3A_573, %shift_left3A_616 : vector<16xi32>
      %shift_right_arithmetic3A_618 = arith.constant 28 : i32
      %shift_right_arithmetic3A_619 = vector.broadcast %shift_right_arithmetic3A_618 : i32 to vector<16xi32>
      %shift_right_arithmetic3A_620 = arith.shrsi %shift_left3A_617, %shift_right_arithmetic3A_619 : vector<16xi32>
      %convert_element_type3A_621 = arith.sitofp %shift_right_arithmetic3A_620 : vector<16xi32> to vector<16xf32>
      %mul3A_622 = vector.broadcast %select_n3A_589 : f32 to vector<16xf32>
      %mul3A_623 = arith.mulf %convert_element_type3A_621, %mul3A_622 : vector<16xf32>
      %add3A_624 = arith.addf %add3A_556, %mul3A_623 : vector<16xf32>
      %sub3A_625 = arith.constant 4 : i32
      %sub3A_626 = arith.subi %sub3A_625, %mul3A_591 : i32
      %shift_left3A_627 = vector.broadcast %sub3A_626 : i32 to vector<16xi32>
      %shift_left3A_628 = arith.shli %get3A_573, %shift_left3A_627 : vector<16xi32>
      %shift_right_arithmetic3A_629 = arith.constant 28 : i32
      %shift_right_arithmetic3A_630 = vector.broadcast %shift_right_arithmetic3A_629 : i32 to vector<16xi32>
      %shift_right_arithmetic3A_631 = arith.shrsi %shift_left3A_628, %shift_right_arithmetic3A_630 : vector<16xi32>
      %convert_element_type3A_632 = arith.sitofp %shift_right_arithmetic3A_631 : vector<16xi32> to vector<16xf32>
      %mul3A_633 = vector.broadcast %select_n3A_589 : f32 to vector<16xf32>
      %mul3A_634 = arith.mulf %convert_element_type3A_632, %mul3A_633 : vector<16xf32>
      %add3A_635 = arith.addf %add3A_567, %mul3A_634 : vector<16xf32>
      %get3A_636 = arith.constant 8 : i32
      %get3A_637 = arith.index_cast %and3A_74 : i32 to index
      %get3A_638 = arith.index_cast %get3A_636 : i32 to index
      %get3A_639 = arith.constant 0 : index
      %get3A_640 = tpu.vector_load %arg9[%get3A_637, %get3A_638, %get3A_639] {strides = array<i32>} : memref<4x50x32xi32, #tpu.memory_space<vmem>>, vector<1x1x16xi32>,
      %get3A_641 = vector.shape_cast %get3A_640 : vector<1x1x16xi32> to vector<16xi32>
      %get3A_642 = arith.constant 8 : i32
      %get3A_643 = arith.index_cast %and3A_74 : i32 to index
      %get3A_644 = arith.index_cast %get3A_642 : i32 to index
      %get3A_645 = arith.constant 16 : index
      %get3A_646 = tpu.vector_load %arg9[%get3A_643, %get3A_644, %get3A_645] {strides = array<i32>} : memref<4x50x32xi32, #tpu.memory_space<vmem>>, vector<1x1x16xi32>,
      %get3A_647 = vector.shape_cast %get3A_646 : vector<1x1x16xi32> to vector<16xi32>
      %bitcast_convert_type3A_648 = tpu.bitcast %get3A_647 : vector<16xi32> -> vector<16xf32>
      %slice3A_649 = vector.extract_strided_slice %and3A_100 {offsets = [8], sizes = [1], strides = [1]} : vector<16xi32> to vector<1xi32>
      %squeeze3A_650 = vector.extract %slice3A_649[0] : i32 from vector<1xi32>
      %eq3A_651 = arith.constant 0 : i32
      %eq3A_652 = arith.cmpi eq, %squeeze3A_650, %eq3A_651 : i32
      %slice3A_653 = vector.extract_strided_slice %bitcast_convert_type3A_648 {offsets = [0], sizes = [1], strides = [1]} : vector<16xf32> to vector<1xf32>
      %squeeze3A_654 = vector.extract %slice3A_653[0] : f32 from vector<1xf32>
      %slice3A_655 = vector.extract_strided_slice %bitcast_convert_type3A_648 {offsets = [1], sizes = [1], strides = [1]} : vector<16xf32> to vector<1xf32>
      %squeeze3A_656 = vector.extract %slice3A_655[0] : f32 from vector<1xf32>
      %select_n3A_657 = arith.select %eq3A_652, %squeeze3A_654, %squeeze3A_656 : f32
      %mul3A_658 = arith.constant 4 : i32
      %mul3A_659 = arith.muli %mul3A_658, %squeeze3A_650 : i32
      %sub3A_660 = arith.constant 28 : i32
      %sub3A_661 = arith.subi %sub3A_660, %mul3A_659 : i32
      %shift_left3A_662 = vector.broadcast %sub3A_661 : i32 to vector<16xi32>
      %shift_left3A_663 = arith.shli %get3A_641, %shift_left3A_662 : vector<16xi32>
      %shift_right_arithmetic3A_664 = arith.constant 28 : i32
      %shift_right_arithmetic3A_665 = vector.broadcast %shift_right_arithmetic3A_664 : i32 to vector<16xi32>
      %shift_right_arithmetic3A_666 = arith.shrsi %shift_left3A_663, %shift_right_arithmetic3A_665 : vector<16xi32>
      %convert_element_type3A_667 = arith.sitofp %shift_right_arithmetic3A_666 : vector<16xi32> to vector<16xf32>
      %mul3A_668 = vector.broadcast %select_n3A_657 : f32 to vector<16xf32>
      %mul3A_669 = arith.mulf %convert_element_type3A_667, %mul3A_668 : vector<16xf32>
      %add3A_670 = arith.addf %add3A_602, %mul3A_669 : vector<16xf32>
      %sub3A_671 = arith.constant 12 : i32
      %sub3A_672 = arith.subi %sub3A_671, %mul3A_659 : i32
      %shift_left3A_673 = vector.broadcast %sub3A_672 : i32 to vector<16xi32>
      %shift_left3A_674 = arith.shli %get3A_641, %shift_left3A_673 : vector<16xi32>
      %shift_right_arithmetic3A_675 = arith.constant 28 : i32
      %shift_right_arithmetic3A_676 = vector.broadcast %shift_right_arithmetic3A_675 : i32 to vector<16xi32>
      %shift_right_arithmetic3A_677 = arith.shrsi %shift_left3A_674, %shift_right_arithmetic3A_676 : vector<16xi32>
      %convert_element_type3A_678 = arith.sitofp %shift_right_arithmetic3A_677 : vector<16xi32> to vector<16xf32>
      %mul3A_679 = vector.broadcast %select_n3A_657 : f32 to vector<16xf32>
      %mul3A_680 = arith.mulf %convert_element_type3A_678, %mul3A_679 : vector<16xf32>
      %add3A_681 = arith.addf %add3A_613, %mul3A_680 : vector<16xf32>
      %sub3A_682 = arith.constant 20 : i32
      %sub3A_683 = arith.subi %sub3A_682, %mul3A_659 : i32
      %shift_left3A_684 = vector.broadcast %sub3A_683 : i32 to vector<16xi32>
      %shift_left3A_685 = arith.shli %get3A_641, %shift_left3A_684 : vector<16xi32>
      %shift_right_arithmetic3A_686 = arith.constant 28 : i32
      %shift_right_arithmetic3A_687 = vector.broadcast %shift_right_arithmetic3A_686 : i32 to vector<16xi32>
      %shift_right_arithmetic3A_688 = arith.shrsi %shift_left3A_685, %shift_right_arithmetic3A_687 : vector<16xi32>
      %convert_element_type3A_689 = arith.sitofp %shift_right_arithmetic3A_688 : vector<16xi32> to vector<16xf32>
      %mul3A_690 = vector.broadcast %select_n3A_657 : f32 to vector<16xf32>
      %mul3A_691 = arith.mulf %convert_element_type3A_689, %mul3A_690 : vector<16xf32>
      %add3A_692 = arith.addf %add3A_624, %mul3A_691 : vector<16xf32>
      %sub3A_693 = arith.constant 4 : i32
      %sub3A_694 = arith.subi %sub3A_693, %mul3A_659 : i32
      %shift_left3A_695 = vector.broadcast %sub3A_694 : i32 to vector<16xi32>
      %shift_left3A_696 = arith.shli %get3A_641, %shift_left3A_695 : vector<16xi32>
      %shift_right_arithmetic3A_697 = arith.constant 28 : i32
      %shift_right_arithmetic3A_698 = vector.broadcast %shift_right_arithmetic3A_697 : i32 to vector<16xi32>
      %shift_right_arithmetic3A_699 = arith.shrsi %shift_left3A_696, %shift_right_arithmetic3A_698 : vector<16xi32>
      %convert_element_type3A_700 = arith.sitofp %shift_right_arithmetic3A_699 : vector<16xi32> to vector<16xf32>
      %mul3A_701 = vector.broadcast %select_n3A_657 : f32 to vector<16xf32>
      %mul3A_702 = arith.mulf %convert_element_type3A_700, %mul3A_701 : vector<16xf32>
      %add3A_703 = arith.addf %add3A_635, %mul3A_702 : vector<16xf32>
      %get3A_704 = arith.constant 9 : i32
      %get3A_705 = arith.index_cast %and3A_74 : i32 to index
      %get3A_706 = arith.index_cast %get3A_704 : i32 to index
      %get3A_707 = arith.constant 0 : index
      %get3A_708 = tpu.vector_load %arg9[%get3A_705, %get3A_706, %get3A_707] {strides = array<i32>} : memref<4x50x32xi32, #tpu.memory_space<vmem>>, vector<1x1x16xi32>,
      %get3A_709 = vector.shape_cast %get3A_708 : vector<1x1x16xi32> to vector<16xi32>
      %get3A_710 = arith.constant 9 : i32
      %get3A_711 = arith.index_cast %and3A_74 : i32 to index
      %get3A_712 = arith.index_cast %get3A_710 : i32 to index
      %get3A_713 = arith.constant 16 : index
      %get3A_714 = tpu.vector_load %arg9[%get3A_711, %get3A_712, %get3A_713] {strides = array<i32>} : memref<4x50x32xi32, #tpu.memory_space<vmem>>, vector<1x1x16xi32>,
      %get3A_715 = vector.shape_cast %get3A_714 : vector<1x1x16xi32> to vector<16xi32>
      %bitcast_convert_type3A_716 = tpu.bitcast %get3A_715 : vector<16xi32> -> vector<16xf32>
      %slice3A_717 = vector.extract_strided_slice %and3A_100 {offsets = [9], sizes = [1], strides = [1]} : vector<16xi32> to vector<1xi32>
      %squeeze3A_718 = vector.extract %slice3A_717[0] : i32 from vector<1xi32>
      %eq3A_719 = arith.constant 0 : i32
      %eq3A_720 = arith.cmpi eq, %squeeze3A_718, %eq3A_719 : i32
      %slice3A_721 = vector.extract_strided_slice %bitcast_convert_type3A_716 {offsets = [0], sizes = [1], strides = [1]} : vector<16xf32> to vector<1xf32>
      %squeeze3A_722 = vector.extract %slice3A_721[0] : f32 from vector<1xf32>
      %slice3A_723 = vector.extract_strided_slice %bitcast_convert_type3A_716 {offsets = [1], sizes = [1], strides = [1]} : vector<16xf32> to vector<1xf32>
      %squeeze3A_724 = vector.extract %slice3A_723[0] : f32 from vector<1xf32>
      %select_n3A_725 = arith.select %eq3A_720, %squeeze3A_722, %squeeze3A_724 : f32
      %mul3A_726 = arith.constant 4 : i32
      %mul3A_727 = arith.muli %mul3A_726, %squeeze3A_718 : i32
      %sub3A_728 = arith.constant 28 : i32
      %sub3A_729 = arith.subi %sub3A_728, %mul3A_727 : i32
      %shift_left3A_730 = vector.broadcast %sub3A_729 : i32 to vector<16xi32>
      %shift_left3A_731 = arith.shli %get3A_709, %shift_left3A_730 : vector<16xi32>
      %shift_right_arithmetic3A_732 = arith.constant 28 : i32
      %shift_right_arithmetic3A_733 = vector.broadcast %shift_right_arithmetic3A_732 : i32 to vector<16xi32>
      %shift_right_arithmetic3A_734 = arith.shrsi %shift_left3A_731, %shift_right_arithmetic3A_733 : vector<16xi32>
      %convert_element_type3A_735 = arith.sitofp %shift_right_arithmetic3A_734 : vector<16xi32> to vector<16xf32>
      %mul3A_736 = vector.broadcast %select_n3A_725 : f32 to vector<16xf32>
      %mul3A_737 = arith.mulf %convert_element_type3A_735, %mul3A_736 : vector<16xf32>
      %add3A_738 = arith.addf %add3A_670, %mul3A_737 : vector<16xf32>
      %sub3A_739 = arith.constant 12 : i32
      %sub3A_740 = arith.subi %sub3A_739, %mul3A_727 : i32
      %shift_left3A_741 = vector.broadcast %sub3A_740 : i32 to vector<16xi32>
      %shift_left3A_742 = arith.shli %get3A_709, %shift_left3A_741 : vector<16xi32>
      %shift_right_arithmetic3A_743 = arith.constant 28 : i32
      %shift_right_arithmetic3A_744 = vector.broadcast %shift_right_arithmetic3A_743 : i32 to vector<16xi32>
      %shift_right_arithmetic3A_745 = arith.shrsi %shift_left3A_742, %shift_right_arithmetic3A_744 : vector<16xi32>
      %convert_element_type3A_746 = arith.sitofp %shift_right_arithmetic3A_745 : vector<16xi32> to vector<16xf32>
      %mul3A_747 = vector.broadcast %select_n3A_725 : f32 to vector<16xf32>
      %mul3A_748 = arith.mulf %convert_element_type3A_746, %mul3A_747 : vector<16xf32>
      %add3A_749 = arith.addf %add3A_681, %mul3A_748 : vector<16xf32>
      %sub3A_750 = arith.constant 20 : i32
      %sub3A_751 = arith.subi %sub3A_750, %mul3A_727 : i32
      %shift_left3A_752 = vector.broadcast %sub3A_751 : i32 to vector<16xi32>
      %shift_left3A_753 = arith.shli %get3A_709, %shift_left3A_752 : vector<16xi32>
      %shift_right_arithmetic3A_754 = arith.constant 28 : i32
      %shift_right_arithmetic3A_755 = vector.broadcast %shift_right_arithmetic3A_754 : i32 to vector<16xi32>
      %shift_right_arithmetic3A_756 = arith.shrsi %shift_left3A_753, %shift_right_arithmetic3A_755 : vector<16xi32>
      %convert_element_type3A_757 = arith.sitofp %shift_right_arithmetic3A_756 : vector<16xi32> to vector<16xf32>
      %mul3A_758 = vector.broadcast %select_n3A_725 : f32 to vector<16xf32>
      %mul3A_759 = arith.mulf %convert_element_type3A_757, %mul3A_758 : vector<16xf32>
      %add3A_760 = arith.addf %add3A_692, %mul3A_759 : vector<16xf32>
      %sub3A_761 = arith.constant 4 : i32
      %sub3A_762 = arith.subi %sub3A_761, %mul3A_727 : i32
      %shift_left3A_763 = vector.broadcast %sub3A_762 : i32 to vector<16xi32>
      %shift_left3A_764 = arith.shli %get3A_709, %shift_left3A_763 : vector<16xi32>
      %shift_right_arithmetic3A_765 = arith.constant 28 : i32
      %shift_right_arithmetic3A_766 = vector.broadcast %shift_right_arithmetic3A_765 : i32 to vector<16xi32>
      %shift_right_arithmetic3A_767 = arith.shrsi %shift_left3A_764, %shift_right_arithmetic3A_766 : vector<16xi32>
      %convert_element_type3A_768 = arith.sitofp %shift_right_arithmetic3A_767 : vector<16xi32> to vector<16xf32>
      %mul3A_769 = vector.broadcast %select_n3A_725 : f32 to vector<16xf32>
      %mul3A_770 = arith.mulf %convert_element_type3A_768, %mul3A_769 : vector<16xf32>
      %add3A_771 = arith.addf %add3A_703, %mul3A_770 : vector<16xf32>
      %get3A_772 = arith.constant 10 : i32
      %get3A_773 = arith.index_cast %and3A_74 : i32 to index
      %get3A_774 = arith.index_cast %get3A_772 : i32 to index
      %get3A_775 = arith.constant 0 : index
      %get3A_776 = tpu.vector_load %arg9[%get3A_773, %get3A_774, %get3A_775] {strides = array<i32>} : memref<4x50x32xi32, #tpu.memory_space<vmem>>, vector<1x1x16xi32>,
      %get3A_777 = vector.shape_cast %get3A_776 : vector<1x1x16xi32> to vector<16xi32>
      %get3A_778 = arith.constant 10 : i32
      %get3A_779 = arith.index_cast %and3A_74 : i32 to index
      %get3A_780 = arith.index_cast %get3A_778 : i32 to index
      %get3A_781 = arith.constant 16 : index
      %get3A_782 = tpu.vector_load %arg9[%get3A_779, %get3A_780, %get3A_781] {strides = array<i32>} : memref<4x50x32xi32, #tpu.memory_space<vmem>>, vector<1x1x16xi32>,
      %get3A_783 = vector.shape_cast %get3A_782 : vector<1x1x16xi32> to vector<16xi32>
      %bitcast_convert_type3A_784 = tpu.bitcast %get3A_783 : vector<16xi32> -> vector<16xf32>
      %slice3A_785 = vector.extract_strided_slice %and3A_100 {offsets = [10], sizes = [1], strides = [1]} : vector<16xi32> to vector<1xi32>
      %squeeze3A_786 = vector.extract %slice3A_785[0] : i32 from vector<1xi32>
      %eq3A_787 = arith.constant 0 : i32
      %eq3A_788 = arith.cmpi eq, %squeeze3A_786, %eq3A_787 : i32
      %slice3A_789 = vector.extract_strided_slice %bitcast_convert_type3A_784 {offsets = [0], sizes = [1], strides = [1]} : vector<16xf32> to vector<1xf32>
      %squeeze3A_790 = vector.extract %slice3A_789[0] : f32 from vector<1xf32>
      %slice3A_791 = vector.extract_strided_slice %bitcast_convert_type3A_784 {offsets = [1], sizes = [1], strides = [1]} : vector<16xf32> to vector<1xf32>
      %squeeze3A_792 = vector.extract %slice3A_791[0] : f32 from vector<1xf32>
      %select_n3A_793 = arith.select %eq3A_788, %squeeze3A_790, %squeeze3A_792 : f32
      %mul3A_794 = arith.constant 4 : i32
      %mul3A_795 = arith.muli %mul3A_794, %squeeze3A_786 : i32
      %sub3A_796 = arith.constant 28 : i32
      %sub3A_797 = arith.subi %sub3A_796, %mul3A_795 : i32
      %shift_left3A_798 = vector.broadcast %sub3A_797 : i32 to vector<16xi32>
      %shift_left3A_799 = arith.shli %get3A_777, %shift_left3A_798 : vector<16xi32>
      %shift_right_arithmetic3A_800 = arith.constant 28 : i32
      %shift_right_arithmetic3A_801 = vector.broadcast %shift_right_arithmetic3A_800 : i32 to vector<16xi32>
      %shift_right_arithmetic3A_802 = arith.shrsi %shift_left3A_799, %shift_right_arithmetic3A_801 : vector<16xi32>
      %convert_element_type3A_803 = arith.sitofp %shift_right_arithmetic3A_802 : vector<16xi32> to vector<16xf32>
      %mul3A_804 = vector.broadcast %select_n3A_793 : f32 to vector<16xf32>
      %mul3A_805 = arith.mulf %convert_element_type3A_803, %mul3A_804 : vector<16xf32>
      %add3A_806 = arith.addf %add3A_738, %mul3A_805 : vector<16xf32>
      %sub3A_807 = arith.constant 12 : i32
      %sub3A_808 = arith.subi %sub3A_807, %mul3A_795 : i32
      %shift_left3A_809 = vector.broadcast %sub3A_808 : i32 to vector<16xi32>
      %shift_left3A_810 = arith.shli %get3A_777, %shift_left3A_809 : vector<16xi32>
      %shift_right_arithmetic3A_811 = arith.constant 28 : i32
      %shift_right_arithmetic3A_812 = vector.broadcast %shift_right_arithmetic3A_811 : i32 to vector<16xi32>
      %shift_right_arithmetic3A_813 = arith.shrsi %shift_left3A_810, %shift_right_arithmetic3A_812 : vector<16xi32>
      %convert_element_type3A_814 = arith.sitofp %shift_right_arithmetic3A_813 : vector<16xi32> to vector<16xf32>
      %mul3A_815 = vector.broadcast %select_n3A_793 : f32 to vector<16xf32>
      %mul3A_816 = arith.mulf %convert_element_type3A_814, %mul3A_815 : vector<16xf32>
      %add3A_817 = arith.addf %add3A_749, %mul3A_816 : vector<16xf32>
      %sub3A_818 = arith.constant 20 : i32
      %sub3A_819 = arith.subi %sub3A_818, %mul3A_795 : i32
      %shift_left3A_820 = vector.broadcast %sub3A_819 : i32 to vector<16xi32>
      %shift_left3A_821 = arith.shli %get3A_777, %shift_left3A_820 : vector<16xi32>
      %shift_right_arithmetic3A_822 = arith.constant 28 : i32
      %shift_right_arithmetic3A_823 = vector.broadcast %shift_right_arithmetic3A_822 : i32 to vector<16xi32>
      %shift_right_arithmetic3A_824 = arith.shrsi %shift_left3A_821, %shift_right_arithmetic3A_823 : vector<16xi32>
      %convert_element_type3A_825 = arith.sitofp %shift_right_arithmetic3A_824 : vector<16xi32> to vector<16xf32>
      %mul3A_826 = vector.broadcast %select_n3A_793 : f32 to vector<16xf32>
      %mul3A_827 = arith.mulf %convert_element_type3A_825, %mul3A_826 : vector<16xf32>
      %add3A_828 = arith.addf %add3A_760, %mul3A_827 : vector<16xf32>
      %sub3A_829 = arith.constant 4 : i32
      %sub3A_830 = arith.subi %sub3A_829, %mul3A_795 : i32
      %shift_left3A_831 = vector.broadcast %sub3A_830 : i32 to vector<16xi32>
      %shift_left3A_832 = arith.shli %get3A_777, %shift_left3A_831 : vector<16xi32>
      %shift_right_arithmetic3A_833 = arith.constant 28 : i32
      %shift_right_arithmetic3A_834 = vector.broadcast %shift_right_arithmetic3A_833 : i32 to vector<16xi32>
      %shift_right_arithmetic3A_835 = arith.shrsi %shift_left3A_832, %shift_right_arithmetic3A_834 : vector<16xi32>
      %convert_element_type3A_836 = arith.sitofp %shift_right_arithmetic3A_835 : vector<16xi32> to vector<16xf32>
      %mul3A_837 = vector.broadcast %select_n3A_793 : f32 to vector<16xf32>
      %mul3A_838 = arith.mulf %convert_element_type3A_836, %mul3A_837 : vector<16xf32>
      %add3A_839 = arith.addf %add3A_771, %mul3A_838 : vector<16xf32>
      %get3A_840 = arith.constant 11 : i32
      %get3A_841 = arith.index_cast %and3A_74 : i32 to index
      %get3A_842 = arith.index_cast %get3A_840 : i32 to index
      %get3A_843 = arith.constant 0 : index
      %get3A_844 = tpu.vector_load %arg9[%get3A_841, %get3A_842, %get3A_843] {strides = array<i32>} : memref<4x50x32xi32, #tpu.memory_space<vmem>>, vector<1x1x16xi32>,
      %get3A_845 = vector.shape_cast %get3A_844 : vector<1x1x16xi32> to vector<16xi32>
      %get3A_846 = arith.constant 11 : i32
      %get3A_847 = arith.index_cast %and3A_74 : i32 to index
      %get3A_848 = arith.index_cast %get3A_846 : i32 to index
      %get3A_849 = arith.constant 16 : index
      %get3A_850 = tpu.vector_load %arg9[%get3A_847, %get3A_848, %get3A_849] {strides = array<i32>} : memref<4x50x32xi32, #tpu.memory_space<vmem>>, vector<1x1x16xi32>,
      %get3A_851 = vector.shape_cast %get3A_850 : vector<1x1x16xi32> to vector<16xi32>
      %bitcast_convert_type3A_852 = tpu.bitcast %get3A_851 : vector<16xi32> -> vector<16xf32>
      %slice3A_853 = vector.extract_strided_slice %and3A_100 {offsets = [11], sizes = [1], strides = [1]} : vector<16xi32> to vector<1xi32>
      %squeeze3A_854 = vector.extract %slice3A_853[0] : i32 from vector<1xi32>
      %eq3A_855 = arith.constant 0 : i32
      %eq3A_856 = arith.cmpi eq, %squeeze3A_854, %eq3A_855 : i32
      %slice3A_857 = vector.extract_strided_slice %bitcast_convert_type3A_852 {offsets = [0], sizes = [1], strides = [1]} : vector<16xf32> to vector<1xf32>
      %squeeze3A_858 = vector.extract %slice3A_857[0] : f32 from vector<1xf32>
      %slice3A_859 = vector.extract_strided_slice %bitcast_convert_type3A_852 {offsets = [1], sizes = [1], strides = [1]} : vector<16xf32> to vector<1xf32>
      %squeeze3A_860 = vector.extract %slice3A_859[0] : f32 from vector<1xf32>
      %select_n3A_861 = arith.select %eq3A_856, %squeeze3A_858, %squeeze3A_860 : f32
      %mul3A_862 = arith.constant 4 : i32
      %mul3A_863 = arith.muli %mul3A_862, %squeeze3A_854 : i32
      %sub3A_864 = arith.constant 28 : i32
      %sub3A_865 = arith.subi %sub3A_864, %mul3A_863 : i32
      %shift_left3A_866 = vector.broadcast %sub3A_865 : i32 to vector<16xi32>
      %shift_left3A_867 = arith.shli %get3A_845, %shift_left3A_866 : vector<16xi32>
      %shift_right_arithmetic3A_868 = arith.constant 28 : i32
      %shift_right_arithmetic3A_869 = vector.broadcast %shift_right_arithmetic3A_868 : i32 to vector<16xi32>
      %shift_right_arithmetic3A_870 = arith.shrsi %shift_left3A_867, %shift_right_arithmetic3A_869 : vector<16xi32>
      %convert_element_type3A_871 = arith.sitofp %shift_right_arithmetic3A_870 : vector<16xi32> to vector<16xf32>
      %mul3A_872 = vector.broadcast %select_n3A_861 : f32 to vector<16xf32>
      %mul3A_873 = arith.mulf %convert_element_type3A_871, %mul3A_872 : vector<16xf32>
      %add3A_874 = arith.addf %add3A_806, %mul3A_873 : vector<16xf32>
      %sub3A_875 = arith.constant 12 : i32
      %sub3A_876 = arith.subi %sub3A_875, %mul3A_863 : i32
      %shift_left3A_877 = vector.broadcast %sub3A_876 : i32 to vector<16xi32>
      %shift_left3A_878 = arith.shli %get3A_845, %shift_left3A_877 : vector<16xi32>
      %shift_right_arithmetic3A_879 = arith.constant 28 : i32
      %shift_right_arithmetic3A_880 = vector.broadcast %shift_right_arithmetic3A_879 : i32 to vector<16xi32>
      %shift_right_arithmetic3A_881 = arith.shrsi %shift_left3A_878, %shift_right_arithmetic3A_880 : vector<16xi32>
      %convert_element_type3A_882 = arith.sitofp %shift_right_arithmetic3A_881 : vector<16xi32> to vector<16xf32>
      %mul3A_883 = vector.broadcast %select_n3A_861 : f32 to vector<16xf32>
      %mul3A_884 = arith.mulf %convert_element_type3A_882, %mul3A_883 : vector<16xf32>
      %add3A_885 = arith.addf %add3A_817, %mul3A_884 : vector<16xf32>
      %sub3A_886 = arith.constant 20 : i32
      %sub3A_887 = arith.subi %sub3A_886, %mul3A_863 : i32
      %shift_left3A_888 = vector.broadcast %sub3A_887 : i32 to vector<16xi32>
      %shift_left3A_889 = arith.shli %get3A_845, %shift_left3A_888 : vector<16xi32>
      %shift_right_arithmetic3A_890 = arith.constant 28 : i32
      %shift_right_arithmetic3A_891 = vector.broadcast %shift_right_arithmetic3A_890 : i32 to vector<16xi32>
      %shift_right_arithmetic3A_892 = arith.shrsi %shift_left3A_889, %shift_right_arithmetic3A_891 : vector<16xi32>
      %convert_element_type3A_893 = arith.sitofp %shift_right_arithmetic3A_892 : vector<16xi32> to vector<16xf32>
      %mul3A_894 = vector.broadcast %select_n3A_861 : f32 to vector<16xf32>
      %mul3A_895 = arith.mulf %convert_element_type3A_893, %mul3A_894 : vector<16xf32>
      %add3A_896 = arith.addf %add3A_828, %mul3A_895 : vector<16xf32>
      %sub3A_897 = arith.constant 4 : i32
      %sub3A_898 = arith.subi %sub3A_897, %mul3A_863 : i32
      %shift_left3A_899 = vector.broadcast %sub3A_898 : i32 to vector<16xi32>
      %shift_left3A_900 = arith.shli %get3A_845, %shift_left3A_899 : vector<16xi32>
      %shift_right_arithmetic3A_901 = arith.constant 28 : i32
      %shift_right_arithmetic3A_902 = vector.broadcast %shift_right_arithmetic3A_901 : i32 to vector<16xi32>
      %shift_right_arithmetic3A_903 = arith.shrsi %shift_left3A_900, %shift_right_arithmetic3A_902 : vector<16xi32>
      %convert_element_type3A_904 = arith.sitofp %shift_right_arithmetic3A_903 : vector<16xi32> to vector<16xf32>
      %mul3A_905 = vector.broadcast %select_n3A_861 : f32 to vector<16xf32>
      %mul3A_906 = arith.mulf %convert_element_type3A_904, %mul3A_905 : vector<16xf32>
      %add3A_907 = arith.addf %add3A_839, %mul3A_906 : vector<16xf32>
      %get3A_908 = arith.constant 12 : i32
      %get3A_909 = arith.index_cast %and3A_74 : i32 to index
      %get3A_910 = arith.index_cast %get3A_908 : i32 to index
      %get3A_911 = arith.constant 0 : index
      %get3A_912 = tpu.vector_load %arg9[%get3A_909, %get3A_910, %get3A_911] {strides = array<i32>} : memref<4x50x32xi32, #tpu.memory_space<vmem>>, vector<1x1x16xi32>,
      %get3A_913 = vector.shape_cast %get3A_912 : vector<1x1x16xi32> to vector<16xi32>
      %get3A_914 = arith.constant 12 : i32
      %get3A_915 = arith.index_cast %and3A_74 : i32 to index
      %get3A_916 = arith.index_cast %get3A_914 : i32 to index
      %get3A_917 = arith.constant 16 : index
      %get3A_918 = tpu.vector_load %arg9[%get3A_915, %get3A_916, %get3A_917] {strides = array<i32>} : memref<4x50x32xi32, #tpu.memory_space<vmem>>, vector<1x1x16xi32>,
      %get3A_919 = vector.shape_cast %get3A_918 : vector<1x1x16xi32> to vector<16xi32>
      %bitcast_convert_type3A_920 = tpu.bitcast %get3A_919 : vector<16xi32> -> vector<16xf32>
      %slice3A_921 = vector.extract_strided_slice %and3A_100 {offsets = [12], sizes = [1], strides = [1]} : vector<16xi32> to vector<1xi32>
      %squeeze3A_922 = vector.extract %slice3A_921[0] : i32 from vector<1xi32>
      %eq3A_923 = arith.constant 0 : i32
      %eq3A_924 = arith.cmpi eq, %squeeze3A_922, %eq3A_923 : i32
      %slice3A_925 = vector.extract_strided_slice %bitcast_convert_type3A_920 {offsets = [0], sizes = [1], strides = [1]} : vector<16xf32> to vector<1xf32>
      %squeeze3A_926 = vector.extract %slice3A_925[0] : f32 from vector<1xf32>
      %slice3A_927 = vector.extract_strided_slice %bitcast_convert_type3A_920 {offsets = [1], sizes = [1], strides = [1]} : vector<16xf32> to vector<1xf32>
      %squeeze3A_928 = vector.extract %slice3A_927[0] : f32 from vector<1xf32>
      %select_n3A_929 = arith.select %eq3A_924, %squeeze3A_926, %squeeze3A_928 : f32
      %mul3A_930 = arith.constant 4 : i32
      %mul3A_931 = arith.muli %mul3A_930, %squeeze3A_922 : i32
      %sub3A_932 = arith.constant 28 : i32
      %sub3A_933 = arith.subi %sub3A_932, %mul3A_931 : i32
      %shift_left3A_934 = vector.broadcast %sub3A_933 : i32 to vector<16xi32>
      %shift_left3A_935 = arith.shli %get3A_913, %shift_left3A_934 : vector<16xi32>
      %shift_right_arithmetic3A_936 = arith.constant 28 : i32
      %shift_right_arithmetic3A_937 = vector.broadcast %shift_right_arithmetic3A_936 : i32 to vector<16xi32>
      %shift_right_arithmetic3A_938 = arith.shrsi %shift_left3A_935, %shift_right_arithmetic3A_937 : vector<16xi32>
      %convert_element_type3A_939 = arith.sitofp %shift_right_arithmetic3A_938 : vector<16xi32> to vector<16xf32>
      %mul3A_940 = vector.broadcast %select_n3A_929 : f32 to vector<16xf32>
      %mul3A_941 = arith.mulf %convert_element_type3A_939, %mul3A_940 : vector<16xf32>
      %add3A_942 = arith.addf %add3A_874, %mul3A_941 : vector<16xf32>
      %sub3A_943 = arith.constant 12 : i32
      %sub3A_944 = arith.subi %sub3A_943, %mul3A_931 : i32
      %shift_left3A_945 = vector.broadcast %sub3A_944 : i32 to vector<16xi32>
      %shift_left3A_946 = arith.shli %get3A_913, %shift_left3A_945 : vector<16xi32>
      %shift_right_arithmetic3A_947 = arith.constant 28 : i32
      %shift_right_arithmetic3A_948 = vector.broadcast %shift_right_arithmetic3A_947 : i32 to vector<16xi32>
      %shift_right_arithmetic3A_949 = arith.shrsi %shift_left3A_946, %shift_right_arithmetic3A_948 : vector<16xi32>
      %convert_element_type3A_950 = arith.sitofp %shift_right_arithmetic3A_949 : vector<16xi32> to vector<16xf32>
      %mul3A_951 = vector.broadcast %select_n3A_929 : f32 to vector<16xf32>
      %mul3A_952 = arith.mulf %convert_element_type3A_950, %mul3A_951 : vector<16xf32>
      %add3A_953 = arith.addf %add3A_885, %mul3A_952 : vector<16xf32>
      %sub3A_954 = arith.constant 20 : i32
      %sub3A_955 = arith.subi %sub3A_954, %mul3A_931 : i32
      %shift_left3A_956 = vector.broadcast %sub3A_955 : i32 to vector<16xi32>
      %shift_left3A_957 = arith.shli %get3A_913, %shift_left3A_956 : vector<16xi32>
      %shift_right_arithmetic3A_958 = arith.constant 28 : i32
      %shift_right_arithmetic3A_959 = vector.broadcast %shift_right_arithmetic3A_958 : i32 to vector<16xi32>
      %shift_right_arithmetic3A_960 = arith.shrsi %shift_left3A_957, %shift_right_arithmetic3A_959 : vector<16xi32>
      %convert_element_type3A_961 = arith.sitofp %shift_right_arithmetic3A_960 : vector<16xi32> to vector<16xf32>
      %mul3A_962 = vector.broadcast %select_n3A_929 : f32 to vector<16xf32>
      %mul3A_963 = arith.mulf %convert_element_type3A_961, %mul3A_962 : vector<16xf32>
      %add3A_964 = arith.addf %add3A_896, %mul3A_963 : vector<16xf32>
      %sub3A_965 = arith.constant 4 : i32
      %sub3A_966 = arith.subi %sub3A_965, %mul3A_931 : i32
      %shift_left3A_967 = vector.broadcast %sub3A_966 : i32 to vector<16xi32>
      %shift_left3A_968 = arith.shli %get3A_913, %shift_left3A_967 : vector<16xi32>
      %shift_right_arithmetic3A_969 = arith.constant 28 : i32
      %shift_right_arithmetic3A_970 = vector.broadcast %shift_right_arithmetic3A_969 : i32 to vector<16xi32>
      %shift_right_arithmetic3A_971 = arith.shrsi %shift_left3A_968, %shift_right_arithmetic3A_970 : vector<16xi32>
      %convert_element_type3A_972 = arith.sitofp %shift_right_arithmetic3A_971 : vector<16xi32> to vector<16xf32>
      %mul3A_973 = vector.broadcast %select_n3A_929 : f32 to vector<16xf32>
      %mul3A_974 = arith.mulf %convert_element_type3A_972, %mul3A_973 : vector<16xf32>
      %add3A_975 = arith.addf %add3A_907, %mul3A_974 : vector<16xf32>
      %get3A_976 = arith.constant 13 : i32
      %get3A_977 = arith.index_cast %and3A_74 : i32 to index
      %get3A_978 = arith.index_cast %get3A_976 : i32 to index
      %get3A_979 = arith.constant 0 : index
      %get3A_980 = tpu.vector_load %arg9[%get3A_977, %get3A_978, %get3A_979] {strides = array<i32>} : memref<4x50x32xi32, #tpu.memory_space<vmem>>, vector<1x1x16xi32>,
      %get3A_981 = vector.shape_cast %get3A_980 : vector<1x1x16xi32> to vector<16xi32>
      %get3A_982 = arith.constant 13 : i32
      %get3A_983 = arith.index_cast %and3A_74 : i32 to index
      %get3A_984 = arith.index_cast %get3A_982 : i32 to index
      %get3A_985 = arith.constant 16 : index
      %get3A_986 = tpu.vector_load %arg9[%get3A_983, %get3A_984, %get3A_985] {strides = array<i32>} : memref<4x50x32xi32, #tpu.memory_space<vmem>>, vector<1x1x16xi32>,
      %get3A_987 = vector.shape_cast %get3A_986 : vector<1x1x16xi32> to vector<16xi32>
      %bitcast_convert_type3A_988 = tpu.bitcast %get3A_987 : vector<16xi32> -> vector<16xf32>
      %slice3A_989 = vector.extract_strided_slice %and3A_100 {offsets = [13], sizes = [1], strides = [1]} : vector<16xi32> to vector<1xi32>
      %squeeze3A_990 = vector.extract %slice3A_989[0] : i32 from vector<1xi32>
      %eq3A_991 = arith.constant 0 : i32
      %eq3A_992 = arith.cmpi eq, %squeeze3A_990, %eq3A_991 : i32
      %slice3A_993 = vector.extract_strided_slice %bitcast_convert_type3A_988 {offsets = [0], sizes = [1], strides = [1]} : vector<16xf32> to vector<1xf32>
      %squeeze3A_994 = vector.extract %slice3A_993[0] : f32 from vector<1xf32>
      %slice3A_995 = vector.extract_strided_slice %bitcast_convert_type3A_988 {offsets = [1], sizes = [1], strides = [1]} : vector<16xf32> to vector<1xf32>
      %squeeze3A_996 = vector.extract %slice3A_995[0] : f32 from vector<1xf32>
      %select_n3A_997 = arith.select %eq3A_992, %squeeze3A_994, %squeeze3A_996 : f32
      %mul3A_998 = arith.constant 4 : i32
      %mul3A_999 = arith.muli %mul3A_998, %squeeze3A_990 : i32
      %sub3A_1000 = arith.constant 28 : i32
      %sub3A_1001 = arith.subi %sub3A_1000, %mul3A_999 : i32
      %shift_left3A_1002 = vector.broadcast %sub3A_1001 : i32 to vector<16xi32>
      %shift_left3A_1003 = arith.shli %get3A_981, %shift_left3A_1002 : vector<16xi32>
      %shift_right_arithmetic3A_1004 = arith.constant 28 : i32
      %shift_right_arithmetic3A_1005 = vector.broadcast %shift_right_arithmetic3A_1004 : i32 to vector<16xi32>
      %shift_right_arithmetic3A_1006 = arith.shrsi %shift_left3A_1003, %shift_right_arithmetic3A_1005 : vector<16xi32>
      %convert_element_type3A_1007 = arith.sitofp %shift_right_arithmetic3A_1006 : vector<16xi32> to vector<16xf32>
      %mul3A_1008 = vector.broadcast %select_n3A_997 : f32 to vector<16xf32>
      %mul3A_1009 = arith.mulf %convert_element_type3A_1007, %mul3A_1008 : vector<16xf32>
      %add3A_1010 = arith.addf %add3A_942, %mul3A_1009 : vector<16xf32>
      %sub3A_1011 = arith.constant 12 : i32
      %sub3A_1012 = arith.subi %sub3A_1011, %mul3A_999 : i32
      %shift_left3A_1013 = vector.broadcast %sub3A_1012 : i32 to vector<16xi32>
      %shift_left3A_1014 = arith.shli %get3A_981, %shift_left3A_1013 : vector<16xi32>
      %shift_right_arithmetic3A_1015 = arith.constant 28 : i32
      %shift_right_arithmetic3A_1016 = vector.broadcast %shift_right_arithmetic3A_1015 : i32 to vector<16xi32>
      %shift_right_arithmetic3A_1017 = arith.shrsi %shift_left3A_1014, %shift_right_arithmetic3A_1016 : vector<16xi32>
      %convert_element_type3A_1018 = arith.sitofp %shift_right_arithmetic3A_1017 : vector<16xi32> to vector<16xf32>
      %mul3A_1019 = vector.broadcast %select_n3A_997 : f32 to vector<16xf32>
      %mul3A_1020 = arith.mulf %convert_element_type3A_1018, %mul3A_1019 : vector<16xf32>
      %add3A_1021 = arith.addf %add3A_953, %mul3A_1020 : vector<16xf32>
      %sub3A_1022 = arith.constant 20 : i32
      %sub3A_1023 = arith.subi %sub3A_1022, %mul3A_999 : i32
      %shift_left3A_1024 = vector.broadcast %sub3A_1023 : i32 to vector<16xi32>
      %shift_left3A_1025 = arith.shli %get3A_981, %shift_left3A_1024 : vector<16xi32>
      %shift_right_arithmetic3A_1026 = arith.constant 28 : i32
      %shift_right_arithmetic3A_1027 = vector.broadcast %shift_right_arithmetic3A_1026 : i32 to vector<16xi32>
      %shift_right_arithmetic3A_1028 = arith.shrsi %shift_left3A_1025, %shift_right_arithmetic3A_1027 : vector<16xi32>
      %convert_element_type3A_1029 = arith.sitofp %shift_right_arithmetic3A_1028 : vector<16xi32> to vector<16xf32>
      %mul3A_1030 = vector.broadcast %select_n3A_997 : f32 to vector<16xf32>
      %mul3A_1031 = arith.mulf %convert_element_type3A_1029, %mul3A_1030 : vector<16xf32>
      %add3A_1032 = arith.addf %add3A_964, %mul3A_1031 : vector<16xf32>
      %sub3A_1033 = arith.constant 4 : i32
      %sub3A_1034 = arith.subi %sub3A_1033, %mul3A_999 : i32
      %shift_left3A_1035 = vector.broadcast %sub3A_1034 : i32 to vector<16xi32>
      %shift_left3A_1036 = arith.shli %get3A_981, %shift_left3A_1035 : vector<16xi32>
      %shift_right_arithmetic3A_1037 = arith.constant 28 : i32
      %shift_right_arithmetic3A_1038 = vector.broadcast %shift_right_arithmetic3A_1037 : i32 to vector<16xi32>
      %shift_right_arithmetic3A_1039 = arith.shrsi %shift_left3A_1036, %shift_right_arithmetic3A_1038 : vector<16xi32>
      %convert_element_type3A_1040 = arith.sitofp %shift_right_arithmetic3A_1039 : vector<16xi32> to vector<16xf32>
      %mul3A_1041 = vector.broadcast %select_n3A_997 : f32 to vector<16xf32>
      %mul3A_1042 = arith.mulf %convert_element_type3A_1040, %mul3A_1041 : vector<16xf32>
      %add3A_1043 = arith.addf %add3A_975, %mul3A_1042 : vector<16xf32>
      %get3A_1044 = arith.constant 14 : i32
      %get3A_1045 = arith.index_cast %and3A_74 : i32 to index
      %get3A_1046 = arith.index_cast %get3A_1044 : i32 to index
      %get3A_1047 = arith.constant 0 : index
      %get3A_1048 = tpu.vector_load %arg9[%get3A_1045, %get3A_1046, %get3A_1047] {strides = array<i32>} : memref<4x50x32xi32, #tpu.memory_space<vmem>>, vector<1x1x16xi32>,
      %get3A_1049 = vector.shape_cast %get3A_1048 : vector<1x1x16xi32> to vector<16xi32>
      %get3A_1050 = arith.constant 14 : i32
      %get3A_1051 = arith.index_cast %and3A_74 : i32 to index
      %get3A_1052 = arith.index_cast %get3A_1050 : i32 to index
      %get3A_1053 = arith.constant 16 : index
      %get3A_1054 = tpu.vector_load %arg9[%get3A_1051, %get3A_1052, %get3A_1053] {strides = array<i32>} : memref<4x50x32xi32, #tpu.memory_space<vmem>>, vector<1x1x16xi32>,
      %get3A_1055 = vector.shape_cast %get3A_1054 : vector<1x1x16xi32> to vector<16xi32>
      %bitcast_convert_type3A_1056 = tpu.bitcast %get3A_1055 : vector<16xi32> -> vector<16xf32>
      %slice3A_1057 = vector.extract_strided_slice %and3A_100 {offsets = [14], sizes = [1], strides = [1]} : vector<16xi32> to vector<1xi32>
      %squeeze3A_1058 = vector.extract %slice3A_1057[0] : i32 from vector<1xi32>
      %eq3A_1059 = arith.constant 0 : i32
      %eq3A_1060 = arith.cmpi eq, %squeeze3A_1058, %eq3A_1059 : i32
      %slice3A_1061 = vector.extract_strided_slice %bitcast_convert_type3A_1056 {offsets = [0], sizes = [1], strides = [1]} : vector<16xf32> to vector<1xf32>
      %squeeze3A_1062 = vector.extract %slice3A_1061[0] : f32 from vector<1xf32>
      %slice3A_1063 = vector.extract_strided_slice %bitcast_convert_type3A_1056 {offsets = [1], sizes = [1], strides = [1]} : vector<16xf32> to vector<1xf32>
      %squeeze3A_1064 = vector.extract %slice3A_1063[0] : f32 from vector<1xf32>
      %select_n3A_1065 = arith.select %eq3A_1060, %squeeze3A_1062, %squeeze3A_1064 : f32
      %mul3A_1066 = arith.constant 4 : i32
      %mul3A_1067 = arith.muli %mul3A_1066, %squeeze3A_1058 : i32
      %sub3A_1068 = arith.constant 28 : i32
      %sub3A_1069 = arith.subi %sub3A_1068, %mul3A_1067 : i32
      %shift_left3A_1070 = vector.broadcast %sub3A_1069 : i32 to vector<16xi32>
      %shift_left3A_1071 = arith.shli %get3A_1049, %shift_left3A_1070 : vector<16xi32>
      %shift_right_arithmetic3A_1072 = arith.constant 28 : i32
      %shift_right_arithmetic3A_1073 = vector.broadcast %shift_right_arithmetic3A_1072 : i32 to vector<16xi32>
      %shift_right_arithmetic3A_1074 = arith.shrsi %shift_left3A_1071, %shift_right_arithmetic3A_1073 : vector<16xi32>
      %convert_element_type3A_1075 = arith.sitofp %shift_right_arithmetic3A_1074 : vector<16xi32> to vector<16xf32>
      %mul3A_1076 = vector.broadcast %select_n3A_1065 : f32 to vector<16xf32>
      %mul3A_1077 = arith.mulf %convert_element_type3A_1075, %mul3A_1076 : vector<16xf32>
      %add3A_1078 = arith.addf %add3A_1010, %mul3A_1077 : vector<16xf32>
      %sub3A_1079 = arith.constant 12 : i32
      %sub3A_1080 = arith.subi %sub3A_1079, %mul3A_1067 : i32
      %shift_left3A_1081 = vector.broadcast %sub3A_1080 : i32 to vector<16xi32>
      %shift_left3A_1082 = arith.shli %get3A_1049, %shift_left3A_1081 : vector<16xi32>
      %shift_right_arithmetic3A_1083 = arith.constant 28 : i32
      %shift_right_arithmetic3A_1084 = vector.broadcast %shift_right_arithmetic3A_1083 : i32 to vector<16xi32>
      %shift_right_arithmetic3A_1085 = arith.shrsi %shift_left3A_1082, %shift_right_arithmetic3A_1084 : vector<16xi32>
      %convert_element_type3A_1086 = arith.sitofp %shift_right_arithmetic3A_1085 : vector<16xi32> to vector<16xf32>
      %mul3A_1087 = vector.broadcast %select_n3A_1065 : f32 to vector<16xf32>
      %mul3A_1088 = arith.mulf %convert_element_type3A_1086, %mul3A_1087 : vector<16xf32>
      %add3A_1089 = arith.addf %add3A_1021, %mul3A_1088 : vector<16xf32>
      %sub3A_1090 = arith.constant 20 : i32
      %sub3A_1091 = arith.subi %sub3A_1090, %mul3A_1067 : i32
      %shift_left3A_1092 = vector.broadcast %sub3A_1091 : i32 to vector<16xi32>
      %shift_left3A_1093 = arith.shli %get3A_1049, %shift_left3A_1092 : vector<16xi32>
      %shift_right_arithmetic3A_1094 = arith.constant 28 : i32
      %shift_right_arithmetic3A_1095 = vector.broadcast %shift_right_arithmetic3A_1094 : i32 to vector<16xi32>
      %shift_right_arithmetic3A_1096 = arith.shrsi %shift_left3A_1093, %shift_right_arithmetic3A_1095 : vector<16xi32>
      %convert_element_type3A_1097 = arith.sitofp %shift_right_arithmetic3A_1096 : vector<16xi32> to vector<16xf32>
      %mul3A_1098 = vector.broadcast %select_n3A_1065 : f32 to vector<16xf32>
      %mul3A_1099 = arith.mulf %convert_element_type3A_1097, %mul3A_1098 : vector<16xf32>
      %add3A_1100 = arith.addf %add3A_1032, %mul3A_1099 : vector<16xf32>
      %sub3A_1101 = arith.constant 4 : i32
      %sub3A_1102 = arith.subi %sub3A_1101, %mul3A_1067 : i32
      %shift_left3A_1103 = vector.broadcast %sub3A_1102 : i32 to vector<16xi32>
      %shift_left3A_1104 = arith.shli %get3A_1049, %shift_left3A_1103 : vector<16xi32>
      %shift_right_arithmetic3A_1105 = arith.constant 28 : i32
      %shift_right_arithmetic3A_1106 = vector.broadcast %shift_right_arithmetic3A_1105 : i32 to vector<16xi32>
      %shift_right_arithmetic3A_1107 = arith.shrsi %shift_left3A_1104, %shift_right_arithmetic3A_1106 : vector<16xi32>
      %convert_element_type3A_1108 = arith.sitofp %shift_right_arithmetic3A_1107 : vector<16xi32> to vector<16xf32>
      %mul3A_1109 = vector.broadcast %select_n3A_1065 : f32 to vector<16xf32>
      %mul3A_1110 = arith.mulf %convert_element_type3A_1108, %mul3A_1109 : vector<16xf32>
      %add3A_1111 = arith.addf %add3A_1043, %mul3A_1110 : vector<16xf32>
      %get3A_1112 = arith.constant 15 : i32
      %get3A_1113 = arith.index_cast %and3A_74 : i32 to index
      %get3A_1114 = arith.index_cast %get3A_1112 : i32 to index
      %get3A_1115 = arith.constant 0 : index
      %get3A_1116 = tpu.vector_load %arg9[%get3A_1113, %get3A_1114, %get3A_1115] {strides = array<i32>} : memref<4x50x32xi32, #tpu.memory_space<vmem>>, vector<1x1x16xi32>,
      %get3A_1117 = vector.shape_cast %get3A_1116 : vector<1x1x16xi32> to vector<16xi32>
      %get3A_1118 = arith.constant 15 : i32
      %get3A_1119 = arith.index_cast %and3A_74 : i32 to index
      %get3A_1120 = arith.index_cast %get3A_1118 : i32 to index
      %get3A_1121 = arith.constant 16 : index
      %get3A_1122 = tpu.vector_load %arg9[%get3A_1119, %get3A_1120, %get3A_1121] {strides = array<i32>} : memref<4x50x32xi32, #tpu.memory_space<vmem>>, vector<1x1x16xi32>,
      %get3A_1123 = vector.shape_cast %get3A_1122 : vector<1x1x16xi32> to vector<16xi32>
      %bitcast_convert_type3A_1124 = tpu.bitcast %get3A_1123 : vector<16xi32> -> vector<16xf32>
      %slice3A_1125 = vector.extract_strided_slice %and3A_100 {offsets = [15], sizes = [1], strides = [1]} : vector<16xi32> to vector<1xi32>
      %squeeze3A_1126 = vector.extract %slice3A_1125[0] : i32 from vector<1xi32>
      %eq3A_1127 = arith.constant 0 : i32
      %eq3A_1128 = arith.cmpi eq, %squeeze3A_1126, %eq3A_1127 : i32
      %slice3A_1129 = vector.extract_strided_slice %bitcast_convert_type3A_1124 {offsets = [0], sizes = [1], strides = [1]} : vector<16xf32> to vector<1xf32>
      %squeeze3A_1130 = vector.extract %slice3A_1129[0] : f32 from vector<1xf32>
      %slice3A_1131 = vector.extract_strided_slice %bitcast_convert_type3A_1124 {offsets = [1], sizes = [1], strides = [1]} : vector<16xf32> to vector<1xf32>
      %squeeze3A_1132 = vector.extract %slice3A_1131[0] : f32 from vector<1xf32>
      %select_n3A_1133 = arith.select %eq3A_1128, %squeeze3A_1130, %squeeze3A_1132 : f32
      %mul3A_1134 = arith.constant 4 : i32
      %mul3A_1135 = arith.muli %mul3A_1134, %squeeze3A_1126 : i32
      %sub3A_1136 = arith.constant 28 : i32
      %sub3A_1137 = arith.subi %sub3A_1136, %mul3A_1135 : i32
      %shift_left3A_1138 = vector.broadcast %sub3A_1137 : i32 to vector<16xi32>
      %shift_left3A_1139 = arith.shli %get3A_1117, %shift_left3A_1138 : vector<16xi32>
      %shift_right_arithmetic3A_1140 = arith.constant 28 : i32
      %shift_right_arithmetic3A_1141 = vector.broadcast %shift_right_arithmetic3A_1140 : i32 to vector<16xi32>
      %shift_right_arithmetic3A_1142 = arith.shrsi %shift_left3A_1139, %shift_right_arithmetic3A_1141 : vector<16xi32>
      %convert_element_type3A_1143 = arith.sitofp %shift_right_arithmetic3A_1142 : vector<16xi32> to vector<16xf32>
      %mul3A_1144 = vector.broadcast %select_n3A_1133 : f32 to vector<16xf32>
      %mul3A_1145 = arith.mulf %convert_element_type3A_1143, %mul3A_1144 : vector<16xf32>
      %add3A_1146 = arith.addf %add3A_1078, %mul3A_1145 : vector<16xf32>
      %sub3A_1147 = arith.constant 12 : i32
      %sub3A_1148 = arith.subi %sub3A_1147, %mul3A_1135 : i32
      %shift_left3A_1149 = vector.broadcast %sub3A_1148 : i32 to vector<16xi32>
      %shift_left3A_1150 = arith.shli %get3A_1117, %shift_left3A_1149 : vector<16xi32>
      %shift_right_arithmetic3A_1151 = arith.constant 28 : i32
      %shift_right_arithmetic3A_1152 = vector.broadcast %shift_right_arithmetic3A_1151 : i32 to vector<16xi32>
      %shift_right_arithmetic3A_1153 = arith.shrsi %shift_left3A_1150, %shift_right_arithmetic3A_1152 : vector<16xi32>
      %convert_element_type3A_1154 = arith.sitofp %shift_right_arithmetic3A_1153 : vector<16xi32> to vector<16xf32>
      %mul3A_1155 = vector.broadcast %select_n3A_1133 : f32 to vector<16xf32>
      %mul3A_1156 = arith.mulf %convert_element_type3A_1154, %mul3A_1155 : vector<16xf32>
      %add3A_1157 = arith.addf %add3A_1089, %mul3A_1156 : vector<16xf32>
      %sub3A_1158 = arith.constant 20 : i32
      %sub3A_1159 = arith.subi %sub3A_1158, %mul3A_1135 : i32
      %shift_left3A_1160 = vector.broadcast %sub3A_1159 : i32 to vector<16xi32>
      %shift_left3A_1161 = arith.shli %get3A_1117, %shift_left3A_1160 : vector<16xi32>
      %shift_right_arithmetic3A_1162 = arith.constant 28 : i32
      %shift_right_arithmetic3A_1163 = vector.broadcast %shift_right_arithmetic3A_1162 : i32 to vector<16xi32>
      %shift_right_arithmetic3A_1164 = arith.shrsi %shift_left3A_1161, %shift_right_arithmetic3A_1163 : vector<16xi32>
      %convert_element_type3A_1165 = arith.sitofp %shift_right_arithmetic3A_1164 : vector<16xi32> to vector<16xf32>
      %mul3A_1166 = vector.broadcast %select_n3A_1133 : f32 to vector<16xf32>
      %mul3A_1167 = arith.mulf %convert_element_type3A_1165, %mul3A_1166 : vector<16xf32>
      %add3A_1168 = arith.addf %add3A_1100, %mul3A_1167 : vector<16xf32>
      %sub3A_1169 = arith.constant 4 : i32
      %sub3A_1170 = arith.subi %sub3A_1169, %mul3A_1135 : i32
      %shift_left3A_1171 = vector.broadcast %sub3A_1170 : i32 to vector<16xi32>
      %shift_left3A_1172 = arith.shli %get3A_1117, %shift_left3A_1171 : vector<16xi32>
      %shift_right_arithmetic3A_1173 = arith.constant 28 : i32
      %shift_right_arithmetic3A_1174 = vector.broadcast %shift_right_arithmetic3A_1173 : i32 to vector<16xi32>
      %shift_right_arithmetic3A_1175 = arith.shrsi %shift_left3A_1172, %shift_right_arithmetic3A_1174 : vector<16xi32>
      %convert_element_type3A_1176 = arith.sitofp %shift_right_arithmetic3A_1175 : vector<16xi32> to vector<16xf32>
      %mul3A_1177 = vector.broadcast %select_n3A_1133 : f32 to vector<16xf32>
      %mul3A_1178 = arith.mulf %convert_element_type3A_1176, %mul3A_1177 : vector<16xf32>
      %add3A_1179 = arith.addf %add3A_1111, %mul3A_1178 : vector<16xf32>
      %get3A_1180 = arith.index_cast %scan3A_73 : i32 to index
      %get3A_1181 = arith.constant 16 : index
      %get3A_1182 = tpu.vector_load %arg6[%get3A_1180, %get3A_1181] {strides = array<i32>} : memref<128x50xi32, #tpu.memory_space<vmem>>, vector<1x16xi32>,
      %get3A_1183 = vector.shape_cast %get3A_1182 : vector<1x16xi32> to vector<16xi32>
      %shift_right_logical3A_1184 = arith.constant 14 : i32
      %shift_right_logical3A_1185 = vector.broadcast %shift_right_logical3A_1184 : i32 to vector<16xi32>
      %shift_right_logical3A_1186 = arith.shrui %get3A_1183, %shift_right_logical3A_1185 : vector<16xi32>
      %and3A_1187 = arith.constant 1 : i32
      %and3A_1188 = vector.broadcast %and3A_1187 : i32 to vector<16xi32>
      %and3A_1189 = arith.andi %shift_right_logical3A_1186, %and3A_1188 : vector<16xi32>
      %get3A_1190 = arith.constant 16 : i32
      %get3A_1191 = arith.index_cast %and3A_74 : i32 to index
      %get3A_1192 = arith.index_cast %get3A_1190 : i32 to index
      %get3A_1193 = arith.constant 0 : index
      %get3A_1194 = tpu.vector_load %arg9[%get3A_1191, %get3A_1192, %get3A_1193] {strides = array<i32>} : memref<4x50x32xi32, #tpu.memory_space<vmem>>, vector<1x1x16xi32>,
      %get3A_1195 = vector.shape_cast %get3A_1194 : vector<1x1x16xi32> to vector<16xi32>
      %get3A_1196 = arith.constant 16 : i32
      %get3A_1197 = arith.index_cast %and3A_74 : i32 to index
      %get3A_1198 = arith.index_cast %get3A_1196 : i32 to index
      %get3A_1199 = arith.constant 16 : index
      %get3A_1200 = tpu.vector_load %arg9[%get3A_1197, %get3A_1198, %get3A_1199] {strides = array<i32>} : memref<4x50x32xi32, #tpu.memory_space<vmem>>, vector<1x1x16xi32>,
      %get3A_1201 = vector.shape_cast %get3A_1200 : vector<1x1x16xi32> to vector<16xi32>
      %bitcast_convert_type3A_1202 = tpu.bitcast %get3A_1201 : vector<16xi32> -> vector<16xf32>
      %slice3A_1203 = vector.extract_strided_slice %and3A_1189 {offsets = [0], sizes = [1], strides = [1]} : vector<16xi32> to vector<1xi32>
      %squeeze3A_1204 = vector.extract %slice3A_1203[0] : i32 from vector<1xi32>
      %eq3A_1205 = arith.constant 0 : i32
      %eq3A_1206 = arith.cmpi eq, %squeeze3A_1204, %eq3A_1205 : i32
      %slice3A_1207 = vector.extract_strided_slice %bitcast_convert_type3A_1202 {offsets = [0], sizes = [1], strides = [1]} : vector<16xf32> to vector<1xf32>
      %squeeze3A_1208 = vector.extract %slice3A_1207[0] : f32 from vector<1xf32>
      %slice3A_1209 = vector.extract_strided_slice %bitcast_convert_type3A_1202 {offsets = [1], sizes = [1], strides = [1]} : vector<16xf32> to vector<1xf32>
      %squeeze3A_1210 = vector.extract %slice3A_1209[0] : f32 from vector<1xf32>
      %select_n3A_1211 = arith.select %eq3A_1206, %squeeze3A_1208, %squeeze3A_1210 : f32
      %mul3A_1212 = arith.constant 4 : i32
      %mul3A_1213 = arith.muli %mul3A_1212, %squeeze3A_1204 : i32
      %sub3A_1214 = arith.constant 28 : i32
      %sub3A_1215 = arith.subi %sub3A_1214, %mul3A_1213 : i32
      %shift_left3A_1216 = vector.broadcast %sub3A_1215 : i32 to vector<16xi32>
      %shift_left3A_1217 = arith.shli %get3A_1195, %shift_left3A_1216 : vector<16xi32>
      %shift_right_arithmetic3A_1218 = arith.constant 28 : i32
      %shift_right_arithmetic3A_1219 = vector.broadcast %shift_right_arithmetic3A_1218 : i32 to vector<16xi32>
      %shift_right_arithmetic3A_1220 = arith.shrsi %shift_left3A_1217, %shift_right_arithmetic3A_1219 : vector<16xi32>
      %convert_element_type3A_1221 = arith.sitofp %shift_right_arithmetic3A_1220 : vector<16xi32> to vector<16xf32>
      %mul3A_1222 = vector.broadcast %select_n3A_1211 : f32 to vector<16xf32>
      %mul3A_1223 = arith.mulf %convert_element_type3A_1221, %mul3A_1222 : vector<16xf32>
      %add3A_1224 = arith.addf %add3A_1146, %mul3A_1223 : vector<16xf32>
      %sub3A_1225 = arith.constant 12 : i32
      %sub3A_1226 = arith.subi %sub3A_1225, %mul3A_1213 : i32
      %shift_left3A_1227 = vector.broadcast %sub3A_1226 : i32 to vector<16xi32>
      %shift_left3A_1228 = arith.shli %get3A_1195, %shift_left3A_1227 : vector<16xi32>
      %shift_right_arithmetic3A_1229 = arith.constant 28 : i32
      %shift_right_arithmetic3A_1230 = vector.broadcast %shift_right_arithmetic3A_1229 : i32 to vector<16xi32>
      %shift_right_arithmetic3A_1231 = arith.shrsi %shift_left3A_1228, %shift_right_arithmetic3A_1230 : vector<16xi32>
      %convert_element_type3A_1232 = arith.sitofp %shift_right_arithmetic3A_1231 : vector<16xi32> to vector<16xf32>
      %mul3A_1233 = vector.broadcast %select_n3A_1211 : f32 to vector<16xf32>
      %mul3A_1234 = arith.mulf %convert_element_type3A_1232, %mul3A_1233 : vector<16xf32>
      %add3A_1235 = arith.addf %add3A_1157, %mul3A_1234 : vector<16xf32>
      %sub3A_1236 = arith.constant 20 : i32
      %sub3A_1237 = arith.subi %sub3A_1236, %mul3A_1213 : i32
      %shift_left3A_1238 = vector.broadcast %sub3A_1237 : i32 to vector<16xi32>
      %shift_left3A_1239 = arith.shli %get3A_1195, %shift_left3A_1238 : vector<16xi32>
      %shift_right_arithmetic3A_1240 = arith.constant 28 : i32
      %shift_right_arithmetic3A_1241 = vector.broadcast %shift_right_arithmetic3A_1240 : i32 to vector<16xi32>
      %shift_right_arithmetic3A_1242 = arith.shrsi %shift_left3A_1239, %shift_right_arithmetic3A_1241 : vector<16xi32>
      %convert_element_type3A_1243 = arith.sitofp %shift_right_arithmetic3A_1242 : vector<16xi32> to vector<16xf32>
      %mul3A_1244 = vector.broadcast %select_n3A_1211 : f32 to vector<16xf32>
      %mul3A_1245 = arith.mulf %convert_element_type3A_1243, %mul3A_1244 : vector<16xf32>
      %add3A_1246 = arith.addf %add3A_1168, %mul3A_1245 : vector<16xf32>
      %sub3A_1247 = arith.constant 4 : i32
      %sub3A_1248 = arith.subi %sub3A_1247, %mul3A_1213 : i32
      %shift_left3A_1249 = vector.broadcast %sub3A_1248 : i32 to vector<16xi32>
      %shift_left3A_1250 = arith.shli %get3A_1195, %shift_left3A_1249 : vector<16xi32>
      %shift_right_arithmetic3A_1251 = arith.constant 28 : i32
      %shift_right_arithmetic3A_1252 = vector.broadcast %shift_right_arithmetic3A_1251 : i32 to vector<16xi32>
      %shift_right_arithmetic3A_1253 = arith.shrsi %shift_left3A_1250, %shift_right_arithmetic3A_1252 : vector<16xi32>
      %convert_element_type3A_1254 = arith.sitofp %shift_right_arithmetic3A_1253 : vector<16xi32> to vector<16xf32>
      %mul3A_1255 = vector.broadcast %select_n3A_1211 : f32 to vector<16xf32>
      %mul3A_1256 = arith.mulf %convert_element_type3A_1254, %mul3A_1255 : vector<16xf32>
      %add3A_1257 = arith.addf %add3A_1179, %mul3A_1256 : vector<16xf32>
      %get3A_1258 = arith.constant 17 : i32
      %get3A_1259 = arith.index_cast %and3A_74 : i32 to index
      %get3A_1260 = arith.index_cast %get3A_1258 : i32 to index
      %get3A_1261 = arith.constant 0 : index
      %get3A_1262 = tpu.vector_load %arg9[%get3A_1259, %get3A_1260, %get3A_1261] {strides = array<i32>} : memref<4x50x32xi32, #tpu.memory_space<vmem>>, vector<1x1x16xi32>,
      %get3A_1263 = vector.shape_cast %get3A_1262 : vector<1x1x16xi32> to vector<16xi32>
      %get3A_1264 = arith.constant 17 : i32
      %get3A_1265 = arith.index_cast %and3A_74 : i32 to index
      %get3A_1266 = arith.index_cast %get3A_1264 : i32 to index
      %get3A_1267 = arith.constant 16 : index
      %get3A_1268 = tpu.vector_load %arg9[%get3A_1265, %get3A_1266, %get3A_1267] {strides = array<i32>} : memref<4x50x32xi32, #tpu.memory_space<vmem>>, vector<1x1x16xi32>,
      %get3A_1269 = vector.shape_cast %get3A_1268 : vector<1x1x16xi32> to vector<16xi32>
      %bitcast_convert_type3A_1270 = tpu.bitcast %get3A_1269 : vector<16xi32> -> vector<16xf32>
      %slice3A_1271 = vector.extract_strided_slice %and3A_1189 {offsets = [1], sizes = [1], strides = [1]} : vector<16xi32> to vector<1xi32>
      %squeeze3A_1272 = vector.extract %slice3A_1271[0] : i32 from vector<1xi32>
      %eq3A_1273 = arith.constant 0 : i32
      %eq3A_1274 = arith.cmpi eq, %squeeze3A_1272, %eq3A_1273 : i32
      %slice3A_1275 = vector.extract_strided_slice %bitcast_convert_type3A_1270 {offsets = [0], sizes = [1], strides = [1]} : vector<16xf32> to vector<1xf32>
      %squeeze3A_1276 = vector.extract %slice3A_1275[0] : f32 from vector<1xf32>
      %slice3A_1277 = vector.extract_strided_slice %bitcast_convert_type3A_1270 {offsets = [1], sizes = [1], strides = [1]} : vector<16xf32> to vector<1xf32>
      %squeeze3A_1278 = vector.extract %slice3A_1277[0] : f32 from vector<1xf32>
      %select_n3A_1279 = arith.select %eq3A_1274, %squeeze3A_1276, %squeeze3A_1278 : f32
      %mul3A_1280 = arith.constant 4 : i32
      %mul3A_1281 = arith.muli %mul3A_1280, %squeeze3A_1272 : i32
      %sub3A_1282 = arith.constant 28 : i32
      %sub3A_1283 = arith.subi %sub3A_1282, %mul3A_1281 : i32
      %shift_left3A_1284 = vector.broadcast %sub3A_1283 : i32 to vector<16xi32>
      %shift_left3A_1285 = arith.shli %get3A_1263, %shift_left3A_1284 : vector<16xi32>
      %shift_right_arithmetic3A_1286 = arith.constant 28 : i32
      %shift_right_arithmetic3A_1287 = vector.broadcast %shift_right_arithmetic3A_1286 : i32 to vector<16xi32>
      %shift_right_arithmetic3A_1288 = arith.shrsi %shift_left3A_1285, %shift_right_arithmetic3A_1287 : vector<16xi32>
      %convert_element_type3A_1289 = arith.sitofp %shift_right_arithmetic3A_1288 : vector<16xi32> to vector<16xf32>
      %mul3A_1290 = vector.broadcast %select_n3A_1279 : f32 to vector<16xf32>
      %mul3A_1291 = arith.mulf %convert_element_type3A_1289, %mul3A_1290 : vector<16xf32>
      %add3A_1292 = arith.addf %add3A_1224, %mul3A_1291 : vector<16xf32>
      %sub3A_1293 = arith.constant 12 : i32
      %sub3A_1294 = arith.subi %sub3A_1293, %mul3A_1281 : i32
      %shift_left3A_1295 = vector.broadcast %sub3A_1294 : i32 to vector<16xi32>
      %shift_left3A_1296 = arith.shli %get3A_1263, %shift_left3A_1295 : vector<16xi32>
      %shift_right_arithmetic3A_1297 = arith.constant 28 : i32
      %shift_right_arithmetic3A_1298 = vector.broadcast %shift_right_arithmetic3A_1297 : i32 to vector<16xi32>
      %shift_right_arithmetic3A_1299 = arith.shrsi %shift_left3A_1296, %shift_right_arithmetic3A_1298 : vector<16xi32>
      %convert_element_type3A_1300 = arith.sitofp %shift_right_arithmetic3A_1299 : vector<16xi32> to vector<16xf32>
      %mul3A_1301 = vector.broadcast %select_n3A_1279 : f32 to vector<16xf32>
      %mul3A_1302 = arith.mulf %convert_element_type3A_1300, %mul3A_1301 : vector<16xf32>
      %add3A_1303 = arith.addf %add3A_1235, %mul3A_1302 : vector<16xf32>
      %sub3A_1304 = arith.constant 20 : i32
      %sub3A_1305 = arith.subi %sub3A_1304, %mul3A_1281 : i32
      %shift_left3A_1306 = vector.broadcast %sub3A_1305 : i32 to vector<16xi32>
      %shift_left3A_1307 = arith.shli %get3A_1263, %shift_left3A_1306 : vector<16xi32>
      %shift_right_arithmetic3A_1308 = arith.constant 28 : i32
      %shift_right_arithmetic3A_1309 = vector.broadcast %shift_right_arithmetic3A_1308 : i32 to vector<16xi32>
      %shift_right_arithmetic3A_1310 = arith.shrsi %shift_left3A_1307, %shift_right_arithmetic3A_1309 : vector<16xi32>
      %convert_element_type3A_1311 = arith.sitofp %shift_right_arithmetic3A_1310 : vector<16xi32> to vector<16xf32>
      %mul3A_1312 = vector.broadcast %select_n3A_1279 : f32 to vector<16xf32>
      %mul3A_1313 = arith.mulf %convert_element_type3A_1311, %mul3A_1312 : vector<16xf32>
      %add3A_1314 = arith.addf %add3A_1246, %mul3A_1313 : vector<16xf32>
      %sub3A_1315 = arith.constant 4 : i32
      %sub3A_1316 = arith.subi %sub3A_1315, %mul3A_1281 : i32
      %shift_left3A_1317 = vector.broadcast %sub3A_1316 : i32 to vector<16xi32>
      %shift_left3A_1318 = arith.shli %get3A_1263, %shift_left3A_1317 : vector<16xi32>
      %shift_right_arithmetic3A_1319 = arith.constant 28 : i32
      %shift_right_arithmetic3A_1320 = vector.broadcast %shift_right_arithmetic3A_1319 : i32 to vector<16xi32>
      %shift_right_arithmetic3A_1321 = arith.shrsi %shift_left3A_1318, %shift_right_arithmetic3A_1320 : vector<16xi32>
      %convert_element_type3A_1322 = arith.sitofp %shift_right_arithmetic3A_1321 : vector<16xi32> to vector<16xf32>
      %mul3A_1323 = vector.broadcast %select_n3A_1279 : f32 to vector<16xf32>
      %mul3A_1324 = arith.mulf %convert_element_type3A_1322, %mul3A_1323 : vector<16xf32>
      %add3A_1325 = arith.addf %add3A_1257, %mul3A_1324 : vector<16xf32>
      %get3A_1326 = arith.constant 18 : i32
      %get3A_1327 = arith.index_cast %and3A_74 : i32 to index
      %get3A_1328 = arith.index_cast %get3A_1326 : i32 to index
      %get3A_1329 = arith.constant 0 : index
      %get3A_1330 = tpu.vector_load %arg9[%get3A_1327, %get3A_1328, %get3A_1329] {strides = array<i32>} : memref<4x50x32xi32, #tpu.memory_space<vmem>>, vector<1x1x16xi32>,
      %get3A_1331 = vector.shape_cast %get3A_1330 : vector<1x1x16xi32> to vector<16xi32>
      %get3A_1332 = arith.constant 18 : i32
      %get3A_1333 = arith.index_cast %and3A_74 : i32 to index
      %get3A_1334 = arith.index_cast %get3A_1332 : i32 to index
      %get3A_1335 = arith.constant 16 : index
      %get3A_1336 = tpu.vector_load %arg9[%get3A_1333, %get3A_1334, %get3A_1335] {strides = array<i32>} : memref<4x50x32xi32, #tpu.memory_space<vmem>>, vector<1x1x16xi32>,
      %get3A_1337 = vector.shape_cast %get3A_1336 : vector<1x1x16xi32> to vector<16xi32>
      %bitcast_convert_type3A_1338 = tpu.bitcast %get3A_1337 : vector<16xi32> -> vector<16xf32>
      %slice3A_1339 = vector.extract_strided_slice %and3A_1189 {offsets = [2], sizes = [1], strides = [1]} : vector<16xi32> to vector<1xi32>
      %squeeze3A_1340 = vector.extract %slice3A_1339[0] : i32 from vector<1xi32>
      %eq3A_1341 = arith.constant 0 : i32
      %eq3A_1342 = arith.cmpi eq, %squeeze3A_1340, %eq3A_1341 : i32
      %slice3A_1343 = vector.extract_strided_slice %bitcast_convert_type3A_1338 {offsets = [0], sizes = [1], strides = [1]} : vector<16xf32> to vector<1xf32>
      %squeeze3A_1344 = vector.extract %slice3A_1343[0] : f32 from vector<1xf32>
      %slice3A_1345 = vector.extract_strided_slice %bitcast_convert_type3A_1338 {offsets = [1], sizes = [1], strides = [1]} : vector<16xf32> to vector<1xf32>
      %squeeze3A_1346 = vector.extract %slice3A_1345[0] : f32 from vector<1xf32>
      %select_n3A_1347 = arith.select %eq3A_1342, %squeeze3A_1344, %squeeze3A_1346 : f32
      %mul3A_1348 = arith.constant 4 : i32
      %mul3A_1349 = arith.muli %mul3A_1348, %squeeze3A_1340 : i32
      %sub3A_1350 = arith.constant 28 : i32
      %sub3A_1351 = arith.subi %sub3A_1350, %mul3A_1349 : i32
      %shift_left3A_1352 = vector.broadcast %sub3A_1351 : i32 to vector<16xi32>
      %shift_left3A_1353 = arith.shli %get3A_1331, %shift_left3A_1352 : vector<16xi32>
      %shift_right_arithmetic3A_1354 = arith.constant 28 : i32
      %shift_right_arithmetic3A_1355 = vector.broadcast %shift_right_arithmetic3A_1354 : i32 to vector<16xi32>
      %shift_right_arithmetic3A_1356 = arith.shrsi %shift_left3A_1353, %shift_right_arithmetic3A_1355 : vector<16xi32>
      %convert_element_type3A_1357 = arith.sitofp %shift_right_arithmetic3A_1356 : vector<16xi32> to vector<16xf32>
      %mul3A_1358 = vector.broadcast %select_n3A_1347 : f32 to vector<16xf32>
      %mul3A_1359 = arith.mulf %convert_element_type3A_1357, %mul3A_1358 : vector<16xf32>
      %add3A_1360 = arith.addf %add3A_1292, %mul3A_1359 : vector<16xf32>
      %sub3A_1361 = arith.constant 12 : i32
      %sub3A_1362 = arith.subi %sub3A_1361, %mul3A_1349 : i32
      %shift_left3A_1363 = vector.broadcast %sub3A_1362 : i32 to vector<16xi32>
      %shift_left3A_1364 = arith.shli %get3A_1331, %shift_left3A_1363 : vector<16xi32>
      %shift_right_arithmetic3A_1365 = arith.constant 28 : i32
      %shift_right_arithmetic3A_1366 = vector.broadcast %shift_right_arithmetic3A_1365 : i32 to vector<16xi32>
      %shift_right_arithmetic3A_1367 = arith.shrsi %shift_left3A_1364, %shift_right_arithmetic3A_1366 : vector<16xi32>
      %convert_element_type3A_1368 = arith.sitofp %shift_right_arithmetic3A_1367 : vector<16xi32> to vector<16xf32>
      %mul3A_1369 = vector.broadcast %select_n3A_1347 : f32 to vector<16xf32>
      %mul3A_1370 = arith.mulf %convert_element_type3A_1368, %mul3A_1369 : vector<16xf32>
      %add3A_1371 = arith.addf %add3A_1303, %mul3A_1370 : vector<16xf32>
      %sub3A_1372 = arith.constant 20 : i32
      %sub3A_1373 = arith.subi %sub3A_1372, %mul3A_1349 : i32
      %shift_left3A_1374 = vector.broadcast %sub3A_1373 : i32 to vector<16xi32>
      %shift_left3A_1375 = arith.shli %get3A_1331, %shift_left3A_1374 : vector<16xi32>
      %shift_right_arithmetic3A_1376 = arith.constant 28 : i32
      %shift_right_arithmetic3A_1377 = vector.broadcast %shift_right_arithmetic3A_1376 : i32 to vector<16xi32>
      %shift_right_arithmetic3A_1378 = arith.shrsi %shift_left3A_1375, %shift_right_arithmetic3A_1377 : vector<16xi32>
      %convert_element_type3A_1379 = arith.sitofp %shift_right_arithmetic3A_1378 : vector<16xi32> to vector<16xf32>
      %mul3A_1380 = vector.broadcast %select_n3A_1347 : f32 to vector<16xf32>
      %mul3A_1381 = arith.mulf %convert_element_type3A_1379, %mul3A_1380 : vector<16xf32>
      %add3A_1382 = arith.addf %add3A_1314, %mul3A_1381 : vector<16xf32>
      %sub3A_1383 = arith.constant 4 : i32
      %sub3A_1384 = arith.subi %sub3A_1383, %mul3A_1349 : i32
      %shift_left3A_1385 = vector.broadcast %sub3A_1384 : i32 to vector<16xi32>
      %shift_left3A_1386 = arith.shli %get3A_1331, %shift_left3A_1385 : vector<16xi32>
      %shift_right_arithmetic3A_1387 = arith.constant 28 : i32
      %shift_right_arithmetic3A_1388 = vector.broadcast %shift_right_arithmetic3A_1387 : i32 to vector<16xi32>
      %shift_right_arithmetic3A_1389 = arith.shrsi %shift_left3A_1386, %shift_right_arithmetic3A_1388 : vector<16xi32>
      %convert_element_type3A_1390 = arith.sitofp %shift_right_arithmetic3A_1389 : vector<16xi32> to vector<16xf32>
      %mul3A_1391 = vector.broadcast %select_n3A_1347 : f32 to vector<16xf32>
      %mul3A_1392 = arith.mulf %convert_element_type3A_1390, %mul3A_1391 : vector<16xf32>
      %add3A_1393 = arith.addf %add3A_1325, %mul3A_1392 : vector<16xf32>
      %get3A_1394 = arith.constant 19 : i32
      %get3A_1395 = arith.index_cast %and3A_74 : i32 to index
      %get3A_1396 = arith.index_cast %get3A_1394 : i32 to index
      %get3A_1397 = arith.constant 0 : index
      %get3A_1398 = tpu.vector_load %arg9[%get3A_1395, %get3A_1396, %get3A_1397] {strides = array<i32>} : memref<4x50x32xi32, #tpu.memory_space<vmem>>, vector<1x1x16xi32>,
      %get3A_1399 = vector.shape_cast %get3A_1398 : vector<1x1x16xi32> to vector<16xi32>
      %get3A_1400 = arith.constant 19 : i32
      %get3A_1401 = arith.index_cast %and3A_74 : i32 to index
      %get3A_1402 = arith.index_cast %get3A_1400 : i32 to index
      %get3A_1403 = arith.constant 16 : index
      %get3A_1404 = tpu.vector_load %arg9[%get3A_1401, %get3A_1402, %get3A_1403] {strides = array<i32>} : memref<4x50x32xi32, #tpu.memory_space<vmem>>, vector<1x1x16xi32>,
      %get3A_1405 = vector.shape_cast %get3A_1404 : vector<1x1x16xi32> to vector<16xi32>
      %bitcast_convert_type3A_1406 = tpu.bitcast %get3A_1405 : vector<16xi32> -> vector<16xf32>
      %slice3A_1407 = vector.extract_strided_slice %and3A_1189 {offsets = [3], sizes = [1], strides = [1]} : vector<16xi32> to vector<1xi32>
      %squeeze3A_1408 = vector.extract %slice3A_1407[0] : i32 from vector<1xi32>
      %eq3A_1409 = arith.constant 0 : i32
      %eq3A_1410 = arith.cmpi eq, %squeeze3A_1408, %eq3A_1409 : i32
      %slice3A_1411 = vector.extract_strided_slice %bitcast_convert_type3A_1406 {offsets = [0], sizes = [1], strides = [1]} : vector<16xf32> to vector<1xf32>
      %squeeze3A_1412 = vector.extract %slice3A_1411[0] : f32 from vector<1xf32>
      %slice3A_1413 = vector.extract_strided_slice %bitcast_convert_type3A_1406 {offsets = [1], sizes = [1], strides = [1]} : vector<16xf32> to vector<1xf32>
      %squeeze3A_1414 = vector.extract %slice3A_1413[0] : f32 from vector<1xf32>
      %select_n3A_1415 = arith.select %eq3A_1410, %squeeze3A_1412, %squeeze3A_1414 : f32
      %mul3A_1416 = arith.constant 4 : i32
      %mul3A_1417 = arith.muli %mul3A_1416, %squeeze3A_1408 : i32
      %sub3A_1418 = arith.constant 28 : i32
      %sub3A_1419 = arith.subi %sub3A_1418, %mul3A_1417 : i32
      %shift_left3A_1420 = vector.broadcast %sub3A_1419 : i32 to vector<16xi32>
      %shift_left3A_1421 = arith.shli %get3A_1399, %shift_left3A_1420 : vector<16xi32>
      %shift_right_arithmetic3A_1422 = arith.constant 28 : i32
      %shift_right_arithmetic3A_1423 = vector.broadcast %shift_right_arithmetic3A_1422 : i32 to vector<16xi32>
      %shift_right_arithmetic3A_1424 = arith.shrsi %shift_left3A_1421, %shift_right_arithmetic3A_1423 : vector<16xi32>
      %convert_element_type3A_1425 = arith.sitofp %shift_right_arithmetic3A_1424 : vector<16xi32> to vector<16xf32>
      %mul3A_1426 = vector.broadcast %select_n3A_1415 : f32 to vector<16xf32>
      %mul3A_1427 = arith.mulf %convert_element_type3A_1425, %mul3A_1426 : vector<16xf32>
      %add3A_1428 = arith.addf %add3A_1360, %mul3A_1427 : vector<16xf32>
      %sub3A_1429 = arith.constant 12 : i32
      %sub3A_1430 = arith.subi %sub3A_1429, %mul3A_1417 : i32
      %shift_left3A_1431 = vector.broadcast %sub3A_1430 : i32 to vector<16xi32>
      %shift_left3A_1432 = arith.shli %get3A_1399, %shift_left3A_1431 : vector<16xi32>
      %shift_right_arithmetic3A_1433 = arith.constant 28 : i32
      %shift_right_arithmetic3A_1434 = vector.broadcast %shift_right_arithmetic3A_1433 : i32 to vector<16xi32>
      %shift_right_arithmetic3A_1435 = arith.shrsi %shift_left3A_1432, %shift_right_arithmetic3A_1434 : vector<16xi32>
      %convert_element_type3A_1436 = arith.sitofp %shift_right_arithmetic3A_1435 : vector<16xi32> to vector<16xf32>
      %mul3A_1437 = vector.broadcast %select_n3A_1415 : f32 to vector<16xf32>
      %mul3A_1438 = arith.mulf %convert_element_type3A_1436, %mul3A_1437 : vector<16xf32>
      %add3A_1439 = arith.addf %add3A_1371, %mul3A_1438 : vector<16xf32>
      %sub3A_1440 = arith.constant 20 : i32
      %sub3A_1441 = arith.subi %sub3A_1440, %mul3A_1417 : i32
      %shift_left3A_1442 = vector.broadcast %sub3A_1441 : i32 to vector<16xi32>
      %shift_left3A_1443 = arith.shli %get3A_1399, %shift_left3A_1442 : vector<16xi32>
      %shift_right_arithmetic3A_1444 = arith.constant 28 : i32
      %shift_right_arithmetic3A_1445 = vector.broadcast %shift_right_arithmetic3A_1444 : i32 to vector<16xi32>
      %shift_right_arithmetic3A_1446 = arith.shrsi %shift_left3A_1443, %shift_right_arithmetic3A_1445 : vector<16xi32>
      %convert_element_type3A_1447 = arith.sitofp %shift_right_arithmetic3A_1446 : vector<16xi32> to vector<16xf32>
      %mul3A_1448 = vector.broadcast %select_n3A_1415 : f32 to vector<16xf32>
      %mul3A_1449 = arith.mulf %convert_element_type3A_1447, %mul3A_1448 : vector<16xf32>
      %add3A_1450 = arith.addf %add3A_1382, %mul3A_1449 : vector<16xf32>
      %sub3A_1451 = arith.constant 4 : i32
      %sub3A_1452 = arith.subi %sub3A_1451, %mul3A_1417 : i32
      %shift_left3A_1453 = vector.broadcast %sub3A_1452 : i32 to vector<16xi32>
      %shift_left3A_1454 = arith.shli %get3A_1399, %shift_left3A_1453 : vector<16xi32>
      %shift_right_arithmetic3A_1455 = arith.constant 28 : i32
      %shift_right_arithmetic3A_1456 = vector.broadcast %shift_right_arithmetic3A_1455 : i32 to vector<16xi32>
      %shift_right_arithmetic3A_1457 = arith.shrsi %shift_left3A_1454, %shift_right_arithmetic3A_1456 : vector<16xi32>
      %convert_element_type3A_1458 = arith.sitofp %shift_right_arithmetic3A_1457 : vector<16xi32> to vector<16xf32>
      %mul3A_1459 = vector.broadcast %select_n3A_1415 : f32 to vector<16xf32>
      %mul3A_1460 = arith.mulf %convert_element_type3A_1458, %mul3A_1459 : vector<16xf32>
      %add3A_1461 = arith.addf %add3A_1393, %mul3A_1460 : vector<16xf32>
      %get3A_1462 = arith.constant 20 : i32
      %get3A_1463 = arith.index_cast %and3A_74 : i32 to index
      %get3A_1464 = arith.index_cast %get3A_1462 : i32 to index
      %get3A_1465 = arith.constant 0 : index
      %get3A_1466 = tpu.vector_load %arg9[%get3A_1463, %get3A_1464, %get3A_1465] {strides = array<i32>} : memref<4x50x32xi32, #tpu.memory_space<vmem>>, vector<1x1x16xi32>,
      %get3A_1467 = vector.shape_cast %get3A_1466 : vector<1x1x16xi32> to vector<16xi32>
      %get3A_1468 = arith.constant 20 : i32
      %get3A_1469 = arith.index_cast %and3A_74 : i32 to index
      %get3A_1470 = arith.index_cast %get3A_1468 : i32 to index
      %get3A_1471 = arith.constant 16 : index
      %get3A_1472 = tpu.vector_load %arg9[%get3A_1469, %get3A_1470, %get3A_1471] {strides = array<i32>} : memref<4x50x32xi32, #tpu.memory_space<vmem>>, vector<1x1x16xi32>,
      %get3A_1473 = vector.shape_cast %get3A_1472 : vector<1x1x16xi32> to vector<16xi32>
      %bitcast_convert_type3A_1474 = tpu.bitcast %get3A_1473 : vector<16xi32> -> vector<16xf32>
      %slice3A_1475 = vector.extract_strided_slice %and3A_1189 {offsets = [4], sizes = [1], strides = [1]} : vector<16xi32> to vector<1xi32>
      %squeeze3A_1476 = vector.extract %slice3A_1475[0] : i32 from vector<1xi32>
      %eq3A_1477 = arith.constant 0 : i32
      %eq3A_1478 = arith.cmpi eq, %squeeze3A_1476, %eq3A_1477 : i32
      %slice3A_1479 = vector.extract_strided_slice %bitcast_convert_type3A_1474 {offsets = [0], sizes = [1], strides = [1]} : vector<16xf32> to vector<1xf32>
      %squeeze3A_1480 = vector.extract %slice3A_1479[0] : f32 from vector<1xf32>
      %slice3A_1481 = vector.extract_strided_slice %bitcast_convert_type3A_1474 {offsets = [1], sizes = [1], strides = [1]} : vector<16xf32> to vector<1xf32>
      %squeeze3A_1482 = vector.extract %slice3A_1481[0] : f32 from vector<1xf32>
      %select_n3A_1483 = arith.select %eq3A_1478, %squeeze3A_1480, %squeeze3A_1482 : f32
      %mul3A_1484 = arith.constant 4 : i32
      %mul3A_1485 = arith.muli %mul3A_1484, %squeeze3A_1476 : i32
      %sub3A_1486 = arith.constant 28 : i32
      %sub3A_1487 = arith.subi %sub3A_1486, %mul3A_1485 : i32
      %shift_left3A_1488 = vector.broadcast %sub3A_1487 : i32 to vector<16xi32>
      %shift_left3A_1489 = arith.shli %get3A_1467, %shift_left3A_1488 : vector<16xi32>
      %shift_right_arithmetic3A_1490 = arith.constant 28 : i32
      %shift_right_arithmetic3A_1491 = vector.broadcast %shift_right_arithmetic3A_1490 : i32 to vector<16xi32>
      %shift_right_arithmetic3A_1492 = arith.shrsi %shift_left3A_1489, %shift_right_arithmetic3A_1491 : vector<16xi32>
      %convert_element_type3A_1493 = arith.sitofp %shift_right_arithmetic3A_1492 : vector<16xi32> to vector<16xf32>
      %mul3A_1494 = vector.broadcast %select_n3A_1483 : f32 to vector<16xf32>
      %mul3A_1495 = arith.mulf %convert_element_type3A_1493, %mul3A_1494 : vector<16xf32>
      %add3A_1496 = arith.addf %add3A_1428, %mul3A_1495 : vector<16xf32>
      %sub3A_1497 = arith.constant 12 : i32
      %sub3A_1498 = arith.subi %sub3A_1497, %mul3A_1485 : i32
      %shift_left3A_1499 = vector.broadcast %sub3A_1498 : i32 to vector<16xi32>
      %shift_left3A_1500 = arith.shli %get3A_1467, %shift_left3A_1499 : vector<16xi32>
      %shift_right_arithmetic3A_1501 = arith.constant 28 : i32
      %shift_right_arithmetic3A_1502 = vector.broadcast %shift_right_arithmetic3A_1501 : i32 to vector<16xi32>
      %shift_right_arithmetic3A_1503 = arith.shrsi %shift_left3A_1500, %shift_right_arithmetic3A_1502 : vector<16xi32>
      %convert_element_type3A_1504 = arith.sitofp %shift_right_arithmetic3A_1503 : vector<16xi32> to vector<16xf32>
      %mul3A_1505 = vector.broadcast %select_n3A_1483 : f32 to vector<16xf32>
      %mul3A_1506 = arith.mulf %convert_element_type3A_1504, %mul3A_1505 : vector<16xf32>
      %add3A_1507 = arith.addf %add3A_1439, %mul3A_1506 : vector<16xf32>
      %sub3A_1508 = arith.constant 20 : i32
      %sub3A_1509 = arith.subi %sub3A_1508, %mul3A_1485 : i32
      %shift_left3A_1510 = vector.broadcast %sub3A_1509 : i32 to vector<16xi32>
      %shift_left3A_1511 = arith.shli %get3A_1467, %shift_left3A_1510 : vector<16xi32>
      %shift_right_arithmetic3A_1512 = arith.constant 28 : i32
      %shift_right_arithmetic3A_1513 = vector.broadcast %shift_right_arithmetic3A_1512 : i32 to vector<16xi32>
      %shift_right_arithmetic3A_1514 = arith.shrsi %shift_left3A_1511, %shift_right_arithmetic3A_1513 : vector<16xi32>
      %convert_element_type3A_1515 = arith.sitofp %shift_right_arithmetic3A_1514 : vector<16xi32> to vector<16xf32>
      %mul3A_1516 = vector.broadcast %select_n3A_1483 : f32 to vector<16xf32>
      %mul3A_1517 = arith.mulf %convert_element_type3A_1515, %mul3A_1516 : vector<16xf32>
      %add3A_1518 = arith.addf %add3A_1450, %mul3A_1517 : vector<16xf32>
      %sub3A_1519 = arith.constant 4 : i32
      %sub3A_1520 = arith.subi %sub3A_1519, %mul3A_1485 : i32
      %shift_left3A_1521 = vector.broadcast %sub3A_1520 : i32 to vector<16xi32>
      %shift_left3A_1522 = arith.shli %get3A_1467, %shift_left3A_1521 : vector<16xi32>
      %shift_right_arithmetic3A_1523 = arith.constant 28 : i32
      %shift_right_arithmetic3A_1524 = vector.broadcast %shift_right_arithmetic3A_1523 : i32 to vector<16xi32>
      %shift_right_arithmetic3A_1525 = arith.shrsi %shift_left3A_1522, %shift_right_arithmetic3A_1524 : vector<16xi32>
      %convert_element_type3A_1526 = arith.sitofp %shift_right_arithmetic3A_1525 : vector<16xi32> to vector<16xf32>
      %mul3A_1527 = vector.broadcast %select_n3A_1483 : f32 to vector<16xf32>
      %mul3A_1528 = arith.mulf %convert_element_type3A_1526, %mul3A_1527 : vector<16xf32>
      %add3A_1529 = arith.addf %add3A_1461, %mul3A_1528 : vector<16xf32>
      %get3A_1530 = arith.constant 21 : i32
      %get3A_1531 = arith.index_cast %and3A_74 : i32 to index
      %get3A_1532 = arith.index_cast %get3A_1530 : i32 to index
      %get3A_1533 = arith.constant 0 : index
      %get3A_1534 = tpu.vector_load %arg9[%get3A_1531, %get3A_1532, %get3A_1533] {strides = array<i32>} : memref<4x50x32xi32, #tpu.memory_space<vmem>>, vector<1x1x16xi32>,
      %get3A_1535 = vector.shape_cast %get3A_1534 : vector<1x1x16xi32> to vector<16xi32>
      %get3A_1536 = arith.constant 21 : i32
      %get3A_1537 = arith.index_cast %and3A_74 : i32 to index
      %get3A_1538 = arith.index_cast %get3A_1536 : i32 to index
      %get3A_1539 = arith.constant 16 : index
      %get3A_1540 = tpu.vector_load %arg9[%get3A_1537, %get3A_1538, %get3A_1539] {strides = array<i32>} : memref<4x50x32xi32, #tpu.memory_space<vmem>>, vector<1x1x16xi32>,
      %get3A_1541 = vector.shape_cast %get3A_1540 : vector<1x1x16xi32> to vector<16xi32>
      %bitcast_convert_type3A_1542 = tpu.bitcast %get3A_1541 : vector<16xi32> -> vector<16xf32>
      %slice3A_1543 = vector.extract_strided_slice %and3A_1189 {offsets = [5], sizes = [1], strides = [1]} : vector<16xi32> to vector<1xi32>
      %squeeze3A_1544 = vector.extract %slice3A_1543[0] : i32 from vector<1xi32>
      %eq3A_1545 = arith.constant 0 : i32
      %eq3A_1546 = arith.cmpi eq, %squeeze3A_1544, %eq3A_1545 : i32
      %slice3A_1547 = vector.extract_strided_slice %bitcast_convert_type3A_1542 {offsets = [0], sizes = [1], strides = [1]} : vector<16xf32> to vector<1xf32>
      %squeeze3A_1548 = vector.extract %slice3A_1547[0] : f32 from vector<1xf32>
      %slice3A_1549 = vector.extract_strided_slice %bitcast_convert_type3A_1542 {offsets = [1], sizes = [1], strides = [1]} : vector<16xf32> to vector<1xf32>
      %squeeze3A_1550 = vector.extract %slice3A_1549[0] : f32 from vector<1xf32>
      %select_n3A_1551 = arith.select %eq3A_1546, %squeeze3A_1548, %squeeze3A_1550 : f32
      %mul3A_1552 = arith.constant 4 : i32
      %mul3A_1553 = arith.muli %mul3A_1552, %squeeze3A_1544 : i32
      %sub3A_1554 = arith.constant 28 : i32
      %sub3A_1555 = arith.subi %sub3A_1554, %mul3A_1553 : i32
      %shift_left3A_1556 = vector.broadcast %sub3A_1555 : i32 to vector<16xi32>
      %shift_left3A_1557 = arith.shli %get3A_1535, %shift_left3A_1556 : vector<16xi32>
      %shift_right_arithmetic3A_1558 = arith.constant 28 : i32
      %shift_right_arithmetic3A_1559 = vector.broadcast %shift_right_arithmetic3A_1558 : i32 to vector<16xi32>
      %shift_right_arithmetic3A_1560 = arith.shrsi %shift_left3A_1557, %shift_right_arithmetic3A_1559 : vector<16xi32>
      %convert_element_type3A_1561 = arith.sitofp %shift_right_arithmetic3A_1560 : vector<16xi32> to vector<16xf32>
      %mul3A_1562 = vector.broadcast %select_n3A_1551 : f32 to vector<16xf32>
      %mul3A_1563 = arith.mulf %convert_element_type3A_1561, %mul3A_1562 : vector<16xf32>
      %add3A_1564 = arith.addf %add3A_1496, %mul3A_1563 : vector<16xf32>
      %sub3A_1565 = arith.constant 12 : i32
      %sub3A_1566 = arith.subi %sub3A_1565, %mul3A_1553 : i32
      %shift_left3A_1567 = vector.broadcast %sub3A_1566 : i32 to vector<16xi32>
      %shift_left3A_1568 = arith.shli %get3A_1535, %shift_left3A_1567 : vector<16xi32>
      %shift_right_arithmetic3A_1569 = arith.constant 28 : i32
      %shift_right_arithmetic3A_1570 = vector.broadcast %shift_right_arithmetic3A_1569 : i32 to vector<16xi32>
      %shift_right_arithmetic3A_1571 = arith.shrsi %shift_left3A_1568, %shift_right_arithmetic3A_1570 : vector<16xi32>
      %convert_element_type3A_1572 = arith.sitofp %shift_right_arithmetic3A_1571 : vector<16xi32> to vector<16xf32>
      %mul3A_1573 = vector.broadcast %select_n3A_1551 : f32 to vector<16xf32>
      %mul3A_1574 = arith.mulf %convert_element_type3A_1572, %mul3A_1573 : vector<16xf32>
      %add3A_1575 = arith.addf %add3A_1507, %mul3A_1574 : vector<16xf32>
      %sub3A_1576 = arith.constant 20 : i32
      %sub3A_1577 = arith.subi %sub3A_1576, %mul3A_1553 : i32
      %shift_left3A_1578 = vector.broadcast %sub3A_1577 : i32 to vector<16xi32>
      %shift_left3A_1579 = arith.shli %get3A_1535, %shift_left3A_1578 : vector<16xi32>
      %shift_right_arithmetic3A_1580 = arith.constant 28 : i32
      %shift_right_arithmetic3A_1581 = vector.broadcast %shift_right_arithmetic3A_1580 : i32 to vector<16xi32>
      %shift_right_arithmetic3A_1582 = arith.shrsi %shift_left3A_1579, %shift_right_arithmetic3A_1581 : vector<16xi32>
      %convert_element_type3A_1583 = arith.sitofp %shift_right_arithmetic3A_1582 : vector<16xi32> to vector<16xf32>
      %mul3A_1584 = vector.broadcast %select_n3A_1551 : f32 to vector<16xf32>
      %mul3A_1585 = arith.mulf %convert_element_type3A_1583, %mul3A_1584 : vector<16xf32>
      %add3A_1586 = arith.addf %add3A_1518, %mul3A_1585 : vector<16xf32>
      %sub3A_1587 = arith.constant 4 : i32
      %sub3A_1588 = arith.subi %sub3A_1587, %mul3A_1553 : i32
      %shift_left3A_1589 = vector.broadcast %sub3A_1588 : i32 to vector<16xi32>
      %shift_left3A_1590 = arith.shli %get3A_1535, %shift_left3A_1589 : vector<16xi32>
      %shift_right_arithmetic3A_1591 = arith.constant 28 : i32
      %shift_right_arithmetic3A_1592 = vector.broadcast %shift_right_arithmetic3A_1591 : i32 to vector<16xi32>
      %shift_right_arithmetic3A_1593 = arith.shrsi %shift_left3A_1590, %shift_right_arithmetic3A_1592 : vector<16xi32>
      %convert_element_type3A_1594 = arith.sitofp %shift_right_arithmetic3A_1593 : vector<16xi32> to vector<16xf32>
      %mul3A_1595 = vector.broadcast %select_n3A_1551 : f32 to vector<16xf32>
      %mul3A_1596 = arith.mulf %convert_element_type3A_1594, %mul3A_1595 : vector<16xf32>
      %add3A_1597 = arith.addf %add3A_1529, %mul3A_1596 : vector<16xf32>
      %get3A_1598 = arith.constant 22 : i32
      %get3A_1599 = arith.index_cast %and3A_74 : i32 to index
      %get3A_1600 = arith.index_cast %get3A_1598 : i32 to index
      %get3A_1601 = arith.constant 0 : index
      %get3A_1602 = tpu.vector_load %arg9[%get3A_1599, %get3A_1600, %get3A_1601] {strides = array<i32>} : memref<4x50x32xi32, #tpu.memory_space<vmem>>, vector<1x1x16xi32>,
      %get3A_1603 = vector.shape_cast %get3A_1602 : vector<1x1x16xi32> to vector<16xi32>
      %get3A_1604 = arith.constant 22 : i32
      %get3A_1605 = arith.index_cast %and3A_74 : i32 to index
      %get3A_1606 = arith.index_cast %get3A_1604 : i32 to index
      %get3A_1607 = arith.constant 16 : index
      %get3A_1608 = tpu.vector_load %arg9[%get3A_1605, %get3A_1606, %get3A_1607] {strides = array<i32>} : memref<4x50x32xi32, #tpu.memory_space<vmem>>, vector<1x1x16xi32>,
      %get3A_1609 = vector.shape_cast %get3A_1608 : vector<1x1x16xi32> to vector<16xi32>
      %bitcast_convert_type3A_1610 = tpu.bitcast %get3A_1609 : vector<16xi32> -> vector<16xf32>
      %slice3A_1611 = vector.extract_strided_slice %and3A_1189 {offsets = [6], sizes = [1], strides = [1]} : vector<16xi32> to vector<1xi32>
      %squeeze3A_1612 = vector.extract %slice3A_1611[0] : i32 from vector<1xi32>
      %eq3A_1613 = arith.constant 0 : i32
      %eq3A_1614 = arith.cmpi eq, %squeeze3A_1612, %eq3A_1613 : i32
      %slice3A_1615 = vector.extract_strided_slice %bitcast_convert_type3A_1610 {offsets = [0], sizes = [1], strides = [1]} : vector<16xf32> to vector<1xf32>
      %squeeze3A_1616 = vector.extract %slice3A_1615[0] : f32 from vector<1xf32>
      %slice3A_1617 = vector.extract_strided_slice %bitcast_convert_type3A_1610 {offsets = [1], sizes = [1], strides = [1]} : vector<16xf32> to vector<1xf32>
      %squeeze3A_1618 = vector.extract %slice3A_1617[0] : f32 from vector<1xf32>
      %select_n3A_1619 = arith.select %eq3A_1614, %squeeze3A_1616, %squeeze3A_1618 : f32
      %mul3A_1620 = arith.constant 4 : i32
      %mul3A_1621 = arith.muli %mul3A_1620, %squeeze3A_1612 : i32
      %sub3A_1622 = arith.constant 28 : i32
      %sub3A_1623 = arith.subi %sub3A_1622, %mul3A_1621 : i32
      %shift_left3A_1624 = vector.broadcast %sub3A_1623 : i32 to vector<16xi32>
      %shift_left3A_1625 = arith.shli %get3A_1603, %shift_left3A_1624 : vector<16xi32>
      %shift_right_arithmetic3A_1626 = arith.constant 28 : i32
      %shift_right_arithmetic3A_1627 = vector.broadcast %shift_right_arithmetic3A_1626 : i32 to vector<16xi32>
      %shift_right_arithmetic3A_1628 = arith.shrsi %shift_left3A_1625, %shift_right_arithmetic3A_1627 : vector<16xi32>
      %convert_element_type3A_1629 = arith.sitofp %shift_right_arithmetic3A_1628 : vector<16xi32> to vector<16xf32>
      %mul3A_1630 = vector.broadcast %select_n3A_1619 : f32 to vector<16xf32>
      %mul3A_1631 = arith.mulf %convert_element_type3A_1629, %mul3A_1630 : vector<16xf32>
      %add3A_1632 = arith.addf %add3A_1564, %mul3A_1631 : vector<16xf32>
      %sub3A_1633 = arith.constant 12 : i32
      %sub3A_1634 = arith.subi %sub3A_1633, %mul3A_1621 : i32
      %shift_left3A_1635 = vector.broadcast %sub3A_1634 : i32 to vector<16xi32>
      %shift_left3A_1636 = arith.shli %get3A_1603, %shift_left3A_1635 : vector<16xi32>
      %shift_right_arithmetic3A_1637 = arith.constant 28 : i32
      %shift_right_arithmetic3A_1638 = vector.broadcast %shift_right_arithmetic3A_1637 : i32 to vector<16xi32>
      %shift_right_arithmetic3A_1639 = arith.shrsi %shift_left3A_1636, %shift_right_arithmetic3A_1638 : vector<16xi32>
      %convert_element_type3A_1640 = arith.sitofp %shift_right_arithmetic3A_1639 : vector<16xi32> to vector<16xf32>
      %mul3A_1641 = vector.broadcast %select_n3A_1619 : f32 to vector<16xf32>
      %mul3A_1642 = arith.mulf %convert_element_type3A_1640, %mul3A_1641 : vector<16xf32>
      %add3A_1643 = arith.addf %add3A_1575, %mul3A_1642 : vector<16xf32>
      %sub3A_1644 = arith.constant 20 : i32
      %sub3A_1645 = arith.subi %sub3A_1644, %mul3A_1621 : i32
      %shift_left3A_1646 = vector.broadcast %sub3A_1645 : i32 to vector<16xi32>
      %shift_left3A_1647 = arith.shli %get3A_1603, %shift_left3A_1646 : vector<16xi32>
      %shift_right_arithmetic3A_1648 = arith.constant 28 : i32
      %shift_right_arithmetic3A_1649 = vector.broadcast %shift_right_arithmetic3A_1648 : i32 to vector<16xi32>
      %shift_right_arithmetic3A_1650 = arith.shrsi %shift_left3A_1647, %shift_right_arithmetic3A_1649 : vector<16xi32>
      %convert_element_type3A_1651 = arith.sitofp %shift_right_arithmetic3A_1650 : vector<16xi32> to vector<16xf32>
      %mul3A_1652 = vector.broadcast %select_n3A_1619 : f32 to vector<16xf32>
      %mul3A_1653 = arith.mulf %convert_element_type3A_1651, %mul3A_1652 : vector<16xf32>
      %add3A_1654 = arith.addf %add3A_1586, %mul3A_1653 : vector<16xf32>
      %sub3A_1655 = arith.constant 4 : i32
      %sub3A_1656 = arith.subi %sub3A_1655, %mul3A_1621 : i32
      %shift_left3A_1657 = vector.broadcast %sub3A_1656 : i32 to vector<16xi32>
      %shift_left3A_1658 = arith.shli %get3A_1603, %shift_left3A_1657 : vector<16xi32>
      %shift_right_arithmetic3A_1659 = arith.constant 28 : i32
      %shift_right_arithmetic3A_1660 = vector.broadcast %shift_right_arithmetic3A_1659 : i32 to vector<16xi32>
      %shift_right_arithmetic3A_1661 = arith.shrsi %shift_left3A_1658, %shift_right_arithmetic3A_1660 : vector<16xi32>
      %convert_element_type3A_1662 = arith.sitofp %shift_right_arithmetic3A_1661 : vector<16xi32> to vector<16xf32>
      %mul3A_1663 = vector.broadcast %select_n3A_1619 : f32 to vector<16xf32>
      %mul3A_1664 = arith.mulf %convert_element_type3A_1662, %mul3A_1663 : vector<16xf32>
      %add3A_1665 = arith.addf %add3A_1597, %mul3A_1664 : vector<16xf32>
      %get3A_1666 = arith.constant 23 : i32
      %get3A_1667 = arith.index_cast %and3A_74 : i32 to index
      %get3A_1668 = arith.index_cast %get3A_1666 : i32 to index
      %get3A_1669 = arith.constant 0 : index
      %get3A_1670 = tpu.vector_load %arg9[%get3A_1667, %get3A_1668, %get3A_1669] {strides = array<i32>} : memref<4x50x32xi32, #tpu.memory_space<vmem>>, vector<1x1x16xi32>,
      %get3A_1671 = vector.shape_cast %get3A_1670 : vector<1x1x16xi32> to vector<16xi32>
      %get3A_1672 = arith.constant 23 : i32
      %get3A_1673 = arith.index_cast %and3A_74 : i32 to index
      %get3A_1674 = arith.index_cast %get3A_1672 : i32 to index
      %get3A_1675 = arith.constant 16 : index
      %get3A_1676 = tpu.vector_load %arg9[%get3A_1673, %get3A_1674, %get3A_1675] {strides = array<i32>} : memref<4x50x32xi32, #tpu.memory_space<vmem>>, vector<1x1x16xi32>,
      %get3A_1677 = vector.shape_cast %get3A_1676 : vector<1x1x16xi32> to vector<16xi32>
      %bitcast_convert_type3A_1678 = tpu.bitcast %get3A_1677 : vector<16xi32> -> vector<16xf32>
      %slice3A_1679 = vector.extract_strided_slice %and3A_1189 {offsets = [7], sizes = [1], strides = [1]} : vector<16xi32> to vector<1xi32>
      %squeeze3A_1680 = vector.extract %slice3A_1679[0] : i32 from vector<1xi32>
      %eq3A_1681 = arith.constant 0 : i32
      %eq3A_1682 = arith.cmpi eq, %squeeze3A_1680, %eq3A_1681 : i32
      %slice3A_1683 = vector.extract_strided_slice %bitcast_convert_type3A_1678 {offsets = [0], sizes = [1], strides = [1]} : vector<16xf32> to vector<1xf32>
      %squeeze3A_1684 = vector.extract %slice3A_1683[0] : f32 from vector<1xf32>
      %slice3A_1685 = vector.extract_strided_slice %bitcast_convert_type3A_1678 {offsets = [1], sizes = [1], strides = [1]} : vector<16xf32> to vector<1xf32>
      %squeeze3A_1686 = vector.extract %slice3A_1685[0] : f32 from vector<1xf32>
      %select_n3A_1687 = arith.select %eq3A_1682, %squeeze3A_1684, %squeeze3A_1686 : f32
      %mul3A_1688 = arith.constant 4 : i32
      %mul3A_1689 = arith.muli %mul3A_1688, %squeeze3A_1680 : i32
      %sub3A_1690 = arith.constant 28 : i32
      %sub3A_1691 = arith.subi %sub3A_1690, %mul3A_1689 : i32
      %shift_left3A_1692 = vector.broadcast %sub3A_1691 : i32 to vector<16xi32>
      %shift_left3A_1693 = arith.shli %get3A_1671, %shift_left3A_1692 : vector<16xi32>
      %shift_right_arithmetic3A_1694 = arith.constant 28 : i32
      %shift_right_arithmetic3A_1695 = vector.broadcast %shift_right_arithmetic3A_1694 : i32 to vector<16xi32>
      %shift_right_arithmetic3A_1696 = arith.shrsi %shift_left3A_1693, %shift_right_arithmetic3A_1695 : vector<16xi32>
      %convert_element_type3A_1697 = arith.sitofp %shift_right_arithmetic3A_1696 : vector<16xi32> to vector<16xf32>
      %mul3A_1698 = vector.broadcast %select_n3A_1687 : f32 to vector<16xf32>
      %mul3A_1699 = arith.mulf %convert_element_type3A_1697, %mul3A_1698 : vector<16xf32>
      %add3A_1700 = arith.addf %add3A_1632, %mul3A_1699 : vector<16xf32>
      %sub3A_1701 = arith.constant 12 : i32
      %sub3A_1702 = arith.subi %sub3A_1701, %mul3A_1689 : i32
      %shift_left3A_1703 = vector.broadcast %sub3A_1702 : i32 to vector<16xi32>
      %shift_left3A_1704 = arith.shli %get3A_1671, %shift_left3A_1703 : vector<16xi32>
      %shift_right_arithmetic3A_1705 = arith.constant 28 : i32
      %shift_right_arithmetic3A_1706 = vector.broadcast %shift_right_arithmetic3A_1705 : i32 to vector<16xi32>
      %shift_right_arithmetic3A_1707 = arith.shrsi %shift_left3A_1704, %shift_right_arithmetic3A_1706 : vector<16xi32>
      %convert_element_type3A_1708 = arith.sitofp %shift_right_arithmetic3A_1707 : vector<16xi32> to vector<16xf32>
      %mul3A_1709 = vector.broadcast %select_n3A_1687 : f32 to vector<16xf32>
      %mul3A_1710 = arith.mulf %convert_element_type3A_1708, %mul3A_1709 : vector<16xf32>
      %add3A_1711 = arith.addf %add3A_1643, %mul3A_1710 : vector<16xf32>
      %sub3A_1712 = arith.constant 20 : i32
      %sub3A_1713 = arith.subi %sub3A_1712, %mul3A_1689 : i32
      %shift_left3A_1714 = vector.broadcast %sub3A_1713 : i32 to vector<16xi32>
      %shift_left3A_1715 = arith.shli %get3A_1671, %shift_left3A_1714 : vector<16xi32>
      %shift_right_arithmetic3A_1716 = arith.constant 28 : i32
      %shift_right_arithmetic3A_1717 = vector.broadcast %shift_right_arithmetic3A_1716 : i32 to vector<16xi32>
      %shift_right_arithmetic3A_1718 = arith.shrsi %shift_left3A_1715, %shift_right_arithmetic3A_1717 : vector<16xi32>
      %convert_element_type3A_1719 = arith.sitofp %shift_right_arithmetic3A_1718 : vector<16xi32> to vector<16xf32>
      %mul3A_1720 = vector.broadcast %select_n3A_1687 : f32 to vector<16xf32>
      %mul3A_1721 = arith.mulf %convert_element_type3A_1719, %mul3A_1720 : vector<16xf32>
      %add3A_1722 = arith.addf %add3A_1654, %mul3A_1721 : vector<16xf32>
      %sub3A_1723 = arith.constant 4 : i32
      %sub3A_1724 = arith.subi %sub3A_1723, %mul3A_1689 : i32
      %shift_left3A_1725 = vector.broadcast %sub3A_1724 : i32 to vector<16xi32>
      %shift_left3A_1726 = arith.shli %get3A_1671, %shift_left3A_1725 : vector<16xi32>
      %shift_right_arithmetic3A_1727 = arith.constant 28 : i32
      %shift_right_arithmetic3A_1728 = vector.broadcast %shift_right_arithmetic3A_1727 : i32 to vector<16xi32>
      %shift_right_arithmetic3A_1729 = arith.shrsi %shift_left3A_1726, %shift_right_arithmetic3A_1728 : vector<16xi32>
      %convert_element_type3A_1730 = arith.sitofp %shift_right_arithmetic3A_1729 : vector<16xi32> to vector<16xf32>
      %mul3A_1731 = vector.broadcast %select_n3A_1687 : f32 to vector<16xf32>
      %mul3A_1732 = arith.mulf %convert_element_type3A_1730, %mul3A_1731 : vector<16xf32>
      %add3A_1733 = arith.addf %add3A_1665, %mul3A_1732 : vector<16xf32>
      %get3A_1734 = arith.constant 24 : i32
      %get3A_1735 = arith.index_cast %and3A_74 : i32 to index
      %get3A_1736 = arith.index_cast %get3A_1734 : i32 to index
      %get3A_1737 = arith.constant 0 : index
      %get3A_1738 = tpu.vector_load %arg9[%get3A_1735, %get3A_1736, %get3A_1737] {strides = array<i32>} : memref<4x50x32xi32, #tpu.memory_space<vmem>>, vector<1x1x16xi32>,
      %get3A_1739 = vector.shape_cast %get3A_1738 : vector<1x1x16xi32> to vector<16xi32>
      %get3A_1740 = arith.constant 24 : i32
      %get3A_1741 = arith.index_cast %and3A_74 : i32 to index
      %get3A_1742 = arith.index_cast %get3A_1740 : i32 to index
      %get3A_1743 = arith.constant 16 : index
      %get3A_1744 = tpu.vector_load %arg9[%get3A_1741, %get3A_1742, %get3A_1743] {strides = array<i32>} : memref<4x50x32xi32, #tpu.memory_space<vmem>>, vector<1x1x16xi32>,
      %get3A_1745 = vector.shape_cast %get3A_1744 : vector<1x1x16xi32> to vector<16xi32>
      %bitcast_convert_type3A_1746 = tpu.bitcast %get3A_1745 : vector<16xi32> -> vector<16xf32>
      %slice3A_1747 = vector.extract_strided_slice %and3A_1189 {offsets = [8], sizes = [1], strides = [1]} : vector<16xi32> to vector<1xi32>
      %squeeze3A_1748 = vector.extract %slice3A_1747[0] : i32 from vector<1xi32>
      %eq3A_1749 = arith.constant 0 : i32
      %eq3A_1750 = arith.cmpi eq, %squeeze3A_1748, %eq3A_1749 : i32
      %slice3A_1751 = vector.extract_strided_slice %bitcast_convert_type3A_1746 {offsets = [0], sizes = [1], strides = [1]} : vector<16xf32> to vector<1xf32>
      %squeeze3A_1752 = vector.extract %slice3A_1751[0] : f32 from vector<1xf32>
      %slice3A_1753 = vector.extract_strided_slice %bitcast_convert_type3A_1746 {offsets = [1], sizes = [1], strides = [1]} : vector<16xf32> to vector<1xf32>
      %squeeze3A_1754 = vector.extract %slice3A_1753[0] : f32 from vector<1xf32>
      %select_n3A_1755 = arith.select %eq3A_1750, %squeeze3A_1752, %squeeze3A_1754 : f32
      %mul3A_1756 = arith.constant 4 : i32
      %mul3A_1757 = arith.muli %mul3A_1756, %squeeze3A_1748 : i32
      %sub3A_1758 = arith.constant 28 : i32
      %sub3A_1759 = arith.subi %sub3A_1758, %mul3A_1757 : i32
      %shift_left3A_1760 = vector.broadcast %sub3A_1759 : i32 to vector<16xi32>
      %shift_left3A_1761 = arith.shli %get3A_1739, %shift_left3A_1760 : vector<16xi32>
      %shift_right_arithmetic3A_1762 = arith.constant 28 : i32
      %shift_right_arithmetic3A_1763 = vector.broadcast %shift_right_arithmetic3A_1762 : i32 to vector<16xi32>
      %shift_right_arithmetic3A_1764 = arith.shrsi %shift_left3A_1761, %shift_right_arithmetic3A_1763 : vector<16xi32>
      %convert_element_type3A_1765 = arith.sitofp %shift_right_arithmetic3A_1764 : vector<16xi32> to vector<16xf32>
      %mul3A_1766 = vector.broadcast %select_n3A_1755 : f32 to vector<16xf32>
      %mul3A_1767 = arith.mulf %convert_element_type3A_1765, %mul3A_1766 : vector<16xf32>
      %add3A_1768 = arith.addf %add3A_1700, %mul3A_1767 : vector<16xf32>
      %sub3A_1769 = arith.constant 12 : i32
      %sub3A_1770 = arith.subi %sub3A_1769, %mul3A_1757 : i32
      %shift_left3A_1771 = vector.broadcast %sub3A_1770 : i32 to vector<16xi32>
      %shift_left3A_1772 = arith.shli %get3A_1739, %shift_left3A_1771 : vector<16xi32>
      %shift_right_arithmetic3A_1773 = arith.constant 28 : i32
      %shift_right_arithmetic3A_1774 = vector.broadcast %shift_right_arithmetic3A_1773 : i32 to vector<16xi32>
      %shift_right_arithmetic3A_1775 = arith.shrsi %shift_left3A_1772, %shift_right_arithmetic3A_1774 : vector<16xi32>
      %convert_element_type3A_1776 = arith.sitofp %shift_right_arithmetic3A_1775 : vector<16xi32> to vector<16xf32>
      %mul3A_1777 = vector.broadcast %select_n3A_1755 : f32 to vector<16xf32>
      %mul3A_1778 = arith.mulf %convert_element_type3A_1776, %mul3A_1777 : vector<16xf32>
      %add3A_1779 = arith.addf %add3A_1711, %mul3A_1778 : vector<16xf32>
      %sub3A_1780 = arith.constant 20 : i32
      %sub3A_1781 = arith.subi %sub3A_1780, %mul3A_1757 : i32
      %shift_left3A_1782 = vector.broadcast %sub3A_1781 : i32 to vector<16xi32>
      %shift_left3A_1783 = arith.shli %get3A_1739, %shift_left3A_1782 : vector<16xi32>
      %shift_right_arithmetic3A_1784 = arith.constant 28 : i32
      %shift_right_arithmetic3A_1785 = vector.broadcast %shift_right_arithmetic3A_1784 : i32 to vector<16xi32>
      %shift_right_arithmetic3A_1786 = arith.shrsi %shift_left3A_1783, %shift_right_arithmetic3A_1785 : vector<16xi32>
      %convert_element_type3A_1787 = arith.sitofp %shift_right_arithmetic3A_1786 : vector<16xi32> to vector<16xf32>
      %mul3A_1788 = vector.broadcast %select_n3A_1755 : f32 to vector<16xf32>
      %mul3A_1789 = arith.mulf %convert_element_type3A_1787, %mul3A_1788 : vector<16xf32>
      %add3A_1790 = arith.addf %add3A_1722, %mul3A_1789 : vector<16xf32>
      %sub3A_1791 = arith.constant 4 : i32
      %sub3A_1792 = arith.subi %sub3A_1791, %mul3A_1757 : i32
      %shift_left3A_1793 = vector.broadcast %sub3A_1792 : i32 to vector<16xi32>
      %shift_left3A_1794 = arith.shli %get3A_1739, %shift_left3A_1793 : vector<16xi32>
      %shift_right_arithmetic3A_1795 = arith.constant 28 : i32
      %shift_right_arithmetic3A_1796 = vector.broadcast %shift_right_arithmetic3A_1795 : i32 to vector<16xi32>
      %shift_right_arithmetic3A_1797 = arith.shrsi %shift_left3A_1794, %shift_right_arithmetic3A_1796 : vector<16xi32>
      %convert_element_type3A_1798 = arith.sitofp %shift_right_arithmetic3A_1797 : vector<16xi32> to vector<16xf32>
      %mul3A_1799 = vector.broadcast %select_n3A_1755 : f32 to vector<16xf32>
      %mul3A_1800 = arith.mulf %convert_element_type3A_1798, %mul3A_1799 : vector<16xf32>
      %add3A_1801 = arith.addf %add3A_1733, %mul3A_1800 : vector<16xf32>
      %get3A_1802 = arith.constant 25 : i32
      %get3A_1803 = arith.index_cast %and3A_74 : i32 to index
      %get3A_1804 = arith.index_cast %get3A_1802 : i32 to index
      %get3A_1805 = arith.constant 0 : index
      %get3A_1806 = tpu.vector_load %arg9[%get3A_1803, %get3A_1804, %get3A_1805] {strides = array<i32>} : memref<4x50x32xi32, #tpu.memory_space<vmem>>, vector<1x1x16xi32>,
      %get3A_1807 = vector.shape_cast %get3A_1806 : vector<1x1x16xi32> to vector<16xi32>
      %get3A_1808 = arith.constant 25 : i32
      %get3A_1809 = arith.index_cast %and3A_74 : i32 to index
      %get3A_1810 = arith.index_cast %get3A_1808 : i32 to index
      %get3A_1811 = arith.constant 16 : index
      %get3A_1812 = tpu.vector_load %arg9[%get3A_1809, %get3A_1810, %get3A_1811] {strides = array<i32>} : memref<4x50x32xi32, #tpu.memory_space<vmem>>, vector<1x1x16xi32>,
      %get3A_1813 = vector.shape_cast %get3A_1812 : vector<1x1x16xi32> to vector<16xi32>
      %bitcast_convert_type3A_1814 = tpu.bitcast %get3A_1813 : vector<16xi32> -> vector<16xf32>
      %slice3A_1815 = vector.extract_strided_slice %and3A_1189 {offsets = [9], sizes = [1], strides = [1]} : vector<16xi32> to vector<1xi32>
      %squeeze3A_1816 = vector.extract %slice3A_1815[0] : i32 from vector<1xi32>
      %eq3A_1817 = arith.constant 0 : i32
      %eq3A_1818 = arith.cmpi eq, %squeeze3A_1816, %eq3A_1817 : i32
      %slice3A_1819 = vector.extract_strided_slice %bitcast_convert_type3A_1814 {offsets = [0], sizes = [1], strides = [1]} : vector<16xf32> to vector<1xf32>
      %squeeze3A_1820 = vector.extract %slice3A_1819[0] : f32 from vector<1xf32>
      %slice3A_1821 = vector.extract_strided_slice %bitcast_convert_type3A_1814 {offsets = [1], sizes = [1], strides = [1]} : vector<16xf32> to vector<1xf32>
      %squeeze3A_1822 = vector.extract %slice3A_1821[0] : f32 from vector<1xf32>
      %select_n3A_1823 = arith.select %eq3A_1818, %squeeze3A_1820, %squeeze3A_1822 : f32
      %mul3A_1824 = arith.constant 4 : i32
      %mul3A_1825 = arith.muli %mul3A_1824, %squeeze3A_1816 : i32
      %sub3A_1826 = arith.constant 28 : i32
      %sub3A_1827 = arith.subi %sub3A_1826, %mul3A_1825 : i32
      %shift_left3A_1828 = vector.broadcast %sub3A_1827 : i32 to vector<16xi32>
      %shift_left3A_1829 = arith.shli %get3A_1807, %shift_left3A_1828 : vector<16xi32>
      %shift_right_arithmetic3A_1830 = arith.constant 28 : i32
      %shift_right_arithmetic3A_1831 = vector.broadcast %shift_right_arithmetic3A_1830 : i32 to vector<16xi32>
      %shift_right_arithmetic3A_1832 = arith.shrsi %shift_left3A_1829, %shift_right_arithmetic3A_1831 : vector<16xi32>
      %convert_element_type3A_1833 = arith.sitofp %shift_right_arithmetic3A_1832 : vector<16xi32> to vector<16xf32>
      %mul3A_1834 = vector.broadcast %select_n3A_1823 : f32 to vector<16xf32>
      %mul3A_1835 = arith.mulf %convert_element_type3A_1833, %mul3A_1834 : vector<16xf32>
      %add3A_1836 = arith.addf %add3A_1768, %mul3A_1835 : vector<16xf32>
      %sub3A_1837 = arith.constant 12 : i32
      %sub3A_1838 = arith.subi %sub3A_1837, %mul3A_1825 : i32
      %shift_left3A_1839 = vector.broadcast %sub3A_1838 : i32 to vector<16xi32>
      %shift_left3A_1840 = arith.shli %get3A_1807, %shift_left3A_1839 : vector<16xi32>
      %shift_right_arithmetic3A_1841 = arith.constant 28 : i32
      %shift_right_arithmetic3A_1842 = vector.broadcast %shift_right_arithmetic3A_1841 : i32 to vector<16xi32>
      %shift_right_arithmetic3A_1843 = arith.shrsi %shift_left3A_1840, %shift_right_arithmetic3A_1842 : vector<16xi32>
      %convert_element_type3A_1844 = arith.sitofp %shift_right_arithmetic3A_1843 : vector<16xi32> to vector<16xf32>
      %mul3A_1845 = vector.broadcast %select_n3A_1823 : f32 to vector<16xf32>
      %mul3A_1846 = arith.mulf %convert_element_type3A_1844, %mul3A_1845 : vector<16xf32>
      %add3A_1847 = arith.addf %add3A_1779, %mul3A_1846 : vector<16xf32>
      %sub3A_1848 = arith.constant 20 : i32
      %sub3A_1849 = arith.subi %sub3A_1848, %mul3A_1825 : i32
      %shift_left3A_1850 = vector.broadcast %sub3A_1849 : i32 to vector<16xi32>
      %shift_left3A_1851 = arith.shli %get3A_1807, %shift_left3A_1850 : vector<16xi32>
      %shift_right_arithmetic3A_1852 = arith.constant 28 : i32
      %shift_right_arithmetic3A_1853 = vector.broadcast %shift_right_arithmetic3A_1852 : i32 to vector<16xi32>
      %shift_right_arithmetic3A_1854 = arith.shrsi %shift_left3A_1851, %shift_right_arithmetic3A_1853 : vector<16xi32>
      %convert_element_type3A_1855 = arith.sitofp %shift_right_arithmetic3A_1854 : vector<16xi32> to vector<16xf32>
      %mul3A_1856 = vector.broadcast %select_n3A_1823 : f32 to vector<16xf32>
      %mul3A_1857 = arith.mulf %convert_element_type3A_1855, %mul3A_1856 : vector<16xf32>
      %add3A_1858 = arith.addf %add3A_1790, %mul3A_1857 : vector<16xf32>
      %sub3A_1859 = arith.constant 4 : i32
      %sub3A_1860 = arith.subi %sub3A_1859, %mul3A_1825 : i32
      %shift_left3A_1861 = vector.broadcast %sub3A_1860 : i32 to vector<16xi32>
      %shift_left3A_1862 = arith.shli %get3A_1807, %shift_left3A_1861 : vector<16xi32>
      %shift_right_arithmetic3A_1863 = arith.constant 28 : i32
      %shift_right_arithmetic3A_1864 = vector.broadcast %shift_right_arithmetic3A_1863 : i32 to vector<16xi32>
      %shift_right_arithmetic3A_1865 = arith.shrsi %shift_left3A_1862, %shift_right_arithmetic3A_1864 : vector<16xi32>
      %convert_element_type3A_1866 = arith.sitofp %shift_right_arithmetic3A_1865 : vector<16xi32> to vector<16xf32>
      %mul3A_1867 = vector.broadcast %select_n3A_1823 : f32 to vector<16xf32>
      %mul3A_1868 = arith.mulf %convert_element_type3A_1866, %mul3A_1867 : vector<16xf32>
      %add3A_1869 = arith.addf %add3A_1801, %mul3A_1868 : vector<16xf32>
      %get3A_1870 = arith.constant 26 : i32
      %get3A_1871 = arith.index_cast %and3A_74 : i32 to index
      %get3A_1872 = arith.index_cast %get3A_1870 : i32 to index
      %get3A_1873 = arith.constant 0 : index
      %get3A_1874 = tpu.vector_load %arg9[%get3A_1871, %get3A_1872, %get3A_1873] {strides = array<i32>} : memref<4x50x32xi32, #tpu.memory_space<vmem>>, vector<1x1x16xi32>,
      %get3A_1875 = vector.shape_cast %get3A_1874 : vector<1x1x16xi32> to vector<16xi32>
      %get3A_1876 = arith.constant 26 : i32
      %get3A_1877 = arith.index_cast %and3A_74 : i32 to index
      %get3A_1878 = arith.index_cast %get3A_1876 : i32 to index
      %get3A_1879 = arith.constant 16 : index
      %get3A_1880 = tpu.vector_load %arg9[%get3A_1877, %get3A_1878, %get3A_1879] {strides = array<i32>} : memref<4x50x32xi32, #tpu.memory_space<vmem>>, vector<1x1x16xi32>,
      %get3A_1881 = vector.shape_cast %get3A_1880 : vector<1x1x16xi32> to vector<16xi32>
      %bitcast_convert_type3A_1882 = tpu.bitcast %get3A_1881 : vector<16xi32> -> vector<16xf32>
      %slice3A_1883 = vector.extract_strided_slice %and3A_1189 {offsets = [10], sizes = [1], strides = [1]} : vector<16xi32> to vector<1xi32>
      %squeeze3A_1884 = vector.extract %slice3A_1883[0] : i32 from vector<1xi32>
      %eq3A_1885 = arith.constant 0 : i32
      %eq3A_1886 = arith.cmpi eq, %squeeze3A_1884, %eq3A_1885 : i32
      %slice3A_1887 = vector.extract_strided_slice %bitcast_convert_type3A_1882 {offsets = [0], sizes = [1], strides = [1]} : vector<16xf32> to vector<1xf32>
      %squeeze3A_1888 = vector.extract %slice3A_1887[0] : f32 from vector<1xf32>
      %slice3A_1889 = vector.extract_strided_slice %bitcast_convert_type3A_1882 {offsets = [1], sizes = [1], strides = [1]} : vector<16xf32> to vector<1xf32>
      %squeeze3A_1890 = vector.extract %slice3A_1889[0] : f32 from vector<1xf32>
      %select_n3A_1891 = arith.select %eq3A_1886, %squeeze3A_1888, %squeeze3A_1890 : f32
      %mul3A_1892 = arith.constant 4 : i32
      %mul3A_1893 = arith.muli %mul3A_1892, %squeeze3A_1884 : i32
      %sub3A_1894 = arith.constant 28 : i32
      %sub3A_1895 = arith.subi %sub3A_1894, %mul3A_1893 : i32
      %shift_left3A_1896 = vector.broadcast %sub3A_1895 : i32 to vector<16xi32>
      %shift_left3A_1897 = arith.shli %get3A_1875, %shift_left3A_1896 : vector<16xi32>
      %shift_right_arithmetic3A_1898 = arith.constant 28 : i32
      %shift_right_arithmetic3A_1899 = vector.broadcast %shift_right_arithmetic3A_1898 : i32 to vector<16xi32>
      %shift_right_arithmetic3A_1900 = arith.shrsi %shift_left3A_1897, %shift_right_arithmetic3A_1899 : vector<16xi32>
      %convert_element_type3A_1901 = arith.sitofp %shift_right_arithmetic3A_1900 : vector<16xi32> to vector<16xf32>
      %mul3A_1902 = vector.broadcast %select_n3A_1891 : f32 to vector<16xf32>
      %mul3A_1903 = arith.mulf %convert_element_type3A_1901, %mul3A_1902 : vector<16xf32>
      %add3A_1904 = arith.addf %add3A_1836, %mul3A_1903 : vector<16xf32>
      %sub3A_1905 = arith.constant 12 : i32
      %sub3A_1906 = arith.subi %sub3A_1905, %mul3A_1893 : i32
      %shift_left3A_1907 = vector.broadcast %sub3A_1906 : i32 to vector<16xi32>
      %shift_left3A_1908 = arith.shli %get3A_1875, %shift_left3A_1907 : vector<16xi32>
      %shift_right_arithmetic3A_1909 = arith.constant 28 : i32
      %shift_right_arithmetic3A_1910 = vector.broadcast %shift_right_arithmetic3A_1909 : i32 to vector<16xi32>
      %shift_right_arithmetic3A_1911 = arith.shrsi %shift_left3A_1908, %shift_right_arithmetic3A_1910 : vector<16xi32>
      %convert_element_type3A_1912 = arith.sitofp %shift_right_arithmetic3A_1911 : vector<16xi32> to vector<16xf32>
      %mul3A_1913 = vector.broadcast %select_n3A_1891 : f32 to vector<16xf32>
      %mul3A_1914 = arith.mulf %convert_element_type3A_1912, %mul3A_1913 : vector<16xf32>
      %add3A_1915 = arith.addf %add3A_1847, %mul3A_1914 : vector<16xf32>
      %sub3A_1916 = arith.constant 20 : i32
      %sub3A_1917 = arith.subi %sub3A_1916, %mul3A_1893 : i32
      %shift_left3A_1918 = vector.broadcast %sub3A_1917 : i32 to vector<16xi32>
      %shift_left3A_1919 = arith.shli %get3A_1875, %shift_left3A_1918 : vector<16xi32>
      %shift_right_arithmetic3A_1920 = arith.constant 28 : i32
      %shift_right_arithmetic3A_1921 = vector.broadcast %shift_right_arithmetic3A_1920 : i32 to vector<16xi32>
      %shift_right_arithmetic3A_1922 = arith.shrsi %shift_left3A_1919, %shift_right_arithmetic3A_1921 : vector<16xi32>
      %convert_element_type3A_1923 = arith.sitofp %shift_right_arithmetic3A_1922 : vector<16xi32> to vector<16xf32>
      %mul3A_1924 = vector.broadcast %select_n3A_1891 : f32 to vector<16xf32>
      %mul3A_1925 = arith.mulf %convert_element_type3A_1923, %mul3A_1924 : vector<16xf32>
      %add3A_1926 = arith.addf %add3A_1858, %mul3A_1925 : vector<16xf32>
      %sub3A_1927 = arith.constant 4 : i32
      %sub3A_1928 = arith.subi %sub3A_1927, %mul3A_1893 : i32
      %shift_left3A_1929 = vector.broadcast %sub3A_1928 : i32 to vector<16xi32>
      %shift_left3A_1930 = arith.shli %get3A_1875, %shift_left3A_1929 : vector<16xi32>
      %shift_right_arithmetic3A_1931 = arith.constant 28 : i32
      %shift_right_arithmetic3A_1932 = vector.broadcast %shift_right_arithmetic3A_1931 : i32 to vector<16xi32>
      %shift_right_arithmetic3A_1933 = arith.shrsi %shift_left3A_1930, %shift_right_arithmetic3A_1932 : vector<16xi32>
      %convert_element_type3A_1934 = arith.sitofp %shift_right_arithmetic3A_1933 : vector<16xi32> to vector<16xf32>
      %mul3A_1935 = vector.broadcast %select_n3A_1891 : f32 to vector<16xf32>
      %mul3A_1936 = arith.mulf %convert_element_type3A_1934, %mul3A_1935 : vector<16xf32>
      %add3A_1937 = arith.addf %add3A_1869, %mul3A_1936 : vector<16xf32>
      %get3A_1938 = arith.constant 27 : i32
      %get3A_1939 = arith.index_cast %and3A_74 : i32 to index
      %get3A_1940 = arith.index_cast %get3A_1938 : i32 to index
      %get3A_1941 = arith.constant 0 : index
      %get3A_1942 = tpu.vector_load %arg9[%get3A_1939, %get3A_1940, %get3A_1941] {strides = array<i32>} : memref<4x50x32xi32, #tpu.memory_space<vmem>>, vector<1x1x16xi32>,
      %get3A_1943 = vector.shape_cast %get3A_1942 : vector<1x1x16xi32> to vector<16xi32>
      %get3A_1944 = arith.constant 27 : i32
      %get3A_1945 = arith.index_cast %and3A_74 : i32 to index
      %get3A_1946 = arith.index_cast %get3A_1944 : i32 to index
      %get3A_1947 = arith.constant 16 : index
      %get3A_1948 = tpu.vector_load %arg9[%get3A_1945, %get3A_1946, %get3A_1947] {strides = array<i32>} : memref<4x50x32xi32, #tpu.memory_space<vmem>>, vector<1x1x16xi32>,
      %get3A_1949 = vector.shape_cast %get3A_1948 : vector<1x1x16xi32> to vector<16xi32>
      %bitcast_convert_type3A_1950 = tpu.bitcast %get3A_1949 : vector<16xi32> -> vector<16xf32>
      %slice3A_1951 = vector.extract_strided_slice %and3A_1189 {offsets = [11], sizes = [1], strides = [1]} : vector<16xi32> to vector<1xi32>
      %squeeze3A_1952 = vector.extract %slice3A_1951[0] : i32 from vector<1xi32>
      %eq3A_1953 = arith.constant 0 : i32
      %eq3A_1954 = arith.cmpi eq, %squeeze3A_1952, %eq3A_1953 : i32
      %slice3A_1955 = vector.extract_strided_slice %bitcast_convert_type3A_1950 {offsets = [0], sizes = [1], strides = [1]} : vector<16xf32> to vector<1xf32>
      %squeeze3A_1956 = vector.extract %slice3A_1955[0] : f32 from vector<1xf32>
      %slice3A_1957 = vector.extract_strided_slice %bitcast_convert_type3A_1950 {offsets = [1], sizes = [1], strides = [1]} : vector<16xf32> to vector<1xf32>
      %squeeze3A_1958 = vector.extract %slice3A_1957[0] : f32 from vector<1xf32>
      %select_n3A_1959 = arith.select %eq3A_1954, %squeeze3A_1956, %squeeze3A_1958 : f32
      %mul3A_1960 = arith.constant 4 : i32
      %mul3A_1961 = arith.muli %mul3A_1960, %squeeze3A_1952 : i32
      %sub3A_1962 = arith.constant 28 : i32
      %sub3A_1963 = arith.subi %sub3A_1962, %mul3A_1961 : i32
      %shift_left3A_1964 = vector.broadcast %sub3A_1963 : i32 to vector<16xi32>
      %shift_left3A_1965 = arith.shli %get3A_1943, %shift_left3A_1964 : vector<16xi32>
      %shift_right_arithmetic3A_1966 = arith.constant 28 : i32
      %shift_right_arithmetic3A_1967 = vector.broadcast %shift_right_arithmetic3A_1966 : i32 to vector<16xi32>
      %shift_right_arithmetic3A_1968 = arith.shrsi %shift_left3A_1965, %shift_right_arithmetic3A_1967 : vector<16xi32>
      %convert_element_type3A_1969 = arith.sitofp %shift_right_arithmetic3A_1968 : vector<16xi32> to vector<16xf32>
      %mul3A_1970 = vector.broadcast %select_n3A_1959 : f32 to vector<16xf32>
      %mul3A_1971 = arith.mulf %convert_element_type3A_1969, %mul3A_1970 : vector<16xf32>
      %add3A_1972 = arith.addf %add3A_1904, %mul3A_1971 : vector<16xf32>
      %sub3A_1973 = arith.constant 12 : i32
      %sub3A_1974 = arith.subi %sub3A_1973, %mul3A_1961 : i32
      %shift_left3A_1975 = vector.broadcast %sub3A_1974 : i32 to vector<16xi32>
      %shift_left3A_1976 = arith.shli %get3A_1943, %shift_left3A_1975 : vector<16xi32>
      %shift_right_arithmetic3A_1977 = arith.constant 28 : i32
      %shift_right_arithmetic3A_1978 = vector.broadcast %shift_right_arithmetic3A_1977 : i32 to vector<16xi32>
      %shift_right_arithmetic3A_1979 = arith.shrsi %shift_left3A_1976, %shift_right_arithmetic3A_1978 : vector<16xi32>
      %convert_element_type3A_1980 = arith.sitofp %shift_right_arithmetic3A_1979 : vector<16xi32> to vector<16xf32>
      %mul3A_1981 = vector.broadcast %select_n3A_1959 : f32 to vector<16xf32>
      %mul3A_1982 = arith.mulf %convert_element_type3A_1980, %mul3A_1981 : vector<16xf32>
      %add3A_1983 = arith.addf %add3A_1915, %mul3A_1982 : vector<16xf32>
      %sub3A_1984 = arith.constant 20 : i32
      %sub3A_1985 = arith.subi %sub3A_1984, %mul3A_1961 : i32
      %shift_left3A_1986 = vector.broadcast %sub3A_1985 : i32 to vector<16xi32>
      %shift_left3A_1987 = arith.shli %get3A_1943, %shift_left3A_1986 : vector<16xi32>
      %shift_right_arithmetic3A_1988 = arith.constant 28 : i32
      %shift_right_arithmetic3A_1989 = vector.broadcast %shift_right_arithmetic3A_1988 : i32 to vector<16xi32>
      %shift_right_arithmetic3A_1990 = arith.shrsi %shift_left3A_1987, %shift_right_arithmetic3A_1989 : vector<16xi32>
      %convert_element_type3A_1991 = arith.sitofp %shift_right_arithmetic3A_1990 : vector<16xi32> to vector<16xf32>
      %mul3A_1992 = vector.broadcast %select_n3A_1959 : f32 to vector<16xf32>
      %mul3A_1993 = arith.mulf %convert_element_type3A_1991, %mul3A_1992 : vector<16xf32>
      %add3A_1994 = arith.addf %add3A_1926, %mul3A_1993 : vector<16xf32>
      %sub3A_1995 = arith.constant 4 : i32
      %sub3A_1996 = arith.subi %sub3A_1995, %mul3A_1961 : i32
      %shift_left3A_1997 = vector.broadcast %sub3A_1996 : i32 to vector<16xi32>
      %shift_left3A_1998 = arith.shli %get3A_1943, %shift_left3A_1997 : vector<16xi32>
      %shift_right_arithmetic3A_1999 = arith.constant 28 : i32
      %shift_right_arithmetic3A_2000 = vector.broadcast %shift_right_arithmetic3A_1999 : i32 to vector<16xi32>
      %shift_right_arithmetic3A_2001 = arith.shrsi %shift_left3A_1998, %shift_right_arithmetic3A_2000 : vector<16xi32>
      %convert_element_type3A_2002 = arith.sitofp %shift_right_arithmetic3A_2001 : vector<16xi32> to vector<16xf32>
      %mul3A_2003 = vector.broadcast %select_n3A_1959 : f32 to vector<16xf32>
      %mul3A_2004 = arith.mulf %convert_element_type3A_2002, %mul3A_2003 : vector<16xf32>
      %add3A_2005 = arith.addf %add3A_1937, %mul3A_2004 : vector<16xf32>
      %get3A_2006 = arith.constant 28 : i32
      %get3A_2007 = arith.index_cast %and3A_74 : i32 to index
      %get3A_2008 = arith.index_cast %get3A_2006 : i32 to index
      %get3A_2009 = arith.constant 0 : index
      %get3A_2010 = tpu.vector_load %arg9[%get3A_2007, %get3A_2008, %get3A_2009] {strides = array<i32>} : memref<4x50x32xi32, #tpu.memory_space<vmem>>, vector<1x1x16xi32>,
      %get3A_2011 = vector.shape_cast %get3A_2010 : vector<1x1x16xi32> to vector<16xi32>
      %get3A_2012 = arith.constant 28 : i32
      %get3A_2013 = arith.index_cast %and3A_74 : i32 to index
      %get3A_2014 = arith.index_cast %get3A_2012 : i32 to index
      %get3A_2015 = arith.constant 16 : index
      %get3A_2016 = tpu.vector_load %arg9[%get3A_2013, %get3A_2014, %get3A_2015] {strides = array<i32>} : memref<4x50x32xi32, #tpu.memory_space<vmem>>, vector<1x1x16xi32>,
      %get3A_2017 = vector.shape_cast %get3A_2016 : vector<1x1x16xi32> to vector<16xi32>
      %bitcast_convert_type3A_2018 = tpu.bitcast %get3A_2017 : vector<16xi32> -> vector<16xf32>
      %slice3A_2019 = vector.extract_strided_slice %and3A_1189 {offsets = [12], sizes = [1], strides = [1]} : vector<16xi32> to vector<1xi32>
      %squeeze3A_2020 = vector.extract %slice3A_2019[0] : i32 from vector<1xi32>
      %eq3A_2021 = arith.constant 0 : i32
      %eq3A_2022 = arith.cmpi eq, %squeeze3A_2020, %eq3A_2021 : i32
      %slice3A_2023 = vector.extract_strided_slice %bitcast_convert_type3A_2018 {offsets = [0], sizes = [1], strides = [1]} : vector<16xf32> to vector<1xf32>
      %squeeze3A_2024 = vector.extract %slice3A_2023[0] : f32 from vector<1xf32>
      %slice3A_2025 = vector.extract_strided_slice %bitcast_convert_type3A_2018 {offsets = [1], sizes = [1], strides = [1]} : vector<16xf32> to vector<1xf32>
      %squeeze3A_2026 = vector.extract %slice3A_2025[0] : f32 from vector<1xf32>
      %select_n3A_2027 = arith.select %eq3A_2022, %squeeze3A_2024, %squeeze3A_2026 : f32
      %mul3A_2028 = arith.constant 4 : i32
      %mul3A_2029 = arith.muli %mul3A_2028, %squeeze3A_2020 : i32
      %sub3A_2030 = arith.constant 28 : i32
      %sub3A_2031 = arith.subi %sub3A_2030, %mul3A_2029 : i32
      %shift_left3A_2032 = vector.broadcast %sub3A_2031 : i32 to vector<16xi32>
      %shift_left3A_2033 = arith.shli %get3A_2011, %shift_left3A_2032 : vector<16xi32>
      %shift_right_arithmetic3A_2034 = arith.constant 28 : i32
      %shift_right_arithmetic3A_2035 = vector.broadcast %shift_right_arithmetic3A_2034 : i32 to vector<16xi32>
      %shift_right_arithmetic3A_2036 = arith.shrsi %shift_left3A_2033, %shift_right_arithmetic3A_2035 : vector<16xi32>
      %convert_element_type3A_2037 = arith.sitofp %shift_right_arithmetic3A_2036 : vector<16xi32> to vector<16xf32>
      %mul3A_2038 = vector.broadcast %select_n3A_2027 : f32 to vector<16xf32>
      %mul3A_2039 = arith.mulf %convert_element_type3A_2037, %mul3A_2038 : vector<16xf32>
      %add3A_2040 = arith.addf %add3A_1972, %mul3A_2039 : vector<16xf32>
      %sub3A_2041 = arith.constant 12 : i32
      %sub3A_2042 = arith.subi %sub3A_2041, %mul3A_2029 : i32
      %shift_left3A_2043 = vector.broadcast %sub3A_2042 : i32 to vector<16xi32>
      %shift_left3A_2044 = arith.shli %get3A_2011, %shift_left3A_2043 : vector<16xi32>
      %shift_right_arithmetic3A_2045 = arith.constant 28 : i32
      %shift_right_arithmetic3A_2046 = vector.broadcast %shift_right_arithmetic3A_2045 : i32 to vector<16xi32>
      %shift_right_arithmetic3A_2047 = arith.shrsi %shift_left3A_2044, %shift_right_arithmetic3A_2046 : vector<16xi32>
      %convert_element_type3A_2048 = arith.sitofp %shift_right_arithmetic3A_2047 : vector<16xi32> to vector<16xf32>
      %mul3A_2049 = vector.broadcast %select_n3A_2027 : f32 to vector<16xf32>
      %mul3A_2050 = arith.mulf %convert_element_type3A_2048, %mul3A_2049 : vector<16xf32>
      %add3A_2051 = arith.addf %add3A_1983, %mul3A_2050 : vector<16xf32>
      %sub3A_2052 = arith.constant 20 : i32
      %sub3A_2053 = arith.subi %sub3A_2052, %mul3A_2029 : i32
      %shift_left3A_2054 = vector.broadcast %sub3A_2053 : i32 to vector<16xi32>
      %shift_left3A_2055 = arith.shli %get3A_2011, %shift_left3A_2054 : vector<16xi32>
      %shift_right_arithmetic3A_2056 = arith.constant 28 : i32
      %shift_right_arithmetic3A_2057 = vector.broadcast %shift_right_arithmetic3A_2056 : i32 to vector<16xi32>
      %shift_right_arithmetic3A_2058 = arith.shrsi %shift_left3A_2055, %shift_right_arithmetic3A_2057 : vector<16xi32>
      %convert_element_type3A_2059 = arith.sitofp %shift_right_arithmetic3A_2058 : vector<16xi32> to vector<16xf32>
      %mul3A_2060 = vector.broadcast %select_n3A_2027 : f32 to vector<16xf32>
      %mul3A_2061 = arith.mulf %convert_element_type3A_2059, %mul3A_2060 : vector<16xf32>
      %add3A_2062 = arith.addf %add3A_1994, %mul3A_2061 : vector<16xf32>
      %sub3A_2063 = arith.constant 4 : i32
      %sub3A_2064 = arith.subi %sub3A_2063, %mul3A_2029 : i32
      %shift_left3A_2065 = vector.broadcast %sub3A_2064 : i32 to vector<16xi32>
      %shift_left3A_2066 = arith.shli %get3A_2011, %shift_left3A_2065 : vector<16xi32>
      %shift_right_arithmetic3A_2067 = arith.constant 28 : i32
      %shift_right_arithmetic3A_2068 = vector.broadcast %shift_right_arithmetic3A_2067 : i32 to vector<16xi32>
      %shift_right_arithmetic3A_2069 = arith.shrsi %shift_left3A_2066, %shift_right_arithmetic3A_2068 : vector<16xi32>
      %convert_element_type3A_2070 = arith.sitofp %shift_right_arithmetic3A_2069 : vector<16xi32> to vector<16xf32>
      %mul3A_2071 = vector.broadcast %select_n3A_2027 : f32 to vector<16xf32>
      %mul3A_2072 = arith.mulf %convert_element_type3A_2070, %mul3A_2071 : vector<16xf32>
      %add3A_2073 = arith.addf %add3A_2005, %mul3A_2072 : vector<16xf32>
      %get3A_2074 = arith.constant 29 : i32
      %get3A_2075 = arith.index_cast %and3A_74 : i32 to index
      %get3A_2076 = arith.index_cast %get3A_2074 : i32 to index
      %get3A_2077 = arith.constant 0 : index
      %get3A_2078 = tpu.vector_load %arg9[%get3A_2075, %get3A_2076, %get3A_2077] {strides = array<i32>} : memref<4x50x32xi32, #tpu.memory_space<vmem>>, vector<1x1x16xi32>,
      %get3A_2079 = vector.shape_cast %get3A_2078 : vector<1x1x16xi32> to vector<16xi32>
      %get3A_2080 = arith.constant 29 : i32
      %get3A_2081 = arith.index_cast %and3A_74 : i32 to index
      %get3A_2082 = arith.index_cast %get3A_2080 : i32 to index
      %get3A_2083 = arith.constant 16 : index
      %get3A_2084 = tpu.vector_load %arg9[%get3A_2081, %get3A_2082, %get3A_2083] {strides = array<i32>} : memref<4x50x32xi32, #tpu.memory_space<vmem>>, vector<1x1x16xi32>,
      %get3A_2085 = vector.shape_cast %get3A_2084 : vector<1x1x16xi32> to vector<16xi32>
      %bitcast_convert_type3A_2086 = tpu.bitcast %get3A_2085 : vector<16xi32> -> vector<16xf32>
      %slice3A_2087 = vector.extract_strided_slice %and3A_1189 {offsets = [13], sizes = [1], strides = [1]} : vector<16xi32> to vector<1xi32>
      %squeeze3A_2088 = vector.extract %slice3A_2087[0] : i32 from vector<1xi32>
      %eq3A_2089 = arith.constant 0 : i32
      %eq3A_2090 = arith.cmpi eq, %squeeze3A_2088, %eq3A_2089 : i32
      %slice3A_2091 = vector.extract_strided_slice %bitcast_convert_type3A_2086 {offsets = [0], sizes = [1], strides = [1]} : vector<16xf32> to vector<1xf32>
      %squeeze3A_2092 = vector.extract %slice3A_2091[0] : f32 from vector<1xf32>
      %slice3A_2093 = vector.extract_strided_slice %bitcast_convert_type3A_2086 {offsets = [1], sizes = [1], strides = [1]} : vector<16xf32> to vector<1xf32>
      %squeeze3A_2094 = vector.extract %slice3A_2093[0] : f32 from vector<1xf32>
      %select_n3A_2095 = arith.select %eq3A_2090, %squeeze3A_2092, %squeeze3A_2094 : f32
      %mul3A_2096 = arith.constant 4 : i32
      %mul3A_2097 = arith.muli %mul3A_2096, %squeeze3A_2088 : i32
      %sub3A_2098 = arith.constant 28 : i32
      %sub3A_2099 = arith.subi %sub3A_2098, %mul3A_2097 : i32
      %shift_left3A_2100 = vector.broadcast %sub3A_2099 : i32 to vector<16xi32>
      %shift_left3A_2101 = arith.shli %get3A_2079, %shift_left3A_2100 : vector<16xi32>
      %shift_right_arithmetic3A_2102 = arith.constant 28 : i32
      %shift_right_arithmetic3A_2103 = vector.broadcast %shift_right_arithmetic3A_2102 : i32 to vector<16xi32>
      %shift_right_arithmetic3A_2104 = arith.shrsi %shift_left3A_2101, %shift_right_arithmetic3A_2103 : vector<16xi32>
      %convert_element_type3A_2105 = arith.sitofp %shift_right_arithmetic3A_2104 : vector<16xi32> to vector<16xf32>
      %mul3A_2106 = vector.broadcast %select_n3A_2095 : f32 to vector<16xf32>
      %mul3A_2107 = arith.mulf %convert_element_type3A_2105, %mul3A_2106 : vector<16xf32>
      %add3A_2108 = arith.addf %add3A_2040, %mul3A_2107 : vector<16xf32>
      %sub3A_2109 = arith.constant 12 : i32
      %sub3A_2110 = arith.subi %sub3A_2109, %mul3A_2097 : i32
      %shift_left3A_2111 = vector.broadcast %sub3A_2110 : i32 to vector<16xi32>
      %shift_left3A_2112 = arith.shli %get3A_2079, %shift_left3A_2111 : vector<16xi32>
      %shift_right_arithmetic3A_2113 = arith.constant 28 : i32
      %shift_right_arithmetic3A_2114 = vector.broadcast %shift_right_arithmetic3A_2113 : i32 to vector<16xi32>
      %shift_right_arithmetic3A_2115 = arith.shrsi %shift_left3A_2112, %shift_right_arithmetic3A_2114 : vector<16xi32>
      %convert_element_type3A_2116 = arith.sitofp %shift_right_arithmetic3A_2115 : vector<16xi32> to vector<16xf32>
      %mul3A_2117 = vector.broadcast %select_n3A_2095 : f32 to vector<16xf32>
      %mul3A_2118 = arith.mulf %convert_element_type3A_2116, %mul3A_2117 : vector<16xf32>
      %add3A_2119 = arith.addf %add3A_2051, %mul3A_2118 : vector<16xf32>
      %sub3A_2120 = arith.constant 20 : i32
      %sub3A_2121 = arith.subi %sub3A_2120, %mul3A_2097 : i32
      %shift_left3A_2122 = vector.broadcast %sub3A_2121 : i32 to vector<16xi32>
      %shift_left3A_2123 = arith.shli %get3A_2079, %shift_left3A_2122 : vector<16xi32>
      %shift_right_arithmetic3A_2124 = arith.constant 28 : i32
      %shift_right_arithmetic3A_2125 = vector.broadcast %shift_right_arithmetic3A_2124 : i32 to vector<16xi32>
      %shift_right_arithmetic3A_2126 = arith.shrsi %shift_left3A_2123, %shift_right_arithmetic3A_2125 : vector<16xi32>
      %convert_element_type3A_2127 = arith.sitofp %shift_right_arithmetic3A_2126 : vector<16xi32> to vector<16xf32>
      %mul3A_2128 = vector.broadcast %select_n3A_2095 : f32 to vector<16xf32>
      %mul3A_2129 = arith.mulf %convert_element_type3A_2127, %mul3A_2128 : vector<16xf32>
      %add3A_2130 = arith.addf %add3A_2062, %mul3A_2129 : vector<16xf32>
      %sub3A_2131 = arith.constant 4 : i32
      %sub3A_2132 = arith.subi %sub3A_2131, %mul3A_2097 : i32
      %shift_left3A_2133 = vector.broadcast %sub3A_2132 : i32 to vector<16xi32>
      %shift_left3A_2134 = arith.shli %get3A_2079, %shift_left3A_2133 : vector<16xi32>
      %shift_right_arithmetic3A_2135 = arith.constant 28 : i32
      %shift_right_arithmetic3A_2136 = vector.broadcast %shift_right_arithmetic3A_2135 : i32 to vector<16xi32>
      %shift_right_arithmetic3A_2137 = arith.shrsi %shift_left3A_2134, %shift_right_arithmetic3A_2136 : vector<16xi32>
      %convert_element_type3A_2138 = arith.sitofp %shift_right_arithmetic3A_2137 : vector<16xi32> to vector<16xf32>
      %mul3A_2139 = vector.broadcast %select_n3A_2095 : f32 to vector<16xf32>
      %mul3A_2140 = arith.mulf %convert_element_type3A_2138, %mul3A_2139 : vector<16xf32>
      %add3A_2141 = arith.addf %add3A_2073, %mul3A_2140 : vector<16xf32>
      %get3A_2142 = arith.constant 30 : i32
      %get3A_2143 = arith.index_cast %and3A_74 : i32 to index
      %get3A_2144 = arith.index_cast %get3A_2142 : i32 to index
      %get3A_2145 = arith.constant 0 : index
      %get3A_2146 = tpu.vector_load %arg9[%get3A_2143, %get3A_2144, %get3A_2145] {strides = array<i32>} : memref<4x50x32xi32, #tpu.memory_space<vmem>>, vector<1x1x16xi32>,
      %get3A_2147 = vector.shape_cast %get3A_2146 : vector<1x1x16xi32> to vector<16xi32>
      %get3A_2148 = arith.constant 30 : i32
      %get3A_2149 = arith.index_cast %and3A_74 : i32 to index
      %get3A_2150 = arith.index_cast %get3A_2148 : i32 to index
      %get3A_2151 = arith.constant 16 : index
      %get3A_2152 = tpu.vector_load %arg9[%get3A_2149, %get3A_2150, %get3A_2151] {strides = array<i32>} : memref<4x50x32xi32, #tpu.memory_space<vmem>>, vector<1x1x16xi32>,
      %get3A_2153 = vector.shape_cast %get3A_2152 : vector<1x1x16xi32> to vector<16xi32>
      %bitcast_convert_type3A_2154 = tpu.bitcast %get3A_2153 : vector<16xi32> -> vector<16xf32>
      %slice3A_2155 = vector.extract_strided_slice %and3A_1189 {offsets = [14], sizes = [1], strides = [1]} : vector<16xi32> to vector<1xi32>
      %squeeze3A_2156 = vector.extract %slice3A_2155[0] : i32 from vector<1xi32>
      %eq3A_2157 = arith.constant 0 : i32
      %eq3A_2158 = arith.cmpi eq, %squeeze3A_2156, %eq3A_2157 : i32
      %slice3A_2159 = vector.extract_strided_slice %bitcast_convert_type3A_2154 {offsets = [0], sizes = [1], strides = [1]} : vector<16xf32> to vector<1xf32>
      %squeeze3A_2160 = vector.extract %slice3A_2159[0] : f32 from vector<1xf32>
      %slice3A_2161 = vector.extract_strided_slice %bitcast_convert_type3A_2154 {offsets = [1], sizes = [1], strides = [1]} : vector<16xf32> to vector<1xf32>
      %squeeze3A_2162 = vector.extract %slice3A_2161[0] : f32 from vector<1xf32>
      %select_n3A_2163 = arith.select %eq3A_2158, %squeeze3A_2160, %squeeze3A_2162 : f32
      %mul3A_2164 = arith.constant 4 : i32
      %mul3A_2165 = arith.muli %mul3A_2164, %squeeze3A_2156 : i32
      %sub3A_2166 = arith.constant 28 : i32
      %sub3A_2167 = arith.subi %sub3A_2166, %mul3A_2165 : i32
      %shift_left3A_2168 = vector.broadcast %sub3A_2167 : i32 to vector<16xi32>
      %shift_left3A_2169 = arith.shli %get3A_2147, %shift_left3A_2168 : vector<16xi32>
      %shift_right_arithmetic3A_2170 = arith.constant 28 : i32
      %shift_right_arithmetic3A_2171 = vector.broadcast %shift_right_arithmetic3A_2170 : i32 to vector<16xi32>
      %shift_right_arithmetic3A_2172 = arith.shrsi %shift_left3A_2169, %shift_right_arithmetic3A_2171 : vector<16xi32>
      %convert_element_type3A_2173 = arith.sitofp %shift_right_arithmetic3A_2172 : vector<16xi32> to vector<16xf32>
      %mul3A_2174 = vector.broadcast %select_n3A_2163 : f32 to vector<16xf32>
      %mul3A_2175 = arith.mulf %convert_element_type3A_2173, %mul3A_2174 : vector<16xf32>
      %add3A_2176 = arith.addf %add3A_2108, %mul3A_2175 : vector<16xf32>
      %sub3A_2177 = arith.constant 12 : i32
      %sub3A_2178 = arith.subi %sub3A_2177, %mul3A_2165 : i32
      %shift_left3A_2179 = vector.broadcast %sub3A_2178 : i32 to vector<16xi32>
      %shift_left3A_2180 = arith.shli %get3A_2147, %shift_left3A_2179 : vector<16xi32>
      %shift_right_arithmetic3A_2181 = arith.constant 28 : i32
      %shift_right_arithmetic3A_2182 = vector.broadcast %shift_right_arithmetic3A_2181 : i32 to vector<16xi32>
      %shift_right_arithmetic3A_2183 = arith.shrsi %shift_left3A_2180, %shift_right_arithmetic3A_2182 : vector<16xi32>
      %convert_element_type3A_2184 = arith.sitofp %shift_right_arithmetic3A_2183 : vector<16xi32> to vector<16xf32>
      %mul3A_2185 = vector.broadcast %select_n3A_2163 : f32 to vector<16xf32>
      %mul3A_2186 = arith.mulf %convert_element_type3A_2184, %mul3A_2185 : vector<16xf32>
      %add3A_2187 = arith.addf %add3A_2119, %mul3A_2186 : vector<16xf32>
      %sub3A_2188 = arith.constant 20 : i32
      %sub3A_2189 = arith.subi %sub3A_2188, %mul3A_2165 : i32
      %shift_left3A_2190 = vector.broadcast %sub3A_2189 : i32 to vector<16xi32>
      %shift_left3A_2191 = arith.shli %get3A_2147, %shift_left3A_2190 : vector<16xi32>
      %shift_right_arithmetic3A_2192 = arith.constant 28 : i32
      %shift_right_arithmetic3A_2193 = vector.broadcast %shift_right_arithmetic3A_2192 : i32 to vector<16xi32>
      %shift_right_arithmetic3A_2194 = arith.shrsi %shift_left3A_2191, %shift_right_arithmetic3A_2193 : vector<16xi32>
      %convert_element_type3A_2195 = arith.sitofp %shift_right_arithmetic3A_2194 : vector<16xi32> to vector<16xf32>
      %mul3A_2196 = vector.broadcast %select_n3A_2163 : f32 to vector<16xf32>
      %mul3A_2197 = arith.mulf %convert_element_type3A_2195, %mul3A_2196 : vector<16xf32>
      %add3A_2198 = arith.addf %add3A_2130, %mul3A_2197 : vector<16xf32>
      %sub3A_2199 = arith.constant 4 : i32
      %sub3A_2200 = arith.subi %sub3A_2199, %mul3A_2165 : i32
      %shift_left3A_2201 = vector.broadcast %sub3A_2200 : i32 to vector<16xi32>
      %shift_left3A_2202 = arith.shli %get3A_2147, %shift_left3A_2201 : vector<16xi32>
      %shift_right_arithmetic3A_2203 = arith.constant 28 : i32
      %shift_right_arithmetic3A_2204 = vector.broadcast %shift_right_arithmetic3A_2203 : i32 to vector<16xi32>
      %shift_right_arithmetic3A_2205 = arith.shrsi %shift_left3A_2202, %shift_right_arithmetic3A_2204 : vector<16xi32>
      %convert_element_type3A_2206 = arith.sitofp %shift_right_arithmetic3A_2205 : vector<16xi32> to vector<16xf32>
      %mul3A_2207 = vector.broadcast %select_n3A_2163 : f32 to vector<16xf32>
      %mul3A_2208 = arith.mulf %convert_element_type3A_2206, %mul3A_2207 : vector<16xf32>
      %add3A_2209 = arith.addf %add3A_2141, %mul3A_2208 : vector<16xf32>
      %get3A_2210 = arith.constant 31 : i32
      %get3A_2211 = arith.index_cast %and3A_74 : i32 to index
      %get3A_2212 = arith.index_cast %get3A_2210 : i32 to index
      %get3A_2213 = arith.constant 0 : index
      %get3A_2214 = tpu.vector_load %arg9[%get3A_2211, %get3A_2212, %get3A_2213] {strides = array<i32>} : memref<4x50x32xi32, #tpu.memory_space<vmem>>, vector<1x1x16xi32>,
      %get3A_2215 = vector.shape_cast %get3A_2214 : vector<1x1x16xi32> to vector<16xi32>
      %get3A_2216 = arith.constant 31 : i32
      %get3A_2217 = arith.index_cast %and3A_74 : i32 to index
      %get3A_2218 = arith.index_cast %get3A_2216 : i32 to index
      %get3A_2219 = arith.constant 16 : index
      %get3A_2220 = tpu.vector_load %arg9[%get3A_2217, %get3A_2218, %get3A_2219] {strides = array<i32>} : memref<4x50x32xi32, #tpu.memory_space<vmem>>, vector<1x1x16xi32>,
      %get3A_2221 = vector.shape_cast %get3A_2220 : vector<1x1x16xi32> to vector<16xi32>
      %bitcast_convert_type3A_2222 = tpu.bitcast %get3A_2221 : vector<16xi32> -> vector<16xf32>
      %slice3A_2223 = vector.extract_strided_slice %and3A_1189 {offsets = [15], sizes = [1], strides = [1]} : vector<16xi32> to vector<1xi32>
      %squeeze3A_2224 = vector.extract %slice3A_2223[0] : i32 from vector<1xi32>
      %eq3A_2225 = arith.constant 0 : i32
      %eq3A_2226 = arith.cmpi eq, %squeeze3A_2224, %eq3A_2225 : i32
      %slice3A_2227 = vector.extract_strided_slice %bitcast_convert_type3A_2222 {offsets = [0], sizes = [1], strides = [1]} : vector<16xf32> to vector<1xf32>
      %squeeze3A_2228 = vector.extract %slice3A_2227[0] : f32 from vector<1xf32>
      %slice3A_2229 = vector.extract_strided_slice %bitcast_convert_type3A_2222 {offsets = [1], sizes = [1], strides = [1]} : vector<16xf32> to vector<1xf32>
      %squeeze3A_2230 = vector.extract %slice3A_2229[0] : f32 from vector<1xf32>
      %select_n3A_2231 = arith.select %eq3A_2226, %squeeze3A_2228, %squeeze3A_2230 : f32
      %mul3A_2232 = arith.constant 4 : i32
      %mul3A_2233 = arith.muli %mul3A_2232, %squeeze3A_2224 : i32
      %sub3A_2234 = arith.constant 28 : i32
      %sub3A_2235 = arith.subi %sub3A_2234, %mul3A_2233 : i32
      %shift_left3A_2236 = vector.broadcast %sub3A_2235 : i32 to vector<16xi32>
      %shift_left3A_2237 = arith.shli %get3A_2215, %shift_left3A_2236 : vector<16xi32>
      %shift_right_arithmetic3A_2238 = arith.constant 28 : i32
      %shift_right_arithmetic3A_2239 = vector.broadcast %shift_right_arithmetic3A_2238 : i32 to vector<16xi32>
      %shift_right_arithmetic3A_2240 = arith.shrsi %shift_left3A_2237, %shift_right_arithmetic3A_2239 : vector<16xi32>
      %convert_element_type3A_2241 = arith.sitofp %shift_right_arithmetic3A_2240 : vector<16xi32> to vector<16xf32>
      %mul3A_2242 = vector.broadcast %select_n3A_2231 : f32 to vector<16xf32>
      %mul3A_2243 = arith.mulf %convert_element_type3A_2241, %mul3A_2242 : vector<16xf32>
      %add3A_2244 = arith.addf %add3A_2176, %mul3A_2243 : vector<16xf32>
      %sub3A_2245 = arith.constant 12 : i32
      %sub3A_2246 = arith.subi %sub3A_2245, %mul3A_2233 : i32
      %shift_left3A_2247 = vector.broadcast %sub3A_2246 : i32 to vector<16xi32>
      %shift_left3A_2248 = arith.shli %get3A_2215, %shift_left3A_2247 : vector<16xi32>
      %shift_right_arithmetic3A_2249 = arith.constant 28 : i32
      %shift_right_arithmetic3A_2250 = vector.broadcast %shift_right_arithmetic3A_2249 : i32 to vector<16xi32>
      %shift_right_arithmetic3A_2251 = arith.shrsi %shift_left3A_2248, %shift_right_arithmetic3A_2250 : vector<16xi32>
      %convert_element_type3A_2252 = arith.sitofp %shift_right_arithmetic3A_2251 : vector<16xi32> to vector<16xf32>
      %mul3A_2253 = vector.broadcast %select_n3A_2231 : f32 to vector<16xf32>
      %mul3A_2254 = arith.mulf %convert_element_type3A_2252, %mul3A_2253 : vector<16xf32>
      %add3A_2255 = arith.addf %add3A_2187, %mul3A_2254 : vector<16xf32>
      %sub3A_2256 = arith.constant 20 : i32
      %sub3A_2257 = arith.subi %sub3A_2256, %mul3A_2233 : i32
      %shift_left3A_2258 = vector.broadcast %sub3A_2257 : i32 to vector<16xi32>
      %shift_left3A_2259 = arith.shli %get3A_2215, %shift_left3A_2258 : vector<16xi32>
      %shift_right_arithmetic3A_2260 = arith.constant 28 : i32
      %shift_right_arithmetic3A_2261 = vector.broadcast %shift_right_arithmetic3A_2260 : i32 to vector<16xi32>
      %shift_right_arithmetic3A_2262 = arith.shrsi %shift_left3A_2259, %shift_right_arithmetic3A_2261 : vector<16xi32>
      %convert_element_type3A_2263 = arith.sitofp %shift_right_arithmetic3A_2262 : vector<16xi32> to vector<16xf32>
      %mul3A_2264 = vector.broadcast %select_n3A_2231 : f32 to vector<16xf32>
      %mul3A_2265 = arith.mulf %convert_element_type3A_2263, %mul3A_2264 : vector<16xf32>
      %add3A_2266 = arith.addf %add3A_2198, %mul3A_2265 : vector<16xf32>
      %sub3A_2267 = arith.constant 4 : i32
      %sub3A_2268 = arith.subi %sub3A_2267, %mul3A_2233 : i32
      %shift_left3A_2269 = vector.broadcast %sub3A_2268 : i32 to vector<16xi32>
      %shift_left3A_2270 = arith.shli %get3A_2215, %shift_left3A_2269 : vector<16xi32>
      %shift_right_arithmetic3A_2271 = arith.constant 28 : i32
      %shift_right_arithmetic3A_2272 = vector.broadcast %shift_right_arithmetic3A_2271 : i32 to vector<16xi32>
      %shift_right_arithmetic3A_2273 = arith.shrsi %shift_left3A_2270, %shift_right_arithmetic3A_2272 : vector<16xi32>
      %convert_element_type3A_2274 = arith.sitofp %shift_right_arithmetic3A_2273 : vector<16xi32> to vector<16xf32>
      %mul3A_2275 = vector.broadcast %select_n3A_2231 : f32 to vector<16xf32>
      %mul3A_2276 = arith.mulf %convert_element_type3A_2274, %mul3A_2275 : vector<16xf32>
      %add3A_2277 = arith.addf %add3A_2209, %mul3A_2276 : vector<16xf32>
      %get3A_2278 = arith.index_cast %scan3A_73 : i32 to index
      %get3A_2279 = arith.constant 32 : index
      %get3A_2280 = tpu.vector_load %arg6[%get3A_2278, %get3A_2279] {strides = array<i32>} : memref<128x50xi32, #tpu.memory_space<vmem>>, vector<1x16xi32>,
      %get3A_2281 = vector.shape_cast %get3A_2280 : vector<1x16xi32> to vector<16xi32>
      %shift_right_logical3A_2282 = arith.constant 14 : i32
      %shift_right_logical3A_2283 = vector.broadcast %shift_right_logical3A_2282 : i32 to vector<16xi32>
      %shift_right_logical3A_2284 = arith.shrui %get3A_2281, %shift_right_logical3A_2283 : vector<16xi32>
      %and3A_2285 = arith.constant 1 : i32
      %and3A_2286 = vector.broadcast %and3A_2285 : i32 to vector<16xi32>
      %and3A_2287 = arith.andi %shift_right_logical3A_2284, %and3A_2286 : vector<16xi32>
      %get3A_2288 = arith.constant 32 : i32
      %get3A_2289 = arith.index_cast %and3A_74 : i32 to index
      %get3A_2290 = arith.index_cast %get3A_2288 : i32 to index
      %get3A_2291 = arith.constant 0 : index
      %get3A_2292 = tpu.vector_load %arg9[%get3A_2289, %get3A_2290, %get3A_2291] {strides = array<i32>} : memref<4x50x32xi32, #tpu.memory_space<vmem>>, vector<1x1x16xi32>,
      %get3A_2293 = vector.shape_cast %get3A_2292 : vector<1x1x16xi32> to vector<16xi32>
      %get3A_2294 = arith.constant 32 : i32
      %get3A_2295 = arith.index_cast %and3A_74 : i32 to index
      %get3A_2296 = arith.index_cast %get3A_2294 : i32 to index
      %get3A_2297 = arith.constant 16 : index
      %get3A_2298 = tpu.vector_load %arg9[%get3A_2295, %get3A_2296, %get3A_2297] {strides = array<i32>} : memref<4x50x32xi32, #tpu.memory_space<vmem>>, vector<1x1x16xi32>,
      %get3A_2299 = vector.shape_cast %get3A_2298 : vector<1x1x16xi32> to vector<16xi32>
      %bitcast_convert_type3A_2300 = tpu.bitcast %get3A_2299 : vector<16xi32> -> vector<16xf32>
      %slice3A_2301 = vector.extract_strided_slice %and3A_2287 {offsets = [0], sizes = [1], strides = [1]} : vector<16xi32> to vector<1xi32>
      %squeeze3A_2302 = vector.extract %slice3A_2301[0] : i32 from vector<1xi32>
      %eq3A_2303 = arith.constant 0 : i32
      %eq3A_2304 = arith.cmpi eq, %squeeze3A_2302, %eq3A_2303 : i32
      %slice3A_2305 = vector.extract_strided_slice %bitcast_convert_type3A_2300 {offsets = [0], sizes = [1], strides = [1]} : vector<16xf32> to vector<1xf32>
      %squeeze3A_2306 = vector.extract %slice3A_2305[0] : f32 from vector<1xf32>
      %slice3A_2307 = vector.extract_strided_slice %bitcast_convert_type3A_2300 {offsets = [1], sizes = [1], strides = [1]} : vector<16xf32> to vector<1xf32>
      %squeeze3A_2308 = vector.extract %slice3A_2307[0] : f32 from vector<1xf32>
      %select_n3A_2309 = arith.select %eq3A_2304, %squeeze3A_2306, %squeeze3A_2308 : f32
      %mul3A_2310 = arith.constant 4 : i32
      %mul3A_2311 = arith.muli %mul3A_2310, %squeeze3A_2302 : i32
      %sub3A_2312 = arith.constant 28 : i32
      %sub3A_2313 = arith.subi %sub3A_2312, %mul3A_2311 : i32
      %shift_left3A_2314 = vector.broadcast %sub3A_2313 : i32 to vector<16xi32>
      %shift_left3A_2315 = arith.shli %get3A_2293, %shift_left3A_2314 : vector<16xi32>
      %shift_right_arithmetic3A_2316 = arith.constant 28 : i32
      %shift_right_arithmetic3A_2317 = vector.broadcast %shift_right_arithmetic3A_2316 : i32 to vector<16xi32>
      %shift_right_arithmetic3A_2318 = arith.shrsi %shift_left3A_2315, %shift_right_arithmetic3A_2317 : vector<16xi32>
      %convert_element_type3A_2319 = arith.sitofp %shift_right_arithmetic3A_2318 : vector<16xi32> to vector<16xf32>
      %mul3A_2320 = vector.broadcast %select_n3A_2309 : f32 to vector<16xf32>
      %mul3A_2321 = arith.mulf %convert_element_type3A_2319, %mul3A_2320 : vector<16xf32>
      %add3A_2322 = arith.addf %add3A_2244, %mul3A_2321 : vector<16xf32>
      %sub3A_2323 = arith.constant 12 : i32
      %sub3A_2324 = arith.subi %sub3A_2323, %mul3A_2311 : i32
      %shift_left3A_2325 = vector.broadcast %sub3A_2324 : i32 to vector<16xi32>
      %shift_left3A_2326 = arith.shli %get3A_2293, %shift_left3A_2325 : vector<16xi32>
      %shift_right_arithmetic3A_2327 = arith.constant 28 : i32
      %shift_right_arithmetic3A_2328 = vector.broadcast %shift_right_arithmetic3A_2327 : i32 to vector<16xi32>
      %shift_right_arithmetic3A_2329 = arith.shrsi %shift_left3A_2326, %shift_right_arithmetic3A_2328 : vector<16xi32>
      %convert_element_type3A_2330 = arith.sitofp %shift_right_arithmetic3A_2329 : vector<16xi32> to vector<16xf32>
      %mul3A_2331 = vector.broadcast %select_n3A_2309 : f32 to vector<16xf32>
      %mul3A_2332 = arith.mulf %convert_element_type3A_2330, %mul3A_2331 : vector<16xf32>
      %add3A_2333 = arith.addf %add3A_2255, %mul3A_2332 : vector<16xf32>
      %sub3A_2334 = arith.constant 20 : i32
      %sub3A_2335 = arith.subi %sub3A_2334, %mul3A_2311 : i32
      %shift_left3A_2336 = vector.broadcast %sub3A_2335 : i32 to vector<16xi32>
      %shift_left3A_2337 = arith.shli %get3A_2293, %shift_left3A_2336 : vector<16xi32>
      %shift_right_arithmetic3A_2338 = arith.constant 28 : i32
      %shift_right_arithmetic3A_2339 = vector.broadcast %shift_right_arithmetic3A_2338 : i32 to vector<16xi32>
      %shift_right_arithmetic3A_2340 = arith.shrsi %shift_left3A_2337, %shift_right_arithmetic3A_2339 : vector<16xi32>
      %convert_element_type3A_2341 = arith.sitofp %shift_right_arithmetic3A_2340 : vector<16xi32> to vector<16xf32>
      %mul3A_2342 = vector.broadcast %select_n3A_2309 : f32 to vector<16xf32>
      %mul3A_2343 = arith.mulf %convert_element_type3A_2341, %mul3A_2342 : vector<16xf32>
      %add3A_2344 = arith.addf %add3A_2266, %mul3A_2343 : vector<16xf32>
      %sub3A_2345 = arith.constant 4 : i32
      %sub3A_2346 = arith.subi %sub3A_2345, %mul3A_2311 : i32
      %shift_left3A_2347 = vector.broadcast %sub3A_2346 : i32 to vector<16xi32>
      %shift_left3A_2348 = arith.shli %get3A_2293, %shift_left3A_2347 : vector<16xi32>
      %shift_right_arithmetic3A_2349 = arith.constant 28 : i32
      %shift_right_arithmetic3A_2350 = vector.broadcast %shift_right_arithmetic3A_2349 : i32 to vector<16xi32>
      %shift_right_arithmetic3A_2351 = arith.shrsi %shift_left3A_2348, %shift_right_arithmetic3A_2350 : vector<16xi32>
      %convert_element_type3A_2352 = arith.sitofp %shift_right_arithmetic3A_2351 : vector<16xi32> to vector<16xf32>
      %mul3A_2353 = vector.broadcast %select_n3A_2309 : f32 to vector<16xf32>
      %mul3A_2354 = arith.mulf %convert_element_type3A_2352, %mul3A_2353 : vector<16xf32>
      %add3A_2355 = arith.addf %add3A_2277, %mul3A_2354 : vector<16xf32>
      %get3A_2356 = arith.constant 33 : i32
      %get3A_2357 = arith.index_cast %and3A_74 : i32 to index
      %get3A_2358 = arith.index_cast %get3A_2356 : i32 to index
      %get3A_2359 = arith.constant 0 : index
      %get3A_2360 = tpu.vector_load %arg9[%get3A_2357, %get3A_2358, %get3A_2359] {strides = array<i32>} : memref<4x50x32xi32, #tpu.memory_space<vmem>>, vector<1x1x16xi32>,
      %get3A_2361 = vector.shape_cast %get3A_2360 : vector<1x1x16xi32> to vector<16xi32>
      %get3A_2362 = arith.constant 33 : i32
      %get3A_2363 = arith.index_cast %and3A_74 : i32 to index
      %get3A_2364 = arith.index_cast %get3A_2362 : i32 to index
      %get3A_2365 = arith.constant 16 : index
      %get3A_2366 = tpu.vector_load %arg9[%get3A_2363, %get3A_2364, %get3A_2365] {strides = array<i32>} : memref<4x50x32xi32, #tpu.memory_space<vmem>>, vector<1x1x16xi32>,
      %get3A_2367 = vector.shape_cast %get3A_2366 : vector<1x1x16xi32> to vector<16xi32>
      %bitcast_convert_type3A_2368 = tpu.bitcast %get3A_2367 : vector<16xi32> -> vector<16xf32>
      %slice3A_2369 = vector.extract_strided_slice %and3A_2287 {offsets = [1], sizes = [1], strides = [1]} : vector<16xi32> to vector<1xi32>
      %squeeze3A_2370 = vector.extract %slice3A_2369[0] : i32 from vector<1xi32>
      %eq3A_2371 = arith.constant 0 : i32
      %eq3A_2372 = arith.cmpi eq, %squeeze3A_2370, %eq3A_2371 : i32
      %slice3A_2373 = vector.extract_strided_slice %bitcast_convert_type3A_2368 {offsets = [0], sizes = [1], strides = [1]} : vector<16xf32> to vector<1xf32>
      %squeeze3A_2374 = vector.extract %slice3A_2373[0] : f32 from vector<1xf32>
      %slice3A_2375 = vector.extract_strided_slice %bitcast_convert_type3A_2368 {offsets = [1], sizes = [1], strides = [1]} : vector<16xf32> to vector<1xf32>
      %squeeze3A_2376 = vector.extract %slice3A_2375[0] : f32 from vector<1xf32>
      %select_n3A_2377 = arith.select %eq3A_2372, %squeeze3A_2374, %squeeze3A_2376 : f32
      %mul3A_2378 = arith.constant 4 : i32
      %mul3A_2379 = arith.muli %mul3A_2378, %squeeze3A_2370 : i32
      %sub3A_2380 = arith.constant 28 : i32
      %sub3A_2381 = arith.subi %sub3A_2380, %mul3A_2379 : i32
      %shift_left3A_2382 = vector.broadcast %sub3A_2381 : i32 to vector<16xi32>
      %shift_left3A_2383 = arith.shli %get3A_2361, %shift_left3A_2382 : vector<16xi32>
      %shift_right_arithmetic3A_2384 = arith.constant 28 : i32
      %shift_right_arithmetic3A_2385 = vector.broadcast %shift_right_arithmetic3A_2384 : i32 to vector<16xi32>
      %shift_right_arithmetic3A_2386 = arith.shrsi %shift_left3A_2383, %shift_right_arithmetic3A_2385 : vector<16xi32>
      %convert_element_type3A_2387 = arith.sitofp %shift_right_arithmetic3A_2386 : vector<16xi32> to vector<16xf32>
      %mul3A_2388 = vector.broadcast %select_n3A_2377 : f32 to vector<16xf32>
      %mul3A_2389 = arith.mulf %convert_element_type3A_2387, %mul3A_2388 : vector<16xf32>
      %add3A_2390 = arith.addf %add3A_2322, %mul3A_2389 : vector<16xf32>
      %sub3A_2391 = arith.constant 12 : i32
      %sub3A_2392 = arith.subi %sub3A_2391, %mul3A_2379 : i32
      %shift_left3A_2393 = vector.broadcast %sub3A_2392 : i32 to vector<16xi32>
      %shift_left3A_2394 = arith.shli %get3A_2361, %shift_left3A_2393 : vector<16xi32>
      %shift_right_arithmetic3A_2395 = arith.constant 28 : i32
      %shift_right_arithmetic3A_2396 = vector.broadcast %shift_right_arithmetic3A_2395 : i32 to vector<16xi32>
      %shift_right_arithmetic3A_2397 = arith.shrsi %shift_left3A_2394, %shift_right_arithmetic3A_2396 : vector<16xi32>
      %convert_element_type3A_2398 = arith.sitofp %shift_right_arithmetic3A_2397 : vector<16xi32> to vector<16xf32>
      %mul3A_2399 = vector.broadcast %select_n3A_2377 : f32 to vector<16xf32>
      %mul3A_2400 = arith.mulf %convert_element_type3A_2398, %mul3A_2399 : vector<16xf32>
      %add3A_2401 = arith.addf %add3A_2333, %mul3A_2400 : vector<16xf32>
      %sub3A_2402 = arith.constant 20 : i32
      %sub3A_2403 = arith.subi %sub3A_2402, %mul3A_2379 : i32
      %shift_left3A_2404 = vector.broadcast %sub3A_2403 : i32 to vector<16xi32>
      %shift_left3A_2405 = arith.shli %get3A_2361, %shift_left3A_2404 : vector<16xi32>
      %shift_right_arithmetic3A_2406 = arith.constant 28 : i32
      %shift_right_arithmetic3A_2407 = vector.broadcast %shift_right_arithmetic3A_2406 : i32 to vector<16xi32>
      %shift_right_arithmetic3A_2408 = arith.shrsi %shift_left3A_2405, %shift_right_arithmetic3A_2407 : vector<16xi32>
      %convert_element_type3A_2409 = arith.sitofp %shift_right_arithmetic3A_2408 : vector<16xi32> to vector<16xf32>
      %mul3A_2410 = vector.broadcast %select_n3A_2377 : f32 to vector<16xf32>
      %mul3A_2411 = arith.mulf %convert_element_type3A_2409, %mul3A_2410 : vector<16xf32>
      %add3A_2412 = arith.addf %add3A_2344, %mul3A_2411 : vector<16xf32>
      %sub3A_2413 = arith.constant 4 : i32
      %sub3A_2414 = arith.subi %sub3A_2413, %mul3A_2379 : i32
      %shift_left3A_2415 = vector.broadcast %sub3A_2414 : i32 to vector<16xi32>
      %shift_left3A_2416 = arith.shli %get3A_2361, %shift_left3A_2415 : vector<16xi32>
      %shift_right_arithmetic3A_2417 = arith.constant 28 : i32
      %shift_right_arithmetic3A_2418 = vector.broadcast %shift_right_arithmetic3A_2417 : i32 to vector<16xi32>
      %shift_right_arithmetic3A_2419 = arith.shrsi %shift_left3A_2416, %shift_right_arithmetic3A_2418 : vector<16xi32>
      %convert_element_type3A_2420 = arith.sitofp %shift_right_arithmetic3A_2419 : vector<16xi32> to vector<16xf32>
      %mul3A_2421 = vector.broadcast %select_n3A_2377 : f32 to vector<16xf32>
      %mul3A_2422 = arith.mulf %convert_element_type3A_2420, %mul3A_2421 : vector<16xf32>
      %add3A_2423 = arith.addf %add3A_2355, %mul3A_2422 : vector<16xf32>
      %get3A_2424 = arith.constant 34 : i32
      %get3A_2425 = arith.index_cast %and3A_74 : i32 to index
      %get3A_2426 = arith.index_cast %get3A_2424 : i32 to index
      %get3A_2427 = arith.constant 0 : index
      %get3A_2428 = tpu.vector_load %arg9[%get3A_2425, %get3A_2426, %get3A_2427] {strides = array<i32>} : memref<4x50x32xi32, #tpu.memory_space<vmem>>, vector<1x1x16xi32>,
      %get3A_2429 = vector.shape_cast %get3A_2428 : vector<1x1x16xi32> to vector<16xi32>
      %get3A_2430 = arith.constant 34 : i32
      %get3A_2431 = arith.index_cast %and3A_74 : i32 to index
      %get3A_2432 = arith.index_cast %get3A_2430 : i32 to index
      %get3A_2433 = arith.constant 16 : index
      %get3A_2434 = tpu.vector_load %arg9[%get3A_2431, %get3A_2432, %get3A_2433] {strides = array<i32>} : memref<4x50x32xi32, #tpu.memory_space<vmem>>, vector<1x1x16xi32>,
      %get3A_2435 = vector.shape_cast %get3A_2434 : vector<1x1x16xi32> to vector<16xi32>
      %bitcast_convert_type3A_2436 = tpu.bitcast %get3A_2435 : vector<16xi32> -> vector<16xf32>
      %slice3A_2437 = vector.extract_strided_slice %and3A_2287 {offsets = [2], sizes = [1], strides = [1]} : vector<16xi32> to vector<1xi32>
      %squeeze3A_2438 = vector.extract %slice3A_2437[0] : i32 from vector<1xi32>
      %eq3A_2439 = arith.constant 0 : i32
      %eq3A_2440 = arith.cmpi eq, %squeeze3A_2438, %eq3A_2439 : i32
      %slice3A_2441 = vector.extract_strided_slice %bitcast_convert_type3A_2436 {offsets = [0], sizes = [1], strides = [1]} : vector<16xf32> to vector<1xf32>
      %squeeze3A_2442 = vector.extract %slice3A_2441[0] : f32 from vector<1xf32>
      %slice3A_2443 = vector.extract_strided_slice %bitcast_convert_type3A_2436 {offsets = [1], sizes = [1], strides = [1]} : vector<16xf32> to vector<1xf32>
      %squeeze3A_2444 = vector.extract %slice3A_2443[0] : f32 from vector<1xf32>
      %select_n3A_2445 = arith.select %eq3A_2440, %squeeze3A_2442, %squeeze3A_2444 : f32
      %mul3A_2446 = arith.constant 4 : i32
      %mul3A_2447 = arith.muli %mul3A_2446, %squeeze3A_2438 : i32
      %sub3A_2448 = arith.constant 28 : i32
      %sub3A_2449 = arith.subi %sub3A_2448, %mul3A_2447 : i32
      %shift_left3A_2450 = vector.broadcast %sub3A_2449 : i32 to vector<16xi32>
      %shift_left3A_2451 = arith.shli %get3A_2429, %shift_left3A_2450 : vector<16xi32>
      %shift_right_arithmetic3A_2452 = arith.constant 28 : i32
      %shift_right_arithmetic3A_2453 = vector.broadcast %shift_right_arithmetic3A_2452 : i32 to vector<16xi32>
      %shift_right_arithmetic3A_2454 = arith.shrsi %shift_left3A_2451, %shift_right_arithmetic3A_2453 : vector<16xi32>
      %convert_element_type3A_2455 = arith.sitofp %shift_right_arithmetic3A_2454 : vector<16xi32> to vector<16xf32>
      %mul3A_2456 = vector.broadcast %select_n3A_2445 : f32 to vector<16xf32>
      %mul3A_2457 = arith.mulf %convert_element_type3A_2455, %mul3A_2456 : vector<16xf32>
      %add3A_2458 = arith.addf %add3A_2390, %mul3A_2457 : vector<16xf32>
      %sub3A_2459 = arith.constant 12 : i32
      %sub3A_2460 = arith.subi %sub3A_2459, %mul3A_2447 : i32
      %shift_left3A_2461 = vector.broadcast %sub3A_2460 : i32 to vector<16xi32>
      %shift_left3A_2462 = arith.shli %get3A_2429, %shift_left3A_2461 : vector<16xi32>
      %shift_right_arithmetic3A_2463 = arith.constant 28 : i32
      %shift_right_arithmetic3A_2464 = vector.broadcast %shift_right_arithmetic3A_2463 : i32 to vector<16xi32>
      %shift_right_arithmetic3A_2465 = arith.shrsi %shift_left3A_2462, %shift_right_arithmetic3A_2464 : vector<16xi32>
      %convert_element_type3A_2466 = arith.sitofp %shift_right_arithmetic3A_2465 : vector<16xi32> to vector<16xf32>
      %mul3A_2467 = vector.broadcast %select_n3A_2445 : f32 to vector<16xf32>
      %mul3A_2468 = arith.mulf %convert_element_type3A_2466, %mul3A_2467 : vector<16xf32>
      %add3A_2469 = arith.addf %add3A_2401, %mul3A_2468 : vector<16xf32>
      %sub3A_2470 = arith.constant 20 : i32
      %sub3A_2471 = arith.subi %sub3A_2470, %mul3A_2447 : i32
      %shift_left3A_2472 = vector.broadcast %sub3A_2471 : i32 to vector<16xi32>
      %shift_left3A_2473 = arith.shli %get3A_2429, %shift_left3A_2472 : vector<16xi32>
      %shift_right_arithmetic3A_2474 = arith.constant 28 : i32
      %shift_right_arithmetic3A_2475 = vector.broadcast %shift_right_arithmetic3A_2474 : i32 to vector<16xi32>
      %shift_right_arithmetic3A_2476 = arith.shrsi %shift_left3A_2473, %shift_right_arithmetic3A_2475 : vector<16xi32>
      %convert_element_type3A_2477 = arith.sitofp %shift_right_arithmetic3A_2476 : vector<16xi32> to vector<16xf32>
      %mul3A_2478 = vector.broadcast %select_n3A_2445 : f32 to vector<16xf32>
      %mul3A_2479 = arith.mulf %convert_element_type3A_2477, %mul3A_2478 : vector<16xf32>
      %add3A_2480 = arith.addf %add3A_2412, %mul3A_2479 : vector<16xf32>
      %sub3A_2481 = arith.constant 4 : i32
      %sub3A_2482 = arith.subi %sub3A_2481, %mul3A_2447 : i32
      %shift_left3A_2483 = vector.broadcast %sub3A_2482 : i32 to vector<16xi32>
      %shift_left3A_2484 = arith.shli %get3A_2429, %shift_left3A_2483 : vector<16xi32>
      %shift_right_arithmetic3A_2485 = arith.constant 28 : i32
      %shift_right_arithmetic3A_2486 = vector.broadcast %shift_right_arithmetic3A_2485 : i32 to vector<16xi32>
      %shift_right_arithmetic3A_2487 = arith.shrsi %shift_left3A_2484, %shift_right_arithmetic3A_2486 : vector<16xi32>
      %convert_element_type3A_2488 = arith.sitofp %shift_right_arithmetic3A_2487 : vector<16xi32> to vector<16xf32>
      %mul3A_2489 = vector.broadcast %select_n3A_2445 : f32 to vector<16xf32>
      %mul3A_2490 = arith.mulf %convert_element_type3A_2488, %mul3A_2489 : vector<16xf32>
      %add3A_2491 = arith.addf %add3A_2423, %mul3A_2490 : vector<16xf32>
      %get3A_2492 = arith.constant 35 : i32
      %get3A_2493 = arith.index_cast %and3A_74 : i32 to index
      %get3A_2494 = arith.index_cast %get3A_2492 : i32 to index
      %get3A_2495 = arith.constant 0 : index
      %get3A_2496 = tpu.vector_load %arg9[%get3A_2493, %get3A_2494, %get3A_2495] {strides = array<i32>} : memref<4x50x32xi32, #tpu.memory_space<vmem>>, vector<1x1x16xi32>,
      %get3A_2497 = vector.shape_cast %get3A_2496 : vector<1x1x16xi32> to vector<16xi32>
      %get3A_2498 = arith.constant 35 : i32
      %get3A_2499 = arith.index_cast %and3A_74 : i32 to index
      %get3A_2500 = arith.index_cast %get3A_2498 : i32 to index
      %get3A_2501 = arith.constant 16 : index
      %get3A_2502 = tpu.vector_load %arg9[%get3A_2499, %get3A_2500, %get3A_2501] {strides = array<i32>} : memref<4x50x32xi32, #tpu.memory_space<vmem>>, vector<1x1x16xi32>,
      %get3A_2503 = vector.shape_cast %get3A_2502 : vector<1x1x16xi32> to vector<16xi32>
      %bitcast_convert_type3A_2504 = tpu.bitcast %get3A_2503 : vector<16xi32> -> vector<16xf32>
      %slice3A_2505 = vector.extract_strided_slice %and3A_2287 {offsets = [3], sizes = [1], strides = [1]} : vector<16xi32> to vector<1xi32>
      %squeeze3A_2506 = vector.extract %slice3A_2505[0] : i32 from vector<1xi32>
      %eq3A_2507 = arith.constant 0 : i32
      %eq3A_2508 = arith.cmpi eq, %squeeze3A_2506, %eq3A_2507 : i32
      %slice3A_2509 = vector.extract_strided_slice %bitcast_convert_type3A_2504 {offsets = [0], sizes = [1], strides = [1]} : vector<16xf32> to vector<1xf32>
      %squeeze3A_2510 = vector.extract %slice3A_2509[0] : f32 from vector<1xf32>
      %slice3A_2511 = vector.extract_strided_slice %bitcast_convert_type3A_2504 {offsets = [1], sizes = [1], strides = [1]} : vector<16xf32> to vector<1xf32>
      %squeeze3A_2512 = vector.extract %slice3A_2511[0] : f32 from vector<1xf32>
      %select_n3A_2513 = arith.select %eq3A_2508, %squeeze3A_2510, %squeeze3A_2512 : f32
      %mul3A_2514 = arith.constant 4 : i32
      %mul3A_2515 = arith.muli %mul3A_2514, %squeeze3A_2506 : i32
      %sub3A_2516 = arith.constant 28 : i32
      %sub3A_2517 = arith.subi %sub3A_2516, %mul3A_2515 : i32
      %shift_left3A_2518 = vector.broadcast %sub3A_2517 : i32 to vector<16xi32>
      %shift_left3A_2519 = arith.shli %get3A_2497, %shift_left3A_2518 : vector<16xi32>
      %shift_right_arithmetic3A_2520 = arith.constant 28 : i32
      %shift_right_arithmetic3A_2521 = vector.broadcast %shift_right_arithmetic3A_2520 : i32 to vector<16xi32>
      %shift_right_arithmetic3A_2522 = arith.shrsi %shift_left3A_2519, %shift_right_arithmetic3A_2521 : vector<16xi32>
      %convert_element_type3A_2523 = arith.sitofp %shift_right_arithmetic3A_2522 : vector<16xi32> to vector<16xf32>
      %mul3A_2524 = vector.broadcast %select_n3A_2513 : f32 to vector<16xf32>
      %mul3A_2525 = arith.mulf %convert_element_type3A_2523, %mul3A_2524 : vector<16xf32>
      %add3A_2526 = arith.addf %add3A_2458, %mul3A_2525 : vector<16xf32>
      %sub3A_2527 = arith.constant 12 : i32
      %sub3A_2528 = arith.subi %sub3A_2527, %mul3A_2515 : i32
      %shift_left3A_2529 = vector.broadcast %sub3A_2528 : i32 to vector<16xi32>
      %shift_left3A_2530 = arith.shli %get3A_2497, %shift_left3A_2529 : vector<16xi32>
      %shift_right_arithmetic3A_2531 = arith.constant 28 : i32
      %shift_right_arithmetic3A_2532 = vector.broadcast %shift_right_arithmetic3A_2531 : i32 to vector<16xi32>
      %shift_right_arithmetic3A_2533 = arith.shrsi %shift_left3A_2530, %shift_right_arithmetic3A_2532 : vector<16xi32>
      %convert_element_type3A_2534 = arith.sitofp %shift_right_arithmetic3A_2533 : vector<16xi32> to vector<16xf32>
      %mul3A_2535 = vector.broadcast %select_n3A_2513 : f32 to vector<16xf32>
      %mul3A_2536 = arith.mulf %convert_element_type3A_2534, %mul3A_2535 : vector<16xf32>
      %add3A_2537 = arith.addf %add3A_2469, %mul3A_2536 : vector<16xf32>
      %sub3A_2538 = arith.constant 20 : i32
      %sub3A_2539 = arith.subi %sub3A_2538, %mul3A_2515 : i32
      %shift_left3A_2540 = vector.broadcast %sub3A_2539 : i32 to vector<16xi32>
      %shift_left3A_2541 = arith.shli %get3A_2497, %shift_left3A_2540 : vector<16xi32>
      %shift_right_arithmetic3A_2542 = arith.constant 28 : i32
      %shift_right_arithmetic3A_2543 = vector.broadcast %shift_right_arithmetic3A_2542 : i32 to vector<16xi32>
      %shift_right_arithmetic3A_2544 = arith.shrsi %shift_left3A_2541, %shift_right_arithmetic3A_2543 : vector<16xi32>
      %convert_element_type3A_2545 = arith.sitofp %shift_right_arithmetic3A_2544 : vector<16xi32> to vector<16xf32>
      %mul3A_2546 = vector.broadcast %select_n3A_2513 : f32 to vector<16xf32>
      %mul3A_2547 = arith.mulf %convert_element_type3A_2545, %mul3A_2546 : vector<16xf32>
      %add3A_2548 = arith.addf %add3A_2480, %mul3A_2547 : vector<16xf32>
      %sub3A_2549 = arith.constant 4 : i32
      %sub3A_2550 = arith.subi %sub3A_2549, %mul3A_2515 : i32
      %shift_left3A_2551 = vector.broadcast %sub3A_2550 : i32 to vector<16xi32>
      %shift_left3A_2552 = arith.shli %get3A_2497, %shift_left3A_2551 : vector<16xi32>
      %shift_right_arithmetic3A_2553 = arith.constant 28 : i32
      %shift_right_arithmetic3A_2554 = vector.broadcast %shift_right_arithmetic3A_2553 : i32 to vector<16xi32>
      %shift_right_arithmetic3A_2555 = arith.shrsi %shift_left3A_2552, %shift_right_arithmetic3A_2554 : vector<16xi32>
      %convert_element_type3A_2556 = arith.sitofp %shift_right_arithmetic3A_2555 : vector<16xi32> to vector<16xf32>
      %mul3A_2557 = vector.broadcast %select_n3A_2513 : f32 to vector<16xf32>
      %mul3A_2558 = arith.mulf %convert_element_type3A_2556, %mul3A_2557 : vector<16xf32>
      %add3A_2559 = arith.addf %add3A_2491, %mul3A_2558 : vector<16xf32>
      %get3A_2560 = arith.constant 36 : i32
      %get3A_2561 = arith.index_cast %and3A_74 : i32 to index
      %get3A_2562 = arith.index_cast %get3A_2560 : i32 to index
      %get3A_2563 = arith.constant 0 : index
      %get3A_2564 = tpu.vector_load %arg9[%get3A_2561, %get3A_2562, %get3A_2563] {strides = array<i32>} : memref<4x50x32xi32, #tpu.memory_space<vmem>>, vector<1x1x16xi32>,
      %get3A_2565 = vector.shape_cast %get3A_2564 : vector<1x1x16xi32> to vector<16xi32>
      %get3A_2566 = arith.constant 36 : i32
      %get3A_2567 = arith.index_cast %and3A_74 : i32 to index
      %get3A_2568 = arith.index_cast %get3A_2566 : i32 to index
      %get3A_2569 = arith.constant 16 : index
      %get3A_2570 = tpu.vector_load %arg9[%get3A_2567, %get3A_2568, %get3A_2569] {strides = array<i32>} : memref<4x50x32xi32, #tpu.memory_space<vmem>>, vector<1x1x16xi32>,
      %get3A_2571 = vector.shape_cast %get3A_2570 : vector<1x1x16xi32> to vector<16xi32>
      %bitcast_convert_type3A_2572 = tpu.bitcast %get3A_2571 : vector<16xi32> -> vector<16xf32>
      %slice3A_2573 = vector.extract_strided_slice %and3A_2287 {offsets = [4], sizes = [1], strides = [1]} : vector<16xi32> to vector<1xi32>
      %squeeze3A_2574 = vector.extract %slice3A_2573[0] : i32 from vector<1xi32>
      %eq3A_2575 = arith.constant 0 : i32
      %eq3A_2576 = arith.cmpi eq, %squeeze3A_2574, %eq3A_2575 : i32
      %slice3A_2577 = vector.extract_strided_slice %bitcast_convert_type3A_2572 {offsets = [0], sizes = [1], strides = [1]} : vector<16xf32> to vector<1xf32>
      %squeeze3A_2578 = vector.extract %slice3A_2577[0] : f32 from vector<1xf32>
      %slice3A_2579 = vector.extract_strided_slice %bitcast_convert_type3A_2572 {offsets = [1], sizes = [1], strides = [1]} : vector<16xf32> to vector<1xf32>
      %squeeze3A_2580 = vector.extract %slice3A_2579[0] : f32 from vector<1xf32>
      %select_n3A_2581 = arith.select %eq3A_2576, %squeeze3A_2578, %squeeze3A_2580 : f32
      %mul3A_2582 = arith.constant 4 : i32
      %mul3A_2583 = arith.muli %mul3A_2582, %squeeze3A_2574 : i32
      %sub3A_2584 = arith.constant 28 : i32
      %sub3A_2585 = arith.subi %sub3A_2584, %mul3A_2583 : i32
      %shift_left3A_2586 = vector.broadcast %sub3A_2585 : i32 to vector<16xi32>
      %shift_left3A_2587 = arith.shli %get3A_2565, %shift_left3A_2586 : vector<16xi32>
      %shift_right_arithmetic3A_2588 = arith.constant 28 : i32
      %shift_right_arithmetic3A_2589 = vector.broadcast %shift_right_arithmetic3A_2588 : i32 to vector<16xi32>
      %shift_right_arithmetic3A_2590 = arith.shrsi %shift_left3A_2587, %shift_right_arithmetic3A_2589 : vector<16xi32>
      %convert_element_type3A_2591 = arith.sitofp %shift_right_arithmetic3A_2590 : vector<16xi32> to vector<16xf32>
      %mul3A_2592 = vector.broadcast %select_n3A_2581 : f32 to vector<16xf32>
      %mul3A_2593 = arith.mulf %convert_element_type3A_2591, %mul3A_2592 : vector<16xf32>
      %add3A_2594 = arith.addf %add3A_2526, %mul3A_2593 : vector<16xf32>
      %sub3A_2595 = arith.constant 12 : i32
      %sub3A_2596 = arith.subi %sub3A_2595, %mul3A_2583 : i32
      %shift_left3A_2597 = vector.broadcast %sub3A_2596 : i32 to vector<16xi32>
      %shift_left3A_2598 = arith.shli %get3A_2565, %shift_left3A_2597 : vector<16xi32>
      %shift_right_arithmetic3A_2599 = arith.constant 28 : i32
      %shift_right_arithmetic3A_2600 = vector.broadcast %shift_right_arithmetic3A_2599 : i32 to vector<16xi32>
      %shift_right_arithmetic3A_2601 = arith.shrsi %shift_left3A_2598, %shift_right_arithmetic3A_2600 : vector<16xi32>
      %convert_element_type3A_2602 = arith.sitofp %shift_right_arithmetic3A_2601 : vector<16xi32> to vector<16xf32>
      %mul3A_2603 = vector.broadcast %select_n3A_2581 : f32 to vector<16xf32>
      %mul3A_2604 = arith.mulf %convert_element_type3A_2602, %mul3A_2603 : vector<16xf32>
      %add3A_2605 = arith.addf %add3A_2537, %mul3A_2604 : vector<16xf32>
      %sub3A_2606 = arith.constant 20 : i32
      %sub3A_2607 = arith.subi %sub3A_2606, %mul3A_2583 : i32
      %shift_left3A_2608 = vector.broadcast %sub3A_2607 : i32 to vector<16xi32>
      %shift_left3A_2609 = arith.shli %get3A_2565, %shift_left3A_2608 : vector<16xi32>
      %shift_right_arithmetic3A_2610 = arith.constant 28 : i32
      %shift_right_arithmetic3A_2611 = vector.broadcast %shift_right_arithmetic3A_2610 : i32 to vector<16xi32>
      %shift_right_arithmetic3A_2612 = arith.shrsi %shift_left3A_2609, %shift_right_arithmetic3A_2611 : vector<16xi32>
      %convert_element_type3A_2613 = arith.sitofp %shift_right_arithmetic3A_2612 : vector<16xi32> to vector<16xf32>
      %mul3A_2614 = vector.broadcast %select_n3A_2581 : f32 to vector<16xf32>
      %mul3A_2615 = arith.mulf %convert_element_type3A_2613, %mul3A_2614 : vector<16xf32>
      %add3A_2616 = arith.addf %add3A_2548, %mul3A_2615 : vector<16xf32>
      %sub3A_2617 = arith.constant 4 : i32
      %sub3A_2618 = arith.subi %sub3A_2617, %mul3A_2583 : i32
      %shift_left3A_2619 = vector.broadcast %sub3A_2618 : i32 to vector<16xi32>
      %shift_left3A_2620 = arith.shli %get3A_2565, %shift_left3A_2619 : vector<16xi32>
      %shift_right_arithmetic3A_2621 = arith.constant 28 : i32
      %shift_right_arithmetic3A_2622 = vector.broadcast %shift_right_arithmetic3A_2621 : i32 to vector<16xi32>
      %shift_right_arithmetic3A_2623 = arith.shrsi %shift_left3A_2620, %shift_right_arithmetic3A_2622 : vector<16xi32>
      %convert_element_type3A_2624 = arith.sitofp %shift_right_arithmetic3A_2623 : vector<16xi32> to vector<16xf32>
      %mul3A_2625 = vector.broadcast %select_n3A_2581 : f32 to vector<16xf32>
      %mul3A_2626 = arith.mulf %convert_element_type3A_2624, %mul3A_2625 : vector<16xf32>
      %add3A_2627 = arith.addf %add3A_2559, %mul3A_2626 : vector<16xf32>
      %get3A_2628 = arith.constant 37 : i32
      %get3A_2629 = arith.index_cast %and3A_74 : i32 to index
      %get3A_2630 = arith.index_cast %get3A_2628 : i32 to index
      %get3A_2631 = arith.constant 0 : index
      %get3A_2632 = tpu.vector_load %arg9[%get3A_2629, %get3A_2630, %get3A_2631] {strides = array<i32>} : memref<4x50x32xi32, #tpu.memory_space<vmem>>, vector<1x1x16xi32>,
      %get3A_2633 = vector.shape_cast %get3A_2632 : vector<1x1x16xi32> to vector<16xi32>
      %get3A_2634 = arith.constant 37 : i32
      %get3A_2635 = arith.index_cast %and3A_74 : i32 to index
      %get3A_2636 = arith.index_cast %get3A_2634 : i32 to index
      %get3A_2637 = arith.constant 16 : index
      %get3A_2638 = tpu.vector_load %arg9[%get3A_2635, %get3A_2636, %get3A_2637] {strides = array<i32>} : memref<4x50x32xi32, #tpu.memory_space<vmem>>, vector<1x1x16xi32>,
      %get3A_2639 = vector.shape_cast %get3A_2638 : vector<1x1x16xi32> to vector<16xi32>
      %bitcast_convert_type3A_2640 = tpu.bitcast %get3A_2639 : vector<16xi32> -> vector<16xf32>
      %slice3A_2641 = vector.extract_strided_slice %and3A_2287 {offsets = [5], sizes = [1], strides = [1]} : vector<16xi32> to vector<1xi32>
      %squeeze3A_2642 = vector.extract %slice3A_2641[0] : i32 from vector<1xi32>
      %eq3A_2643 = arith.constant 0 : i32
      %eq3A_2644 = arith.cmpi eq, %squeeze3A_2642, %eq3A_2643 : i32
      %slice3A_2645 = vector.extract_strided_slice %bitcast_convert_type3A_2640 {offsets = [0], sizes = [1], strides = [1]} : vector<16xf32> to vector<1xf32>
      %squeeze3A_2646 = vector.extract %slice3A_2645[0] : f32 from vector<1xf32>
      %slice3A_2647 = vector.extract_strided_slice %bitcast_convert_type3A_2640 {offsets = [1], sizes = [1], strides = [1]} : vector<16xf32> to vector<1xf32>
      %squeeze3A_2648 = vector.extract %slice3A_2647[0] : f32 from vector<1xf32>
      %select_n3A_2649 = arith.select %eq3A_2644, %squeeze3A_2646, %squeeze3A_2648 : f32
      %mul3A_2650 = arith.constant 4 : i32
      %mul3A_2651 = arith.muli %mul3A_2650, %squeeze3A_2642 : i32
      %sub3A_2652 = arith.constant 28 : i32
      %sub3A_2653 = arith.subi %sub3A_2652, %mul3A_2651 : i32
      %shift_left3A_2654 = vector.broadcast %sub3A_2653 : i32 to vector<16xi32>
      %shift_left3A_2655 = arith.shli %get3A_2633, %shift_left3A_2654 : vector<16xi32>
      %shift_right_arithmetic3A_2656 = arith.constant 28 : i32
      %shift_right_arithmetic3A_2657 = vector.broadcast %shift_right_arithmetic3A_2656 : i32 to vector<16xi32>
      %shift_right_arithmetic3A_2658 = arith.shrsi %shift_left3A_2655, %shift_right_arithmetic3A_2657 : vector<16xi32>
      %convert_element_type3A_2659 = arith.sitofp %shift_right_arithmetic3A_2658 : vector<16xi32> to vector<16xf32>
      %mul3A_2660 = vector.broadcast %select_n3A_2649 : f32 to vector<16xf32>
      %mul3A_2661 = arith.mulf %convert_element_type3A_2659, %mul3A_2660 : vector<16xf32>
      %add3A_2662 = arith.addf %add3A_2594, %mul3A_2661 : vector<16xf32>
      %sub3A_2663 = arith.constant 12 : i32
      %sub3A_2664 = arith.subi %sub3A_2663, %mul3A_2651 : i32
      %shift_left3A_2665 = vector.broadcast %sub3A_2664 : i32 to vector<16xi32>
      %shift_left3A_2666 = arith.shli %get3A_2633, %shift_left3A_2665 : vector<16xi32>
      %shift_right_arithmetic3A_2667 = arith.constant 28 : i32
      %shift_right_arithmetic3A_2668 = vector.broadcast %shift_right_arithmetic3A_2667 : i32 to vector<16xi32>
      %shift_right_arithmetic3A_2669 = arith.shrsi %shift_left3A_2666, %shift_right_arithmetic3A_2668 : vector<16xi32>
      %convert_element_type3A_2670 = arith.sitofp %shift_right_arithmetic3A_2669 : vector<16xi32> to vector<16xf32>
      %mul3A_2671 = vector.broadcast %select_n3A_2649 : f32 to vector<16xf32>
      %mul3A_2672 = arith.mulf %convert_element_type3A_2670, %mul3A_2671 : vector<16xf32>
      %add3A_2673 = arith.addf %add3A_2605, %mul3A_2672 : vector<16xf32>
      %sub3A_2674 = arith.constant 20 : i32
      %sub3A_2675 = arith.subi %sub3A_2674, %mul3A_2651 : i32
      %shift_left3A_2676 = vector.broadcast %sub3A_2675 : i32 to vector<16xi32>
      %shift_left3A_2677 = arith.shli %get3A_2633, %shift_left3A_2676 : vector<16xi32>
      %shift_right_arithmetic3A_2678 = arith.constant 28 : i32
      %shift_right_arithmetic3A_2679 = vector.broadcast %shift_right_arithmetic3A_2678 : i32 to vector<16xi32>
      %shift_right_arithmetic3A_2680 = arith.shrsi %shift_left3A_2677, %shift_right_arithmetic3A_2679 : vector<16xi32>
      %convert_element_type3A_2681 = arith.sitofp %shift_right_arithmetic3A_2680 : vector<16xi32> to vector<16xf32>
      %mul3A_2682 = vector.broadcast %select_n3A_2649 : f32 to vector<16xf32>
      %mul3A_2683 = arith.mulf %convert_element_type3A_2681, %mul3A_2682 : vector<16xf32>
      %add3A_2684 = arith.addf %add3A_2616, %mul3A_2683 : vector<16xf32>
      %sub3A_2685 = arith.constant 4 : i32
      %sub3A_2686 = arith.subi %sub3A_2685, %mul3A_2651 : i32
      %shift_left3A_2687 = vector.broadcast %sub3A_2686 : i32 to vector<16xi32>
      %shift_left3A_2688 = arith.shli %get3A_2633, %shift_left3A_2687 : vector<16xi32>
      %shift_right_arithmetic3A_2689 = arith.constant 28 : i32
      %shift_right_arithmetic3A_2690 = vector.broadcast %shift_right_arithmetic3A_2689 : i32 to vector<16xi32>
      %shift_right_arithmetic3A_2691 = arith.shrsi %shift_left3A_2688, %shift_right_arithmetic3A_2690 : vector<16xi32>
      %convert_element_type3A_2692 = arith.sitofp %shift_right_arithmetic3A_2691 : vector<16xi32> to vector<16xf32>
      %mul3A_2693 = vector.broadcast %select_n3A_2649 : f32 to vector<16xf32>
      %mul3A_2694 = arith.mulf %convert_element_type3A_2692, %mul3A_2693 : vector<16xf32>
      %add3A_2695 = arith.addf %add3A_2627, %mul3A_2694 : vector<16xf32>
      %get3A_2696 = arith.constant 38 : i32
      %get3A_2697 = arith.index_cast %and3A_74 : i32 to index
      %get3A_2698 = arith.index_cast %get3A_2696 : i32 to index
      %get3A_2699 = arith.constant 0 : index
      %get3A_2700 = tpu.vector_load %arg9[%get3A_2697, %get3A_2698, %get3A_2699] {strides = array<i32>} : memref<4x50x32xi32, #tpu.memory_space<vmem>>, vector<1x1x16xi32>,
      %get3A_2701 = vector.shape_cast %get3A_2700 : vector<1x1x16xi32> to vector<16xi32>
      %get3A_2702 = arith.constant 38 : i32
      %get3A_2703 = arith.index_cast %and3A_74 : i32 to index
      %get3A_2704 = arith.index_cast %get3A_2702 : i32 to index
      %get3A_2705 = arith.constant 16 : index
      %get3A_2706 = tpu.vector_load %arg9[%get3A_2703, %get3A_2704, %get3A_2705] {strides = array<i32>} : memref<4x50x32xi32, #tpu.memory_space<vmem>>, vector<1x1x16xi32>,
      %get3A_2707 = vector.shape_cast %get3A_2706 : vector<1x1x16xi32> to vector<16xi32>
      %bitcast_convert_type3A_2708 = tpu.bitcast %get3A_2707 : vector<16xi32> -> vector<16xf32>
      %slice3A_2709 = vector.extract_strided_slice %and3A_2287 {offsets = [6], sizes = [1], strides = [1]} : vector<16xi32> to vector<1xi32>
      %squeeze3A_2710 = vector.extract %slice3A_2709[0] : i32 from vector<1xi32>
      %eq3A_2711 = arith.constant 0 : i32
      %eq3A_2712 = arith.cmpi eq, %squeeze3A_2710, %eq3A_2711 : i32
      %slice3A_2713 = vector.extract_strided_slice %bitcast_convert_type3A_2708 {offsets = [0], sizes = [1], strides = [1]} : vector<16xf32> to vector<1xf32>
      %squeeze3A_2714 = vector.extract %slice3A_2713[0] : f32 from vector<1xf32>
      %slice3A_2715 = vector.extract_strided_slice %bitcast_convert_type3A_2708 {offsets = [1], sizes = [1], strides = [1]} : vector<16xf32> to vector<1xf32>
      %squeeze3A_2716 = vector.extract %slice3A_2715[0] : f32 from vector<1xf32>
      %select_n3A_2717 = arith.select %eq3A_2712, %squeeze3A_2714, %squeeze3A_2716 : f32
      %mul3A_2718 = arith.constant 4 : i32
      %mul3A_2719 = arith.muli %mul3A_2718, %squeeze3A_2710 : i32
      %sub3A_2720 = arith.constant 28 : i32
      %sub3A_2721 = arith.subi %sub3A_2720, %mul3A_2719 : i32
      %shift_left3A_2722 = vector.broadcast %sub3A_2721 : i32 to vector<16xi32>
      %shift_left3A_2723 = arith.shli %get3A_2701, %shift_left3A_2722 : vector<16xi32>
      %shift_right_arithmetic3A_2724 = arith.constant 28 : i32
      %shift_right_arithmetic3A_2725 = vector.broadcast %shift_right_arithmetic3A_2724 : i32 to vector<16xi32>
      %shift_right_arithmetic3A_2726 = arith.shrsi %shift_left3A_2723, %shift_right_arithmetic3A_2725 : vector<16xi32>
      %convert_element_type3A_2727 = arith.sitofp %shift_right_arithmetic3A_2726 : vector<16xi32> to vector<16xf32>
      %mul3A_2728 = vector.broadcast %select_n3A_2717 : f32 to vector<16xf32>
      %mul3A_2729 = arith.mulf %convert_element_type3A_2727, %mul3A_2728 : vector<16xf32>
      %add3A_2730 = arith.addf %add3A_2662, %mul3A_2729 : vector<16xf32>
      %sub3A_2731 = arith.constant 12 : i32
      %sub3A_2732 = arith.subi %sub3A_2731, %mul3A_2719 : i32
      %shift_left3A_2733 = vector.broadcast %sub3A_2732 : i32 to vector<16xi32>
      %shift_left3A_2734 = arith.shli %get3A_2701, %shift_left3A_2733 : vector<16xi32>
      %shift_right_arithmetic3A_2735 = arith.constant 28 : i32
      %shift_right_arithmetic3A_2736 = vector.broadcast %shift_right_arithmetic3A_2735 : i32 to vector<16xi32>
      %shift_right_arithmetic3A_2737 = arith.shrsi %shift_left3A_2734, %shift_right_arithmetic3A_2736 : vector<16xi32>
      %convert_element_type3A_2738 = arith.sitofp %shift_right_arithmetic3A_2737 : vector<16xi32> to vector<16xf32>
      %mul3A_2739 = vector.broadcast %select_n3A_2717 : f32 to vector<16xf32>
      %mul3A_2740 = arith.mulf %convert_element_type3A_2738, %mul3A_2739 : vector<16xf32>
      %add3A_2741 = arith.addf %add3A_2673, %mul3A_2740 : vector<16xf32>
      %sub3A_2742 = arith.constant 20 : i32
      %sub3A_2743 = arith.subi %sub3A_2742, %mul3A_2719 : i32
      %shift_left3A_2744 = vector.broadcast %sub3A_2743 : i32 to vector<16xi32>
      %shift_left3A_2745 = arith.shli %get3A_2701, %shift_left3A_2744 : vector<16xi32>
      %shift_right_arithmetic3A_2746 = arith.constant 28 : i32
      %shift_right_arithmetic3A_2747 = vector.broadcast %shift_right_arithmetic3A_2746 : i32 to vector<16xi32>
      %shift_right_arithmetic3A_2748 = arith.shrsi %shift_left3A_2745, %shift_right_arithmetic3A_2747 : vector<16xi32>
      %convert_element_type3A_2749 = arith.sitofp %shift_right_arithmetic3A_2748 : vector<16xi32> to vector<16xf32>
      %mul3A_2750 = vector.broadcast %select_n3A_2717 : f32 to vector<16xf32>
      %mul3A_2751 = arith.mulf %convert_element_type3A_2749, %mul3A_2750 : vector<16xf32>
      %add3A_2752 = arith.addf %add3A_2684, %mul3A_2751 : vector<16xf32>
      %sub3A_2753 = arith.constant 4 : i32
      %sub3A_2754 = arith.subi %sub3A_2753, %mul3A_2719 : i32
      %shift_left3A_2755 = vector.broadcast %sub3A_2754 : i32 to vector<16xi32>
      %shift_left3A_2756 = arith.shli %get3A_2701, %shift_left3A_2755 : vector<16xi32>
      %shift_right_arithmetic3A_2757 = arith.constant 28 : i32
      %shift_right_arithmetic3A_2758 = vector.broadcast %shift_right_arithmetic3A_2757 : i32 to vector<16xi32>
      %shift_right_arithmetic3A_2759 = arith.shrsi %shift_left3A_2756, %shift_right_arithmetic3A_2758 : vector<16xi32>
      %convert_element_type3A_2760 = arith.sitofp %shift_right_arithmetic3A_2759 : vector<16xi32> to vector<16xf32>
      %mul3A_2761 = vector.broadcast %select_n3A_2717 : f32 to vector<16xf32>
      %mul3A_2762 = arith.mulf %convert_element_type3A_2760, %mul3A_2761 : vector<16xf32>
      %add3A_2763 = arith.addf %add3A_2695, %mul3A_2762 : vector<16xf32>
      %get3A_2764 = arith.constant 39 : i32
      %get3A_2765 = arith.index_cast %and3A_74 : i32 to index
      %get3A_2766 = arith.index_cast %get3A_2764 : i32 to index
      %get3A_2767 = arith.constant 0 : index
      %get3A_2768 = tpu.vector_load %arg9[%get3A_2765, %get3A_2766, %get3A_2767] {strides = array<i32>} : memref<4x50x32xi32, #tpu.memory_space<vmem>>, vector<1x1x16xi32>,
      %get3A_2769 = vector.shape_cast %get3A_2768 : vector<1x1x16xi32> to vector<16xi32>
      %get3A_2770 = arith.constant 39 : i32
      %get3A_2771 = arith.index_cast %and3A_74 : i32 to index
      %get3A_2772 = arith.index_cast %get3A_2770 : i32 to index
      %get3A_2773 = arith.constant 16 : index
      %get3A_2774 = tpu.vector_load %arg9[%get3A_2771, %get3A_2772, %get3A_2773] {strides = array<i32>} : memref<4x50x32xi32, #tpu.memory_space<vmem>>, vector<1x1x16xi32>,
      %get3A_2775 = vector.shape_cast %get3A_2774 : vector<1x1x16xi32> to vector<16xi32>
      %bitcast_convert_type3A_2776 = tpu.bitcast %get3A_2775 : vector<16xi32> -> vector<16xf32>
      %slice3A_2777 = vector.extract_strided_slice %and3A_2287 {offsets = [7], sizes = [1], strides = [1]} : vector<16xi32> to vector<1xi32>
      %squeeze3A_2778 = vector.extract %slice3A_2777[0] : i32 from vector<1xi32>
      %eq3A_2779 = arith.constant 0 : i32
      %eq3A_2780 = arith.cmpi eq, %squeeze3A_2778, %eq3A_2779 : i32
      %slice3A_2781 = vector.extract_strided_slice %bitcast_convert_type3A_2776 {offsets = [0], sizes = [1], strides = [1]} : vector<16xf32> to vector<1xf32>
      %squeeze3A_2782 = vector.extract %slice3A_2781[0] : f32 from vector<1xf32>
      %slice3A_2783 = vector.extract_strided_slice %bitcast_convert_type3A_2776 {offsets = [1], sizes = [1], strides = [1]} : vector<16xf32> to vector<1xf32>
      %squeeze3A_2784 = vector.extract %slice3A_2783[0] : f32 from vector<1xf32>
      %select_n3A_2785 = arith.select %eq3A_2780, %squeeze3A_2782, %squeeze3A_2784 : f32
      %mul3A_2786 = arith.constant 4 : i32
      %mul3A_2787 = arith.muli %mul3A_2786, %squeeze3A_2778 : i32
      %sub3A_2788 = arith.constant 28 : i32
      %sub3A_2789 = arith.subi %sub3A_2788, %mul3A_2787 : i32
      %shift_left3A_2790 = vector.broadcast %sub3A_2789 : i32 to vector<16xi32>
      %shift_left3A_2791 = arith.shli %get3A_2769, %shift_left3A_2790 : vector<16xi32>
      %shift_right_arithmetic3A_2792 = arith.constant 28 : i32
      %shift_right_arithmetic3A_2793 = vector.broadcast %shift_right_arithmetic3A_2792 : i32 to vector<16xi32>
      %shift_right_arithmetic3A_2794 = arith.shrsi %shift_left3A_2791, %shift_right_arithmetic3A_2793 : vector<16xi32>
      %convert_element_type3A_2795 = arith.sitofp %shift_right_arithmetic3A_2794 : vector<16xi32> to vector<16xf32>
      %mul3A_2796 = vector.broadcast %select_n3A_2785 : f32 to vector<16xf32>
      %mul3A_2797 = arith.mulf %convert_element_type3A_2795, %mul3A_2796 : vector<16xf32>
      %add3A_2798 = arith.addf %add3A_2730, %mul3A_2797 : vector<16xf32>
      %sub3A_2799 = arith.constant 12 : i32
      %sub3A_2800 = arith.subi %sub3A_2799, %mul3A_2787 : i32
      %shift_left3A_2801 = vector.broadcast %sub3A_2800 : i32 to vector<16xi32>
      %shift_left3A_2802 = arith.shli %get3A_2769, %shift_left3A_2801 : vector<16xi32>
      %shift_right_arithmetic3A_2803 = arith.constant 28 : i32
      %shift_right_arithmetic3A_2804 = vector.broadcast %shift_right_arithmetic3A_2803 : i32 to vector<16xi32>
      %shift_right_arithmetic3A_2805 = arith.shrsi %shift_left3A_2802, %shift_right_arithmetic3A_2804 : vector<16xi32>
      %convert_element_type3A_2806 = arith.sitofp %shift_right_arithmetic3A_2805 : vector<16xi32> to vector<16xf32>
      %mul3A_2807 = vector.broadcast %select_n3A_2785 : f32 to vector<16xf32>
      %mul3A_2808 = arith.mulf %convert_element_type3A_2806, %mul3A_2807 : vector<16xf32>
      %add3A_2809 = arith.addf %add3A_2741, %mul3A_2808 : vector<16xf32>
      %sub3A_2810 = arith.constant 20 : i32
      %sub3A_2811 = arith.subi %sub3A_2810, %mul3A_2787 : i32
      %shift_left3A_2812 = vector.broadcast %sub3A_2811 : i32 to vector<16xi32>
      %shift_left3A_2813 = arith.shli %get3A_2769, %shift_left3A_2812 : vector<16xi32>
      %shift_right_arithmetic3A_2814 = arith.constant 28 : i32
      %shift_right_arithmetic3A_2815 = vector.broadcast %shift_right_arithmetic3A_2814 : i32 to vector<16xi32>
      %shift_right_arithmetic3A_2816 = arith.shrsi %shift_left3A_2813, %shift_right_arithmetic3A_2815 : vector<16xi32>
      %convert_element_type3A_2817 = arith.sitofp %shift_right_arithmetic3A_2816 : vector<16xi32> to vector<16xf32>
      %mul3A_2818 = vector.broadcast %select_n3A_2785 : f32 to vector<16xf32>
      %mul3A_2819 = arith.mulf %convert_element_type3A_2817, %mul3A_2818 : vector<16xf32>
      %add3A_2820 = arith.addf %add3A_2752, %mul3A_2819 : vector<16xf32>
      %sub3A_2821 = arith.constant 4 : i32
      %sub3A_2822 = arith.subi %sub3A_2821, %mul3A_2787 : i32
      %shift_left3A_2823 = vector.broadcast %sub3A_2822 : i32 to vector<16xi32>
      %shift_left3A_2824 = arith.shli %get3A_2769, %shift_left3A_2823 : vector<16xi32>
      %shift_right_arithmetic3A_2825 = arith.constant 28 : i32
      %shift_right_arithmetic3A_2826 = vector.broadcast %shift_right_arithmetic3A_2825 : i32 to vector<16xi32>
      %shift_right_arithmetic3A_2827 = arith.shrsi %shift_left3A_2824, %shift_right_arithmetic3A_2826 : vector<16xi32>
      %convert_element_type3A_2828 = arith.sitofp %shift_right_arithmetic3A_2827 : vector<16xi32> to vector<16xf32>
      %mul3A_2829 = vector.broadcast %select_n3A_2785 : f32 to vector<16xf32>
      %mul3A_2830 = arith.mulf %convert_element_type3A_2828, %mul3A_2829 : vector<16xf32>
      %add3A_2831 = arith.addf %add3A_2763, %mul3A_2830 : vector<16xf32>
      %get3A_2832 = arith.constant 40 : i32
      %get3A_2833 = arith.index_cast %and3A_74 : i32 to index
      %get3A_2834 = arith.index_cast %get3A_2832 : i32 to index
      %get3A_2835 = arith.constant 0 : index
      %get3A_2836 = tpu.vector_load %arg9[%get3A_2833, %get3A_2834, %get3A_2835] {strides = array<i32>} : memref<4x50x32xi32, #tpu.memory_space<vmem>>, vector<1x1x16xi32>,
      %get3A_2837 = vector.shape_cast %get3A_2836 : vector<1x1x16xi32> to vector<16xi32>
      %get3A_2838 = arith.constant 40 : i32
      %get3A_2839 = arith.index_cast %and3A_74 : i32 to index
      %get3A_2840 = arith.index_cast %get3A_2838 : i32 to index
      %get3A_2841 = arith.constant 16 : index
      %get3A_2842 = tpu.vector_load %arg9[%get3A_2839, %get3A_2840, %get3A_2841] {strides = array<i32>} : memref<4x50x32xi32, #tpu.memory_space<vmem>>, vector<1x1x16xi32>,
      %get3A_2843 = vector.shape_cast %get3A_2842 : vector<1x1x16xi32> to vector<16xi32>
      %bitcast_convert_type3A_2844 = tpu.bitcast %get3A_2843 : vector<16xi32> -> vector<16xf32>
      %slice3A_2845 = vector.extract_strided_slice %and3A_2287 {offsets = [8], sizes = [1], strides = [1]} : vector<16xi32> to vector<1xi32>
      %squeeze3A_2846 = vector.extract %slice3A_2845[0] : i32 from vector<1xi32>
      %eq3A_2847 = arith.constant 0 : i32
      %eq3A_2848 = arith.cmpi eq, %squeeze3A_2846, %eq3A_2847 : i32
      %slice3A_2849 = vector.extract_strided_slice %bitcast_convert_type3A_2844 {offsets = [0], sizes = [1], strides = [1]} : vector<16xf32> to vector<1xf32>
      %squeeze3A_2850 = vector.extract %slice3A_2849[0] : f32 from vector<1xf32>
      %slice3A_2851 = vector.extract_strided_slice %bitcast_convert_type3A_2844 {offsets = [1], sizes = [1], strides = [1]} : vector<16xf32> to vector<1xf32>
      %squeeze3A_2852 = vector.extract %slice3A_2851[0] : f32 from vector<1xf32>
      %select_n3A_2853 = arith.select %eq3A_2848, %squeeze3A_2850, %squeeze3A_2852 : f32
      %mul3A_2854 = arith.constant 4 : i32
      %mul3A_2855 = arith.muli %mul3A_2854, %squeeze3A_2846 : i32
      %sub3A_2856 = arith.constant 28 : i32
      %sub3A_2857 = arith.subi %sub3A_2856, %mul3A_2855 : i32
      %shift_left3A_2858 = vector.broadcast %sub3A_2857 : i32 to vector<16xi32>
      %shift_left3A_2859 = arith.shli %get3A_2837, %shift_left3A_2858 : vector<16xi32>
      %shift_right_arithmetic3A_2860 = arith.constant 28 : i32
      %shift_right_arithmetic3A_2861 = vector.broadcast %shift_right_arithmetic3A_2860 : i32 to vector<16xi32>
      %shift_right_arithmetic3A_2862 = arith.shrsi %shift_left3A_2859, %shift_right_arithmetic3A_2861 : vector<16xi32>
      %convert_element_type3A_2863 = arith.sitofp %shift_right_arithmetic3A_2862 : vector<16xi32> to vector<16xf32>
      %mul3A_2864 = vector.broadcast %select_n3A_2853 : f32 to vector<16xf32>
      %mul3A_2865 = arith.mulf %convert_element_type3A_2863, %mul3A_2864 : vector<16xf32>
      %add3A_2866 = arith.addf %add3A_2798, %mul3A_2865 : vector<16xf32>
      %sub3A_2867 = arith.constant 12 : i32
      %sub3A_2868 = arith.subi %sub3A_2867, %mul3A_2855 : i32
      %shift_left3A_2869 = vector.broadcast %sub3A_2868 : i32 to vector<16xi32>
      %shift_left3A_2870 = arith.shli %get3A_2837, %shift_left3A_2869 : vector<16xi32>
      %shift_right_arithmetic3A_2871 = arith.constant 28 : i32
      %shift_right_arithmetic3A_2872 = vector.broadcast %shift_right_arithmetic3A_2871 : i32 to vector<16xi32>
      %shift_right_arithmetic3A_2873 = arith.shrsi %shift_left3A_2870, %shift_right_arithmetic3A_2872 : vector<16xi32>
      %convert_element_type3A_2874 = arith.sitofp %shift_right_arithmetic3A_2873 : vector<16xi32> to vector<16xf32>
      %mul3A_2875 = vector.broadcast %select_n3A_2853 : f32 to vector<16xf32>
      %mul3A_2876 = arith.mulf %convert_element_type3A_2874, %mul3A_2875 : vector<16xf32>
      %add3A_2877 = arith.addf %add3A_2809, %mul3A_2876 : vector<16xf32>
      %sub3A_2878 = arith.constant 20 : i32
      %sub3A_2879 = arith.subi %sub3A_2878, %mul3A_2855 : i32
      %shift_left3A_2880 = vector.broadcast %sub3A_2879 : i32 to vector<16xi32>
      %shift_left3A_2881 = arith.shli %get3A_2837, %shift_left3A_2880 : vector<16xi32>
      %shift_right_arithmetic3A_2882 = arith.constant 28 : i32
      %shift_right_arithmetic3A_2883 = vector.broadcast %shift_right_arithmetic3A_2882 : i32 to vector<16xi32>
      %shift_right_arithmetic3A_2884 = arith.shrsi %shift_left3A_2881, %shift_right_arithmetic3A_2883 : vector<16xi32>
      %convert_element_type3A_2885 = arith.sitofp %shift_right_arithmetic3A_2884 : vector<16xi32> to vector<16xf32>
      %mul3A_2886 = vector.broadcast %select_n3A_2853 : f32 to vector<16xf32>
      %mul3A_2887 = arith.mulf %convert_element_type3A_2885, %mul3A_2886 : vector<16xf32>
      %add3A_2888 = arith.addf %add3A_2820, %mul3A_2887 : vector<16xf32>
      %sub3A_2889 = arith.constant 4 : i32
      %sub3A_2890 = arith.subi %sub3A_2889, %mul3A_2855 : i32
      %shift_left3A_2891 = vector.broadcast %sub3A_2890 : i32 to vector<16xi32>
      %shift_left3A_2892 = arith.shli %get3A_2837, %shift_left3A_2891 : vector<16xi32>
      %shift_right_arithmetic3A_2893 = arith.constant 28 : i32
      %shift_right_arithmetic3A_2894 = vector.broadcast %shift_right_arithmetic3A_2893 : i32 to vector<16xi32>
      %shift_right_arithmetic3A_2895 = arith.shrsi %shift_left3A_2892, %shift_right_arithmetic3A_2894 : vector<16xi32>
      %convert_element_type3A_2896 = arith.sitofp %shift_right_arithmetic3A_2895 : vector<16xi32> to vector<16xf32>
      %mul3A_2897 = vector.broadcast %select_n3A_2853 : f32 to vector<16xf32>
      %mul3A_2898 = arith.mulf %convert_element_type3A_2896, %mul3A_2897 : vector<16xf32>
      %add3A_2899 = arith.addf %add3A_2831, %mul3A_2898 : vector<16xf32>
      %get3A_2900 = arith.constant 41 : i32
      %get3A_2901 = arith.index_cast %and3A_74 : i32 to index
      %get3A_2902 = arith.index_cast %get3A_2900 : i32 to index
      %get3A_2903 = arith.constant 0 : index
      %get3A_2904 = tpu.vector_load %arg9[%get3A_2901, %get3A_2902, %get3A_2903] {strides = array<i32>} : memref<4x50x32xi32, #tpu.memory_space<vmem>>, vector<1x1x16xi32>,
      %get3A_2905 = vector.shape_cast %get3A_2904 : vector<1x1x16xi32> to vector<16xi32>
      %get3A_2906 = arith.constant 41 : i32
      %get3A_2907 = arith.index_cast %and3A_74 : i32 to index
      %get3A_2908 = arith.index_cast %get3A_2906 : i32 to index
      %get3A_2909 = arith.constant 16 : index
      %get3A_2910 = tpu.vector_load %arg9[%get3A_2907, %get3A_2908, %get3A_2909] {strides = array<i32>} : memref<4x50x32xi32, #tpu.memory_space<vmem>>, vector<1x1x16xi32>,
      %get3A_2911 = vector.shape_cast %get3A_2910 : vector<1x1x16xi32> to vector<16xi32>
      %bitcast_convert_type3A_2912 = tpu.bitcast %get3A_2911 : vector<16xi32> -> vector<16xf32>
      %slice3A_2913 = vector.extract_strided_slice %and3A_2287 {offsets = [9], sizes = [1], strides = [1]} : vector<16xi32> to vector<1xi32>
      %squeeze3A_2914 = vector.extract %slice3A_2913[0] : i32 from vector<1xi32>
      %eq3A_2915 = arith.constant 0 : i32
      %eq3A_2916 = arith.cmpi eq, %squeeze3A_2914, %eq3A_2915 : i32
      %slice3A_2917 = vector.extract_strided_slice %bitcast_convert_type3A_2912 {offsets = [0], sizes = [1], strides = [1]} : vector<16xf32> to vector<1xf32>
      %squeeze3A_2918 = vector.extract %slice3A_2917[0] : f32 from vector<1xf32>
      %slice3A_2919 = vector.extract_strided_slice %bitcast_convert_type3A_2912 {offsets = [1], sizes = [1], strides = [1]} : vector<16xf32> to vector<1xf32>
      %squeeze3A_2920 = vector.extract %slice3A_2919[0] : f32 from vector<1xf32>
      %select_n3A_2921 = arith.select %eq3A_2916, %squeeze3A_2918, %squeeze3A_2920 : f32
      %mul3A_2922 = arith.constant 4 : i32
      %mul3A_2923 = arith.muli %mul3A_2922, %squeeze3A_2914 : i32
      %sub3A_2924 = arith.constant 28 : i32
      %sub3A_2925 = arith.subi %sub3A_2924, %mul3A_2923 : i32
      %shift_left3A_2926 = vector.broadcast %sub3A_2925 : i32 to vector<16xi32>
      %shift_left3A_2927 = arith.shli %get3A_2905, %shift_left3A_2926 : vector<16xi32>
      %shift_right_arithmetic3A_2928 = arith.constant 28 : i32
      %shift_right_arithmetic3A_2929 = vector.broadcast %shift_right_arithmetic3A_2928 : i32 to vector<16xi32>
      %shift_right_arithmetic3A_2930 = arith.shrsi %shift_left3A_2927, %shift_right_arithmetic3A_2929 : vector<16xi32>
      %convert_element_type3A_2931 = arith.sitofp %shift_right_arithmetic3A_2930 : vector<16xi32> to vector<16xf32>
      %mul3A_2932 = vector.broadcast %select_n3A_2921 : f32 to vector<16xf32>
      %mul3A_2933 = arith.mulf %convert_element_type3A_2931, %mul3A_2932 : vector<16xf32>
      %add3A_2934 = arith.addf %add3A_2866, %mul3A_2933 : vector<16xf32>
      %sub3A_2935 = arith.constant 12 : i32
      %sub3A_2936 = arith.subi %sub3A_2935, %mul3A_2923 : i32
      %shift_left3A_2937 = vector.broadcast %sub3A_2936 : i32 to vector<16xi32>
      %shift_left3A_2938 = arith.shli %get3A_2905, %shift_left3A_2937 : vector<16xi32>
      %shift_right_arithmetic3A_2939 = arith.constant 28 : i32
      %shift_right_arithmetic3A_2940 = vector.broadcast %shift_right_arithmetic3A_2939 : i32 to vector<16xi32>
      %shift_right_arithmetic3A_2941 = arith.shrsi %shift_left3A_2938, %shift_right_arithmetic3A_2940 : vector<16xi32>
      %convert_element_type3A_2942 = arith.sitofp %shift_right_arithmetic3A_2941 : vector<16xi32> to vector<16xf32>
      %mul3A_2943 = vector.broadcast %select_n3A_2921 : f32 to vector<16xf32>
      %mul3A_2944 = arith.mulf %convert_element_type3A_2942, %mul3A_2943 : vector<16xf32>
      %add3A_2945 = arith.addf %add3A_2877, %mul3A_2944 : vector<16xf32>
      %sub3A_2946 = arith.constant 20 : i32
      %sub3A_2947 = arith.subi %sub3A_2946, %mul3A_2923 : i32
      %shift_left3A_2948 = vector.broadcast %sub3A_2947 : i32 to vector<16xi32>
      %shift_left3A_2949 = arith.shli %get3A_2905, %shift_left3A_2948 : vector<16xi32>
      %shift_right_arithmetic3A_2950 = arith.constant 28 : i32
      %shift_right_arithmetic3A_2951 = vector.broadcast %shift_right_arithmetic3A_2950 : i32 to vector<16xi32>
      %shift_right_arithmetic3A_2952 = arith.shrsi %shift_left3A_2949, %shift_right_arithmetic3A_2951 : vector<16xi32>
      %convert_element_type3A_2953 = arith.sitofp %shift_right_arithmetic3A_2952 : vector<16xi32> to vector<16xf32>
      %mul3A_2954 = vector.broadcast %select_n3A_2921 : f32 to vector<16xf32>
      %mul3A_2955 = arith.mulf %convert_element_type3A_2953, %mul3A_2954 : vector<16xf32>
      %add3A_2956 = arith.addf %add3A_2888, %mul3A_2955 : vector<16xf32>
      %sub3A_2957 = arith.constant 4 : i32
      %sub3A_2958 = arith.subi %sub3A_2957, %mul3A_2923 : i32
      %shift_left3A_2959 = vector.broadcast %sub3A_2958 : i32 to vector<16xi32>
      %shift_left3A_2960 = arith.shli %get3A_2905, %shift_left3A_2959 : vector<16xi32>
      %shift_right_arithmetic3A_2961 = arith.constant 28 : i32
      %shift_right_arithmetic3A_2962 = vector.broadcast %shift_right_arithmetic3A_2961 : i32 to vector<16xi32>
      %shift_right_arithmetic3A_2963 = arith.shrsi %shift_left3A_2960, %shift_right_arithmetic3A_2962 : vector<16xi32>
      %convert_element_type3A_2964 = arith.sitofp %shift_right_arithmetic3A_2963 : vector<16xi32> to vector<16xf32>
      %mul3A_2965 = vector.broadcast %select_n3A_2921 : f32 to vector<16xf32>
      %mul3A_2966 = arith.mulf %convert_element_type3A_2964, %mul3A_2965 : vector<16xf32>
      %add3A_2967 = arith.addf %add3A_2899, %mul3A_2966 : vector<16xf32>
      %get3A_2968 = arith.constant 42 : i32
      %get3A_2969 = arith.index_cast %and3A_74 : i32 to index
      %get3A_2970 = arith.index_cast %get3A_2968 : i32 to index
      %get3A_2971 = arith.constant 0 : index
      %get3A_2972 = tpu.vector_load %arg9[%get3A_2969, %get3A_2970, %get3A_2971] {strides = array<i32>} : memref<4x50x32xi32, #tpu.memory_space<vmem>>, vector<1x1x16xi32>,
      %get3A_2973 = vector.shape_cast %get3A_2972 : vector<1x1x16xi32> to vector<16xi32>
      %get3A_2974 = arith.constant 42 : i32
      %get3A_2975 = arith.index_cast %and3A_74 : i32 to index
      %get3A_2976 = arith.index_cast %get3A_2974 : i32 to index
      %get3A_2977 = arith.constant 16 : index
      %get3A_2978 = tpu.vector_load %arg9[%get3A_2975, %get3A_2976, %get3A_2977] {strides = array<i32>} : memref<4x50x32xi32, #tpu.memory_space<vmem>>, vector<1x1x16xi32>,
      %get3A_2979 = vector.shape_cast %get3A_2978 : vector<1x1x16xi32> to vector<16xi32>
      %bitcast_convert_type3A_2980 = tpu.bitcast %get3A_2979 : vector<16xi32> -> vector<16xf32>
      %slice3A_2981 = vector.extract_strided_slice %and3A_2287 {offsets = [10], sizes = [1], strides = [1]} : vector<16xi32> to vector<1xi32>
      %squeeze3A_2982 = vector.extract %slice3A_2981[0] : i32 from vector<1xi32>
      %eq3A_2983 = arith.constant 0 : i32
      %eq3A_2984 = arith.cmpi eq, %squeeze3A_2982, %eq3A_2983 : i32
      %slice3A_2985 = vector.extract_strided_slice %bitcast_convert_type3A_2980 {offsets = [0], sizes = [1], strides = [1]} : vector<16xf32> to vector<1xf32>
      %squeeze3A_2986 = vector.extract %slice3A_2985[0] : f32 from vector<1xf32>
      %slice3A_2987 = vector.extract_strided_slice %bitcast_convert_type3A_2980 {offsets = [1], sizes = [1], strides = [1]} : vector<16xf32> to vector<1xf32>
      %squeeze3A_2988 = vector.extract %slice3A_2987[0] : f32 from vector<1xf32>
      %select_n3A_2989 = arith.select %eq3A_2984, %squeeze3A_2986, %squeeze3A_2988 : f32
      %mul3A_2990 = arith.constant 4 : i32
      %mul3A_2991 = arith.muli %mul3A_2990, %squeeze3A_2982 : i32
      %sub3A_2992 = arith.constant 28 : i32
      %sub3A_2993 = arith.subi %sub3A_2992, %mul3A_2991 : i32
      %shift_left3A_2994 = vector.broadcast %sub3A_2993 : i32 to vector<16xi32>
      %shift_left3A_2995 = arith.shli %get3A_2973, %shift_left3A_2994 : vector<16xi32>
      %shift_right_arithmetic3A_2996 = arith.constant 28 : i32
      %shift_right_arithmetic3A_2997 = vector.broadcast %shift_right_arithmetic3A_2996 : i32 to vector<16xi32>
      %shift_right_arithmetic3A_2998 = arith.shrsi %shift_left3A_2995, %shift_right_arithmetic3A_2997 : vector<16xi32>
      %convert_element_type3A_2999 = arith.sitofp %shift_right_arithmetic3A_2998 : vector<16xi32> to vector<16xf32>
      %mul3A_3000 = vector.broadcast %select_n3A_2989 : f32 to vector<16xf32>
      %mul3A_3001 = arith.mulf %convert_element_type3A_2999, %mul3A_3000 : vector<16xf32>
      %add3A_3002 = arith.addf %add3A_2934, %mul3A_3001 : vector<16xf32>
      %sub3A_3003 = arith.constant 12 : i32
      %sub3A_3004 = arith.subi %sub3A_3003, %mul3A_2991 : i32
      %shift_left3A_3005 = vector.broadcast %sub3A_3004 : i32 to vector<16xi32>
      %shift_left3A_3006 = arith.shli %get3A_2973, %shift_left3A_3005 : vector<16xi32>
      %shift_right_arithmetic3A_3007 = arith.constant 28 : i32
      %shift_right_arithmetic3A_3008 = vector.broadcast %shift_right_arithmetic3A_3007 : i32 to vector<16xi32>
      %shift_right_arithmetic3A_3009 = arith.shrsi %shift_left3A_3006, %shift_right_arithmetic3A_3008 : vector<16xi32>
      %convert_element_type3A_3010 = arith.sitofp %shift_right_arithmetic3A_3009 : vector<16xi32> to vector<16xf32>
      %mul3A_3011 = vector.broadcast %select_n3A_2989 : f32 to vector<16xf32>
      %mul3A_3012 = arith.mulf %convert_element_type3A_3010, %mul3A_3011 : vector<16xf32>
      %add3A_3013 = arith.addf %add3A_2945, %mul3A_3012 : vector<16xf32>
      %sub3A_3014 = arith.constant 20 : i32
      %sub3A_3015 = arith.subi %sub3A_3014, %mul3A_2991 : i32
      %shift_left3A_3016 = vector.broadcast %sub3A_3015 : i32 to vector<16xi32>
      %shift_left3A_3017 = arith.shli %get3A_2973, %shift_left3A_3016 : vector<16xi32>
      %shift_right_arithmetic3A_3018 = arith.constant 28 : i32
      %shift_right_arithmetic3A_3019 = vector.broadcast %shift_right_arithmetic3A_3018 : i32 to vector<16xi32>
      %shift_right_arithmetic3A_3020 = arith.shrsi %shift_left3A_3017, %shift_right_arithmetic3A_3019 : vector<16xi32>
      %convert_element_type3A_3021 = arith.sitofp %shift_right_arithmetic3A_3020 : vector<16xi32> to vector<16xf32>
      %mul3A_3022 = vector.broadcast %select_n3A_2989 : f32 to vector<16xf32>
      %mul3A_3023 = arith.mulf %convert_element_type3A_3021, %mul3A_3022 : vector<16xf32>
      %add3A_3024 = arith.addf %add3A_2956, %mul3A_3023 : vector<16xf32>
      %sub3A_3025 = arith.constant 4 : i32
      %sub3A_3026 = arith.subi %sub3A_3025, %mul3A_2991 : i32
      %shift_left3A_3027 = vector.broadcast %sub3A_3026 : i32 to vector<16xi32>
      %shift_left3A_3028 = arith.shli %get3A_2973, %shift_left3A_3027 : vector<16xi32>
      %shift_right_arithmetic3A_3029 = arith.constant 28 : i32
      %shift_right_arithmetic3A_3030 = vector.broadcast %shift_right_arithmetic3A_3029 : i32 to vector<16xi32>
      %shift_right_arithmetic3A_3031 = arith.shrsi %shift_left3A_3028, %shift_right_arithmetic3A_3030 : vector<16xi32>
      %convert_element_type3A_3032 = arith.sitofp %shift_right_arithmetic3A_3031 : vector<16xi32> to vector<16xf32>
      %mul3A_3033 = vector.broadcast %select_n3A_2989 : f32 to vector<16xf32>
      %mul3A_3034 = arith.mulf %convert_element_type3A_3032, %mul3A_3033 : vector<16xf32>
      %add3A_3035 = arith.addf %add3A_2967, %mul3A_3034 : vector<16xf32>
      %get3A_3036 = arith.constant 43 : i32
      %get3A_3037 = arith.index_cast %and3A_74 : i32 to index
      %get3A_3038 = arith.index_cast %get3A_3036 : i32 to index
      %get3A_3039 = arith.constant 0 : index
      %get3A_3040 = tpu.vector_load %arg9[%get3A_3037, %get3A_3038, %get3A_3039] {strides = array<i32>} : memref<4x50x32xi32, #tpu.memory_space<vmem>>, vector<1x1x16xi32>,
      %get3A_3041 = vector.shape_cast %get3A_3040 : vector<1x1x16xi32> to vector<16xi32>
      %get3A_3042 = arith.constant 43 : i32
      %get3A_3043 = arith.index_cast %and3A_74 : i32 to index
      %get3A_3044 = arith.index_cast %get3A_3042 : i32 to index
      %get3A_3045 = arith.constant 16 : index
      %get3A_3046 = tpu.vector_load %arg9[%get3A_3043, %get3A_3044, %get3A_3045] {strides = array<i32>} : memref<4x50x32xi32, #tpu.memory_space<vmem>>, vector<1x1x16xi32>,
      %get3A_3047 = vector.shape_cast %get3A_3046 : vector<1x1x16xi32> to vector<16xi32>
      %bitcast_convert_type3A_3048 = tpu.bitcast %get3A_3047 : vector<16xi32> -> vector<16xf32>
      %slice3A_3049 = vector.extract_strided_slice %and3A_2287 {offsets = [11], sizes = [1], strides = [1]} : vector<16xi32> to vector<1xi32>
      %squeeze3A_3050 = vector.extract %slice3A_3049[0] : i32 from vector<1xi32>
      %eq3A_3051 = arith.constant 0 : i32
      %eq3A_3052 = arith.cmpi eq, %squeeze3A_3050, %eq3A_3051 : i32
      %slice3A_3053 = vector.extract_strided_slice %bitcast_convert_type3A_3048 {offsets = [0], sizes = [1], strides = [1]} : vector<16xf32> to vector<1xf32>
      %squeeze3A_3054 = vector.extract %slice3A_3053[0] : f32 from vector<1xf32>
      %slice3A_3055 = vector.extract_strided_slice %bitcast_convert_type3A_3048 {offsets = [1], sizes = [1], strides = [1]} : vector<16xf32> to vector<1xf32>
      %squeeze3A_3056 = vector.extract %slice3A_3055[0] : f32 from vector<1xf32>
      %select_n3A_3057 = arith.select %eq3A_3052, %squeeze3A_3054, %squeeze3A_3056 : f32
      %mul3A_3058 = arith.constant 4 : i32
      %mul3A_3059 = arith.muli %mul3A_3058, %squeeze3A_3050 : i32
      %sub3A_3060 = arith.constant 28 : i32
      %sub3A_3061 = arith.subi %sub3A_3060, %mul3A_3059 : i32
      %shift_left3A_3062 = vector.broadcast %sub3A_3061 : i32 to vector<16xi32>
      %shift_left3A_3063 = arith.shli %get3A_3041, %shift_left3A_3062 : vector<16xi32>
      %shift_right_arithmetic3A_3064 = arith.constant 28 : i32
      %shift_right_arithmetic3A_3065 = vector.broadcast %shift_right_arithmetic3A_3064 : i32 to vector<16xi32>
      %shift_right_arithmetic3A_3066 = arith.shrsi %shift_left3A_3063, %shift_right_arithmetic3A_3065 : vector<16xi32>
      %convert_element_type3A_3067 = arith.sitofp %shift_right_arithmetic3A_3066 : vector<16xi32> to vector<16xf32>
      %mul3A_3068 = vector.broadcast %select_n3A_3057 : f32 to vector<16xf32>
      %mul3A_3069 = arith.mulf %convert_element_type3A_3067, %mul3A_3068 : vector<16xf32>
      %add3A_3070 = arith.addf %add3A_3002, %mul3A_3069 : vector<16xf32>
      %sub3A_3071 = arith.constant 12 : i32
      %sub3A_3072 = arith.subi %sub3A_3071, %mul3A_3059 : i32
      %shift_left3A_3073 = vector.broadcast %sub3A_3072 : i32 to vector<16xi32>
      %shift_left3A_3074 = arith.shli %get3A_3041, %shift_left3A_3073 : vector<16xi32>
      %shift_right_arithmetic3A_3075 = arith.constant 28 : i32
      %shift_right_arithmetic3A_3076 = vector.broadcast %shift_right_arithmetic3A_3075 : i32 to vector<16xi32>
      %shift_right_arithmetic3A_3077 = arith.shrsi %shift_left3A_3074, %shift_right_arithmetic3A_3076 : vector<16xi32>
      %convert_element_type3A_3078 = arith.sitofp %shift_right_arithmetic3A_3077 : vector<16xi32> to vector<16xf32>
      %mul3A_3079 = vector.broadcast %select_n3A_3057 : f32 to vector<16xf32>
      %mul3A_3080 = arith.mulf %convert_element_type3A_3078, %mul3A_3079 : vector<16xf32>
      %add3A_3081 = arith.addf %add3A_3013, %mul3A_3080 : vector<16xf32>
      %sub3A_3082 = arith.constant 20 : i32
      %sub3A_3083 = arith.subi %sub3A_3082, %mul3A_3059 : i32
      %shift_left3A_3084 = vector.broadcast %sub3A_3083 : i32 to vector<16xi32>
      %shift_left3A_3085 = arith.shli %get3A_3041, %shift_left3A_3084 : vector<16xi32>
      %shift_right_arithmetic3A_3086 = arith.constant 28 : i32
      %shift_right_arithmetic3A_3087 = vector.broadcast %shift_right_arithmetic3A_3086 : i32 to vector<16xi32>
      %shift_right_arithmetic3A_3088 = arith.shrsi %shift_left3A_3085, %shift_right_arithmetic3A_3087 : vector<16xi32>
      %convert_element_type3A_3089 = arith.sitofp %shift_right_arithmetic3A_3088 : vector<16xi32> to vector<16xf32>
      %mul3A_3090 = vector.broadcast %select_n3A_3057 : f32 to vector<16xf32>
      %mul3A_3091 = arith.mulf %convert_element_type3A_3089, %mul3A_3090 : vector<16xf32>
      %add3A_3092 = arith.addf %add3A_3024, %mul3A_3091 : vector<16xf32>
      %sub3A_3093 = arith.constant 4 : i32
      %sub3A_3094 = arith.subi %sub3A_3093, %mul3A_3059 : i32
      %shift_left3A_3095 = vector.broadcast %sub3A_3094 : i32 to vector<16xi32>
      %shift_left3A_3096 = arith.shli %get3A_3041, %shift_left3A_3095 : vector<16xi32>
      %shift_right_arithmetic3A_3097 = arith.constant 28 : i32
      %shift_right_arithmetic3A_3098 = vector.broadcast %shift_right_arithmetic3A_3097 : i32 to vector<16xi32>
      %shift_right_arithmetic3A_3099 = arith.shrsi %shift_left3A_3096, %shift_right_arithmetic3A_3098 : vector<16xi32>
      %convert_element_type3A_3100 = arith.sitofp %shift_right_arithmetic3A_3099 : vector<16xi32> to vector<16xf32>
      %mul3A_3101 = vector.broadcast %select_n3A_3057 : f32 to vector<16xf32>
      %mul3A_3102 = arith.mulf %convert_element_type3A_3100, %mul3A_3101 : vector<16xf32>
      %add3A_3103 = arith.addf %add3A_3035, %mul3A_3102 : vector<16xf32>
      %get3A_3104 = arith.constant 44 : i32
      %get3A_3105 = arith.index_cast %and3A_74 : i32 to index
      %get3A_3106 = arith.index_cast %get3A_3104 : i32 to index
      %get3A_3107 = arith.constant 0 : index
      %get3A_3108 = tpu.vector_load %arg9[%get3A_3105, %get3A_3106, %get3A_3107] {strides = array<i32>} : memref<4x50x32xi32, #tpu.memory_space<vmem>>, vector<1x1x16xi32>,
      %get3A_3109 = vector.shape_cast %get3A_3108 : vector<1x1x16xi32> to vector<16xi32>
      %get3A_3110 = arith.constant 44 : i32
      %get3A_3111 = arith.index_cast %and3A_74 : i32 to index
      %get3A_3112 = arith.index_cast %get3A_3110 : i32 to index
      %get3A_3113 = arith.constant 16 : index
      %get3A_3114 = tpu.vector_load %arg9[%get3A_3111, %get3A_3112, %get3A_3113] {strides = array<i32>} : memref<4x50x32xi32, #tpu.memory_space<vmem>>, vector<1x1x16xi32>,
      %get3A_3115 = vector.shape_cast %get3A_3114 : vector<1x1x16xi32> to vector<16xi32>
      %bitcast_convert_type3A_3116 = tpu.bitcast %get3A_3115 : vector<16xi32> -> vector<16xf32>
      %slice3A_3117 = vector.extract_strided_slice %and3A_2287 {offsets = [12], sizes = [1], strides = [1]} : vector<16xi32> to vector<1xi32>
      %squeeze3A_3118 = vector.extract %slice3A_3117[0] : i32 from vector<1xi32>
      %eq3A_3119 = arith.constant 0 : i32
      %eq3A_3120 = arith.cmpi eq, %squeeze3A_3118, %eq3A_3119 : i32
      %slice3A_3121 = vector.extract_strided_slice %bitcast_convert_type3A_3116 {offsets = [0], sizes = [1], strides = [1]} : vector<16xf32> to vector<1xf32>
      %squeeze3A_3122 = vector.extract %slice3A_3121[0] : f32 from vector<1xf32>
      %slice3A_3123 = vector.extract_strided_slice %bitcast_convert_type3A_3116 {offsets = [1], sizes = [1], strides = [1]} : vector<16xf32> to vector<1xf32>
      %squeeze3A_3124 = vector.extract %slice3A_3123[0] : f32 from vector<1xf32>
      %select_n3A_3125 = arith.select %eq3A_3120, %squeeze3A_3122, %squeeze3A_3124 : f32
      %mul3A_3126 = arith.constant 4 : i32
      %mul3A_3127 = arith.muli %mul3A_3126, %squeeze3A_3118 : i32
      %sub3A_3128 = arith.constant 28 : i32
      %sub3A_3129 = arith.subi %sub3A_3128, %mul3A_3127 : i32
      %shift_left3A_3130 = vector.broadcast %sub3A_3129 : i32 to vector<16xi32>
      %shift_left3A_3131 = arith.shli %get3A_3109, %shift_left3A_3130 : vector<16xi32>
      %shift_right_arithmetic3A_3132 = arith.constant 28 : i32
      %shift_right_arithmetic3A_3133 = vector.broadcast %shift_right_arithmetic3A_3132 : i32 to vector<16xi32>
      %shift_right_arithmetic3A_3134 = arith.shrsi %shift_left3A_3131, %shift_right_arithmetic3A_3133 : vector<16xi32>
      %convert_element_type3A_3135 = arith.sitofp %shift_right_arithmetic3A_3134 : vector<16xi32> to vector<16xf32>
      %mul3A_3136 = vector.broadcast %select_n3A_3125 : f32 to vector<16xf32>
      %mul3A_3137 = arith.mulf %convert_element_type3A_3135, %mul3A_3136 : vector<16xf32>
      %add3A_3138 = arith.addf %add3A_3070, %mul3A_3137 : vector<16xf32>
      %sub3A_3139 = arith.constant 12 : i32
      %sub3A_3140 = arith.subi %sub3A_3139, %mul3A_3127 : i32
      %shift_left3A_3141 = vector.broadcast %sub3A_3140 : i32 to vector<16xi32>
      %shift_left3A_3142 = arith.shli %get3A_3109, %shift_left3A_3141 : vector<16xi32>
      %shift_right_arithmetic3A_3143 = arith.constant 28 : i32
      %shift_right_arithmetic3A_3144 = vector.broadcast %shift_right_arithmetic3A_3143 : i32 to vector<16xi32>
      %shift_right_arithmetic3A_3145 = arith.shrsi %shift_left3A_3142, %shift_right_arithmetic3A_3144 : vector<16xi32>
      %convert_element_type3A_3146 = arith.sitofp %shift_right_arithmetic3A_3145 : vector<16xi32> to vector<16xf32>
      %mul3A_3147 = vector.broadcast %select_n3A_3125 : f32 to vector<16xf32>
      %mul3A_3148 = arith.mulf %convert_element_type3A_3146, %mul3A_3147 : vector<16xf32>
      %add3A_3149 = arith.addf %add3A_3081, %mul3A_3148 : vector<16xf32>
      %sub3A_3150 = arith.constant 20 : i32
      %sub3A_3151 = arith.subi %sub3A_3150, %mul3A_3127 : i32
      %shift_left3A_3152 = vector.broadcast %sub3A_3151 : i32 to vector<16xi32>
      %shift_left3A_3153 = arith.shli %get3A_3109, %shift_left3A_3152 : vector<16xi32>
      %shift_right_arithmetic3A_3154 = arith.constant 28 : i32
      %shift_right_arithmetic3A_3155 = vector.broadcast %shift_right_arithmetic3A_3154 : i32 to vector<16xi32>
      %shift_right_arithmetic3A_3156 = arith.shrsi %shift_left3A_3153, %shift_right_arithmetic3A_3155 : vector<16xi32>
      %convert_element_type3A_3157 = arith.sitofp %shift_right_arithmetic3A_3156 : vector<16xi32> to vector<16xf32>
      %mul3A_3158 = vector.broadcast %select_n3A_3125 : f32 to vector<16xf32>
      %mul3A_3159 = arith.mulf %convert_element_type3A_3157, %mul3A_3158 : vector<16xf32>
      %add3A_3160 = arith.addf %add3A_3092, %mul3A_3159 : vector<16xf32>
      %sub3A_3161 = arith.constant 4 : i32
      %sub3A_3162 = arith.subi %sub3A_3161, %mul3A_3127 : i32
      %shift_left3A_3163 = vector.broadcast %sub3A_3162 : i32 to vector<16xi32>
      %shift_left3A_3164 = arith.shli %get3A_3109, %shift_left3A_3163 : vector<16xi32>
      %shift_right_arithmetic3A_3165 = arith.constant 28 : i32
      %shift_right_arithmetic3A_3166 = vector.broadcast %shift_right_arithmetic3A_3165 : i32 to vector<16xi32>
      %shift_right_arithmetic3A_3167 = arith.shrsi %shift_left3A_3164, %shift_right_arithmetic3A_3166 : vector<16xi32>
      %convert_element_type3A_3168 = arith.sitofp %shift_right_arithmetic3A_3167 : vector<16xi32> to vector<16xf32>
      %mul3A_3169 = vector.broadcast %select_n3A_3125 : f32 to vector<16xf32>
      %mul3A_3170 = arith.mulf %convert_element_type3A_3168, %mul3A_3169 : vector<16xf32>
      %add3A_3171 = arith.addf %add3A_3103, %mul3A_3170 : vector<16xf32>
      %get3A_3172 = arith.constant 45 : i32
      %get3A_3173 = arith.index_cast %and3A_74 : i32 to index
      %get3A_3174 = arith.index_cast %get3A_3172 : i32 to index
      %get3A_3175 = arith.constant 0 : index
      %get3A_3176 = tpu.vector_load %arg9[%get3A_3173, %get3A_3174, %get3A_3175] {strides = array<i32>} : memref<4x50x32xi32, #tpu.memory_space<vmem>>, vector<1x1x16xi32>,
      %get3A_3177 = vector.shape_cast %get3A_3176 : vector<1x1x16xi32> to vector<16xi32>
      %get3A_3178 = arith.constant 45 : i32
      %get3A_3179 = arith.index_cast %and3A_74 : i32 to index
      %get3A_3180 = arith.index_cast %get3A_3178 : i32 to index
      %get3A_3181 = arith.constant 16 : index
      %get3A_3182 = tpu.vector_load %arg9[%get3A_3179, %get3A_3180, %get3A_3181] {strides = array<i32>} : memref<4x50x32xi32, #tpu.memory_space<vmem>>, vector<1x1x16xi32>,
      %get3A_3183 = vector.shape_cast %get3A_3182 : vector<1x1x16xi32> to vector<16xi32>
      %bitcast_convert_type3A_3184 = tpu.bitcast %get3A_3183 : vector<16xi32> -> vector<16xf32>
      %slice3A_3185 = vector.extract_strided_slice %and3A_2287 {offsets = [13], sizes = [1], strides = [1]} : vector<16xi32> to vector<1xi32>
      %squeeze3A_3186 = vector.extract %slice3A_3185[0] : i32 from vector<1xi32>
      %eq3A_3187 = arith.constant 0 : i32
      %eq3A_3188 = arith.cmpi eq, %squeeze3A_3186, %eq3A_3187 : i32
      %slice3A_3189 = vector.extract_strided_slice %bitcast_convert_type3A_3184 {offsets = [0], sizes = [1], strides = [1]} : vector<16xf32> to vector<1xf32>
      %squeeze3A_3190 = vector.extract %slice3A_3189[0] : f32 from vector<1xf32>
      %slice3A_3191 = vector.extract_strided_slice %bitcast_convert_type3A_3184 {offsets = [1], sizes = [1], strides = [1]} : vector<16xf32> to vector<1xf32>
      %squeeze3A_3192 = vector.extract %slice3A_3191[0] : f32 from vector<1xf32>
      %select_n3A_3193 = arith.select %eq3A_3188, %squeeze3A_3190, %squeeze3A_3192 : f32
      %mul3A_3194 = arith.constant 4 : i32
      %mul3A_3195 = arith.muli %mul3A_3194, %squeeze3A_3186 : i32
      %sub3A_3196 = arith.constant 28 : i32
      %sub3A_3197 = arith.subi %sub3A_3196, %mul3A_3195 : i32
      %shift_left3A_3198 = vector.broadcast %sub3A_3197 : i32 to vector<16xi32>
      %shift_left3A_3199 = arith.shli %get3A_3177, %shift_left3A_3198 : vector<16xi32>
      %shift_right_arithmetic3A_3200 = arith.constant 28 : i32
      %shift_right_arithmetic3A_3201 = vector.broadcast %shift_right_arithmetic3A_3200 : i32 to vector<16xi32>
      %shift_right_arithmetic3A_3202 = arith.shrsi %shift_left3A_3199, %shift_right_arithmetic3A_3201 : vector<16xi32>
      %convert_element_type3A_3203 = arith.sitofp %shift_right_arithmetic3A_3202 : vector<16xi32> to vector<16xf32>
      %mul3A_3204 = vector.broadcast %select_n3A_3193 : f32 to vector<16xf32>
      %mul3A_3205 = arith.mulf %convert_element_type3A_3203, %mul3A_3204 : vector<16xf32>
      %add3A_3206 = arith.addf %add3A_3138, %mul3A_3205 : vector<16xf32>
      %sub3A_3207 = arith.constant 12 : i32
      %sub3A_3208 = arith.subi %sub3A_3207, %mul3A_3195 : i32
      %shift_left3A_3209 = vector.broadcast %sub3A_3208 : i32 to vector<16xi32>
      %shift_left3A_3210 = arith.shli %get3A_3177, %shift_left3A_3209 : vector<16xi32>
      %shift_right_arithmetic3A_3211 = arith.constant 28 : i32
      %shift_right_arithmetic3A_3212 = vector.broadcast %shift_right_arithmetic3A_3211 : i32 to vector<16xi32>
      %shift_right_arithmetic3A_3213 = arith.shrsi %shift_left3A_3210, %shift_right_arithmetic3A_3212 : vector<16xi32>
      %convert_element_type3A_3214 = arith.sitofp %shift_right_arithmetic3A_3213 : vector<16xi32> to vector<16xf32>
      %mul3A_3215 = vector.broadcast %select_n3A_3193 : f32 to vector<16xf32>
      %mul3A_3216 = arith.mulf %convert_element_type3A_3214, %mul3A_3215 : vector<16xf32>
      %add3A_3217 = arith.addf %add3A_3149, %mul3A_3216 : vector<16xf32>
      %sub3A_3218 = arith.constant 20 : i32
      %sub3A_3219 = arith.subi %sub3A_3218, %mul3A_3195 : i32
      %shift_left3A_3220 = vector.broadcast %sub3A_3219 : i32 to vector<16xi32>
      %shift_left3A_3221 = arith.shli %get3A_3177, %shift_left3A_3220 : vector<16xi32>
      %shift_right_arithmetic3A_3222 = arith.constant 28 : i32
      %shift_right_arithmetic3A_3223 = vector.broadcast %shift_right_arithmetic3A_3222 : i32 to vector<16xi32>
      %shift_right_arithmetic3A_3224 = arith.shrsi %shift_left3A_3221, %shift_right_arithmetic3A_3223 : vector<16xi32>
      %convert_element_type3A_3225 = arith.sitofp %shift_right_arithmetic3A_3224 : vector<16xi32> to vector<16xf32>
      %mul3A_3226 = vector.broadcast %select_n3A_3193 : f32 to vector<16xf32>
      %mul3A_3227 = arith.mulf %convert_element_type3A_3225, %mul3A_3226 : vector<16xf32>
      %add3A_3228 = arith.addf %add3A_3160, %mul3A_3227 : vector<16xf32>
      %sub3A_3229 = arith.constant 4 : i32
      %sub3A_3230 = arith.subi %sub3A_3229, %mul3A_3195 : i32
      %shift_left3A_3231 = vector.broadcast %sub3A_3230 : i32 to vector<16xi32>
      %shift_left3A_3232 = arith.shli %get3A_3177, %shift_left3A_3231 : vector<16xi32>
      %shift_right_arithmetic3A_3233 = arith.constant 28 : i32
      %shift_right_arithmetic3A_3234 = vector.broadcast %shift_right_arithmetic3A_3233 : i32 to vector<16xi32>
      %shift_right_arithmetic3A_3235 = arith.shrsi %shift_left3A_3232, %shift_right_arithmetic3A_3234 : vector<16xi32>
      %convert_element_type3A_3236 = arith.sitofp %shift_right_arithmetic3A_3235 : vector<16xi32> to vector<16xf32>
      %mul3A_3237 = vector.broadcast %select_n3A_3193 : f32 to vector<16xf32>
      %mul3A_3238 = arith.mulf %convert_element_type3A_3236, %mul3A_3237 : vector<16xf32>
      %add3A_3239 = arith.addf %add3A_3171, %mul3A_3238 : vector<16xf32>
      %get3A_3240 = arith.constant 46 : i32
      %get3A_3241 = arith.index_cast %and3A_74 : i32 to index
      %get3A_3242 = arith.index_cast %get3A_3240 : i32 to index
      %get3A_3243 = arith.constant 0 : index
      %get3A_3244 = tpu.vector_load %arg9[%get3A_3241, %get3A_3242, %get3A_3243] {strides = array<i32>} : memref<4x50x32xi32, #tpu.memory_space<vmem>>, vector<1x1x16xi32>,
      %get3A_3245 = vector.shape_cast %get3A_3244 : vector<1x1x16xi32> to vector<16xi32>
      %get3A_3246 = arith.constant 46 : i32
      %get3A_3247 = arith.index_cast %and3A_74 : i32 to index
      %get3A_3248 = arith.index_cast %get3A_3246 : i32 to index
      %get3A_3249 = arith.constant 16 : index
      %get3A_3250 = tpu.vector_load %arg9[%get3A_3247, %get3A_3248, %get3A_3249] {strides = array<i32>} : memref<4x50x32xi32, #tpu.memory_space<vmem>>, vector<1x1x16xi32>,
      %get3A_3251 = vector.shape_cast %get3A_3250 : vector<1x1x16xi32> to vector<16xi32>
      %bitcast_convert_type3A_3252 = tpu.bitcast %get3A_3251 : vector<16xi32> -> vector<16xf32>
      %slice3A_3253 = vector.extract_strided_slice %and3A_2287 {offsets = [14], sizes = [1], strides = [1]} : vector<16xi32> to vector<1xi32>
      %squeeze3A_3254 = vector.extract %slice3A_3253[0] : i32 from vector<1xi32>
      %eq3A_3255 = arith.constant 0 : i32
      %eq3A_3256 = arith.cmpi eq, %squeeze3A_3254, %eq3A_3255 : i32
      %slice3A_3257 = vector.extract_strided_slice %bitcast_convert_type3A_3252 {offsets = [0], sizes = [1], strides = [1]} : vector<16xf32> to vector<1xf32>
      %squeeze3A_3258 = vector.extract %slice3A_3257[0] : f32 from vector<1xf32>
      %slice3A_3259 = vector.extract_strided_slice %bitcast_convert_type3A_3252 {offsets = [1], sizes = [1], strides = [1]} : vector<16xf32> to vector<1xf32>
      %squeeze3A_3260 = vector.extract %slice3A_3259[0] : f32 from vector<1xf32>
      %select_n3A_3261 = arith.select %eq3A_3256, %squeeze3A_3258, %squeeze3A_3260 : f32
      %mul3A_3262 = arith.constant 4 : i32
      %mul3A_3263 = arith.muli %mul3A_3262, %squeeze3A_3254 : i32
      %sub3A_3264 = arith.constant 28 : i32
      %sub3A_3265 = arith.subi %sub3A_3264, %mul3A_3263 : i32
      %shift_left3A_3266 = vector.broadcast %sub3A_3265 : i32 to vector<16xi32>
      %shift_left3A_3267 = arith.shli %get3A_3245, %shift_left3A_3266 : vector<16xi32>
      %shift_right_arithmetic3A_3268 = arith.constant 28 : i32
      %shift_right_arithmetic3A_3269 = vector.broadcast %shift_right_arithmetic3A_3268 : i32 to vector<16xi32>
      %shift_right_arithmetic3A_3270 = arith.shrsi %shift_left3A_3267, %shift_right_arithmetic3A_3269 : vector<16xi32>
      %convert_element_type3A_3271 = arith.sitofp %shift_right_arithmetic3A_3270 : vector<16xi32> to vector<16xf32>
      %mul3A_3272 = vector.broadcast %select_n3A_3261 : f32 to vector<16xf32>
      %mul3A_3273 = arith.mulf %convert_element_type3A_3271, %mul3A_3272 : vector<16xf32>
      %add3A_3274 = arith.addf %add3A_3206, %mul3A_3273 : vector<16xf32>
      %sub3A_3275 = arith.constant 12 : i32
      %sub3A_3276 = arith.subi %sub3A_3275, %mul3A_3263 : i32
      %shift_left3A_3277 = vector.broadcast %sub3A_3276 : i32 to vector<16xi32>
      %shift_left3A_3278 = arith.shli %get3A_3245, %shift_left3A_3277 : vector<16xi32>
      %shift_right_arithmetic3A_3279 = arith.constant 28 : i32
      %shift_right_arithmetic3A_3280 = vector.broadcast %shift_right_arithmetic3A_3279 : i32 to vector<16xi32>
      %shift_right_arithmetic3A_3281 = arith.shrsi %shift_left3A_3278, %shift_right_arithmetic3A_3280 : vector<16xi32>
      %convert_element_type3A_3282 = arith.sitofp %shift_right_arithmetic3A_3281 : vector<16xi32> to vector<16xf32>
      %mul3A_3283 = vector.broadcast %select_n3A_3261 : f32 to vector<16xf32>
      %mul3A_3284 = arith.mulf %convert_element_type3A_3282, %mul3A_3283 : vector<16xf32>
      %add3A_3285 = arith.addf %add3A_3217, %mul3A_3284 : vector<16xf32>
      %sub3A_3286 = arith.constant 20 : i32
      %sub3A_3287 = arith.subi %sub3A_3286, %mul3A_3263 : i32
      %shift_left3A_3288 = vector.broadcast %sub3A_3287 : i32 to vector<16xi32>
      %shift_left3A_3289 = arith.shli %get3A_3245, %shift_left3A_3288 : vector<16xi32>
      %shift_right_arithmetic3A_3290 = arith.constant 28 : i32
      %shift_right_arithmetic3A_3291 = vector.broadcast %shift_right_arithmetic3A_3290 : i32 to vector<16xi32>
      %shift_right_arithmetic3A_3292 = arith.shrsi %shift_left3A_3289, %shift_right_arithmetic3A_3291 : vector<16xi32>
      %convert_element_type3A_3293 = arith.sitofp %shift_right_arithmetic3A_3292 : vector<16xi32> to vector<16xf32>
      %mul3A_3294 = vector.broadcast %select_n3A_3261 : f32 to vector<16xf32>
      %mul3A_3295 = arith.mulf %convert_element_type3A_3293, %mul3A_3294 : vector<16xf32>
      %add3A_3296 = arith.addf %add3A_3228, %mul3A_3295 : vector<16xf32>
      %sub3A_3297 = arith.constant 4 : i32
      %sub3A_3298 = arith.subi %sub3A_3297, %mul3A_3263 : i32
      %shift_left3A_3299 = vector.broadcast %sub3A_3298 : i32 to vector<16xi32>
      %shift_left3A_3300 = arith.shli %get3A_3245, %shift_left3A_3299 : vector<16xi32>
      %shift_right_arithmetic3A_3301 = arith.constant 28 : i32
      %shift_right_arithmetic3A_3302 = vector.broadcast %shift_right_arithmetic3A_3301 : i32 to vector<16xi32>
      %shift_right_arithmetic3A_3303 = arith.shrsi %shift_left3A_3300, %shift_right_arithmetic3A_3302 : vector<16xi32>
      %convert_element_type3A_3304 = arith.sitofp %shift_right_arithmetic3A_3303 : vector<16xi32> to vector<16xf32>
      %mul3A_3305 = vector.broadcast %select_n3A_3261 : f32 to vector<16xf32>
      %mul3A_3306 = arith.mulf %convert_element_type3A_3304, %mul3A_3305 : vector<16xf32>
      %add3A_3307 = arith.addf %add3A_3239, %mul3A_3306 : vector<16xf32>
      %get3A_3308 = arith.constant 47 : i32
      %get3A_3309 = arith.index_cast %and3A_74 : i32 to index
      %get3A_3310 = arith.index_cast %get3A_3308 : i32 to index
      %get3A_3311 = arith.constant 0 : index
      %get3A_3312 = tpu.vector_load %arg9[%get3A_3309, %get3A_3310, %get3A_3311] {strides = array<i32>} : memref<4x50x32xi32, #tpu.memory_space<vmem>>, vector<1x1x16xi32>,
      %get3A_3313 = vector.shape_cast %get3A_3312 : vector<1x1x16xi32> to vector<16xi32>
      %get3A_3314 = arith.constant 47 : i32
      %get3A_3315 = arith.index_cast %and3A_74 : i32 to index
      %get3A_3316 = arith.index_cast %get3A_3314 : i32 to index
      %get3A_3317 = arith.constant 16 : index
      %get3A_3318 = tpu.vector_load %arg9[%get3A_3315, %get3A_3316, %get3A_3317] {strides = array<i32>} : memref<4x50x32xi32, #tpu.memory_space<vmem>>, vector<1x1x16xi32>,
      %get3A_3319 = vector.shape_cast %get3A_3318 : vector<1x1x16xi32> to vector<16xi32>
      %bitcast_convert_type3A_3320 = tpu.bitcast %get3A_3319 : vector<16xi32> -> vector<16xf32>
      %slice3A_3321 = vector.extract_strided_slice %and3A_2287 {offsets = [15], sizes = [1], strides = [1]} : vector<16xi32> to vector<1xi32>
      %squeeze3A_3322 = vector.extract %slice3A_3321[0] : i32 from vector<1xi32>
      %eq3A_3323 = arith.constant 0 : i32
      %eq3A_3324 = arith.cmpi eq, %squeeze3A_3322, %eq3A_3323 : i32
      %slice3A_3325 = vector.extract_strided_slice %bitcast_convert_type3A_3320 {offsets = [0], sizes = [1], strides = [1]} : vector<16xf32> to vector<1xf32>
      %squeeze3A_3326 = vector.extract %slice3A_3325[0] : f32 from vector<1xf32>
      %slice3A_3327 = vector.extract_strided_slice %bitcast_convert_type3A_3320 {offsets = [1], sizes = [1], strides = [1]} : vector<16xf32> to vector<1xf32>
      %squeeze3A_3328 = vector.extract %slice3A_3327[0] : f32 from vector<1xf32>
      %select_n3A_3329 = arith.select %eq3A_3324, %squeeze3A_3326, %squeeze3A_3328 : f32
      %mul3A_3330 = arith.constant 4 : i32
      %mul3A_3331 = arith.muli %mul3A_3330, %squeeze3A_3322 : i32
      %sub3A_3332 = arith.constant 28 : i32
      %sub3A_3333 = arith.subi %sub3A_3332, %mul3A_3331 : i32
      %shift_left3A_3334 = vector.broadcast %sub3A_3333 : i32 to vector<16xi32>
      %shift_left3A_3335 = arith.shli %get3A_3313, %shift_left3A_3334 : vector<16xi32>
      %shift_right_arithmetic3A_3336 = arith.constant 28 : i32
      %shift_right_arithmetic3A_3337 = vector.broadcast %shift_right_arithmetic3A_3336 : i32 to vector<16xi32>
      %shift_right_arithmetic3A_3338 = arith.shrsi %shift_left3A_3335, %shift_right_arithmetic3A_3337 : vector<16xi32>
      %convert_element_type3A_3339 = arith.sitofp %shift_right_arithmetic3A_3338 : vector<16xi32> to vector<16xf32>
      %mul3A_3340 = vector.broadcast %select_n3A_3329 : f32 to vector<16xf32>
      %mul3A_3341 = arith.mulf %convert_element_type3A_3339, %mul3A_3340 : vector<16xf32>
      %add3A_3342 = arith.addf %add3A_3274, %mul3A_3341 : vector<16xf32>
      %sub3A_3343 = arith.constant 12 : i32
      %sub3A_3344 = arith.subi %sub3A_3343, %mul3A_3331 : i32
      %shift_left3A_3345 = vector.broadcast %sub3A_3344 : i32 to vector<16xi32>
      %shift_left3A_3346 = arith.shli %get3A_3313, %shift_left3A_3345 : vector<16xi32>
      %shift_right_arithmetic3A_3347 = arith.constant 28 : i32
      %shift_right_arithmetic3A_3348 = vector.broadcast %shift_right_arithmetic3A_3347 : i32 to vector<16xi32>
      %shift_right_arithmetic3A_3349 = arith.shrsi %shift_left3A_3346, %shift_right_arithmetic3A_3348 : vector<16xi32>
      %convert_element_type3A_3350 = arith.sitofp %shift_right_arithmetic3A_3349 : vector<16xi32> to vector<16xf32>
      %mul3A_3351 = vector.broadcast %select_n3A_3329 : f32 to vector<16xf32>
      %mul3A_3352 = arith.mulf %convert_element_type3A_3350, %mul3A_3351 : vector<16xf32>
      %add3A_3353 = arith.addf %add3A_3285, %mul3A_3352 : vector<16xf32>
      %sub3A_3354 = arith.constant 20 : i32
      %sub3A_3355 = arith.subi %sub3A_3354, %mul3A_3331 : i32
      %shift_left3A_3356 = vector.broadcast %sub3A_3355 : i32 to vector<16xi32>
      %shift_left3A_3357 = arith.shli %get3A_3313, %shift_left3A_3356 : vector<16xi32>
      %shift_right_arithmetic3A_3358 = arith.constant 28 : i32
      %shift_right_arithmetic3A_3359 = vector.broadcast %shift_right_arithmetic3A_3358 : i32 to vector<16xi32>
      %shift_right_arithmetic3A_3360 = arith.shrsi %shift_left3A_3357, %shift_right_arithmetic3A_3359 : vector<16xi32>
      %convert_element_type3A_3361 = arith.sitofp %shift_right_arithmetic3A_3360 : vector<16xi32> to vector<16xf32>
      %mul3A_3362 = vector.broadcast %select_n3A_3329 : f32 to vector<16xf32>
      %mul3A_3363 = arith.mulf %convert_element_type3A_3361, %mul3A_3362 : vector<16xf32>
      %add3A_3364 = arith.addf %add3A_3296, %mul3A_3363 : vector<16xf32>
      %sub3A_3365 = arith.constant 4 : i32
      %sub3A_3366 = arith.subi %sub3A_3365, %mul3A_3331 : i32
      %shift_left3A_3367 = vector.broadcast %sub3A_3366 : i32 to vector<16xi32>
      %shift_left3A_3368 = arith.shli %get3A_3313, %shift_left3A_3367 : vector<16xi32>
      %shift_right_arithmetic3A_3369 = arith.constant 28 : i32
      %shift_right_arithmetic3A_3370 = vector.broadcast %shift_right_arithmetic3A_3369 : i32 to vector<16xi32>
      %shift_right_arithmetic3A_3371 = arith.shrsi %shift_left3A_3368, %shift_right_arithmetic3A_3370 : vector<16xi32>
      %convert_element_type3A_3372 = arith.sitofp %shift_right_arithmetic3A_3371 : vector<16xi32> to vector<16xf32>
      %mul3A_3373 = vector.broadcast %select_n3A_3329 : f32 to vector<16xf32>
      %mul3A_3374 = arith.mulf %convert_element_type3A_3372, %mul3A_3373 : vector<16xf32>
      %add3A_3375 = arith.addf %add3A_3307, %mul3A_3374 : vector<16xf32>
      %get3A_3376 = arith.index_cast %scan3A_73 : i32 to index
      %get3A_3377 = arith.constant 34 : index
      %get3A_3378 = tpu.vector_load %arg6[%get3A_3376, %get3A_3377] {strides = array<i32>} : memref<128x50xi32, #tpu.memory_space<vmem>>, vector<1x16xi32>,
      %get3A_3379 = vector.shape_cast %get3A_3378 : vector<1x16xi32> to vector<16xi32>
      %shift_right_logical3A_3380 = arith.constant 14 : i32
      %shift_right_logical3A_3381 = vector.broadcast %shift_right_logical3A_3380 : i32 to vector<16xi32>
      %shift_right_logical3A_3382 = arith.shrui %get3A_3379, %shift_right_logical3A_3381 : vector<16xi32>
      %and3A_3383 = arith.constant 1 : i32
      %and3A_3384 = vector.broadcast %and3A_3383 : i32 to vector<16xi32>
      %and3A_3385 = arith.andi %shift_right_logical3A_3382, %and3A_3384 : vector<16xi32>
      %get3A_3386 = arith.constant 48 : i32
      %get3A_3387 = arith.index_cast %and3A_74 : i32 to index
      %get3A_3388 = arith.index_cast %get3A_3386 : i32 to index
      %get3A_3389 = arith.constant 0 : index
      %get3A_3390 = tpu.vector_load %arg9[%get3A_3387, %get3A_3388, %get3A_3389] {strides = array<i32>} : memref<4x50x32xi32, #tpu.memory_space<vmem>>, vector<1x1x16xi32>,
      %get3A_3391 = vector.shape_cast %get3A_3390 : vector<1x1x16xi32> to vector<16xi32>
      %get3A_3392 = arith.constant 48 : i32
      %get3A_3393 = arith.index_cast %and3A_74 : i32 to index
      %get3A_3394 = arith.index_cast %get3A_3392 : i32 to index
      %get3A_3395 = arith.constant 16 : index
      %get3A_3396 = tpu.vector_load %arg9[%get3A_3393, %get3A_3394, %get3A_3395] {strides = array<i32>} : memref<4x50x32xi32, #tpu.memory_space<vmem>>, vector<1x1x16xi32>,
      %get3A_3397 = vector.shape_cast %get3A_3396 : vector<1x1x16xi32> to vector<16xi32>
      %bitcast_convert_type3A_3398 = tpu.bitcast %get3A_3397 : vector<16xi32> -> vector<16xf32>
      %slice3A_3399 = vector.extract_strided_slice %and3A_3385 {offsets = [14], sizes = [1], strides = [1]} : vector<16xi32> to vector<1xi32>
      %squeeze3A_3400 = vector.extract %slice3A_3399[0] : i32 from vector<1xi32>
      %eq3A_3401 = arith.constant 0 : i32
      %eq3A_3402 = arith.cmpi eq, %squeeze3A_3400, %eq3A_3401 : i32
      %slice3A_3403 = vector.extract_strided_slice %bitcast_convert_type3A_3398 {offsets = [0], sizes = [1], strides = [1]} : vector<16xf32> to vector<1xf32>
      %squeeze3A_3404 = vector.extract %slice3A_3403[0] : f32 from vector<1xf32>
      %slice3A_3405 = vector.extract_strided_slice %bitcast_convert_type3A_3398 {offsets = [1], sizes = [1], strides = [1]} : vector<16xf32> to vector<1xf32>
      %squeeze3A_3406 = vector.extract %slice3A_3405[0] : f32 from vector<1xf32>
      %select_n3A_3407 = arith.select %eq3A_3402, %squeeze3A_3404, %squeeze3A_3406 : f32
      %mul3A_3408 = arith.constant 4 : i32
      %mul3A_3409 = arith.muli %mul3A_3408, %squeeze3A_3400 : i32
      %sub3A_3410 = arith.constant 28 : i32
      %sub3A_3411 = arith.subi %sub3A_3410, %mul3A_3409 : i32
      %shift_left3A_3412 = vector.broadcast %sub3A_3411 : i32 to vector<16xi32>
      %shift_left3A_3413 = arith.shli %get3A_3391, %shift_left3A_3412 : vector<16xi32>
      %shift_right_arithmetic3A_3414 = arith.constant 28 : i32
      %shift_right_arithmetic3A_3415 = vector.broadcast %shift_right_arithmetic3A_3414 : i32 to vector<16xi32>
      %shift_right_arithmetic3A_3416 = arith.shrsi %shift_left3A_3413, %shift_right_arithmetic3A_3415 : vector<16xi32>
      %convert_element_type3A_3417 = arith.sitofp %shift_right_arithmetic3A_3416 : vector<16xi32> to vector<16xf32>
      %mul3A_3418 = vector.broadcast %select_n3A_3407 : f32 to vector<16xf32>
      %mul3A_3419 = arith.mulf %convert_element_type3A_3417, %mul3A_3418 : vector<16xf32>
      %add3A_3420 = arith.addf %add3A_3342, %mul3A_3419 : vector<16xf32>
      %sub3A_3421 = arith.constant 12 : i32
      %sub3A_3422 = arith.subi %sub3A_3421, %mul3A_3409 : i32
      %shift_left3A_3423 = vector.broadcast %sub3A_3422 : i32 to vector<16xi32>
      %shift_left3A_3424 = arith.shli %get3A_3391, %shift_left3A_3423 : vector<16xi32>
      %shift_right_arithmetic3A_3425 = arith.constant 28 : i32
      %shift_right_arithmetic3A_3426 = vector.broadcast %shift_right_arithmetic3A_3425 : i32 to vector<16xi32>
      %shift_right_arithmetic3A_3427 = arith.shrsi %shift_left3A_3424, %shift_right_arithmetic3A_3426 : vector<16xi32>
      %convert_element_type3A_3428 = arith.sitofp %shift_right_arithmetic3A_3427 : vector<16xi32> to vector<16xf32>
      %mul3A_3429 = vector.broadcast %select_n3A_3407 : f32 to vector<16xf32>
      %mul3A_3430 = arith.mulf %convert_element_type3A_3428, %mul3A_3429 : vector<16xf32>
      %add3A_3431 = arith.addf %add3A_3353, %mul3A_3430 : vector<16xf32>
      %sub3A_3432 = arith.constant 20 : i32
      %sub3A_3433 = arith.subi %sub3A_3432, %mul3A_3409 : i32
      %shift_left3A_3434 = vector.broadcast %sub3A_3433 : i32 to vector<16xi32>
      %shift_left3A_3435 = arith.shli %get3A_3391, %shift_left3A_3434 : vector<16xi32>
      %shift_right_arithmetic3A_3436 = arith.constant 28 : i32
      %shift_right_arithmetic3A_3437 = vector.broadcast %shift_right_arithmetic3A_3436 : i32 to vector<16xi32>
      %shift_right_arithmetic3A_3438 = arith.shrsi %shift_left3A_3435, %shift_right_arithmetic3A_3437 : vector<16xi32>
      %convert_element_type3A_3439 = arith.sitofp %shift_right_arithmetic3A_3438 : vector<16xi32> to vector<16xf32>
      %mul3A_3440 = vector.broadcast %select_n3A_3407 : f32 to vector<16xf32>
      %mul3A_3441 = arith.mulf %convert_element_type3A_3439, %mul3A_3440 : vector<16xf32>
      %add3A_3442 = arith.addf %add3A_3364, %mul3A_3441 : vector<16xf32>
      %sub3A_3443 = arith.constant 4 : i32
      %sub3A_3444 = arith.subi %sub3A_3443, %mul3A_3409 : i32
      %shift_left3A_3445 = vector.broadcast %sub3A_3444 : i32 to vector<16xi32>
      %shift_left3A_3446 = arith.shli %get3A_3391, %shift_left3A_3445 : vector<16xi32>
      %shift_right_arithmetic3A_3447 = arith.constant 28 : i32
      %shift_right_arithmetic3A_3448 = vector.broadcast %shift_right_arithmetic3A_3447 : i32 to vector<16xi32>
      %shift_right_arithmetic3A_3449 = arith.shrsi %shift_left3A_3446, %shift_right_arithmetic3A_3448 : vector<16xi32>
      %convert_element_type3A_3450 = arith.sitofp %shift_right_arithmetic3A_3449 : vector<16xi32> to vector<16xf32>
      %mul3A_3451 = vector.broadcast %select_n3A_3407 : f32 to vector<16xf32>
      %mul3A_3452 = arith.mulf %convert_element_type3A_3450, %mul3A_3451 : vector<16xf32>
      %add3A_3453 = arith.addf %add3A_3375, %mul3A_3452 : vector<16xf32>
      %get3A_3454 = arith.constant 49 : i32
      %get3A_3455 = arith.index_cast %and3A_74 : i32 to index
      %get3A_3456 = arith.index_cast %get3A_3454 : i32 to index
      %get3A_3457 = arith.constant 0 : index
      %get3A_3458 = tpu.vector_load %arg9[%get3A_3455, %get3A_3456, %get3A_3457] {strides = array<i32>} : memref<4x50x32xi32, #tpu.memory_space<vmem>>, vector<1x1x16xi32>,
      %get3A_3459 = vector.shape_cast %get3A_3458 : vector<1x1x16xi32> to vector<16xi32>
      %get3A_3460 = arith.constant 49 : i32
      %get3A_3461 = arith.index_cast %and3A_74 : i32 to index
      %get3A_3462 = arith.index_cast %get3A_3460 : i32 to index
      %get3A_3463 = arith.constant 16 : index
      %get3A_3464 = tpu.vector_load %arg9[%get3A_3461, %get3A_3462, %get3A_3463] {strides = array<i32>} : memref<4x50x32xi32, #tpu.memory_space<vmem>>, vector<1x1x16xi32>,
      %get3A_3465 = vector.shape_cast %get3A_3464 : vector<1x1x16xi32> to vector<16xi32>
      %bitcast_convert_type3A_3466 = tpu.bitcast %get3A_3465 : vector<16xi32> -> vector<16xf32>
      %slice3A_3467 = vector.extract_strided_slice %and3A_3385 {offsets = [15], sizes = [1], strides = [1]} : vector<16xi32> to vector<1xi32>
      %squeeze3A_3468 = vector.extract %slice3A_3467[0] : i32 from vector<1xi32>
      %eq3A_3469 = arith.constant 0 : i32
      %eq3A_3470 = arith.cmpi eq, %squeeze3A_3468, %eq3A_3469 : i32
      %slice3A_3471 = vector.extract_strided_slice %bitcast_convert_type3A_3466 {offsets = [0], sizes = [1], strides = [1]} : vector<16xf32> to vector<1xf32>
      %squeeze3A_3472 = vector.extract %slice3A_3471[0] : f32 from vector<1xf32>
      %slice3A_3473 = vector.extract_strided_slice %bitcast_convert_type3A_3466 {offsets = [1], sizes = [1], strides = [1]} : vector<16xf32> to vector<1xf32>
      %squeeze3A_3474 = vector.extract %slice3A_3473[0] : f32 from vector<1xf32>
      %select_n3A_3475 = arith.select %eq3A_3470, %squeeze3A_3472, %squeeze3A_3474 : f32
      %mul3A_3476 = arith.constant 4 : i32
      %mul3A_3477 = arith.muli %mul3A_3476, %squeeze3A_3468 : i32
      %sub3A_3478 = arith.constant 28 : i32
      %sub3A_3479 = arith.subi %sub3A_3478, %mul3A_3477 : i32
      %shift_left3A_3480 = vector.broadcast %sub3A_3479 : i32 to vector<16xi32>
      %shift_left3A_3481 = arith.shli %get3A_3459, %shift_left3A_3480 : vector<16xi32>
      %shift_right_arithmetic3A_3482 = arith.constant 28 : i32
      %shift_right_arithmetic3A_3483 = vector.broadcast %shift_right_arithmetic3A_3482 : i32 to vector<16xi32>
      %shift_right_arithmetic3A_3484 = arith.shrsi %shift_left3A_3481, %shift_right_arithmetic3A_3483 : vector<16xi32>
      %convert_element_type3A_3485 = arith.sitofp %shift_right_arithmetic3A_3484 : vector<16xi32> to vector<16xf32>
      %mul3A_3486 = vector.broadcast %select_n3A_3475 : f32 to vector<16xf32>
      %mul3A_3487 = arith.mulf %convert_element_type3A_3485, %mul3A_3486 : vector<16xf32>
      %add3A_3488 = arith.addf %add3A_3420, %mul3A_3487 : vector<16xf32>
      %sub3A_3489 = arith.constant 12 : i32
      %sub3A_3490 = arith.subi %sub3A_3489, %mul3A_3477 : i32
      %shift_left3A_3491 = vector.broadcast %sub3A_3490 : i32 to vector<16xi32>
      %shift_left3A_3492 = arith.shli %get3A_3459, %shift_left3A_3491 : vector<16xi32>
      %shift_right_arithmetic3A_3493 = arith.constant 28 : i32
      %shift_right_arithmetic3A_3494 = vector.broadcast %shift_right_arithmetic3A_3493 : i32 to vector<16xi32>
      %shift_right_arithmetic3A_3495 = arith.shrsi %shift_left3A_3492, %shift_right_arithmetic3A_3494 : vector<16xi32>
      %convert_element_type3A_3496 = arith.sitofp %shift_right_arithmetic3A_3495 : vector<16xi32> to vector<16xf32>
      %mul3A_3497 = vector.broadcast %select_n3A_3475 : f32 to vector<16xf32>
      %mul3A_3498 = arith.mulf %convert_element_type3A_3496, %mul3A_3497 : vector<16xf32>
      %add3A_3499 = arith.addf %add3A_3431, %mul3A_3498 : vector<16xf32>
      %sub3A_3500 = arith.constant 20 : i32
      %sub3A_3501 = arith.subi %sub3A_3500, %mul3A_3477 : i32
      %shift_left3A_3502 = vector.broadcast %sub3A_3501 : i32 to vector<16xi32>
      %shift_left3A_3503 = arith.shli %get3A_3459, %shift_left3A_3502 : vector<16xi32>
      %shift_right_arithmetic3A_3504 = arith.constant 28 : i32
      %shift_right_arithmetic3A_3505 = vector.broadcast %shift_right_arithmetic3A_3504 : i32 to vector<16xi32>
      %shift_right_arithmetic3A_3506 = arith.shrsi %shift_left3A_3503, %shift_right_arithmetic3A_3505 : vector<16xi32>
      %convert_element_type3A_3507 = arith.sitofp %shift_right_arithmetic3A_3506 : vector<16xi32> to vector<16xf32>
      %mul3A_3508 = vector.broadcast %select_n3A_3475 : f32 to vector<16xf32>
      %mul3A_3509 = arith.mulf %convert_element_type3A_3507, %mul3A_3508 : vector<16xf32>
      %add3A_3510 = arith.addf %add3A_3442, %mul3A_3509 : vector<16xf32>
      %sub3A_3511 = arith.constant 4 : i32
      %sub3A_3512 = arith.subi %sub3A_3511, %mul3A_3477 : i32
      %shift_left3A_3513 = vector.broadcast %sub3A_3512 : i32 to vector<16xi32>
      %shift_left3A_3514 = arith.shli %get3A_3459, %shift_left3A_3513 : vector<16xi32>
      %shift_right_arithmetic3A_3515 = arith.constant 28 : i32
      %shift_right_arithmetic3A_3516 = vector.broadcast %shift_right_arithmetic3A_3515 : i32 to vector<16xi32>
      %shift_right_arithmetic3A_3517 = arith.shrsi %shift_left3A_3514, %shift_right_arithmetic3A_3516 : vector<16xi32>
      %convert_element_type3A_3518 = arith.sitofp %shift_right_arithmetic3A_3517 : vector<16xi32> to vector<16xf32>
      %mul3A_3519 = vector.broadcast %select_n3A_3475 : f32 to vector<16xf32>
      %mul3A_3520 = arith.mulf %convert_element_type3A_3518, %mul3A_3519 : vector<16xf32>
      %add3A_3521 = arith.addf %add3A_3453, %mul3A_3520 : vector<16xf32>
      %add3A_3522 = arith.constant 4 : i32
      %add3A_3523 = arith.addi %scan3A_73, %add3A_3522 : i32
      %lt3A = arith.constant 128 : i32
      %lt3A_3524 = arith.cmpi slt, %add3A_3523, %lt3A : i32
      %convert_element_type3A_3525 = arith.extui %lt3A_3524 : i1 to i32
      %cond3A = arith.constant 0 : i32
      %cond3A_3526 = arith.cmpi ne, %convert_element_type3A_3525, %cond3A : i32
      scf.if %cond3A_3526 {
        %dma_start3A_3602 = arith.constant 0 : i32
        %dma_start3A_3603 = arith.constant 0 : i32
        %dma_start3A_3604 = tpu.memref_slice %arg9[%and3A_74, %dma_start3A_3602, %dma_start3A_3603] : memref<4x50x32xi32, #tpu.memory_space<vmem>> -> memref<1x50x32xi32, #tpu.memory_space<vmem>>
        %dma_start3A_3605 = tpu.memref_squeeze %dma_start3A_3604 : memref<1x50x32xi32, #tpu.memory_space<vmem>> -> memref<50x32xi32, #tpu.memory_space<vmem>>
        %dma_start3A_3606 = arith.constant 0 : i32
        %dma_start3A_3607 = tpu.memref_slice %arg7[%add3A_3523, %dma_start3A_3606] : memref<128x50xi32, #tpu.memory_space<vmem>> -> memref<1x50xi32, #tpu.memory_space<vmem>>
        %dma_start3A_3608 = tpu.memref_squeeze %dma_start3A_3607 : memref<1x50xi32, #tpu.memory_space<vmem>> -> memref<50xi32, #tpu.memory_space<vmem>>
        %dma_start3A_3609 = arith.constant 0 : i32
        %dma_start3A_3610 = arith.constant 0 : i32
        %dma_start3A_3611 = tpu.memref_slice %arg2[%dma_start3A_3609, %dma_start3A_3610] : memref<507904x32xi32, #tpu.memory_space<hbm>> -> memref<507904x32xi32, #tpu.memory_space<hbm>>
        %dma_start3A_3612 = tpu.memref_slice %arg11[%and3A_74] : memref<4x!tpu.dma_semaphore, #tpu.memory_space<semaphore_mem>> -> memref<1x!tpu.dma_semaphore, #tpu.memory_space<semaphore_mem>>
        %dma_start3A_3613 = tpu.memref_squeeze %dma_start3A_3612 : memref<1x!tpu.dma_semaphore, #tpu.memory_space<semaphore_mem>> -> memref<!tpu.dma_semaphore, #tpu.memory_space<semaphore_mem>>
        tpu.enqueue_indirect_dma source(%dma_start3A_3611 : memref<507904x32xi32, #tpu.memory_space<hbm>>) target(%dma_start3A_3605 : memref<50x32xi32, #tpu.memory_space<vmem>>) offsets(%dma_start3A_3608 : memref<50xi32, #tpu.memory_space<vmem>>) semaphore(%dma_start3A_3613 : memref<!tpu.dma_semaphore, #tpu.memory_space<semaphore_mem>>)
      } else {
      }
      %swap3A = arith.index_cast %scan3A_73 : i32 to index
      %swap3A_3527 = arith.constant 0 : index
      %swap3A_3528 = tpu.vector_load %arg10[%swap3A, %swap3A_3527] {strides = array<i32>} : memref<128x192xf32, #tpu.memory_space<vmem>>, vector<1x16xf32>,
      %swap3A_3529 = vector.shape_cast %swap3A_3528 : vector<1x16xf32> to vector<16xf32>
      %swap3A_3530 = vector.shape_cast %add3A_3488 : vector<16xf32> to vector<1x16xf32>
      tpu.vector_store %arg10[%swap3A, %swap3A_3527], %swap3A_3530 {strides = array<i32>} : memref<128x192xf32, #tpu.memory_space<vmem>>, vector<1x16xf32>,
      %swap3A_3531 = arith.index_cast %scan3A_73 : i32 to index
      %swap3A_3532 = arith.constant 64 : index
      %swap3A_3533 = tpu.vector_load %arg10[%swap3A_3531, %swap3A_3532] {strides = array<i32>} : memref<128x192xf32, #tpu.memory_space<vmem>>, vector<1x16xf32>,
      %swap3A_3534 = vector.shape_cast %swap3A_3533 : vector<1x16xf32> to vector<16xf32>
      %swap3A_3535 = vector.shape_cast %add3A_3488 : vector<16xf32> to vector<1x16xf32>
      tpu.vector_store %arg10[%swap3A_3531, %swap3A_3532], %swap3A_3535 {strides = array<i32>} : memref<128x192xf32, #tpu.memory_space<vmem>>, vector<1x16xf32>,
      %get3A_3536 = arith.index_cast %scan3A_73 : i32 to index
      %get3A_3537 = arith.constant 0 : index
      %get3A_3538 = tpu.vector_load %arg8[%get3A_3536, %get3A_3537] {strides = array<i32>} : memref<128x64xf32, #tpu.memory_space<vmem>>, vector<1x16xf32>,
      %get3A_3539 = vector.shape_cast %get3A_3538 : vector<1x16xf32> to vector<16xf32>
      %swap3A_3540 = arith.index_cast %scan3A_73 : i32 to index
      %swap3A_3541 = arith.constant 128 : index
      %swap3A_3542 = tpu.vector_load %arg10[%swap3A_3540, %swap3A_3541] {strides = array<i32>} : memref<128x192xf32, #tpu.memory_space<vmem>>, vector<1x16xf32>,
      %swap3A_3543 = vector.shape_cast %swap3A_3542 : vector<1x16xf32> to vector<16xf32>
      %swap3A_3544 = vector.shape_cast %get3A_3539 : vector<16xf32> to vector<1x16xf32>
      tpu.vector_store %arg10[%swap3A_3540, %swap3A_3541], %swap3A_3544 {strides = array<i32>} : memref<128x192xf32, #tpu.memory_space<vmem>>, vector<1x16xf32>,
      %swap3A_3545 = arith.index_cast %scan3A_73 : i32 to index
      %swap3A_3546 = arith.constant 16 : index
      %swap3A_3547 = tpu.vector_load %arg10[%swap3A_3545, %swap3A_3546] {strides = array<i32>} : memref<128x192xf32, #tpu.memory_space<vmem>>, vector<1x16xf32>,
      %swap3A_3548 = vector.shape_cast %swap3A_3547 : vector<1x16xf32> to vector<16xf32>
      %swap3A_3549 = vector.shape_cast %add3A_3499 : vector<16xf32> to vector<1x16xf32>
      tpu.vector_store %arg10[%swap3A_3545, %swap3A_3546], %swap3A_3549 {strides = array<i32>} : memref<128x192xf32, #tpu.memory_space<vmem>>, vector<1x16xf32>,
      %swap3A_3550 = arith.index_cast %scan3A_73 : i32 to index
      %swap3A_3551 = arith.constant 80 : index
      %swap3A_3552 = tpu.vector_load %arg10[%swap3A_3550, %swap3A_3551] {strides = array<i32>} : memref<128x192xf32, #tpu.memory_space<vmem>>, vector<1x16xf32>,
      %swap3A_3553 = vector.shape_cast %swap3A_3552 : vector<1x16xf32> to vector<16xf32>
      %swap3A_3554 = vector.shape_cast %add3A_3499 : vector<16xf32> to vector<1x16xf32>
      tpu.vector_store %arg10[%swap3A_3550, %swap3A_3551], %swap3A_3554 {strides = array<i32>} : memref<128x192xf32, #tpu.memory_space<vmem>>, vector<1x16xf32>,
      %get3A_3555 = arith.index_cast %scan3A_73 : i32 to index
      %get3A_3556 = arith.constant 16 : index
      %get3A_3557 = tpu.vector_load %arg8[%get3A_3555, %get3A_3556] {strides = array<i32>} : memref<128x64xf32, #tpu.memory_space<vmem>>, vector<1x16xf32>,
      %get3A_3558 = vector.shape_cast %get3A_3557 : vector<1x16xf32> to vector<16xf32>
      %swap3A_3559 = arith.index_cast %scan3A_73 : i32 to index
      %swap3A_3560 = arith.constant 144 : index
      %swap3A_3561 = tpu.vector_load %arg10[%swap3A_3559, %swap3A_3560] {strides = array<i32>} : memref<128x192xf32, #tpu.memory_space<vmem>>, vector<1x16xf32>,
      %swap3A_3562 = vector.shape_cast %swap3A_3561 : vector<1x16xf32> to vector<16xf32>
      %swap3A_3563 = vector.shape_cast %get3A_3558 : vector<16xf32> to vector<1x16xf32>
      tpu.vector_store %arg10[%swap3A_3559, %swap3A_3560], %swap3A_3563 {strides = array<i32>} : memref<128x192xf32, #tpu.memory_space<vmem>>, vector<1x16xf32>,
      %swap3A_3564 = arith.index_cast %scan3A_73 : i32 to index
      %swap3A_3565 = arith.constant 32 : index
      %swap3A_3566 = tpu.vector_load %arg10[%swap3A_3564, %swap3A_3565] {strides = array<i32>} : memref<128x192xf32, #tpu.memory_space<vmem>>, vector<1x16xf32>,
      %swap3A_3567 = vector.shape_cast %swap3A_3566 : vector<1x16xf32> to vector<16xf32>
      %swap3A_3568 = vector.shape_cast %add3A_3510 : vector<16xf32> to vector<1x16xf32>
      tpu.vector_store %arg10[%swap3A_3564, %swap3A_3565], %swap3A_3568 {strides = array<i32>} : memref<128x192xf32, #tpu.memory_space<vmem>>, vector<1x16xf32>,
      %swap3A_3569 = arith.index_cast %scan3A_73 : i32 to index
      %swap3A_3570 = arith.constant 96 : index
      %swap3A_3571 = tpu.vector_load %arg10[%swap3A_3569, %swap3A_3570] {strides = array<i32>} : memref<128x192xf32, #tpu.memory_space<vmem>>, vector<1x16xf32>,
      %swap3A_3572 = vector.shape_cast %swap3A_3571 : vector<1x16xf32> to vector<16xf32>
      %swap3A_3573 = vector.shape_cast %add3A_3510 : vector<16xf32> to vector<1x16xf32>
      tpu.vector_store %arg10[%swap3A_3569, %swap3A_3570], %swap3A_3573 {strides = array<i32>} : memref<128x192xf32, #tpu.memory_space<vmem>>, vector<1x16xf32>,
      %get3A_3574 = arith.index_cast %scan3A_73 : i32 to index
      %get3A_3575 = arith.constant 32 : index
      %get3A_3576 = tpu.vector_load %arg8[%get3A_3574, %get3A_3575] {strides = array<i32>} : memref<128x64xf32, #tpu.memory_space<vmem>>, vector<1x16xf32>,
      %get3A_3577 = vector.shape_cast %get3A_3576 : vector<1x16xf32> to vector<16xf32>
      %swap3A_3578 = arith.index_cast %scan3A_73 : i32 to index
      %swap3A_3579 = arith.constant 160 : index
      %swap3A_3580 = tpu.vector_load %arg10[%swap3A_3578, %swap3A_3579] {strides = array<i32>} : memref<128x192xf32, #tpu.memory_space<vmem>>, vector<1x16xf32>,
      %swap3A_3581 = vector.shape_cast %swap3A_3580 : vector<1x16xf32> to vector<16xf32>
      %swap3A_3582 = vector.shape_cast %get3A_3577 : vector<16xf32> to vector<1x16xf32>
      tpu.vector_store %arg10[%swap3A_3578, %swap3A_3579], %swap3A_3582 {strides = array<i32>} : memref<128x192xf32, #tpu.memory_space<vmem>>, vector<1x16xf32>,
      %swap3A_3583 = arith.index_cast %scan3A_73 : i32 to index
      %swap3A_3584 = arith.constant 48 : index
      %swap3A_3585 = tpu.vector_load %arg10[%swap3A_3583, %swap3A_3584] {strides = array<i32>} : memref<128x192xf32, #tpu.memory_space<vmem>>, vector<1x16xf32>,
      %swap3A_3586 = vector.shape_cast %swap3A_3585 : vector<1x16xf32> to vector<16xf32>
      %swap3A_3587 = vector.shape_cast %add3A_3521 : vector<16xf32> to vector<1x16xf32>
      tpu.vector_store %arg10[%swap3A_3583, %swap3A_3584], %swap3A_3587 {strides = array<i32>} : memref<128x192xf32, #tpu.memory_space<vmem>>, vector<1x16xf32>,
      %swap3A_3588 = arith.index_cast %scan3A_73 : i32 to index
      %swap3A_3589 = arith.constant 112 : index
      %swap3A_3590 = tpu.vector_load %arg10[%swap3A_3588, %swap3A_3589] {strides = array<i32>} : memref<128x192xf32, #tpu.memory_space<vmem>>, vector<1x16xf32>,
      %swap3A_3591 = vector.shape_cast %swap3A_3590 : vector<1x16xf32> to vector<16xf32>
      %swap3A_3592 = vector.shape_cast %add3A_3521 : vector<16xf32> to vector<1x16xf32>
      tpu.vector_store %arg10[%swap3A_3588, %swap3A_3589], %swap3A_3592 {strides = array<i32>} : memref<128x192xf32, #tpu.memory_space<vmem>>, vector<1x16xf32>,
      %get3A_3593 = arith.index_cast %scan3A_73 : i32 to index
      %get3A_3594 = arith.constant 48 : index
      %get3A_3595 = tpu.vector_load %arg8[%get3A_3593, %get3A_3594] {strides = array<i32>} : memref<128x64xf32, #tpu.memory_space<vmem>>, vector<1x16xf32>,
      %get3A_3596 = vector.shape_cast %get3A_3595 : vector<1x16xf32> to vector<16xf32>
      %swap3A_3597 = arith.index_cast %scan3A_73 : i32 to index
      %swap3A_3598 = arith.constant 176 : index
      %swap3A_3599 = tpu.vector_load %arg10[%swap3A_3597, %swap3A_3598] {strides = array<i32>} : memref<128x192xf32, #tpu.memory_space<vmem>>, vector<1x16xf32>,
      %swap3A_3600 = vector.shape_cast %swap3A_3599 : vector<1x16xf32> to vector<16xf32>
      %swap3A_3601 = vector.shape_cast %get3A_3596 : vector<16xf32> to vector<1x16xf32>
      tpu.vector_store %arg10[%swap3A_3597, %swap3A_3598], %swap3A_3601 {strides = array<i32>} : memref<128x192xf32, #tpu.memory_space<vmem>>, vector<1x16xf32>,
    }
    %scan3A_72 = arith.constant 128 : i32
    "tpu.region"() ({
      %run_scoped3A = tpu.sem_alloc : memref<!tpu.dma_semaphore, #tpu.memory_space<semaphore_mem>>
      %dma_start3A_73 = arith.constant 0 : i32
      %dma_start3A_74 = tpu.memref_slice %arg5[%mul3A_2, %dma_start3A_73] : memref<4096x192xf32, #tpu.memory_space<hbm>> -> memref<128x192xf32, #tpu.memory_space<hbm>>
      %dma_start3A_75 = arith.constant 0 : i32
      %dma_start3A_76 = tpu.memref_slice %arg5[%mul3A_2, %dma_start3A_75] : memref<4096x192xf32, #tpu.memory_space<hbm>> -> memref<128x192xf32, #tpu.memory_space<hbm>>
      tpu.enqueue_dma source(%arg10 : memref<128x192xf32, #tpu.memory_space<vmem>>) target(%dma_start3A_76 : memref<128x192xf32, #tpu.memory_space<hbm>>) target_semaphore(%run_scoped3A : memref<!tpu.dma_semaphore, #tpu.memory_space<semaphore_mem>>)
      %dma_wait3A = arith.constant 0 : i32
      %dma_wait3A_77 = tpu.memref_slice %arg5[%mul3A_2, %dma_wait3A] : memref<4096x192xf32, #tpu.memory_space<hbm>> -> memref<128x192xf32, #tpu.memory_space<hbm>>
      %dma_wait3A_78 = arith.constant 0 : i32
      %dma_wait3A_79 = tpu.memref_slice %arg5[%mul3A_2, %dma_wait3A_78] : memref<4096x192xf32, #tpu.memory_space<hbm>> -> memref<128x192xf32, #tpu.memory_space<hbm>>
      tpu.wait_dma2 semaphore(%run_scoped3A : memref<!tpu.dma_semaphore, #tpu.memory_space<semaphore_mem>>) src(%arg10 : memref<128x192xf32, #tpu.memory_space<vmem>>) dst(%dma_wait3A_79 : memref<128x192xf32, #tpu.memory_space<hbm>>)
      tpu.yield
    }) : () -> ()
    return
  }
}

module attributes {stable_mosaic.version = 14 : i64} {
  func.func @_tc_body(%arg0: i32, %arg1: memref<64x32768xf32, #tpu.memory_space<vmem>>, %arg2: memref<4096x128xi32, #tpu.memory_space<vmem>>) attributes {dimension_semantics = [#tpu.dimension_semantics<arbitrary>], iteration_bounds = array<i64: 31>, scalar_prefetch = 0 : i64, scratch_operands = 0 : i64, tpu.core_type = #tpu.core_type<tc>, window_params = [{transform_indices = @transform_0, window_bounds = array<i64: 64, 32768>}, {transform_indices = @transform_1, window_bounds = array<i64: 4096, 128>}]} {
    %get3A = arith.constant 0 : index
    %get3A_0 = arith.constant 0 : index
    %get3A_1 = vector.load %arg1[%get3A, %get3A_0] : memref<64x32768xf32, #tpu.memory_space<vmem>>, vector<64x32768xf32>
    %abs3A = math.absf %get3A_1 : vector<64x32768xf32>
    %reduce_max3A = arith.constant dense<0xFF800000> : vector<32768xf32>
    %reduce_max3A_2 = vector.multi_reduction <maximumf>, %abs3A, %reduce_max3A [0] : vector<64x32768xf32> to vector<32768xf32>
    %eq3A = arith.constant 0.000000e+00 : f32
    %eq3A_3 = vector.broadcast %eq3A : f32 to vector<32768xf32>
    %eq3A_4 = arith.cmpf oeq, %reduce_max3A_2, %eq3A_3 : vector<32768xf32>
    %div3A = arith.constant 7.000000e+00 : f32
    %div3A_5 = vector.broadcast %div3A : f32 to vector<32768xf32>
    %div3A_6 = arith.divf %reduce_max3A_2, %div3A_5 : vector<32768xf32>
    %jit3A = arith.constant 1.000000e+00 : f32
    %broadcast_in_dim3A = vector.broadcast %jit3A : f32 to vector<32768xf32>
    %select_n3A = arith.select %eq3A_4, %broadcast_in_dim3A, %div3A_6 : vector<32768xi1>, vector<32768xf32>
    %broadcast_in_dim3A_7 = vector.shape_cast %select_n3A : vector<32768xf32> to vector<1x32768xf32>
    %div3A_8 = vector.broadcast %broadcast_in_dim3A_7 : vector<1x32768xf32> to vector<64x32768xf32>
    %div3A_9 = arith.divf %get3A_1, %div3A_8 : vector<64x32768xf32>
    %round3A = math.roundeven %div3A_9 : vector<64x32768xf32>
    %convert_element_type3A = arith.fptosi %round3A : vector<64x32768xf32> to vector<64x32768xi32>
    %slice3A = vector.extract_strided_slice %convert_element_type3A {offsets = [0, 0], sizes = [64, 16384], strides = [1, 1]} : vector<64x32768xi32> to vector<64x16384xi32>
    %slice3A_10 = vector.extract_strided_slice %convert_element_type3A {offsets = [0, 16384], sizes = [64, 16384], strides = [1, 1]} : vector<64x32768xi32> to vector<64x16384xi32>
    %concatenate3A = tpu.concatenate %slice3A, %slice3A_10 in 0 : vector<64x16384xi32>, vector<64x16384xi32> -> vector<128x16384xi32>
    %and3A = arith.constant 15 : i32
    %and3A_11 = vector.broadcast %and3A : i32 to vector<128x16384xi32>
    %and3A_12 = arith.andi %concatenate3A, %and3A_11 : vector<128x16384xi32>
    %slice3A_13 = vector.extract_strided_slice %and3A_12 {offsets = [0, 0], sizes = [64, 16384], strides = [1, 1]} : vector<128x16384xi32> to vector<64x16384xi32>
    %slice3A_14 = vector.extract_strided_slice %and3A_12 {offsets = [64, 0], sizes = [64, 16384], strides = [1, 1]} : vector<128x16384xi32> to vector<64x16384xi32>
    %shift_left3A = arith.constant 4 : i32
    %shift_left3A_15 = vector.broadcast %shift_left3A : i32 to vector<64x16384xi32>
    %shift_left3A_16 = arith.shli %slice3A_14, %shift_left3A_15 : vector<64x16384xi32>
    %or3A = arith.ori %slice3A_13, %shift_left3A_16 : vector<64x16384xi32>
    %slice3A_17 = vector.extract_strided_slice %or3A {offsets = [0, 0], sizes = [32, 16384], strides = [1, 1]} : vector<64x16384xi32> to vector<32x16384xi32>
    %slice3A_18 = vector.extract_strided_slice %or3A {offsets = [32, 0], sizes = [32, 16384], strides = [1, 1]} : vector<64x16384xi32> to vector<32x16384xi32>
    %shift_left3A_19 = arith.constant 8 : i32
    %shift_left3A_20 = vector.broadcast %shift_left3A_19 : i32 to vector<32x16384xi32>
    %shift_left3A_21 = arith.shli %slice3A_18, %shift_left3A_20 : vector<32x16384xi32>
    %or3A_22 = arith.ori %slice3A_17, %shift_left3A_21 : vector<32x16384xi32>
    %slice3A_23 = vector.extract_strided_slice %or3A_22 {offsets = [0, 0], sizes = [16, 16384], strides = [1, 1]} : vector<32x16384xi32> to vector<16x16384xi32>
    %slice3A_24 = vector.extract_strided_slice %or3A_22 {offsets = [16, 0], sizes = [16, 16384], strides = [1, 1]} : vector<32x16384xi32> to vector<16x16384xi32>
    %shift_left3A_25 = arith.constant 16 : i32
    %shift_left3A_26 = vector.broadcast %shift_left3A_25 : i32 to vector<16x16384xi32>
    %shift_left3A_27 = arith.shli %slice3A_24, %shift_left3A_26 : vector<16x16384xi32>
    %or3A_28 = arith.ori %slice3A_23, %shift_left3A_27 : vector<16x16384xi32>
    %bitcast_convert_type3A = tpu.bitcast %select_n3A : vector<32768xf32> -> vector<32768xi32>
    %slice3A_29 = vector.extract_strided_slice %bitcast_convert_type3A {offsets = [0], sizes = [16384], strides = [1]} : vector<32768xi32> to vector<16384xi32>
    %broadcast_in_dim3A_30 = vector.shape_cast %slice3A_29 : vector<16384xi32> to vector<1x16384xi32>
    %slice3A_31 = vector.extract_strided_slice %bitcast_convert_type3A {offsets = [16384], sizes = [16384], strides = [1]} : vector<32768xi32> to vector<16384xi32>
    %broadcast_in_dim3A_32 = vector.shape_cast %slice3A_31 : vector<16384xi32> to vector<1x16384xi32>
    %broadcast_in_dim3A_33 = arith.constant 0 : i32
    %broadcast_in_dim3A_34 = vector.broadcast %broadcast_in_dim3A_33 : i32 to vector<14x4096xi32>
    %slice3A_35 = vector.extract_strided_slice %or3A_28 {offsets = [0, 0], sizes = [16, 4096], strides = [1, 1]} : vector<16x16384xi32> to vector<16x4096xi32>
    %slice3A_36 = vector.extract_strided_slice %broadcast_in_dim3A_30 {offsets = [0, 0], sizes = [1, 4096], strides = [1, 1]} : vector<1x16384xi32> to vector<1x4096xi32>
    %slice3A_37 = vector.extract_strided_slice %broadcast_in_dim3A_32 {offsets = [0, 0], sizes = [1, 4096], strides = [1, 1]} : vector<1x16384xi32> to vector<1x4096xi32>
    %slice3A_38 = vector.extract_strided_slice %or3A_28 {offsets = [0, 4096], sizes = [16, 4096], strides = [1, 1]} : vector<16x16384xi32> to vector<16x4096xi32>
    %slice3A_39 = vector.extract_strided_slice %broadcast_in_dim3A_30 {offsets = [0, 4096], sizes = [1, 4096], strides = [1, 1]} : vector<1x16384xi32> to vector<1x4096xi32>
    %slice3A_40 = vector.extract_strided_slice %broadcast_in_dim3A_32 {offsets = [0, 4096], sizes = [1, 4096], strides = [1, 1]} : vector<1x16384xi32> to vector<1x4096xi32>
    %slice3A_41 = vector.extract_strided_slice %or3A_28 {offsets = [0, 8192], sizes = [16, 4096], strides = [1, 1]} : vector<16x16384xi32> to vector<16x4096xi32>
    %slice3A_42 = vector.extract_strided_slice %broadcast_in_dim3A_30 {offsets = [0, 8192], sizes = [1, 4096], strides = [1, 1]} : vector<1x16384xi32> to vector<1x4096xi32>
    %slice3A_43 = vector.extract_strided_slice %broadcast_in_dim3A_32 {offsets = [0, 8192], sizes = [1, 4096], strides = [1, 1]} : vector<1x16384xi32> to vector<1x4096xi32>
    %slice3A_44 = vector.extract_strided_slice %or3A_28 {offsets = [0, 12288], sizes = [16, 4096], strides = [1, 1]} : vector<16x16384xi32> to vector<16x4096xi32>
    %slice3A_45 = vector.extract_strided_slice %broadcast_in_dim3A_30 {offsets = [0, 12288], sizes = [1, 4096], strides = [1, 1]} : vector<1x16384xi32> to vector<1x4096xi32>
    %slice3A_46 = vector.extract_strided_slice %broadcast_in_dim3A_32 {offsets = [0, 12288], sizes = [1, 4096], strides = [1, 1]} : vector<1x16384xi32> to vector<1x4096xi32>
    %concatenate3A_47 = tpu.concatenate %slice3A_35, %slice3A_36, %slice3A_37, %broadcast_in_dim3A_34, %slice3A_38, %slice3A_39, %slice3A_40, %broadcast_in_dim3A_34, %slice3A_41, %slice3A_42, %slice3A_43, %broadcast_in_dim3A_34, %slice3A_44, %slice3A_45, %slice3A_46, %broadcast_in_dim3A_34 in 0 : vector<16x4096xi32>, vector<1x4096xi32>, vector<1x4096xi32>, vector<14x4096xi32>, vector<16x4096xi32>, vector<1x4096xi32>, vector<1x4096xi32>, vector<14x4096xi32>, vector<16x4096xi32>, vector<1x4096xi32>, vector<1x4096xi32>, vector<14x4096xi32>, vector<16x4096xi32>, vector<1x4096xi32>, vector<1x4096xi32>, vector<14x4096xi32> -> vector<128x4096xi32>
    %transpose3A = tpu.transpose %concatenate3A_47, [1, 0] : vector<128x4096xi32> -> vector<4096x128xi32>
    %swap3A = arith.constant 0 : index
    %swap3A_48 = arith.constant 0 : index
    %swap3A_49 = vector.load %arg2[%swap3A, %swap3A_48] : memref<4096x128xi32, #tpu.memory_space<vmem>>, vector<4096x128xi32>
    tpu.vector_store %arg2[%swap3A, %swap3A_48], %transpose3A {strides = array<i32>} : memref<4096x128xi32, #tpu.memory_space<vmem>>, vector<4096x128xi32>,
    return
  }
  func.func @transform_0(%arg0: i32) -> (i32, i32) {
    %c0_i32 = arith.constant 0 : i32
    %c0_i32_0 = arith.constant 0 : i32
    return %c0_i32, %arg0 : i32, i32
  }
  func.func @transform_1(%arg0: i32) -> (i32, i32) {
    %c0_i32 = arith.constant 0 : i32
    %c0_i32_0 = arith.constant 0 : i32
    return %arg0, %c0_i32 : i32, i32
  }
}

</mosaic_0001>

<sc_bundles>
// kernel: kernel.4.cloned.1.call-start
scs
__scs_entry_jumppad:
0x0: {  	(pc) =	sbr.rel $0x88, $3  }
0x1: {  	(tag) =	ssettag $0x0;
	lr =	simm.s32 $0x1  }
0x2: {  	[smem:$0x3F9E] =	sst lr;
	_ =	strace $0xD0000000  }
0x3: {  	_ = 	snop  }
0x4: {  	_ = 	snop  }
0x5: {  	_ = 	snop  }
0x6: {  	_ = 	snop  }
0x7: {  	_ = 	snop  }
__scs_overlays_trampoline_lowered:
0x8: {  	[smem:$0x3FAD] =	sst s0  }
0x9: {  	[smem:$0x3FAE] =	sst s1  }
0xa: {  	[smem:$0x3FAF] =	sst s2  }
0xb: {  	[smem:$0x3FB0] =	sst s3  }
0xc: {  	[smem:$0x3FB1] =	sst s4  }
0xd: {  	[smem:$0x3FB2] =	sst s5  }
0xe: {  	[smem:$0x3FB3] =	sst s6  }
0xf: {  	[smem:$0x3FB4] =	sst s7  }
0x10: {  	[smem:$0x3FB5] =	sst s8  }
0x11: {  	[smem:$0x3FB6] =	sst s9;
	s0 =	simm.s32 @!p0 $0x0  }
0x12: {  	s1 =	sld [smem:$0x3F9C];
	s0 =	simm.s32 @p0 $0x1  }
0x13: {  	[smem:$0x3FB7] =	sst s0;
	s0 =	simm.s32 @!p1 $0x0  }
0x14: {  	s2 =	sld [smem:$0x3F9B];
	s0 =	simm.s32 @p1 $0x1  }
0x15: {  	[smem:$0x3FB8] =	sst s0;
	s0 =	simm.s32 @!p2 $0x0  }
0x16: {  	s3 =	sld [smem:$0x3FDB];
	s0 =	simm.s32 @p2 $0x1  }
0x17: {  	s4 =	simm.s32 $0x1BF5;
	[smem:$0x3FBA] =	sst s0  }
0x18: {  	s0 =	sld [smem:$0x3F9D];
	_ =	swait.ge [sflag:s4], $0x0  }
0x19: {  	s7 =	sld [smem:$0x3F9E]  }
0x1a: {  	s8 =	sadd.s32 $0xFFFFE003, lr  }
0x1b: {  	s9 =	sadd.s32 $0xFFFFFEF7, lr;
	s5 =	simm.s32 $0xFFFFFFFF;
	p2 =	slt.u32 s8, $0xFFFFF086  }
0x1c: {  	p1 =	slt.u32 s9, $0xF7A;
	s5 =	simm.s32 @!p2 $0x0  }
0x1d: {  	s5 =	simm.s32 @p1 $0x1;
	p0 =	seq.s32 s7, s2  }
0x1e: {  	s7 =	smul.u32 @!p0 $0xF7A, s2;
	p2 =	seq.s32 @!p0 s5, $0x0  }
0x1f: {  	s9 =	smul.u32 $0xF7A, s1;
	s8 =	simm.s32 @!p0 $0x1BF5;
	p2 =	por !p2, p0  }
0x20: {  	[sflag:s8] =	ssyncset.s32 @!p0 $0xFFFFF086;
	s6 =	sadd.s32 @!p0 s3, s7;
	s7 =	simm.s32 @!p0 $0x108  }
0x21: {  	s3 =	sadd.s32 s3, s9;
	s6 =	sadd.s32 @!p0 $0x88, s6;
	s7 =	simm.s32 @p2 $0x1082  }
0x22: {  	[simem:s7], [sflag:s8] =	dma.local @!p0 [hbm:s6], $0xF7A  }
0x23: {  	s9 =	sor.u32 $0xD0000000, s2;
	s6 =	simm.s32 $0x108;
	_ =	swait.ge @!p0 [sflag:s8], $0x0  }
0x24: {  	s3 =	sadd.s32 $0x88, s3;
	s6 =	simm.s32 @!p1 $0x1082;
	[sflag:s4] =	ssyncset.s32 $0xFFFFF086  }
0x25: {  	[simem:s6], [sflag:s4] =	dma.local [hbm:s3], $0xF7A  }
0x26: {  	[smem:$0x3F9E] =	sst s1;
	(tag) =	ssettag s2;
	_ =	strace s9  }
0x27: {  	s1 =	sld [smem:$0x3FAE]  }
0x28: {  	s2 =	sld [smem:$0x3FAF]  }
0x29: {  	s4 =	sld [smem:$0x3FB1]  }
0x2a: {  	p0 =	seq.s32 s5, $0x0;
	s5 =	sld [smem:$0x3FB2]  }
0x2b: {  	s6 =	sld [smem:$0x3FB3]  }
0x2c: {  	s7 =	sld [smem:$0x3FB4]  }
0x2d: {  	s3 =	simm.s32 $0x108;
	s8 =	sld [smem:$0x3FB5]  }
0x2e: {  	s3 =	simm.s32 @!p0 $0x1082;
	s9 =	sld [smem:$0x3FB6]  }
0x2f: {  	lr =	sadd.s32 s0, s3;
	s0 =	sld [smem:$0x3FAD]  }
0x30: {  	s3 =	sld [smem:$0x3FB0]  }
0x31: {  	[smem:$0x3FB9] =	sst s10  }
0x32: {  	s10 =	sld [smem:$0x3FB7];
	_ =	sdelay $0x3  }
0x33: {  	p0 =	seq.s32 s10, $0x1;
	s10 =	sld [smem:$0x3FB9];
	_ =	sdelay $0x3  }
0x34: {  	[smem:$0x3FB9] =	sst s10  }
0x35: {  	s10 =	sld [smem:$0x3FB8];
	_ =	sdelay $0x3  }
0x36: {  	p1 =	seq.s32 s10, $0x1;
	s10 =	sld [smem:$0x3FB9];
	_ =	sdelay $0x3  }
0x37: {  	[smem:$0x3FB9] =	sst s10  }
0x38: {  	s10 =	sld [smem:$0x3FBA]  }
0x39: {  	_ = 	snop;
	(pc) =	sbr.ind lr, $3  }
0x3a: {  	_ = 	snop  }
0x3b: {  	_ = 	snop  }
0x3c: {  	p2 =	seq.s32 s10, $0x1;
	s10 =	sld [smem:$0x3FB9]  }
0x3d: {  	_ =	shalt  }
0x3e: {  	_ =	shalt  }
0x3f: {  	_ =	shalt  }
0x40: {  	_ =	shalt  }
0x41: {  	_ =	shalt  }
0x42: {  	_ =	shalt  }
0x43: {  	_ =	shalt  }
0x44: {  	_ =	shalt  }
0x45: {  	_ =	shalt  }
0x46: {  	_ =	shalt  }
0x47: {  	_ =	shalt  }
0x48: {  	_ =	shalt  }
0x49: {  	_ =	shalt  }
0x4a: {  	_ =	shalt  }
0x4b: {  	_ =	shalt  }
0x4c: {  	_ =	shalt  }
0x4d: {  	_ =	shalt  }
0x4e: {  	_ =	shalt  }
0x4f: {  	_ =	shalt  }
0x50: {  	_ =	shalt  }
0x51: {  	_ =	shalt  }
0x52: {  	_ =	shalt  }
0x53: {  	_ =	shalt  }
0x54: {  	_ =	shalt  }
0x55: {  	_ =	shalt  }
0x56: {  	_ =	shalt  }
0x57: {  	_ =	shalt  }
0x58: {  	_ =	shalt  }
0x59: {  	_ =	shalt  }
0x5a: {  	_ =	shalt  }
0x5b: {  	_ =	shalt  }
0x5c: {  	_ =	shalt  }
0x5d: {  	_ =	shalt  }
0x5e: {  	_ =	shalt  }
0x5f: {  	_ =	shalt  }
0x60: {  	_ =	shalt  }
0x61: {  	_ =	shalt  }
0x62: {  	_ =	shalt  }
0x63: {  	_ =	shalt  }
0x64: {  	_ =	shalt  }
0x65: {  	_ =	shalt  }
0x66: {  	_ =	shalt  }
0x67: {  	_ =	shalt  }
0x68: {  	_ =	shalt  }
0x69: {  	_ =	shalt  }
0x6a: {  	_ =	shalt  }
0x6b: {  	_ =	shalt  }
0x6c: {  	_ =	shalt  }
0x6d: {  	_ =	shalt  }
0x6e: {  	_ =	shalt  }
0x6f: {  	_ =	shalt  }
0x70: {  	_ =	shalt  }
0x71: {  	_ =	shalt  }
0x72: {  	_ =	shalt  }
0x73: {  	_ =	shalt  }
0x74: {  	_ =	shalt  }
0x75: {  	_ =	shalt  }
0x76: {  	_ =	shalt  }
0x77: {  	_ =	shalt  }
0x78: {  	_ =	shalt  }
0x79: {  	_ =	shalt  }
0x7a: {  	_ =	shalt  }
0x7b: {  	_ =	shalt  }
0x7c: {  	_ =	shalt  }
0x7d: {  	_ =	shalt  }
0x7e: {  	_ =	shalt  }
0x7f: {  	_ =	shalt  }
0x80: {  	_ =	shalt  }
0x81: {  	_ =	shalt  }
0x82: {  	_ =	shalt  }
0x83: {  	_ =	shalt  }
0x84: {  	_ =	shalt  }
0x85: {  	_ =	shalt  }
0x86: {  	_ =	shalt  }
0x87: {  	_ =	shalt  }
.Lfunc_end0:
.L_simem_size_0:
called_computation_lowered:
.L_overlay_start_0:
0x88: {  	s2 =	sld [smem:$0x3FD9]  }
0x89: {  	s3 =	sld [smem:$0x3FFE];
	_ =	sdelay $0x1  }
0x8a: {  	s1 =	srdreg.scid  }
0x8b: {  	s0 =	sand.u32 $0x1, s1  }
0x8c: {  	s17 =	sshll.u32 s0, $0xA;
	s2 =	sadd.s32 s3, s2  }
0x8d: {  	s2 =	sadd.s32 s2, s17  }
0x8e: {  	[smem:$0x3FC5] =	sst s2  }
0x8f: {  	_ = 	snop  }
0x90: {  	s2 =	sld [smem:$0x3FD0];
	(tm) =	ssettm $0x1  }
0x91: {  	s18 =	sld [smem:$0x3FFB];
	_ =	sdelay $0x3  }
0x92: {  	_ =	strace s18  }
0x93: {  	s3 =	sld [smem:$0x3FFC];
	_ =	sdelay $0x3  }
0x94: {  	_ =	strace s3  }
0x95: {  	s3 =	sld [smem:$0x3FFD];
	_ =	sdelay $0x3  }
0x96: {  	_ =	strace s3  }
0x97: {  	_ =	strace $0x8FFFFFFF  }
0x98: {  	s19 =	sld [smem:$0x3FDB];
	_ =	sdelay $0x1  }
0x99: {  	s4 =	simm.s32 $_scs_section_size  }
0x9a: {  	s5 =	simm.s32 $_size__tile_overlayer_lowered;
	s6 =	simm.s32 $_tile_overlayer_lowered  }
0x9b: {  	s22 =	simm.s32 $0x1BFF;
	s21 =	sshll.u32 s6, $0x1;
	s3 =	sadd.s32 s4, s19  }
0x9c: {  	s7 =	simm.s32 $0x0;
	s20 =	sshll.u32 s5, $0x1;
	s5 =	sadd.s32 s21, s3  }
0x9d: {  	[timem:s7], [sflag:s22] =	dma.local [hbm:s5], s20  }
0x9e: {  	_ =	swait.ge [sflag:s22], s20  }
0x9f: {  	s4 =	ssub.s32 $0x0, s20;
	[sflag:s22] =	ssyncset.done $0x0  }
0xa0: {  	[sflag:s22] =	ssyncadd.s32 s4;
	_ =	sdelay $0x1  }
0xa1: {  	s23 =	simm.s32 $0x1B8B  }
0xa2: {  	_ =	swait.ge [sflag:s23], $0x1  }
0xa3: {  	[sflag:s23] =	ssyncset.done $0x0  }
0xa4: {  	s25 =	simm.s32 $0x1B8E;
	s24 =	sld [smem:$0x3FFE];
	[sflag:s23] =	ssyncadd.s32 $0xFFFFFFFF  }
0xa5: {  	s26 =	simm.s32 $execute0_lowered;
	[smem:$0x3FD2] =	sst s25  }
0xa6: {  	s5 =	sshll.u32 s26, $0x1;
	_ =	strace $0x80000046;
	[dreg:$0x1] =	wrdreg $0xFFFFFFFF  }
0xa7: {  	s28 =	simm.s32 $_size_execute0_lowered;
	s3 =	sadd.s32 s3, s5;
	[dreg:$0x0] =	wrdreg $0x0  }
0xa8: {  	s5 =	sshll.u32 s28, $0x1;
	[dreg:$0x2] =	wrdreg s3  }
0xa9: {  	[dreg:$0x3] =	wrdreg s5  }
0xaa: {  	[dreg:$0x4] =	wrdreg $0xC0  }
0xab: {  	_ =	task [dreg:s7], $0x5FFFF  }
0xac: {  	[dreg:$0x1] =	wrdreg $0xFFFFFFFF  }
0xad: {  	[dreg:$0x0] =	wrdreg $0x60  }
0xae: {  	[dreg:$0x2] =	wrdreg s24  }
0xaf: {  	[dreg:$0x3] =	wrdreg s2  }
0xb0: {  	[dreg:$0x4] =	wrdreg $0x9  }
0xb1: {  	_ =	task.clear_ibuf [dreg:s7], $0x5FFFF;
	_ =	strace $0x90000046  }
0xb2: {  	s29 =	simm.s32 $0x9;
	_ =	strace $0x80000048  }
0xb3: {  	_ =	swait.ge [sflag:s29], $0x1  }
0xb4: {  	[sflag:s29] =	ssyncadd.s32 $0xFFFFFFFF  }
0xb5: {  	_ =	strace $0x90000048  }
0xb6: {  	_ =	sfence  }
0xb7: {  	s30 =	sld [smem:$0x0];
	_ =	sdelay $0x2  }
0xb8: {  	s31 =	sshll.u32 s1, $0xD;
	s1 =	sshrl.u32 s1, $0x2  }
0xb9: {  	s3 =	sand.u32 $0x4000, s31;
	s1 =	sadd.s32 s1, s30  }
0xba: {  	s0 =	sor.u32 s3, s0;
	s1 =	sshll.u32 s1, $0x11  }
0xbb: {  	s0 =	sor.u32 s1, s0  }
0xbc: {  	s0 =	sadd.s32 $0x8F2B, s0  }
0xbd: {  	[sflag:s0] =	ssyncadd.remote.s32 $0x1  }
0xbe: {  	_ =	sfence.sel $0xFFFF  }
0xbf: {  	[dreg:$0x0] =	wrdreg $0xFFFFFFFF;
	(pc) =	sbr.abs _section_cstart, $3  }
0xc0: {  	[dreg:$0x1] =	wrdreg $0xFFFFFFFF  }
0xc1: {  	_ =	task.clear_ibuf [dreg:s7], $0x2FFFF;
	_ =	strace $0x9FFFFFFF  }
0xc2: {  	(tm) =	ssettm $0x7FFFFFFF  }
0xc3: {  	_ =	shalt  }
tec
execute0_lowered:
.L_overlay_start_1:
0x0: {  	(tag) =	ssettag $0x1  }
0x1: {  	s0 =	srdreg.scid  }
0x2: {  	s1 =	rddreg [dreg:$0x0];
	s2 =	stileid.u32;
	s0 =	sand.u32 $0x1, s0  }
0x3: {  	s4 =	rddreg [dreg:$0x1];
	s3 =	sshll.u32 s2, $0x8;
	s5 =	sshll.u32 s0, $0x7  }
0x4: {  	s10 =	simm.s32 $0x32;
	s15 =	simm.s32 $0x1C70;
	s5 =	sor.u32 s5, s3  }
0x5: {  	s20 =	simm.s32 $0x0;
	s2 =	simm.s32 $0x0;
	s6 =	smul.u32 $0x7, s5  }
0x6: {  	[smem:$0x7FF] =	sst s2;
	s0 =	ssub.s32 $0x2, s0;
	s8 =	smul.u32 $0x18, s5  }
0x7: {  	_ =	strace $0x80000047;
	s3 =	sadd.s32 $0xF600, s1;
	s29 =	sshrl.u32 s0, $0x1  }
0x8: {  	s7 =	sshll.u32 s5, $0x3;
	s6 =	sadd.s32 s6, s1;
	s31 =	sadd.s32 s4, s8  }
0x9: {  	s1 =	sadd.s32 s7, s1;
	s30 =	sadd.s32 $0x600, s6;
	[dreg:$0x5] =	wrdreg s31  }
0xa: {  	s0 =	ssub.s32 s0, s29;
	s1 =	sadd.s32 $0x7600, s1;
	[dreg:$0x3] =	wrdreg s30  }
0xb: {  	s7 =	smax.u32 s0, $0x1;
	s8 =	simm.s32 $0x5;
	[dreg:$0x4] =	wrdreg s1  }
.LBB2_1:
0xc: {  	s0 =	rddreg [dreg:$0x3]  }
0xd: {  	[tilespmem:s2], [sflag:$0x5] =	stream.linear.gather [hbm4b:s0+s2], $0x1C00, $0x38;
	[tilespmem:$0xD100] =	vst v63  }
0xe: {  	_ =	swait.ge [sflag:s8], $0x1C00  }
0xf: {  	[sflag:s8] =	ssyncset.done $0x0  }
0x10: {  	s1 =	simm.s32 $0x3800;
	s31 =	rddreg [dreg:$0x4];
	[sflag:s8] =	ssyncadd.s32 $0xFFFFE400  }
0x11: {  	[tilespmem:s1], [sflag:$0x5] =	stream.linear.gather [hbm4b:s31+s2], $0x2000, $0x38;
	[tilespmem:$0xD100] =	vst v63  }
0x12: {  	_ =	swait.ge [sflag:s8], $0x2000  }
0x13: {  	[sflag:s8] =	ssyncset.done $0x0  }
0x14: {  	s21 =	simm.s32 $0x70;
	[sflag:s8] =	ssyncadd.s32 $0xFFFFE000  }
0x15: {  	v0 =	vld [tilespmem:s21+$0xFFFFFF90];
	_ =	sdelay $0x4  }
0x16: {  	v1 =	vshrl.u32 v0, $0x1;
	v2 =	vshll.u32 v0, $0x2  }
0x17: {  	v0 =	vshrl.u32 v0, $0xC;
	v1 =	vand.u32 $0x7FFFC000, v1;
	v2 =	vand.u32 $0x3FFC, v2  }
0x18: {  	v0 =	vand.u32 $0x3, v0;
	v1 =	vor.u32 v2, v1  }
0x19: {  	v0 =	vor.u32 v0, v1  }
0x1a: {  	[tilespmem:s15+$0xFFFFFF90] =	vst v0  }
0x1b: {  	v0 =	vld [tilespmem:s21+$0xFFFFFFA0];
	_ =	sdelay $0x4  }
0x1c: {  	v1 =	vshrl.u32 v0, $0x1;
	v2 =	vshll.u32 v0, $0x2  }
0x1d: {  	v0 =	vshrl.u32 v0, $0xC;
	v1 =	vand.u32 $0x7FFFC000, v1;
	v2 =	vand.u32 $0x3FFC, v2  }
0x1e: {  	v0 =	vand.u32 $0x3, v0;
	v1 =	vor.u32 v2, v1  }
0x1f: {  	v0 =	vor.u32 v0, v1  }
0x20: {  	[tilespmem:s15+$0xFFFFFFA0] =	vst v0  }
0x21: {  	v0 =	vld [tilespmem:s21+$0xFFFFFFB0];
	_ =	sdelay $0x4  }
0x22: {  	v1 =	vshrl.u32 v0, $0x1;
	v2 =	vshll.u32 v0, $0x2  }
0x23: {  	v0 =	vshrl.u32 v0, $0xC;
	v1 =	vand.u32 $0x7FFFC000, v1;
	v2 =	vand.u32 $0x3FFC, v2  }
0x24: {  	v0 =	vand.u32 $0x3, v0;
	v1 =	vor.u32 v2, v1  }
0x25: {  	v0 =	vor.u32 v0, v1  }
0x26: {  	[tilespmem:s15+$0xFFFFFFB0] =	vst v0  }
0x27: {  	v0 =	vld [tilespmem:s21+$0xFFFFFFB2];
	_ =	sdelay $0x4  }
0x28: {  	v1 =	vshrl.u32 v0, $0x1;
	v2 =	vshll.u32 v0, $0x2  }
0x29: {  	v0 =	vshrl.u32 v0, $0xC;
	v1 =	vand.u32 $0x7FFFC000, v1;
	v2 =	vand.u32 $0x3FFC, v2  }
0x2a: {  	v0 =	vand.u32 $0x3, v0;
	v1 =	vor.u32 v2, v1  }
0x2b: {  	v0 =	vor.u32 v0, v1  }
0x2c: {  	[tilespmem:s15+$0xFFFFFFB2] =	vst v0  }
0x2d: {  	v0 =	vld [tilespmem:s21+$0xFFFFFFC8];
	_ =	sdelay $0x4  }
0x2e: {  	v1 =	vshrl.u32 v0, $0x1;
	v2 =	vshll.u32 v0, $0x2  }
0x2f: {  	v0 =	vshrl.u32 v0, $0xC;
	v1 =	vand.u32 $0x7FFFC000, v1;
	v2 =	vand.u32 $0x3FFC, v2  }
0x30: {  	v0 =	vand.u32 $0x3, v0;
	v1 =	vor.u32 v2, v1  }
0x31: {  	v0 =	vor.u32 v0, v1  }
0x32: {  	[tilespmem:s15+$0xFFFFFFC8] =	vst v0  }
0x33: {  	v0 =	vld [tilespmem:s21+$0xFFFFFFD8];
	_ =	sdelay $0x4  }
0x34: {  	v1 =	vshrl.u32 v0, $0x1;
	v2 =	vshll.u32 v0, $0x2  }
0x35: {  	v0 =	vshrl.u32 v0, $0xC;
	v1 =	vand.u32 $0x7FFFC000, v1;
	v2 =	vand.u32 $0x3FFC, v2  }
0x36: {  	v0 =	vand.u32 $0x3, v0;
	v1 =	vor.u32 v2, v1  }
0x37: {  	v0 =	vor.u32 v0, v1  }
0x38: {  	[tilespmem:s15+$0xFFFFFFD8] =	vst v0  }
0x39: {  	v0 =	vld [tilespmem:s21+$0xFFFFFFE8];
	_ =	sdelay $0x4  }
0x3a: {  	v1 =	vshrl.u32 v0, $0x1;
	v2 =	vshll.u32 v0, $0x2  }
0x3b: {  	v0 =	vshrl.u32 v0, $0xC;
	v1 =	vand.u32 $0x7FFFC000, v1;
	v2 =	vand.u32 $0x3FFC, v2  }
0x3c: {  	v0 =	vand.u32 $0x3, v0;
	v1 =	vor.u32 v2, v1  }
0x3d: {  	v0 =	vor.u32 v0, v1  }
0x3e: {  	[tilespmem:s15+$0xFFFFFFE8] =	vst v0  }
0x3f: {  	v0 =	vld [tilespmem:s21+$0xFFFFFFEA];
	_ =	sdelay $0x4  }
0x40: {  	v1 =	vshrl.u32 v0, $0x1;
	v2 =	vshll.u32 v0, $0x2  }
0x41: {  	v0 =	vshrl.u32 v0, $0xC;
	v1 =	vand.u32 $0x7FFFC000, v1;
	v2 =	vand.u32 $0x3FFC, v2  }
0x42: {  	v0 =	vand.u32 $0x3, v0;
	v1 =	vor.u32 v2, v1  }
0x43: {  	v0 =	vor.u32 v0, v1  }
0x44: {  	[tilespmem:s15+$0xFFFFFFEA] =	vst v0  }
0x45: {  	v0 =	vld [tilespmem:s21+$0x0];
	_ =	sdelay $0x4  }
0x46: {  	v1 =	vshrl.u32 v0, $0x1;
	v2 =	vshll.u32 v0, $0x2  }
0x47: {  	v0 =	vshrl.u32 v0, $0xC;
	v1 =	vand.u32 $0x7FFFC000, v1;
	v2 =	vand.u32 $0x3FFC, v2  }
0x48: {  	v0 =	vand.u32 $0x3, v0;
	v1 =	vor.u32 v2, v1  }
0x49: {  	v0 =	vor.u32 v0, v1  }
0x4a: {  	[tilespmem:s15+$0x0] =	vst v0  }
0x4b: {  	v0 =	vld [tilespmem:s21+$0x10];
	_ =	sdelay $0x4  }
0x4c: {  	v1 =	vshrl.u32 v0, $0x1;
	v2 =	vshll.u32 v0, $0x2  }
0x4d: {  	v0 =	vshrl.u32 v0, $0xC;
	v1 =	vand.u32 $0x7FFFC000, v1;
	v2 =	vand.u32 $0x3FFC, v2  }
0x4e: {  	v0 =	vand.u32 $0x3, v0;
	v1 =	vor.u32 v2, v1  }
0x4f: {  	v0 =	vor.u32 v0, v1  }
0x50: {  	[tilespmem:s15+$0x10] =	vst v0  }
0x51: {  	v0 =	vld [tilespmem:s21+$0x20];
	_ =	sdelay $0x4  }
0x52: {  	v1 =	vshrl.u32 v0, $0x1;
	v2 =	vshll.u32 v0, $0x2  }
0x53: {  	v0 =	vshrl.u32 v0, $0xC;
	v1 =	vand.u32 $0x7FFFC000, v1;
	v2 =	vand.u32 $0x3FFC, v2  }
0x54: {  	v0 =	vand.u32 $0x3, v0;
	v1 =	vor.u32 v2, v1  }
0x55: {  	v0 =	vor.u32 v0, v1  }
0x56: {  	[tilespmem:s15+$0x20] =	vst v0  }
0x57: {  	v0 =	vld [tilespmem:s21+$0x22];
	_ =	sdelay $0x4  }
0x58: {  	v1 =	vshrl.u32 v0, $0x1;
	v2 =	vshll.u32 v0, $0x2  }
0x59: {  	v0 =	vshrl.u32 v0, $0xC;
	v1 =	vand.u32 $0x7FFFC000, v1;
	v2 =	vand.u32 $0x3FFC, v2  }
0x5a: {  	v0 =	vand.u32 $0x3, v0;
	v1 =	vor.u32 v2, v1  }
0x5b: {  	v0 =	vor.u32 v0, v1  }
0x5c: {  	[tilespmem:s15+$0x22] =	vst v0  }
0x5d: {  	v0 =	vld [tilespmem:s21+$0x38];
	_ =	sdelay $0x4  }
0x5e: {  	v1 =	vshrl.u32 v0, $0x1;
	v2 =	vshll.u32 v0, $0x2  }
0x5f: {  	v0 =	vshrl.u32 v0, $0xC;
	v1 =	vand.u32 $0x7FFFC000, v1;
	v2 =	vand.u32 $0x3FFC, v2  }
0x60: {  	v0 =	vand.u32 $0x3, v0;
	v1 =	vor.u32 v2, v1  }
0x61: {  	v0 =	vor.u32 v0, v1  }
0x62: {  	[tilespmem:s15+$0x38] =	vst v0  }
0x63: {  	v0 =	vld [tilespmem:s21+$0x48];
	_ =	sdelay $0x4  }
0x64: {  	v1 =	vshrl.u32 v0, $0x1;
	v2 =	vshll.u32 v0, $0x2  }
0x65: {  	v0 =	vshrl.u32 v0, $0xC;
	v1 =	vand.u32 $0x7FFFC000, v1;
	v2 =	vand.u32 $0x3FFC, v2  }
0x66: {  	v0 =	vand.u32 $0x3, v0;
	v1 =	vor.u32 v2, v1  }
0x67: {  	v0 =	vor.u32 v0, v1  }
0x68: {  	[tilespmem:s15+$0x48] =	vst v0  }
0x69: {  	v0 =	vld [tilespmem:s21+$0x58];
	_ =	sdelay $0x4  }
0x6a: {  	v1 =	vshrl.u32 v0, $0x1;
	v2 =	vshll.u32 v0, $0x2  }
0x6b: {  	v0 =	vshrl.u32 v0, $0xC;
	v1 =	vand.u32 $0x7FFFC000, v1;
	v2 =	vand.u32 $0x3FFC, v2  }
0x6c: {  	v0 =	vand.u32 $0x3, v0;
	v1 =	vor.u32 v2, v1  }
0x6d: {  	v0 =	vor.u32 v0, v1  }
0x6e: {  	[tilespmem:s15+$0x58] =	vst v0  }
0x6f: {  	v0 =	vld [tilespmem:s21+$0x5A];
	_ =	sdelay $0x4  }
0x70: {  	v1 =	vshrl.u32 v0, $0x1;
	v2 =	vshll.u32 v0, $0x2  }
0x71: {  	v0 =	vshrl.u32 v0, $0xC;
	v1 =	vand.u32 $0x7FFFC000, v1;
	v2 =	vand.u32 $0x3FFC, v2  }
0x72: {  	v0 =	vand.u32 $0x3, v0;
	v1 =	vor.u32 v2, v1  }
0x73: {  	s22 =	simm.s32 $0x0;
	s23 =	simm.s32 $0x1C70;
	v0 =	vor.u32 v0, v1  }
.LBB2_2:
0x74: {  	s22 =	sadd.s32 $0x4, s22;
	[tilespmem:s23+$0x5A] =	vst v0;
	s21 =	sadd.s32 $0xE0, s21;
	s23 =	sadd.s32 $0xE0, s23  }
0x75: {  	v0 =	vld [tilespmem:s21+$0xFFFFFF90];
	p0 =	slt.u32 s22, $0x7C;
	_ =	sdelay $0x4  }
0x76: {  	v1 =	vshrl.u32 v0, $0x1;
	v2 =	vshll.u32 v0, $0x2;
	v0 =	vshrl.u32 v0, $0xC  }
0x77: {  	v1 =	vand.u32 $0x7FFFC000, v1;
	v2 =	vand.u32 $0x3FFC, v2  }
0x78: {  	v0 =	vand.u32 $0x3, v0;
	v1 =	vor.u32 v2, v1  }
0x79: {  	v0 =	vor.u32 v0, v1  }
0x7a: {  	[tilespmem:s23+$0xFFFFFF90] =	vst v0  }
0x7b: {  	v0 =	vld [tilespmem:s21+$0xFFFFFFA0];
	_ =	sdelay $0x4  }
0x7c: {  	v1 =	vshrl.u32 v0, $0x1;
	v2 =	vshll.u32 v0, $0x2;
	v0 =	vshrl.u32 v0, $0xC  }
0x7d: {  	v1 =	vand.u32 $0x7FFFC000, v1;
	v2 =	vand.u32 $0x3FFC, v2  }
0x7e: {  	v0 =	vand.u32 $0x3, v0;
	v1 =	vor.u32 v2, v1  }
0x7f: {  	v0 =	vor.u32 v0, v1  }
0x80: {  	[tilespmem:s23+$0xFFFFFFA0] =	vst v0  }
0x81: {  	v0 =	vld [tilespmem:s21+$0xFFFFFFB0];
	_ =	sdelay $0x4  }
0x82: {  	v1 =	vshrl.u32 v0, $0x1;
	v2 =	vshll.u32 v0, $0x2;
	v0 =	vshrl.u32 v0, $0xC  }
0x83: {  	v1 =	vand.u32 $0x7FFFC000, v1;
	v2 =	vand.u32 $0x3FFC, v2  }
0x84: {  	v0 =	vand.u32 $0x3, v0;
	v1 =	vor.u32 v2, v1  }
0x85: {  	v0 =	vor.u32 v0, v1  }
0x86: {  	[tilespmem:s23+$0xFFFFFFB0] =	vst v0  }
0x87: {  	v0 =	vld [tilespmem:s21+$0xFFFFFFB2];
	_ =	sdelay $0x4  }
0x88: {  	v1 =	vshrl.u32 v0, $0x1;
	v2 =	vshll.u32 v0, $0x2;
	v0 =	vshrl.u32 v0, $0xC  }
0x89: {  	v1 =	vand.u32 $0x7FFFC000, v1;
	v2 =	vand.u32 $0x3FFC, v2  }
0x8a: {  	v0 =	vand.u32 $0x3, v0;
	v1 =	vor.u32 v2, v1  }
0x8b: {  	v0 =	vor.u32 v0, v1  }
0x8c: {  	[tilespmem:s23+$0xFFFFFFB2] =	vst v0  }
0x8d: {  	v0 =	vld [tilespmem:s21+$0xFFFFFFC8];
	_ =	sdelay $0x4  }
0x8e: {  	v1 =	vshrl.u32 v0, $0x1;
	v2 =	vshll.u32 v0, $0x2;
	v0 =	vshrl.u32 v0, $0xC  }
0x8f: {  	v1 =	vand.u32 $0x7FFFC000, v1;
	v2 =	vand.u32 $0x3FFC, v2  }
0x90: {  	v0 =	vand.u32 $0x3, v0;
	v1 =	vor.u32 v2, v1  }
0x91: {  	v0 =	vor.u32 v0, v1  }
0x92: {  	[tilespmem:s23+$0xFFFFFFC8] =	vst v0  }
0x93: {  	v0 =	vld [tilespmem:s21+$0xFFFFFFD8];
	_ =	sdelay $0x4  }
0x94: {  	v1 =	vshrl.u32 v0, $0x1;
	v2 =	vshll.u32 v0, $0x2;
	v0 =	vshrl.u32 v0, $0xC  }
0x95: {  	v1 =	vand.u32 $0x7FFFC000, v1;
	v2 =	vand.u32 $0x3FFC, v2  }
0x96: {  	v0 =	vand.u32 $0x3, v0;
	v1 =	vor.u32 v2, v1  }
0x97: {  	v0 =	vor.u32 v0, v1  }
0x98: {  	[tilespmem:s23+$0xFFFFFFD8] =	vst v0  }
0x99: {  	v0 =	vld [tilespmem:s21+$0xFFFFFFE8];
	_ =	sdelay $0x4  }
0x9a: {  	v1 =	vshrl.u32 v0, $0x1;
	v2 =	vshll.u32 v0, $0x2;
	v0 =	vshrl.u32 v0, $0xC  }
0x9b: {  	v1 =	vand.u32 $0x7FFFC000, v1;
	v2 =	vand.u32 $0x3FFC, v2  }
0x9c: {  	v0 =	vand.u32 $0x3, v0;
	v1 =	vor.u32 v2, v1  }
0x9d: {  	v0 =	vor.u32 v0, v1  }
0x9e: {  	[tilespmem:s23+$0xFFFFFFE8] =	vst v0  }
0x9f: {  	v0 =	vld [tilespmem:s21+$0xFFFFFFEA];
	_ =	sdelay $0x4  }
0xa0: {  	v1 =	vshrl.u32 v0, $0x1;
	v2 =	vshll.u32 v0, $0x2;
	v0 =	vshrl.u32 v0, $0xC  }
0xa1: {  	v1 =	vand.u32 $0x7FFFC000, v1;
	v2 =	vand.u32 $0x3FFC, v2  }
0xa2: {  	v0 =	vand.u32 $0x3, v0;
	v1 =	vor.u32 v2, v1  }
0xa3: {  	v0 =	vor.u32 v0, v1  }
0xa4: {  	[tilespmem:s23+$0xFFFFFFEA] =	vst v0  }
0xa5: {  	v0 =	vld [tilespmem:s21+$0x0];
	_ =	sdelay $0x4  }
0xa6: {  	v1 =	vshrl.u32 v0, $0x1;
	v2 =	vshll.u32 v0, $0x2;
	v0 =	vshrl.u32 v0, $0xC  }
0xa7: {  	v1 =	vand.u32 $0x7FFFC000, v1;
	v2 =	vand.u32 $0x3FFC, v2  }
0xa8: {  	v0 =	vand.u32 $0x3, v0;
	v1 =	vor.u32 v2, v1  }
0xa9: {  	v0 =	vor.u32 v0, v1  }
0xaa: {  	[tilespmem:s23+$0x0] =	vst v0  }
0xab: {  	v0 =	vld [tilespmem:s21+$0x10];
	_ =	sdelay $0x4  }
0xac: {  	v1 =	vshrl.u32 v0, $0x1;
	v2 =	vshll.u32 v0, $0x2;
	v0 =	vshrl.u32 v0, $0xC  }
0xad: {  	v1 =	vand.u32 $0x7FFFC000, v1;
	v2 =	vand.u32 $0x3FFC, v2  }
0xae: {  	v0 =	vand.u32 $0x3, v0;
	v1 =	vor.u32 v2, v1  }
0xaf: {  	v0 =	vor.u32 v0, v1  }
0xb0: {  	[tilespmem:s23+$0x10] =	vst v0  }
0xb1: {  	v0 =	vld [tilespmem:s21+$0x20];
	_ =	sdelay $0x4  }
0xb2: {  	v1 =	vshrl.u32 v0, $0x1;
	v2 =	vshll.u32 v0, $0x2;
	v0 =	vshrl.u32 v0, $0xC  }
0xb3: {  	v1 =	vand.u32 $0x7FFFC000, v1;
	v2 =	vand.u32 $0x3FFC, v2  }
0xb4: {  	v0 =	vand.u32 $0x3, v0;
	v1 =	vor.u32 v2, v1  }
0xb5: {  	v0 =	vor.u32 v0, v1  }
0xb6: {  	[tilespmem:s23+$0x20] =	vst v0  }
0xb7: {  	v0 =	vld [tilespmem:s21+$0x22];
	_ =	sdelay $0x4  }
0xb8: {  	v1 =	vshrl.u32 v0, $0x1;
	v2 =	vshll.u32 v0, $0x2;
	v0 =	vshrl.u32 v0, $0xC  }
0xb9: {  	v1 =	vand.u32 $0x7FFFC000, v1;
	v2 =	vand.u32 $0x3FFC, v2  }
0xba: {  	v0 =	vand.u32 $0x3, v0;
	v1 =	vor.u32 v2, v1  }
0xbb: {  	v0 =	vor.u32 v0, v1  }
0xbc: {  	[tilespmem:s23+$0x22] =	vst v0  }
0xbd: {  	v0 =	vld [tilespmem:s21+$0x38];
	_ =	sdelay $0x4  }
0xbe: {  	v1 =	vshrl.u32 v0, $0x1;
	v2 =	vshll.u32 v0, $0x2;
	v0 =	vshrl.u32 v0, $0xC  }
0xbf: {  	v1 =	vand.u32 $0x7FFFC000, v1;
	v2 =	vand.u32 $0x3FFC, v2  }
0xc0: {  	v0 =	vand.u32 $0x3, v0;
	v1 =	vor.u32 v2, v1  }
0xc1: {  	v0 =	vor.u32 v0, v1  }
0xc2: {  	[tilespmem:s23+$0x38] =	vst v0  }
0xc3: {  	v0 =	vld [tilespmem:s21+$0x48];
	_ =	sdelay $0x4  }
0xc4: {  	v1 =	vshrl.u32 v0, $0x1;
	v2 =	vshll.u32 v0, $0x2;
	v0 =	vshrl.u32 v0, $0xC  }
0xc5: {  	v1 =	vand.u32 $0x7FFFC000, v1;
	v2 =	vand.u32 $0x3FFC, v2  }
0xc6: {  	v0 =	vand.u32 $0x3, v0;
	v1 =	vor.u32 v2, v1  }
0xc7: {  	v0 =	vor.u32 v0, v1  }
0xc8: {  	[tilespmem:s23+$0x48] =	vst v0  }
0xc9: {  	v0 =	vld [tilespmem:s21+$0x58];
	_ =	sdelay $0x4  }
0xca: {  	v1 =	vshrl.u32 v0, $0x1;
	v2 =	vshll.u32 v0, $0x2;
	v0 =	vshrl.u32 v0, $0xC  }
0xcb: {  	v1 =	vand.u32 $0x7FFFC000, v1;
	v2 =	vand.u32 $0x3FFC, v2  }
0xcc: {  	v0 =	vand.u32 $0x3, v0;
	v1 =	vor.u32 v2, v1  }
0xcd: {  	v0 =	vor.u32 v0, v1  }
0xce: {  	[tilespmem:s23+$0x58] =	vst v0  }
0xcf: {  	v0 =	vld [tilespmem:s21+$0x5A];
	_ =	sdelay $0x3  }
.Ltmp0:
0xd0: {  	(pc) =	sbr.rel @p0 .LBB2_2-.Ltmp0, $4  }
0xd1: {  	v1 =	vshrl.u32 v0, $0x1;
	v2 =	vshll.u32 v0, $0x2;
	v0 =	vshrl.u32 v0, $0xC  }
0xd2: {  	v1 =	vand.u32 $0x7FFFC000, v1;
	v2 =	vand.u32 $0x3FFC, v2  }
0xd3: {  	v0 =	vand.u32 $0x3, v0;
	v1 =	vor.u32 v2, v1  }
0xd4: {  	v0 =	vor.u32 v0, v1  }
0xd5: {  	[tilespmem:s23+$0x5A] =	vst v0;
	s0 =	simm.s32 $0x1C00;
	s1 =	simm.s32 $0x5800;
	s26 =	simm.s32 $0x1C38  }
0xd6: {  	[tilespmem:s1], [sflag:$0x1] =	stream.indirect.gather [hbm4b:s3+s10], $0x20, s0, s10, $0xb8;
	[tilespmem:$0xD100] =	vst v63  }
0xd7: {  	s28 =	simm.s32 $0x5E40;
	s29 =	simm.s32 $0x6480;
	s30 =	simm.s32 $0x1CA8  }
0xd8: {  	[tilespmem:s28], [sflag:$0x2] =	stream.indirect.gather [hbm4b:s3+s10], $0x20, s26, s10, $0xb8;
	[tilespmem:$0xD100] =	vst v63  }
0xd9: {  	s31 =	simm.s32 $0x6AC0;
	s21 =	simm.s32 $0x0;
	s22 =	simm.s32 $0x1CE0  }
0xda: {  	[tilespmem:s29], [sflag:$0x3] =	stream.indirect.gather [hbm4b:s3+s10], $0x20, s15, s10, $0xb8;
	[tilespmem:$0xD100] =	vst v63  }
0xdb: {  	s23 =	simm.s32 $0x3820;
	s24 =	simm.s32 $0x7160;
	s25 =	simm.s32 $0x20  }
0xdc: {  	[tilespmem:s31], [sflag:$0x4] =	stream.indirect.gather [hbm4b:s3+s10], $0x20, s30, s10, $0xb8;
	[tilespmem:$0xD100] =	vst v63  }
.LBB2_4:
0xdd: {  	s0 =	sand.u32 $0x3, s21  }
0xde: {  	s26 =	sadd.s32 $0x1, s0  }
0xdf: {  	_ =	swait.ge [sflag:s26], $0x640  }
0xe0: {  	[sflag:s26] =	ssyncset.done $0x0  }
0xe1: {  	[sflag:s26] =	ssyncadd.s32 $0xFFFFF9C0  }
0xe2: {  	s0 =	smul.u32 $0x1900, s0;
	v0 =	vld [tilespmem:s25+$0xFFFFFFE0];
	_ =	sdelay $0x1  }
0xe3: {  	s28 =	sshrl.u32 s0, $0x2  }
0xe4: {  	v1 =	vld [tilespmem:s28+$0x5810];
	_ =	sdelay $0x1  }
0xe5: {  	v0 =	vshrl.u32 v0, $0xE  }
0xe6: {  	v0 =	vand.u32 $0x1, v0  }
0xe7: {  	(v2sf) =	vpush v0, $0x0  }
0xe8: {  	(v2sf) =	vpush v1, $0x0;
	_ =	sdelay $0x1  }
0xe9: {  	(v2sf) =	vpush v1, $0x1  }
0xea: {  	(v2sf) =	vpush v0, $0x1  }
0xeb: {  	v26 =	vld [tilespmem:s28+$0x5830];
	_ =	sdelay $0x4  }
0xec: {  	(v2sf) =	vpush v26, $0x0  }
0xed: {  	v27 =	vld [tilespmem:s28+$0x5850];
	(v2sf) =	vpush v26, $0x1;
	_ =	sdelay $0x1  }
0xee: {  	v2 =	vld [tilespmem:s28+$0x5800];
	(v2sf) =	vpush v0, $0x2;
	_ =	sdelay $0x1  }
0xef: {  	s5 =	spop (v2sf)  }
0xf0: {  	(v2sf) =	vpush v27, $0x0;
	s1 =	sshll.u32 s5, $0x2;
	s11 =	spop (v2sf)  }
0xf1: {  	v6 =	vld [tilespmem:s28+$0x5820];
	(v2sf) =	vpush v27, $0x1;
	p0 =	seq.s32 s5, $0x0;
	s4 =	sxor.u32 $0x1C, s1;
	s6 =	sxor.u32 $0xC, s1  }
0xf2: {  	(v2sf) =	vpush v0, $0x3;
	s9 =	sxor.u32 $0x14, s1;
	s0 =	spop (v2sf);
	s1 =	sxor.u32 $0x4, s1;
	v3 =	vshll.u32 v2, s4;
	v4 =	vshll.u32 v2, s6  }
0xf3: {  	v5 =	vshll.u32 v2, s9;
	s0 =	smov.u32 @p0 s11;
	v2 =	vshll.u32 v2, s1;
	s11 =	spop (v2sf);
	v3 =	vshra.s32 v3, $0x1C  }
0xf4: {  	v4 =	vshra.s32 v4, $0x1C;
	v5 =	vshra.s32 v5, $0x1C;
	s12 =	sshll.u32 s11, $0x2;
	v3 =	vcvt.s32.f32 v3  }
0xf5: {  	v31 =	vld [tilespmem:s28+$0x5870];
	v2 =	vshra.s32 v2, $0x1C;
	v4 =	vcvt.s32.f32 v4;
	v5 =	vcvt.s32.f32 v5;
	s13 =	sxor.u32 $0x1C, s12;
	s14 =	sxor.u32 $0xC, s12  }
0xf6: {  	v2 =	vcvt.s32.f32 v2;
	s16 =	sxor.u32 $0x14, s12;
	v7 =	vshll.u32 v6, s13;
	v8 =	vshll.u32 v6, s14  }
0xf7: {  	s17 =	sxor.u32 $0x4, s12;
	v9 =	vshll.u32 v6, s16;
	v28 =	vmul.f32 s0, v3;
	v29 =	vmul.f32 s0, v4  }
0xf8: {  	v6 =	vshll.u32 v6, s17;
	v30 =	vmul.f32 s0, v5;
	v2 =	vmul.f32 s0, v2  }
0xf9: {  	v10 =	vld [tilespmem:s28+$0x5840];
	s9 =	spop (v2sf);
	v7 =	vshra.s32 v7, $0x1C;
	v8 =	vshra.s32 v8, $0x1C;
	v9 =	vshra.s32 v9, $0x1C  }
0xfa: {  	v34 =	vld [tilespmem:s28+$0x5890];
	s0 =	spop (v2sf);
	(v2sf) =	vpush v31, $0x0;
	v6 =	vshra.s32 v6, $0x1C;
	v7 =	vcvt.s32.f32 v7  }
0xfb: {  	p0 =	seq.s32 s11, $0x0;
	v8 =	vcvt.s32.f32 v8;
	v9 =	vcvt.s32.f32 v9;
	(v2sf) =	vpush v31, $0x1  }
0xfc: {  	s0 =	smov.u32 @p0 s9;
	s18 =	spop (v2sf);
	v35 =	vcvt.s32.f32 v6;
	v1 =	vadd.f32 $0.0e+00, v28;
	v3 =	vadd.f32 $0.0e+00, v29  }
0xfd: {  	v4 =	vadd.f32 $0.0e+00, v30;
	v2 =	vadd.f32 $0.0e+00, v2;
	s19 =	sshll.u32 s18, $0x2;
	v32 =	vmul.f32 s0, v7  }
0xfe: {  	(v2sf) =	vpush v0, $0x4;
	v33 =	vmul.f32 s0, v8;
	v9 =	vmul.f32 s0, v9;
	s29 =	sxor.u32 $0x1C, s19  }
0xff: {  	s30 =	sxor.u32 $0xC, s19;
	v5 =	vmul.f32 s0, v35;
	s31 =	sxor.u32 $0x14, s19;
	(v2sf) =	vpush v34, $0x0;
	v36 =	vshll.u32 v10, s29  }
0x100: {  	v39 =	vld [tilespmem:s28+$0x58B0];
	s9 =	spop (v2sf);
	s1 =	sxor.u32 $0x4, s19;
	v37 =	vshll.u32 v10, s30;
	v38 =	vshll.u32 v10, s31;
	(v2sf) =	vpush v34, $0x1  }
0x101: {  	v11 =	vld [tilespmem:s28+$0x5860];
	v10 =	vshll.u32 v10, s1;
	v1 =	vadd.f32 v1, v32;
	v3 =	vadd.f32 v3, v33  }
0x102: {  	s0 =	spop (v2sf);
	v4 =	vadd.f32 v4, v9;
	v6 =	vshra.s32 v36, $0x1C;
	(v2sf) =	vpush v0, $0x5  }
0x103: {  	s5 =	spop (v2sf);
	v7 =	vshra.s32 v37, $0x1C;
	v9 =	vshra.s32 v38, $0x1C;
	v10 =	vshra.s32 v10, $0x1C  }
0x104: {  	p0 =	seq.s32 s18, $0x0;
	v2 =	vadd.f32 v2, v5;
	s6 =	sshll.u32 s5, $0x2;
	v6 =	vcvt.s32.f32 v6;
	v7 =	vcvt.s32.f32 v7  }
0x105: {  	s0 =	smov.u32 @p0 s9;
	v9 =	vcvt.s32.f32 v9;
	v41 =	vcvt.s32.f32 v10;
	s9 =	sxor.u32 $0x1C, s6;
	s11 =	sxor.u32 $0xC, s6;
	(v2sf) =	vpush v39, $0x0  }
0x106: {  	s12 =	sxor.u32 $0x14, s6;
	v43 =	vshll.u32 v11, s9;
	v44 =	vshll.u32 v11, s11;
	(v2sf) =	vpush v39, $0x1  }
0x107: {  	v48 =	vld [tilespmem:s28+$0x58D0];
	s13 =	sxor.u32 $0x4, s6;
	v45 =	vshll.u32 v11, s12;
	v6 =	vmul.f32 s0, v6;
	v7 =	vmul.f32 s0, v7  }
0x108: {  	v47 =	vshll.u32 v11, s13;
	v40 =	vmul.f32 s0, v9;
	v42 =	vmul.f32 s0, v41  }
0x109: {  	v8 =	vshra.s32 v45, $0x1C;
	(v2sf) =	vpush v0, $0x6;
	v1 =	vadd.f32 v1, v6  }
0x10a: {  	v3 =	vadd.f32 v3, v7;
	v6 =	vshra.s32 v43, $0x1C;
	v7 =	vshra.s32 v44, $0x1C;
	s9 =	spop (v2sf)  }
0x10b: {  	v46 =	vld [tilespmem:s28+$0x5880];
	p0 =	seq.s32 s5, $0x0;
	v10 =	vshra.s32 v47, $0x1C;
	v6 =	vcvt.s32.f32 v6;
	v7 =	vcvt.s32.f32 v7;
	s0 =	spop (v2sf)  }
0x10c: {  	v8 =	vcvt.s32.f32 v8;
	v50 =	vcvt.s32.f32 v10;
	(v2sf) =	vpush v48, $0x0;
	s0 =	smov.u32 @p0 s9  }
0x10d: {  	v4 =	vadd.f32 v4, v40;
	s14 =	spop (v2sf);
	v6 =	vmul.f32 s0, v6;
	v7 =	vmul.f32 s0, v7  }
0x10e: {  	v2 =	vadd.f32 v2, v42;
	(v2sf) =	vpush v48, $0x1;
	v49 =	vmul.f32 s0, v8;
	s16 =	sshll.u32 s14, $0x2  }
0x10f: {  	v57 =	vld [tilespmem:s28+$0x58F0];
	v51 =	vmul.f32 s0, v50;
	s9 =	spop (v2sf);
	s17 =	sxor.u32 $0x1C, s16;
	s18 =	sxor.u32 $0xC, s16;
	v1 =	vadd.f32 v1, v6;
	v3 =	vadd.f32 v3, v7  }
0x110: {  	v54 =	vld [tilespmem:s28+$0x58A0];
	s19 =	sxor.u32 $0x14, s16;
	s11 =	spop (v2sf);
	v4 =	vadd.f32 v4, v49;
	v52 =	vshll.u32 v46, s17;
	v53 =	vshll.u32 v46, s18  }
0x111: {  	s30 =	sxor.u32 $0x4, s16;
	v55 =	vshll.u32 v46, s19;
	s29 =	spop (v2sf);
	v2 =	vadd.f32 v2, v51;
	(v2sf) =	vpush v0, $0x7  }
0x112: {  	v9 =	vshll.u32 v46, s30;
	v6 =	vshra.s32 v52, $0x1C;
	v7 =	vshra.s32 v53, $0x1C  }
0x113: {  	v17 =	vld [tilespmem:s28+$0x5910];
	v10 =	vshra.s32 v55, $0x1C;
	s31 =	sshll.u32 s29, $0x2;
	v9 =	vshra.s32 v9, $0x1C;
	v6 =	vcvt.s32.f32 v6  }
0x114: {  	p0 =	seq.s32 s14, $0x0;
	(v2sf) =	vpush v57, $0x0;
	v7 =	vcvt.s32.f32 v7;
	v56 =	vcvt.s32.f32 v10;
	s5 =	sxor.u32 $0x1C, s31  }
0x115: {  	s11 =	smov.u32 @p0 s9;
	v59 =	vcvt.s32.f32 v9;
	s6 =	sxor.u32 $0xC, s31;
	s4 =	sxor.u32 $0x4, s31;
	(v2sf) =	vpush v57, $0x1;
	v58 =	vshll.u32 v54, s5  }
0x116: {  	v63 =	vld [tilespmem:s28+$0x58C0];
	s1 =	spop (v2sf);
	v62 =	vshll.u32 v54, s6;
	v8 =	vshll.u32 v54, s4;
	v6 =	vmul.f32 s11, v6  }
0x117: {  	s0 =	spop (v2sf);
	(v2sf) =	vpush v0, $0x8;
	v7 =	vmul.f32 s11, v7;
	v5 =	vmul.f32 s11, v56  }
0x118: {  	s12 =	spop (v2sf);
	v60 =	vshra.s32 v58, $0x1C;
	v8 =	vshra.s32 v8, $0x1C;
	(v2sf) =	vpush v17, $0x0  }
0x119: {  	s13 =	sshll.u32 s12, $0x2;
	v61 =	vcvt.s32.f32 v60;
	(v2sf) =	vpush v17, $0x1;
	v1 =	vadd.f32 v6, v1  }
0x11a: {  	v25 =	vld [tilespmem:s28+$0x5930];
	v8 =	vcvt.s32.f32 v8;
	s14 =	sxor.u32 $0x1C, s13;
	v3 =	vadd.f32 v7, v3;
	v4 =	vadd.f32 v5, v4  }
0x11b: {  	p0 =	seq.s32 s29, $0x0;
	s16 =	sxor.u32 $0xC, s13;
	s17 =	sxor.u32 $0x14, s13;
	v6 =	vmul.f32 s11, v59;
	v7 =	vshra.s32 v62, $0x1C;
	v20 =	vshll.u32 v63, s14  }
0x11c: {  	s0 =	smov.u32 @p0 s1;
	s4 =	sxor.u32 $0x4, s13;
	v21 =	vshll.u32 v63, s16;
	v12 =	vshll.u32 v63, s17;
	(v2sf) =	vpush v0, $0x9  }
0x11d: {  	s11 =	sxor.u32 $0x14, s31;
	v28 =	vshll.u32 v63, s4;
	v5 =	vmul.f32 s0, v61;
	v7 =	vcvt.s32.f32 v7  }
0x11e: {  	v16 =	vshll.u32 v54, s11;
	v8 =	vmul.f32 s0, v8;
	v22 =	vshra.s32 v12, $0x1C  }
0x11f: {  	s9 =	spop (v2sf);
	v29 =	vshra.s32 v28, $0x1C;
	(v2sf) =	vpush v25, $0x0;
	v10 =	vshra.s32 v16, $0x1C  }
0x120: {  	v2 =	vadd.f32 v6, v2;
	v24 =	vcvt.s32.f32 v22;
	v31 =	vcvt.s32.f32 v29  }
0x121: {  	v18 =	vcvt.s32.f32 v10;
	v19 =	vmul.f32 s0, v7;
	v7 =	vshra.s32 v20, $0x1C  }
0x122: {  	p0 =	seq.s32 s12, $0x0;
	v1 =	vadd.f32 v5, v1;
	v10 =	vshra.s32 v21, $0x1C;
	v7 =	vcvt.s32.f32 v7;
	s1 =	spop (v2sf)  }
0x123: {  	v37 =	vld [tilespmem:s28+$0x5950];
	v10 =	vcvt.s32.f32 v10;
	v2 =	vadd.f32 v8, v2;
	(v2sf) =	vpush v25, $0x1;
	s1 =	smov.u32 @p0 s9  }
0x124: {  	v13 =	vld [tilespmem:s28+$0x58E0];
	v6 =	vmul.f32 s0, v18;
	v3 =	vadd.f32 v19, v3;
	v23 =	vmul.f32 s1, v7  }
0x125: {  	(v2sf) =	vpush v0, $0xA;
	v26 =	vmul.f32 s1, v10;
	v5 =	vmul.f32 s1, v31  }
0x126: {  	v27 =	vmul.f32 s1, v24;
	v4 =	vadd.f32 v6, v4;
	v1 =	vadd.f32 v23, v1;
	s18 =	spop (v2sf)  }
0x127: {  	v3 =	vadd.f32 v26, v3;
	v2 =	vadd.f32 v5, v2;
	s19 =	sshll.u32 s18, $0x2  }
0x128: {  	v35 =	vld [tilespmem:s28+$0x5900];
	v4 =	vadd.f32 v27, v4;
	s11 =	spop (v2sf);
	(v2sf) =	vpush v37, $0x0;
	s29 =	sxor.u32 $0x1C, s19;
	s30 =	sxor.u32 $0xC, s19  }
0x129: {  	s31 =	sxor.u32 $0x14, s19;
	s0 =	spop (v2sf);
	s4 =	sxor.u32 $0x4, s19;
	(v2sf) =	vpush v37, $0x1;
	v30 =	vshll.u32 v13, s29;
	v33 =	vshll.u32 v13, s30  }
0x12a: {  	v34 =	vshll.u32 v13, s31;
	v36 =	vshll.u32 v13, s4;
	s5 =	spop (v2sf);
	(v2sf) =	vpush v0, $0xB  }
0x12b: {  	v32 =	vshra.s32 v30, $0x1C;
	v7 =	vshra.s32 v33, $0x1C;
	v8 =	vshra.s32 v34, $0x1C;
	s6 =	sshll.u32 s5, $0x2  }
0x12c: {  	v47 =	vld [tilespmem:s28+$0x5970];
	p0 =	seq.s32 s18, $0x0;
	v10 =	vshra.s32 v36, $0x1C;
	v6 =	vcvt.s32.f32 v32;
	v7 =	vcvt.s32.f32 v7;
	s12 =	sxor.u32 $0x1C, s6  }
0x12d: {  	s0 =	smov.u32 @p0 s11;
	v8 =	vcvt.s32.f32 v8;
	v39 =	vcvt.s32.f32 v10;
	s13 =	sxor.u32 $0xC, s6;
	s14 =	sxor.u32 $0x14, s6;
	v40 =	vshll.u32 v35, s12  }
0x12e: {  	s4 =	sxor.u32 $0x4, s6;
	v43 =	vshll.u32 v35, s13;
	v44 =	vshll.u32 v35, s14;
	v6 =	vmul.f32 s0, v6  }
0x12f: {  	v9 =	vshll.u32 v35, s4;
	v7 =	vmul.f32 s0, v7;
	v38 =	vmul.f32 s0, v8  }
0x130: {  	v57 =	vld [tilespmem:s28+$0x5990];
	v41 =	vmul.f32 s0, v39;
	v8 =	vshra.s32 v43, $0x1C;
	v46 =	vshra.s32 v44, $0x1C  }
0x131: {  	s0 =	spop (v2sf);
	v9 =	vshra.s32 v9, $0x1C;
	(v2sf) =	vpush v47, $0x0;
	v45 =	vcvt.s32.f32 v8  }
0x132: {  	v42 =	vld [tilespmem:s28+$0x5920];
	s11 =	spop (v2sf);
	v8 =	vcvt.s32.f32 v46;
	v49 =	vcvt.s32.f32 v9;
	(v2sf) =	vpush v47, $0x1  }
0x133: {  	p0 =	seq.s32 s5, $0x0;
	v1 =	vadd.f32 v6, v1;
	v3 =	vadd.f32 v7, v3;
	v6 =	vshra.s32 v40, $0x1C  }
0x134: {  	v4 =	vadd.f32 v38, v4;
	s16 =	spop (v2sf);
	s11 =	smov.u32 @p0 s0;
	(v2sf) =	vpush v0, $0xC;
	v6 =	vcvt.s32.f32 v6  }
0x135: {  	v2 =	vadd.f32 v41, v2;
	s17 =	sshll.u32 s16, $0x2;
	v5 =	vmul.f32 s11, v45;
	(v2sf) =	vpush v57, $0x0  }
0x136: {  	v8 =	vmul.f32 s11, v8;
	s18 =	sxor.u32 $0x1C, s17;
	s19 =	sxor.u32 $0xC, s17;
	s29 =	sxor.u32 $0x14, s17;
	(v2sf) =	vpush v57, $0x1;
	v6 =	vmul.f32 s11, v6  }
0x137: {  	v55 =	vld [tilespmem:s28+$0x5940];
	s12 =	spop (v2sf);
	s0 =	sxor.u32 $0x4, s17;
	v48 =	vshll.u32 v42, s18;
	v51 =	vshll.u32 v42, s19;
	v52 =	vshll.u32 v42, s29  }
0x138: {  	s1 =	spop (v2sf);
	v3 =	vadd.f32 v5, v3;
	v4 =	vadd.f32 v8, v4;
	v58 =	vshll.u32 v42, s0  }
0x139: {  	p0 =	seq.s32 s16, $0x0;
	s30 =	spop (v2sf);
	(v2sf) =	vpush v0, $0xD;
	v11 =	vshra.s32 v48, $0x1C;
	v12 =	vshra.s32 v52, $0x1C  }
0x13a: {  	v63 =	vld [tilespmem:s28+$0x59B0];
	s1 =	smov.u32 @p0 s12;
	s31 =	sshll.u32 s30, $0x2;
	v50 =	vcvt.s32.f32 v11;
	v11 =	vshra.s32 v51, $0x1C;
	v54 =	vcvt.s32.f32 v12  }
0x13b: {  	v1 =	vadd.f32 v6, v1;
	v6 =	vmul.f32 s11, v49;
	s5 =	sxor.u32 $0x1C, s31;
	s6 =	sxor.u32 $0xC, s31;
	s12 =	sxor.u32 $0x14, s31;
	v53 =	vcvt.s32.f32 v11  }
0x13c: {  	s14 =	sxor.u32 $0x4, s31;
	v59 =	vshll.u32 v55, s5;
	v60 =	vshll.u32 v55, s6;
	v62 =	vshll.u32 v55, s12  }
0x13d: {  	v13 =	vshll.u32 v55, s14;
	v9 =	vmul.f32 s1, v50;
	v56 =	vmul.f32 s1, v54  }
0x13e: {  	v2 =	vadd.f32 v6, v2;
	v6 =	vshra.s32 v59, $0x1C;
	v7 =	vshra.s32 v60, $0x1C  }
0x13f: {  	s0 =	spop (v2sf);
	(v2sf) =	vpush v63, $0x0;
	v5 =	vmul.f32 s1, v53;
	v6 =	vcvt.s32.f32 v6  }
0x140: {  	v61 =	vld [tilespmem:s28+$0x5960];
	p0 =	seq.s32 s30, $0x0;
	s4 =	spop (v2sf);
	v7 =	vcvt.s32.f32 v7;
	(v2sf) =	vpush v63, $0x1;
	v1 =	vadd.f32 v9, v1  }
0x141: {  	v4 =	vadd.f32 v56, v4;
	s4 =	smov.u32 @p0 s0;
	v9 =	vshra.s32 v62, $0x1C;
	v3 =	vadd.f32 v5, v3  }
0x142: {  	v20 =	vld [tilespmem:s28+$0x59D0];
	s13 =	spop (v2sf);
	v5 =	vshra.s32 v58, $0x1C;
	v6 =	vmul.f32 s4, v6;
	v7 =	vmul.f32 s4, v7  }
0x143: {  	(v2sf) =	vpush v0, $0xE;
	v12 =	vcvt.s32.f32 v9;
	s16 =	sshll.u32 s13, $0x2;
	v5 =	vcvt.s32.f32 v5  }
0x144: {  	s17 =	sxor.u32 $0x1C, s16;
	s18 =	sxor.u32 $0xC, s16;
	s19 =	sxor.u32 $0x14, s16;
	v1 =	vadd.f32 v6, v1;
	v3 =	vadd.f32 v7, v3;
	v6 =	vshra.s32 v13, $0x1C  }
0x145: {  	v31 =	vld [tilespmem:s25+$0xFFFFFFF0];
	s9 =	sxor.u32 $0x4, s16;
	v14 =	vshll.u32 v61, s17;
	v15 =	vshll.u32 v61, s18;
	v18 =	vshll.u32 v61, s19  }
0x146: {  	v30 =	vld [tilespmem:s28+$0x59F0];
	v22 =	vshll.u32 v61, s9;
	v5 =	vmul.f32 s1, v5;
	v6 =	vcvt.s32.f32 v6  }
0x147: {  	s11 =	spop (v2sf);
	v7 =	vshra.s32 v14, $0x1C;
	v9 =	vshra.s32 v15, $0x1C;
	(v2sf) =	vpush v20, $0x0  }
0x148: {  	p0 =	seq.s32 s13, $0x0;
	s0 =	spop (v2sf);
	v7 =	vcvt.s32.f32 v7;
	v9 =	vcvt.s32.f32 v9;
	(v2sf) =	vpush v20, $0x1  }
0x149: {  	v16 =	vld [tilespmem:s28+$0x5980];
	v2 =	vadd.f32 v5, v2;
	v5 =	vmul.f32 s4, v12;
	v6 =	vmul.f32 s4, v6;
	s0 =	smov.u32 @p0 s11  }
0x14a: {  	s29 =	spop (v2sf);
	(v2sf) =	vpush v0, $0xF;
	v0 =	vshrl.u32 v31, $0xE;
	v17 =	vmul.f32 s0, v7  }
0x14b: {  	v19 =	vmul.f32 s0, v9;
	v7 =	vshra.s32 v18, $0x1C;
	(v2sf) =	vpush v30, $0x0  }
0x14c: {  	s30 =	sshll.u32 s29, $0x2;
	v0 =	vand.u32 $0x1, v0;
	v4 =	vadd.f32 v5, v4;
	v2 =	vadd.f32 v6, v2  }
0x14d: {  	s11 =	spop (v2sf);
	v21 =	vcvt.s32.f32 v7;
	s31 =	sxor.u32 $0x1C, s30;
	v6 =	vshra.s32 v22, $0x1C;
	v1 =	vadd.f32 v17, v1  }
0x14e: {  	s5 =	sxor.u32 $0xC, s30;
	s6 =	sxor.u32 $0x14, s30;
	s12 =	sxor.u32 $0x4, s30;
	v3 =	vadd.f32 v19, v3;
	v23 =	vshll.u32 v16, s31;
	v6 =	vcvt.s32.f32 v6  }
0x14f: {  	v26 =	vld [tilespmem:s28+$0x59A0];
	s1 =	spop (v2sf);
	v24 =	vshll.u32 v16, s5;
	v25 =	vshll.u32 v16, s6;
	v29 =	vshll.u32 v16, s12  }
0x150: {  	s13 =	spop (v2sf);
	(v2sf) =	vpush v30, $0x1;
	v5 =	vmul.f32 s0, v21;
	v7 =	vshra.s32 v23, $0x1C  }
0x151: {  	v8 =	vshra.s32 v24, $0x1C;
	v10 =	vshra.s32 v25, $0x1C;
	v7 =	vcvt.s32.f32 v7  }
0x152: {  	p0 =	seq.s32 s29, $0x0;
	v9 =	vshra.s32 v29, $0x1C;
	s14 =	sshll.u32 s13, $0x2;
	v8 =	vcvt.s32.f32 v8;
	v27 =	vmul.f32 s0, v6  }
0x153: {  	v37 =	vld [tilespmem:s28+$0x5A10];
	v28 =	vcvt.s32.f32 v10;
	v32 =	vcvt.s32.f32 v9;
	s16 =	sxor.u32 $0x1C, s14;
	s17 =	sxor.u32 $0xC, s14;
	s18 =	sxor.u32 $0x14, s14;
	v4 =	vadd.f32 v5, v4  }
0x154: {  	s1 =	smov.u32 @p0 s11;
	s19 =	sxor.u32 $0x4, s14;
	v33 =	vshll.u32 v26, s16;
	v34 =	vshll.u32 v26, s17;
	v36 =	vshll.u32 v26, s18  }
0x155: {  	v39 =	vshll.u32 v26, s19;
	v7 =	vmul.f32 s1, v7;
	v8 =	vmul.f32 s1, v8  }
0x156: {  	v6 =	vmul.f32 s1, v28;
	v2 =	vadd.f32 v27, v2;
	v5 =	vmul.f32 s1, v32  }
0x157: {  	v35 =	vld [tilespmem:s28+$0x59C0];
	s1 =	spop (v2sf);
	v9 =	vshra.s32 v36, $0x1C;
	(v2sf) =	vpush v0, $0x0;
	v40 =	vshra.s32 v39, $0x1C  }
0x158: {  	s0 =	spop (v2sf);
	v38 =	vcvt.s32.f32 v9;
	(v2sf) =	vpush v37, $0x0;
	v1 =	vadd.f32 v7, v1  }
0x159: {  	p0 =	seq.s32 s13, $0x0;
	v4 =	vadd.f32 v6, v4;
	v6 =	vshra.s32 v33, $0x1C;
	v7 =	vshra.s32 v34, $0x1C;
	s29 =	spop (v2sf)  }
0x15a: {  	v3 =	vadd.f32 v8, v3;
	s0 =	smov.u32 @p0 s1;
	v6 =	vcvt.s32.f32 v6;
	v7 =	vcvt.s32.f32 v7;
	s30 =	sshll.u32 s29, $0x2  }
0x15b: {  	v46 =	vld [tilespmem:s28+$0x5A30];
	v2 =	vadd.f32 v5, v2;
	(v2sf) =	vpush v37, $0x1;
	v5 =	vmul.f32 s0, v38;
	s31 =	sxor.u32 $0x1C, s30  }
0x15c: {  	s5 =	sxor.u32 $0xC, s30;
	s6 =	sxor.u32 $0x14, s30;
	v6 =	vmul.f32 s0, v6;
	v7 =	vmul.f32 s0, v7;
	v41 =	vshll.u32 v35, s31  }
0x15d: {  	v42 =	vshll.u32 v35, s5;
	v4 =	vadd.f32 v5, v4;
	v44 =	vshll.u32 v35, s6  }
0x15e: {  	s11 =	spop (v2sf);
	v9 =	vshra.s32 v42, $0x1C;
	(v2sf) =	vpush v0, $0x1;
	v1 =	vadd.f32 v6, v1  }
0x15f: {  	v3 =	vadd.f32 v7, v3;
	v6 =	vcvt.s32.f32 v40;
	v7 =	vshra.s32 v41, $0x1C  }
0x160: {  	v45 =	vld [tilespmem:s28+$0x59E0];
	p0 =	seq.s32 s29, $0x0;
	s4 =	spop (v2sf);
	v43 =	vcvt.s32.f32 v9;
	v9 =	vshra.s32 v44, $0x1C;
	(v2sf) =	vpush v46, $0x0  }
0x161: {  	v7 =	vcvt.s32.f32 v7;
	s4 =	smov.u32 @p0 s11;
	v9 =	vcvt.s32.f32 v9;
	s11 =	sxor.u32 $0x4, s30;
	s12 =	spop (v2sf);
	(v2sf) =	vpush v46, $0x1  }
0x162: {  	v6 =	vmul.f32 s0, v6;
	v5 =	vmul.f32 s4, v43;
	v47 =	vshll.u32 v35, s11  }
0x163: {  	v54 =	vld [tilespmem:s28+$0x5A50];
	s13 =	sshll.u32 s12, $0x2;
	s9 =	spop (v2sf);
	(v2sf) =	vpush v0, $0x2;
	v7 =	vmul.f32 s4, v7;
	v48 =	vmul.f32 s4, v9  }
0x164: {  	s14 =	sxor.u32 $0x1C, s13;
	s16 =	sxor.u32 $0xC, s13;
	s17 =	sxor.u32 $0x14, s13;
	v2 =	vadd.f32 v6, v2;
	v3 =	vadd.f32 v5, v3;
	v6 =	vshra.s32 v47, $0x1C  }
0x165: {  	s0 =	sxor.u32 $0x4, s13;
	v49 =	vshll.u32 v45, s14;
	v50 =	vshll.u32 v45, s16;
	v53 =	vshll.u32 v45, s17  }
0x166: {  	v56 =	vshll.u32 v45, s0;
	v1 =	vadd.f32 v7, v1;
	v7 =	vshra.s32 v49, $0x1C  }
0x167: {  	v51 =	vld [tilespmem:s28+$0x5A00];
	p0 =	seq.s32 s12, $0x0;
	s1 =	spop (v2sf);
	v6 =	vcvt.s32.f32 v6;
	v8 =	vshra.s32 v50, $0x1C;
	v7 =	vcvt.s32.f32 v7  }
0x168: {  	v62 =	vld [tilespmem:s28+$0x5A70];
	(v2sf) =	vpush v54, $0x0;
	v4 =	vadd.f32 v48, v4;
	s1 =	smov.u32 @p0 s9;
	v8 =	vcvt.s32.f32 v8  }
0x169: {  	v52 =	vmul.f32 s4, v6;
	v6 =	vshra.s32 v53, $0x1C;
	v7 =	vmul.f32 s1, v7  }
0x16a: {  	v8 =	vmul.f32 s1, v8;
	s18 =	spop (v2sf);
	v55 =	vcvt.s32.f32 v6;
	(v2sf) =	vpush v54, $0x1  }
0x16b: {  	v6 =	vshra.s32 v56, $0x1C;
	v2 =	vadd.f32 v52, v2;
	s19 =	sshll.u32 s18, $0x2;
	s11 =	spop (v2sf);
	(v2sf) =	vpush v0, $0x3  }
0x16c: {  	v6 =	vcvt.s32.f32 v6;
	v1 =	vadd.f32 v7, v1;
	v3 =	vadd.f32 v8, v3;
	s29 =	sxor.u32 $0x1C, s19  }
0x16d: {  	v5 =	vmul.f32 s1, v55;
	s30 =	sxor.u32 $0xC, s19;
	s0 =	spop (v2sf);
	(v2sf) =	vpush v62, $0x0;
	v57 =	vshll.u32 v51, s29  }
0x16e: {  	s31 =	sxor.u32 $0x14, s19;
	v58 =	vshll.u32 v51, s30;
	v6 =	vmul.f32 s1, v6;
	v7 =	vshra.s32 v57, $0x1C  }
0x16f: {  	v60 =	vld [tilespmem:s28+$0x5A20];
	p0 =	seq.s32 s18, $0x0;
	s4 =	sxor.u32 $0x4, s19;
	v61 =	vshll.u32 v51, s31;
	v8 =	vshra.s32 v58, $0x1C;
	v7 =	vcvt.s32.f32 v7  }
0x170: {  	s0 =	smov.u32 @p0 s11;
	v9 =	vshll.u32 v51, s4;
	v10 =	vshra.s32 v61, $0x1C;
	v59 =	vcvt.s32.f32 v8  }
0x171: {  	v4 =	vadd.f32 v5, v4;
	v63 =	vcvt.s32.f32 v10;
	s5 =	spop (v2sf);
	v7 =	vmul.f32 s0, v7  }
0x172: {  	v17 =	vld [tilespmem:s28+$0x5A90];
	v2 =	vadd.f32 v6, v2;
	v10 =	vshra.s32 v9, $0x1C;
	v5 =	vmul.f32 s0, v59;
	s6 =	sshll.u32 s5, $0x2  }
0x173: {  	(v2sf) =	vpush v62, $0x1;
	v6 =	vmul.f32 s0, v63;
	s11 =	sxor.u32 $0x1C, s6;
	v1 =	vadd.f32 v7, v1  }
0x174: {  	s12 =	sxor.u32 $0xC, s6;
	s13 =	sxor.u32 $0x14, s6;
	v3 =	vadd.f32 v5, v3;
	v5 =	vcvt.s32.f32 v10;
	v12 =	vshll.u32 v60, s11  }
0x175: {  	s14 =	sxor.u32 $0x4, s6;
	v13 =	vshll.u32 v60, s12;
	v4 =	vadd.f32 v6, v4;
	v15 =	vshll.u32 v60, s13  }
0x176: {  	s11 =	spop (v2sf);
	(v2sf) =	vpush v0, $0x4;
	v18 =	vshll.u32 v60, s14;
	v7 =	vshra.s32 v12, $0x1C  }
0x177: {  	v16 =	vld [tilespmem:s28+$0x5A40];
	p0 =	seq.s32 s5, $0x0;
	s4 =	spop (v2sf);
	v9 =	vshra.s32 v13, $0x1C;
	(v2sf) =	vpush v17, $0x0;
	v7 =	vcvt.s32.f32 v7  }
0x178: {  	s4 =	smov.u32 @p0 s11;
	v14 =	vcvt.s32.f32 v9;
	v5 =	vmul.f32 s0, v5;
	v9 =	vshra.s32 v15, $0x1C  }
0x179: {  	s16 =	spop (v2sf);
	(v2sf) =	vpush v17, $0x1;
	v9 =	vcvt.s32.f32 v9;
	v7 =	vmul.f32 s4, v7  }
0x17a: {  	v24 =	vld [tilespmem:s28+$0x5AB0];
	s17 =	sshll.u32 s16, $0x2;
	s9 =	spop (v2sf);
	v6 =	vmul.f32 s4, v14;
	v2 =	vadd.f32 v5, v2;
	v5 =	vshra.s32 v18, $0x1C  }
0x17b: {  	(v2sf) =	vpush v0, $0x5;
	s18 =	sxor.u32 $0x1C, s17;
	s19 =	sxor.u32 $0xC, s17;
	s29 =	sxor.u32 $0x14, s17;
	v19 =	vmul.f32 s4, v9;
	v5 =	vcvt.s32.f32 v5  }
0x17c: {  	s0 =	sxor.u32 $0x4, s17;
	v20 =	vshll.u32 v16, s18;
	v21 =	vshll.u32 v16, s19;
	v23 =	vshll.u32 v16, s29  }
0x17d: {  	v26 =	vshll.u32 v16, s0;
	v1 =	vadd.f32 v1, v7;
	v3 =	vadd.f32 v3, v6  }
0x17e: {  	v22 =	vld [tilespmem:s28+$0x5A60];
	v7 =	vshra.s32 v20, $0x1C;
	v8 =	vshra.s32 v21, $0x1C;
	v6 =	vshra.s32 v23, $0x1C  }
0x17f: {  	s1 =	spop (v2sf);
	(v2sf) =	vpush v24, $0x0;
	v7 =	vcvt.s32.f32 v7;
	v8 =	vcvt.s32.f32 v8  }
0x180: {  	p0 =	seq.s32 s16, $0x0;
	v4 =	vadd.f32 v4, v19;
	s30 =	spop (v2sf);
	v25 =	vcvt.s32.f32 v6;
	v6 =	vshra.s32 v26, $0x1C  }
0x181: {  	v5 =	vmul.f32 s4, v5;
	s1 =	smov.u32 @p0 s9;
	(v2sf) =	vpush v24, $0x1;
	s31 =	sshll.u32 s30, $0x2;
	v6 =	vcvt.s32.f32 v6  }
0x182: {  	s11 =	spop (v2sf);
	(v2sf) =	vpush v0, $0x6;
	v7 =	vmul.f32 s1, v7;
	v8 =	vmul.f32 s1, v8;
	s5 =	sxor.u32 $0x1C, s31  }
0x183: {  	v32 =	vld [tilespmem:s28+$0x5AD0];
	v2 =	vadd.f32 v2, v5;
	v5 =	vmul.f32 s1, v25;
	s6 =	sxor.u32 $0xC, s31;
	s12 =	sxor.u32 $0x4, s31;
	v27 =	vshll.u32 v22, s5  }
0x184: {  	v28 =	vshll.u32 v22, s6;
	v6 =	vmul.f32 s1, v6;
	v9 =	vshll.u32 v22, s12  }
0x185: {  	v1 =	vadd.f32 v1, v7;
	v3 =	vadd.f32 v3, v8;
	v7 =	vshra.s32 v27, $0x1C  }
0x186: {  	v40 =	vld [tilespmem:s28+$0x5AF0];
	p0 =	seq.s32 s30, $0x0;
	v8 =	vshra.s32 v28, $0x1C;
	v4 =	vadd.f32 v4, v5;
	s0 =	spop (v2sf);
	v7 =	vcvt.s32.f32 v7  }
0x187: {  	v30 =	vld [tilespmem:s28+$0x5A80];
	v34 =	vshra.s32 v9, $0x1C;
	v29 =	vcvt.s32.f32 v8;
	v2 =	vadd.f32 v2, v6;
	s0 =	smov.u32 @p0 s11;
	s11 =	sxor.u32 $0x14, s31  }
0x188: {  	(v2sf) =	vpush v32, $0x0;
	v7 =	vmul.f32 s0, v7;
	v31 =	vshll.u32 v22, s11  }
0x189: {  	v5 =	vmul.f32 s0, v29;
	v10 =	vshra.s32 v31, $0x1C;
	s13 =	spop (v2sf);
	(v2sf) =	vpush v32, $0x1  }
0x18a: {  	v33 =	vcvt.s32.f32 v10;
	s14 =	sshll.u32 s13, $0x2;
	v1 =	vadd.f32 v1, v7;
	s11 =	spop (v2sf);
	(v2sf) =	vpush v0, $0x7  }
0x18b: {  	v3 =	vadd.f32 v3, v5;
	v5 =	vcvt.s32.f32 v34;
	s16 =	sxor.u32 $0x1C, s14;
	s17 =	sxor.u32 $0xC, s14;
	s4 =	spop (v2sf);
	(v2sf) =	vpush v40, $0x0  }
0x18c: {  	v39 =	vld [tilespmem:s28+$0x5AA0];
	s18 =	sxor.u32 $0x14, s14;
	s19 =	sxor.u32 $0x4, s14;
	v6 =	vmul.f32 s0, v33;
	v35 =	vshll.u32 v30, s16;
	v36 =	vshll.u32 v30, s17  }
0x18d: {  	v38 =	vshll.u32 v30, s18;
	v5 =	vmul.f32 s0, v5;
	v41 =	vshll.u32 v30, s19  }
0x18e: {  	s29 =	spop (v2sf);
	(v2sf) =	vpush v40, $0x1;
	v7 =	vshra.s32 v35, $0x1C;
	v9 =	vshra.s32 v36, $0x1C  }
0x18f: {  	v47 =	vld [tilespmem:s28+$0x5B10];
	s30 =	sshll.u32 s29, $0x2;
	v7 =	vcvt.s32.f32 v7;
	v4 =	vadd.f32 v4, v6;
	v37 =	vcvt.s32.f32 v9  }
0x190: {  	v9 =	vshra.s32 v38, $0x1C;
	v2 =	vadd.f32 v2, v5;
	v5 =	vshra.s32 v41, $0x1C;
	s31 =	sxor.u32 $0x1C, s30  }
0x191: {  	p0 =	seq.s32 s13, $0x0;
	s5 =	sxor.u32 $0xC, s30;
	s6 =	sxor.u32 $0x14, s30;
	v9 =	vcvt.s32.f32 v9;
	v5 =	vcvt.s32.f32 v5;
	v43 =	vshll.u32 v39, s31  }
0x192: {  	s4 =	smov.u32 @p0 s11;
	s0 =	sxor.u32 $0x4, s30;
	v44 =	vshll.u32 v39, s5;
	s9 =	spop (v2sf);
	v46 =	vshll.u32 v39, s6;
	(v2sf) =	vpush v0, $0x8  }
0x193: {  	v49 =	vshll.u32 v39, s0;
	v7 =	vmul.f32 s4, v7;
	v6 =	vmul.f32 s4, v37  }
0x194: {  	v45 =	vld [tilespmem:s28+$0x5AC0];
	p0 =	seq.s32 s29, $0x0;
	v8 =	vshra.s32 v44, $0x1C;
	s1 =	spop (v2sf);
	(v2sf) =	vpush v47, $0x0;
	v42 =	vmul.f32 s4, v9  }
0x195: {  	v8 =	vcvt.s32.f32 v8;
	v5 =	vmul.f32 s4, v5;
	s1 =	smov.u32 @p0 s9;
	s9 =	spop (v2sf);
	(v2sf) =	vpush v47, $0x1  }
0x196: {  	v1 =	vadd.f32 v7, v1;
	v3 =	vadd.f32 v6, v3;
	v7 =	vshra.s32 v43, $0x1C  }
0x197: {  	v6 =	vshra.s32 v46, $0x1C;
	s12 =	sshll.u32 s9, $0x2;
	v7 =	vcvt.s32.f32 v7;
	v4 =	vadd.f32 v42, v4  }
0x198: {  	v8 =	vmul.f32 s1, v8;
	v48 =	vcvt.s32.f32 v6;
	s13 =	sxor.u32 $0x1C, s12;
	v6 =	vshra.s32 v49, $0x1C  }
0x199: {  	v55 =	vld [tilespmem:s28+$0x5B30];
	v2 =	vadd.f32 v5, v2;
	s14 =	sxor.u32 $0xC, s12;
	s16 =	sxor.u32 $0x14, s12;
	s17 =	sxor.u32 $0x4, s12;
	v50 =	vshll.u32 v45, s13;
	v6 =	vcvt.s32.f32 v6  }
0x19a: {  	v51 =	vshll.u32 v45, s14;
	v54 =	vshll.u32 v45, s16;
	v9 =	vshll.u32 v45, s17  }
0x19b: {  	v7 =	vmul.f32 s1, v7;
	v3 =	vadd.f32 v8, v3;
	v5 =	vmul.f32 s1, v48  }
0x19c: {  	v63 =	vld [tilespmem:s28+$0x5B50];
	s11 =	spop (v2sf);
	v8 =	vshra.s32 v51, $0x1C;
	v10 =	vshra.s32 v54, $0x1C;
	(v2sf) =	vpush v0, $0x9  }
0x19d: {  	v52 =	vcvt.s32.f32 v8;
	v1 =	vadd.f32 v7, v1;
	v7 =	vshra.s32 v50, $0x1C  }
0x19e: {  	v53 =	vld [tilespmem:s28+$0x5AE0];
	p0 =	seq.s32 s9, $0x0;
	v6 =	vmul.f32 s1, v6;
	s0 =	spop (v2sf);
	v7 =	vcvt.s32.f32 v7;
	(v2sf) =	vpush v55, $0x0  }
0x19f: {  	v56 =	vcvt.s32.f32 v10;
	v4 =	vadd.f32 v5, v4;
	s0 =	smov.u32 @p0 s11;
	s18 =	spop (v2sf);
	(v2sf) =	vpush v55, $0x1  }
0x1a0: {  	v7 =	vmul.f32 s0, v7;
	v5 =	vmul.f32 s0, v52;
	s11 =	spop (v2sf);
	(v2sf) =	vpush v0, $0xA  }
0x1a1: {  	v57 =	vshra.s32 v9, $0x1C;
	v2 =	vadd.f32 v6, v2;
	s19 =	sshll.u32 s18, $0x2;
	s4 =	spop (v2sf);
	(v2sf) =	vpush v63, $0x0  }
0x1a2: {  	v6 =	vmul.f32 s0, v56;
	s29 =	sxor.u32 $0x1C, s19;
	s30 =	sxor.u32 $0xC, s19;
	v1 =	vadd.f32 v7, v1;
	v3 =	vadd.f32 v5, v3  }
0x1a3: {  	v5 =	vcvt.s32.f32 v57;
	v58 =	vshll.u32 v53, s29;
	v59 =	vshll.u32 v53, s30  }
0x1a4: {  	v18 =	vld [tilespmem:s28+$0x5B70];
	s31 =	sxor.u32 $0x14, s19;
	v4 =	vadd.f32 v6, v4;
	v7 =	vshra.s32 v58, $0x1C;
	v9 =	vshra.s32 v59, $0x1C  }
0x1a5: {  	v62 =	vld [tilespmem:s28+$0x5B00];
	v61 =	vshll.u32 v53, s31;
	v7 =	vcvt.s32.f32 v7;
	v60 =	vcvt.s32.f32 v9  }
0x1a6: {  	p0 =	seq.s32 s18, $0x0;
	s1 =	sxor.u32 $0x4, s19;
	v5 =	vmul.f32 s0, v5;
	v9 =	vshra.s32 v61, $0x1C;
	s5 =	spop (v2sf);
	(v2sf) =	vpush v63, $0x1  }
0x1a7: {  	s4 =	smov.u32 @p0 s11;
	v12 =	vshll.u32 v53, s1;
	v9 =	vcvt.s32.f32 v9;
	s9 =	spop (v2sf);
	(v2sf) =	vpush v0, $0xB  }
0x1a8: {  	s6 =	sshll.u32 s5, $0x2;
	v7 =	vmul.f32 s4, v7;
	v6 =	vmul.f32 s4, v60;
	v2 =	vadd.f32 v5, v2  }
0x1a9: {  	v5 =	vshra.s32 v12, $0x1C;
	s11 =	sxor.u32 $0x1C, s6;
	s12 =	sxor.u32 $0xC, s6;
	s1 =	spop (v2sf);
	(v2sf) =	vpush v18, $0x0;
	v13 =	vmul.f32 s4, v9  }
0x1aa: {  	s13 =	sxor.u32 $0x14, s6;
	s0 =	sxor.u32 $0x4, s6;
	v5 =	vcvt.s32.f32 v5;
	v14 =	vshll.u32 v62, s11;
	v15 =	vshll.u32 v62, s12  }
0x1ab: {  	v17 =	vshll.u32 v62, s13;
	v20 =	vshll.u32 v62, s0;
	v1 =	vadd.f32 v7, v1  }
0x1ac: {  	v3 =	vadd.f32 v6, v3;
	v7 =	vshra.s32 v14, $0x1C;
	v8 =	vshra.s32 v15, $0x1C  }
0x1ad: {  	v16 =	vld [tilespmem:s28+$0x5B20];
	p0 =	seq.s32 s5, $0x0;
	v6 =	vshra.s32 v17, $0x1C;
	v7 =	vcvt.s32.f32 v7;
	v8 =	vcvt.s32.f32 v8  }
0x1ae: {  	s1 =	smov.u32 @p0 s9;
	v5 =	vmul.f32 s4, v5;
	v19 =	vcvt.s32.f32 v6;
	v6 =	vshra.s32 v20, $0x1C  }
0x1af: {  	v4 =	vadd.f32 v13, v4;
	s14 =	spop (v2sf);
	v6 =	vcvt.s32.f32 v6;
	v7 =	vmul.f32 s1, v7  }
0x1b0: {  	(v2sf) =	vpush v18, $0x1;
	v8 =	vmul.f32 s1, v8;
	v2 =	vadd.f32 v5, v2;
	s16 =	sshll.u32 s14, $0x2  }
0x1b1: {  	v26 =	vld [tilespmem:s28+$0x5B90];
	v5 =	vmul.f32 s1, v19;
	s17 =	sxor.u32 $0x1C, s16;
	s18 =	sxor.u32 $0xC, s16;
	v6 =	vmul.f32 s1, v6;
	v1 =	vadd.f32 v7, v1  }
0x1b2: {  	s19 =	sxor.u32 $0x14, s16;
	v3 =	vadd.f32 v8, v3;
	v21 =	vshll.u32 v16, s17;
	v22 =	vshll.u32 v16, s18  }
0x1b3: {  	s29 =	sxor.u32 $0x4, s16;
	s11 =	spop (v2sf);
	v4 =	vadd.f32 v5, v4;
	v25 =	vshll.u32 v16, s19;
	(v2sf) =	vpush v0, $0xC  }
0x1b4: {  	v24 =	vld [tilespmem:s28+$0x5B40];
	v9 =	vshll.u32 v16, s29;
	v7 =	vshra.s32 v21, $0x1C;
	v8 =	vshra.s32 v22, $0x1C  }
0x1b5: {  	p0 =	seq.s32 s14, $0x0;
	s0 =	spop (v2sf);
	v10 =	vshra.s32 v25, $0x1C;
	v2 =	vadd.f32 v6, v2;
	v7 =	vcvt.s32.f32 v7  }
0x1b6: {  	(v2sf) =	vpush v26, $0x0;
	s0 =	smov.u32 @p0 s11;
	v23 =	vcvt.s32.f32 v8;
	s30 =	spop (v2sf);
	v27 =	vcvt.s32.f32 v10  }
0x1b7: {  	v34 =	vld [tilespmem:s28+$0x5BB0];
	v28 =	vshra.s32 v9, $0x1C;
	(v2sf) =	vpush v26, $0x1;
	s31 =	sshll.u32 s30, $0x2;
	s11 =	spop (v2sf);
	v7 =	vmul.f32 s0, v7  }
0x1b8: {  	(v2sf) =	vpush v0, $0xD;
	v5 =	vmul.f32 s0, v23;
	s5 =	sxor.u32 $0x1C, s31;
	v6 =	vmul.f32 s0, v27;
	s6 =	sxor.u32 $0xC, s31;
	s12 =	sxor.u32 $0x14, s31  }
0x1b9: {  	s13 =	sxor.u32 $0x4, s31;
	v29 =	vshll.u32 v24, s5;
	v30 =	vshll.u32 v24, s6;
	v32 =	vshll.u32 v24, s12  }
0x1ba: {  	v35 =	vshll.u32 v24, s13;
	v1 =	vadd.f32 v7, v1;
	v3 =	vadd.f32 v5, v3  }
0x1bb: {  	v33 =	vld [tilespmem:s28+$0x5B60];
	v5 =	vcvt.s32.f32 v28;
	v7 =	vshra.s32 v29, $0x1C;
	v9 =	vshra.s32 v30, $0x1C  }
0x1bc: {  	s4 =	spop (v2sf);
	(v2sf) =	vpush v34, $0x0;
	v7 =	vcvt.s32.f32 v7;
	v31 =	vcvt.s32.f32 v9  }
0x1bd: {  	p0 =	seq.s32 s30, $0x0;
	v9 =	vshra.s32 v32, $0x1C;
	s14 =	spop (v2sf);
	(v2sf) =	vpush v34, $0x1;
	v5 =	vmul.f32 s0, v5  }
0x1be: {  	v4 =	vadd.f32 v6, v4;
	s4 =	smov.u32 @p0 s11;
	v9 =	vcvt.s32.f32 v9;
	s16 =	sshll.u32 s14, $0x2;
	s9 =	spop (v2sf);
	(v2sf) =	vpush v0, $0xE  }
0x1bf: {  	v7 =	vmul.f32 s4, v7;
	v6 =	vmul.f32 s4, v31;
	s17 =	sxor.u32 $0x1C, s16;
	v2 =	vadd.f32 v5, v2  }
0x1c0: {  	s18 =	sxor.u32 $0xC, s16;
	s19 =	sxor.u32 $0x14, s16;
	s0 =	sxor.u32 $0x4, s16;
	v36 =	vmul.f32 s4, v9;
	v5 =	vshra.s32 v35, $0x1C;
	v37 =	vshll.u32 v33, s17  }
0x1c1: {  	v41 =	vld [tilespmem:s28+$0x5BD0];
	v38 =	vshll.u32 v33, s18;
	v40 =	vshll.u32 v33, s19;
	v43 =	vshll.u32 v33, s0  }
0x1c2: {  	v1 =	vadd.f32 v7, v1;
	v3 =	vadd.f32 v6, v3;
	v5 =	vcvt.s32.f32 v5  }
0x1c3: {  	v7 =	vshra.s32 v37, $0x1C;
	v8 =	vshra.s32 v38, $0x1C;
	v6 =	vshra.s32 v40, $0x1C  }
0x1c4: {  	v39 =	vld [tilespmem:s28+$0x5B80];
	p0 =	seq.s32 s14, $0x0;
	s1 =	spop (v2sf);
	v7 =	vcvt.s32.f32 v7;
	v8 =	vcvt.s32.f32 v8;
	v4 =	vadd.f32 v36, v4  }
0x1c5: {  	v50 =	vld [tilespmem:s25+$0x0];
	v42 =	vcvt.s32.f32 v6;
	v6 =	vshra.s32 v43, $0x1C;
	v5 =	vmul.f32 s4, v5;
	s1 =	smov.u32 @p0 s9  }
0x1c6: {  	v49 =	vld [tilespmem:s28+$0x5BF0];
	(v2sf) =	vpush v41, $0x0;
	v6 =	vcvt.s32.f32 v6;
	v7 =	vmul.f32 s1, v7  }
0x1c7: {  	v8 =	vmul.f32 s1, v8;
	v2 =	vadd.f32 v5, v2;
	v5 =	vmul.f32 s1, v42  }
0x1c8: {  	s29 =	spop (v2sf);
	(v2sf) =	vpush v41, $0x1;
	v6 =	vmul.f32 s1, v6;
	v1 =	vadd.f32 v7, v1  }
0x1c9: {  	s30 =	sshll.u32 s29, $0x2;
	v3 =	vadd.f32 v8, v3;
	s11 =	spop (v2sf);
	(v2sf) =	vpush v0, $0xF  }
0x1ca: {  	p0 =	seq.s32 s29, $0x0;
	v0 =	vshrl.u32 v50, $0xE;
	s31 =	sxor.u32 $0x1C, s30;
	v4 =	vadd.f32 v5, v4;
	v2 =	vadd.f32 v6, v2  }
0x1cb: {  	v47 =	vld [tilespmem:s28+$0x5BA0];
	s5 =	sxor.u32 $0xC, s30;
	s0 =	spop (v2sf);
	s6 =	sxor.u32 $0x14, s30;
	(v2sf) =	vpush v49, $0x0;
	v0 =	vand.u32 $0x1, v0;
	v44 =	vshll.u32 v39, s31  }
0x1cc: {  	v45 =	vshll.u32 v39, s5;
	s0 =	smov.u32 @p0 s11;
	v48 =	vshll.u32 v39, s6;
	s11 =	sxor.u32 $0x4, s30;
	v7 =	vshra.s32 v44, $0x1C  }
0x1cd: {  	s12 =	spop (v2sf);
	v8 =	vshra.s32 v45, $0x1C;
	v10 =	vshra.s32 v48, $0x1C;
	v9 =	vshll.u32 v39, s11  }
0x1ce: {  	s13 =	sshll.u32 s12, $0x2;
	v7 =	vcvt.s32.f32 v7;
	v46 =	vcvt.s32.f32 v8;
	v9 =	vshra.s32 v9, $0x1C  }
0x1cf: {  	(v2sf) =	vpush v49, $0x1;
	v10 =	vcvt.s32.f32 v10;
	s14 =	sxor.u32 $0x1C, s13;
	s16 =	sxor.u32 $0xC, s13;
	s17 =	sxor.u32 $0x14, s13;
	v51 =	vcvt.s32.f32 v9  }
0x1d0: {  	v57 =	vld [tilespmem:s28+$0x5C10];
	s4 =	sxor.u32 $0x4, s13;
	v53 =	vshll.u32 v47, s14;
	v54 =	vshll.u32 v47, s16;
	v56 =	vshll.u32 v47, s17  }
0x1d1: {  	v59 =	vshll.u32 v47, s4;
	v7 =	vmul.f32 s0, v7;
	v5 =	vmul.f32 s0, v46  }
0x1d2: {  	v52 =	vmul.f32 s0, v10;
	v9 =	vshra.s32 v54, $0x1C;
	v11 =	vshra.s32 v56, $0x1C  }
0x1d3: {  	v6 =	vmul.f32 s0, v51;
	s0 =	spop (v2sf);
	v9 =	vcvt.s32.f32 v9;
	(v2sf) =	vpush v0, $0x0  }
0x1d4: {  	v55 =	vld [tilespmem:s28+$0x5BC0];
	v58 =	vcvt.s32.f32 v11;
	v1 =	vadd.f32 v7, v1;
	v3 =	vadd.f32 v5, v3  }
0x1d5: {  	p0 =	seq.s32 s12, $0x0;
	v7 =	vshra.s32 v53, $0x1C;
	s1 =	spop (v2sf);
	v4 =	vadd.f32 v52, v4;
	(v2sf) =	vpush v57, $0x0  }
0x1d6: {  	v7 =	vcvt.s32.f32 v7;
	s1 =	smov.u32 @p0 s0;
	s18 =	spop (v2sf);
	v2 =	vadd.f32 v6, v2;
	v6 =	vshra.s32 v59, $0x1C  }
0x1d7: {  	(v2sf) =	vpush v57, $0x1;
	v9 =	vmul.f32 s1, v9;
	s19 =	sshll.u32 s18, $0x2;
	v5 =	vmul.f32 s1, v58  }
0x1d8: {  	v6 =	vcvt.s32.f32 v6;
	v7 =	vmul.f32 s1, v7;
	s29 =	sxor.u32 $0x1C, s19;
	s30 =	sxor.u32 $0xC, s19;
	s11 =	spop (v2sf);
	(v2sf) =	vpush v0, $0x1  }
0x1d9: {  	v14 =	vld [tilespmem:s28+$0x5C30];
	s31 =	sxor.u32 $0x14, s19;
	v3 =	vadd.f32 v9, v3;
	v60 =	vshll.u32 v55, s29;
	v61 =	vshll.u32 v55, s30  }
0x1da: {  	s4 =	sxor.u32 $0x4, s19;
	v4 =	vadd.f32 v5, v4;
	v6 =	vmul.f32 s1, v6;
	v13 =	vshll.u32 v55, s31  }
0x1db: {  	v10 =	vshll.u32 v55, s4;
	v1 =	vadd.f32 v7, v1;
	v7 =	vshra.s32 v60, $0x1C  }
0x1dc: {  	v23 =	vld [tilespmem:s28+$0x5C50];
	v8 =	vshra.s32 v61, $0x1C;
	v9 =	vshra.s32 v13, $0x1C;
	v7 =	vcvt.s32.f32 v7  }
0x1dd: {  	v63 =	vld [tilespmem:s28+$0x5BE0];
	p0 =	seq.s32 s18, $0x0;
	v10 =	vshra.s32 v10, $0x1C;
	s0 =	spop (v2sf);
	v62 =	vcvt.s32.f32 v8;
	v9 =	vcvt.s32.f32 v9  }
0x1de: {  	v2 =	vadd.f32 v6, v2;
	v15 =	vcvt.s32.f32 v10;
	(v2sf) =	vpush v14, $0x0;
	s0 =	smov.u32 @p0 s11  }
0x1df: {  	s5 =	spop (v2sf);
	(v2sf) =	vpush v14, $0x1;
	v7 =	vmul.f32 s0, v7;
	v5 =	vmul.f32 s0, v62  }
0x1e0: {  	s6 =	sshll.u32 s5, $0x2;
	v16 =	vmul.f32 s0, v9;
	v6 =	vmul.f32 s0, v15;
	s0 =	spop (v2sf);
	(v2sf) =	vpush v0, $0x2  }
0x1e1: {  	s11 =	sxor.u32 $0x1C, s6;
	s12 =	sxor.u32 $0xC, s6;
	s1 =	spop (v2sf);
	(v2sf) =	vpush v23, $0x0  }
0x1e2: {  	v1 =	vadd.f32 v7, v1;
	v17 =	vshll.u32 v63, s11;
	v18 =	vshll.u32 v63, s12  }
0x1e3: {  	v19 =	vld [tilespmem:s28+$0x5C00];
	v3 =	vadd.f32 v5, v3;
	v7 =	vshra.s32 v17, $0x1C;
	v9 =	vshra.s32 v18, $0x1C  }
0x1e4: {  	v31 =	vld [tilespmem:s28+$0x5C70];
	p0 =	seq.s32 s5, $0x0;
	s13 =	sxor.u32 $0x14, s6;
	s4 =	sxor.u32 $0x4, s6;
	v4 =	vadd.f32 v16, v4;
	v7 =	vcvt.s32.f32 v7;
	v20 =	vcvt.s32.f32 v9  }
0x1e5: {  	s1 =	smov.u32 @p0 s0;
	v2 =	vadd.f32 v6, v2;
	v22 =	vshll.u32 v63, s13;
	v25 =	vshll.u32 v63, s4  }
0x1e6: {  	v21 =	vmul.f32 s1, v7;
	s14 =	spop (v2sf);
	v5 =	vmul.f32 s1, v20;
	(v2sf) =	vpush v23, $0x1  }
0x1e7: {  	v26 =	vshra.s32 v25, $0x1C;
	v7 =	vshra.s32 v22, $0x1C;
	s16 =	sshll.u32 s14, $0x2;
	s12 =	spop (v2sf);
	(v2sf) =	vpush v0, $0x3  }
0x1e8: {  	v24 =	vcvt.s32.f32 v7;
	v1 =	vadd.f32 v21, v1;
	s17 =	sxor.u32 $0x1C, s16;
	v3 =	vadd.f32 v5, v3  }
0x1e9: {  	v5 =	vcvt.s32.f32 v26;
	s18 =	sxor.u32 $0xC, s16;
	s19 =	sxor.u32 $0x14, s16;
	s0 =	spop (v2sf);
	(v2sf) =	vpush v31, $0x0;
	v27 =	vshll.u32 v19, s17  }
0x1ea: {  	s29 =	sxor.u32 $0x4, s16;
	v6 =	vmul.f32 s1, v24;
	v28 =	vshll.u32 v19, s18;
	v29 =	vshll.u32 v19, s19  }
0x1eb: {  	v30 =	vld [tilespmem:s28+$0x5C20];
	v34 =	vshll.u32 v19, s29;
	v7 =	vshra.s32 v27, $0x1C;
	v8 =	vshra.s32 v28, $0x1C  }
0x1ec: {  	p0 =	seq.s32 s14, $0x0;
	v11 =	vshra.s32 v29, $0x1C;
	v5 =	vmul.f32 s1, v5;
	v7 =	vcvt.s32.f32 v7  }
0x1ed: {  	v40 =	vld [tilespmem:s28+$0x5C90];
	s0 =	smov.u32 @p0 s12;
	s30 =	spop (v2sf);
	(v2sf) =	vpush v31, $0x1;
	v8 =	vcvt.s32.f32 v8;
	v11 =	vcvt.s32.f32 v11  }
0x1ee: {  	v4 =	vadd.f32 v6, v4;
	s31 =	sshll.u32 s30, $0x2;
	v2 =	vadd.f32 v5, v2;
	v7 =	vmul.f32 s0, v7  }
0x1ef: {  	v5 =	vshra.s32 v34, $0x1C;
	s5 =	sxor.u32 $0x1C, s31;
	s6 =	sxor.u32 $0xC, s31;
	v32 =	vmul.f32 s0, v8;
	v33 =	vmul.f32 s0, v11  }
0x1f0: {  	s12 =	sxor.u32 $0x14, s31;
	s13 =	sxor.u32 $0x4, s31;
	v5 =	vcvt.s32.f32 v5;
	v35 =	vshll.u32 v30, s5;
	v36 =	vshll.u32 v30, s6  }
0x1f1: {  	s11 =	spop (v2sf);
	v37 =	vshll.u32 v30, s12;
	v39 =	vshll.u32 v30, s13;
	(v2sf) =	vpush v0, $0x4  }
0x1f2: {  	v6 =	vshra.s32 v35, $0x1C;
	s4 =	spop (v2sf);
	v8 =	vshra.s32 v37, $0x1C;
	(v2sf) =	vpush v40, $0x0  }
0x1f3: {  	v48 =	vld [tilespmem:s28+$0x5CB0];
	v10 =	vshra.s32 v39, $0x1C;
	v1 =	vadd.f32 v7, v1;
	v3 =	vadd.f32 v32, v3  }
0x1f4: {  	v38 =	vld [tilespmem:s28+$0x5C40];
	v4 =	vadd.f32 v33, v4;
	v6 =	vcvt.s32.f32 v6;
	v7 =	vshra.s32 v36, $0x1C  }
0x1f5: {  	p0 =	seq.s32 s30, $0x0;
	v5 =	vmul.f32 s0, v5;
	v8 =	vcvt.s32.f32 v8;
	(v2sf) =	vpush v40, $0x1  }
0x1f6: {  	s4 =	smov.u32 @p0 s11;
	s14 =	spop (v2sf);
	v42 =	vcvt.s32.f32 v10;
	v7 =	vcvt.s32.f32 v7;
	(v2sf) =	vpush v0, $0x5  }
0x1f7: {  	s16 =	sshll.u32 s14, $0x2;
	s9 =	spop (v2sf);
	v6 =	vmul.f32 s4, v6;
	v2 =	vadd.f32 v5, v2;
	v41 =	vmul.f32 s4, v8  }
0x1f8: {  	s17 =	sxor.u32 $0x1C, s16;
	v44 =	vmul.f32 s4, v42;
	s18 =	sxor.u32 $0xC, s16;
	s19 =	sxor.u32 $0x14, s16;
	(v2sf) =	vpush v48, $0x0;
	v7 =	vmul.f32 s4, v7  }
0x1f9: {  	s29 =	sxor.u32 $0x4, s16;
	v43 =	vshll.u32 v38, s17;
	v45 =	vshll.u32 v38, s18;
	v47 =	vshll.u32 v38, s19  }
0x1fa: {  	v46 =	vld [tilespmem:s28+$0x5C60];
	v9 =	vshll.u32 v38, s29;
	v1 =	vadd.f32 v1, v6;
	v4 =	vadd.f32 v4, v41  }
0x1fb: {  	v57 =	vld [tilespmem:s28+$0x5CD0];
	v6 =	vshra.s32 v43, $0x1C;
	v10 =	vshra.s32 v47, $0x1C;
	v2 =	vadd.f32 v2, v44  }
0x1fc: {  	p0 =	seq.s32 s14, $0x0;
	v3 =	vadd.f32 v3, v7;
	v6 =	vcvt.s32.f32 v6;
	v7 =	vshra.s32 v45, $0x1C;
	s11 =	spop (v2sf)  }
0x1fd: {  	v9 =	vshra.s32 v9, $0x1C;
	v49 =	vcvt.s32.f32 v10;
	v7 =	vcvt.s32.f32 v7;
	s30 =	spop (v2sf);
	s11 =	smov.u32 @p0 s9  }
0x1fe: {  	v9 =	vcvt.s32.f32 v9;
	(v2sf) =	vpush v48, $0x1;
	s31 =	sshll.u32 s30, $0x2;
	v6 =	vmul.f32 s11, v6  }
0x1ff: {  	(v2sf) =	vpush v0, $0x6;
	v7 =	vmul.f32 s11, v7;
	v5 =	vmul.f32 s11, v49;
	s5 =	sxor.u32 $0x1C, s31  }
0x200: {  	s9 =	spop (v2sf);
	v53 =	vmul.f32 s11, v9;
	(v2sf) =	vpush v57, $0x0;
	s6 =	sxor.u32 $0xC, s31;
	v50 =	vshll.u32 v46, s5  }
0x201: {  	s0 =	sxor.u32 $0x4, s31;
	v51 =	vshll.u32 v46, s6;
	v1 =	vadd.f32 v1, v6;
	v3 =	vadd.f32 v3, v7  }
0x202: {  	v63 =	vld [tilespmem:s28+$0x5CF0];
	v4 =	vadd.f32 v4, v5;
	v8 =	vshll.u32 v46, s0;
	v2 =	vadd.f32 v2, v53  }
0x203: {  	v55 =	vld [tilespmem:s28+$0x5C80];
	p0 =	seq.s32 s30, $0x0;
	s1 =	spop (v2sf);
	(v2sf) =	vpush v57, $0x1;
	v10 =	vshra.s32 v50, $0x1C;
	v12 =	vshra.s32 v51, $0x1C  }
0x204: {  	s1 =	smov.u32 @p0 s9;
	s9 =	sxor.u32 $0x14, s31;
	v8 =	vshra.s32 v8, $0x1C;
	v10 =	vcvt.s32.f32 v10;
	v52 =	vcvt.s32.f32 v12  }
0x205: {  	v56 =	vshll.u32 v46, s9;
	v8 =	vcvt.s32.f32 v8;
	s11 =	spop (v2sf);
	(v2sf) =	vpush v0, $0x7  }
0x206: {  	v54 =	vmul.f32 s1, v10;
	v6 =	vmul.f32 s1, v52;
	v10 =	vshra.s32 v56, $0x1C;
	s12 =	sshll.u32 s11, $0x2  }
0x207: {  	v59 =	vmul.f32 s1, v8;
	s9 =	spop (v2sf);
	(v2sf) =	vpush v63, $0x0;
	v58 =	vcvt.s32.f32 v10;
	s13 =	sxor.u32 $0x1C, s12  }
0x208: {  	v62 =	vld [tilespmem:s28+$0x5CA0];
	s14 =	sxor.u32 $0xC, s12;
	s16 =	sxor.u32 $0x14, s12;
	v1 =	vadd.f32 v1, v54;
	v3 =	vadd.f32 v3, v6;
	v60 =	vshll.u32 v55, s13  }
0x209: {  	s0 =	spop (v2sf);
	s18 =	sxor.u32 $0x4, s12;
	v61 =	vshll.u32 v55, s14;
	v2 =	vadd.f32 v2, v59;
	v14 =	vshll.u32 v55, s16  }
0x20a: {  	s17 =	spop (v2sf);
	v15 =	vshll.u32 v55, s18;
	(v2sf) =	vpush v63, $0x1;
	v5 =	vmul.f32 s1, v58  }
0x20b: {  	v7 =	vshra.s32 v60, $0x1C;
	v8 =	vshra.s32 v61, $0x1C;
	s19 =	sshll.u32 s17, $0x2;
	s1 =	spop (v2sf);
	(v2sf) =	vpush v0, $0x8  }
0x20c: {  	p0 =	seq.s32 s11, $0x0;
	v7 =	vcvt.s32.f32 v7;
	v12 =	vcvt.s32.f32 v8;
	s29 =	sxor.u32 $0x1C, s19;
	v8 =	vshra.s32 v15, $0x1C  }
0x20d: {  	v23 =	vld [tilespmem:s28+$0x5D10];
	s30 =	sxor.u32 $0xC, s19;
	s31 =	sxor.u32 $0x14, s19;
	s5 =	sxor.u32 $0x4, s19;
	v4 =	vadd.f32 v4, v5;
	v16 =	vshll.u32 v62, s29;
	v8 =	vcvt.s32.f32 v8  }
0x20e: {  	s0 =	smov.u32 @p0 s9;
	v21 =	vshll.u32 v62, s30;
	v22 =	vshll.u32 v62, s31;
	v26 =	vshll.u32 v62, s5  }
0x20f: {  	v13 =	vmul.f32 s0, v7;
	v5 =	vmul.f32 s0, v12;
	v7 =	vshra.s32 v14, $0x1C  }
0x210: {  	v9 =	vshra.s32 v16, $0x1C;
	v11 =	vshra.s32 v22, $0x1C;
	v7 =	vcvt.s32.f32 v7  }
0x211: {  	v17 =	vcvt.s32.f32 v9;
	v19 =	vmul.f32 s0, v8;
	v9 =	vshra.s32 v21, $0x1C  }
0x212: {  	v20 =	vld [tilespmem:s28+$0x5CC0];
	p0 =	seq.s32 s17, $0x0;
	s9 =	spop (v2sf);
	v25 =	vcvt.s32.f32 v11;
	(v2sf) =	vpush v23, $0x0;
	v1 =	vadd.f32 v13, v1  }
0x213: {  	v34 =	vld [tilespmem:s28+$0x5D30];
	v3 =	vadd.f32 v5, v3;
	s9 =	smov.u32 @p0 s1;
	v24 =	vcvt.s32.f32 v9;
	s6 =	spop (v2sf);
	(v2sf) =	vpush v23, $0x1  }
0x214: {  	v18 =	vmul.f32 s0, v7;
	v6 =	vmul.f32 s9, v17;
	v2 =	vadd.f32 v19, v2  }
0x215: {  	s12 =	sshll.u32 s6, $0x2;
	v27 =	vmul.f32 s9, v25;
	s11 =	spop (v2sf);
	(v2sf) =	vpush v0, $0x9;
	v5 =	vmul.f32 s9, v24  }
0x216: {  	s13 =	sxor.u32 $0x1C, s12;
	s14 =	sxor.u32 $0xC, s12;
	s16 =	sxor.u32 $0x14, s12;
	v4 =	vadd.f32 v18, v4;
	v1 =	vadd.f32 v6, v1;
	v6 =	vshra.s32 v26, $0x1C  }
0x217: {  	s0 =	sxor.u32 $0x4, s12;
	v28 =	vshll.u32 v20, s13;
	v29 =	vshll.u32 v20, s14;
	v33 =	vshll.u32 v20, s16  }
0x218: {  	s1 =	spop (v2sf);
	v8 =	vshll.u32 v20, s0;
	(v2sf) =	vpush v34, $0x0;
	v6 =	vcvt.s32.f32 v6  }
0x219: {  	v30 =	vld [tilespmem:s28+$0x5CE0];
	v9 =	vshra.s32 v28, $0x1C;
	v10 =	vshra.s32 v29, $0x1C;
	v7 =	vshra.s32 v33, $0x1C  }
0x21a: {  	v45 =	vld [tilespmem:s28+$0x5D50];
	p0 =	seq.s32 s6, $0x0;
	v8 =	vshra.s32 v8, $0x1C;
	v9 =	vcvt.s32.f32 v9;
	v31 =	vcvt.s32.f32 v10  }
0x21b: {  	v3 =	vadd.f32 v5, v3;
	s1 =	smov.u32 @p0 s11;
	v7 =	vcvt.s32.f32 v7;
	v8 =	vcvt.s32.f32 v8  }
0x21c: {  	v4 =	vadd.f32 v27, v4;
	v6 =	vmul.f32 s9, v6;
	s17 =	spop (v2sf);
	v32 =	vmul.f32 s1, v9  }
0x21d: {  	(v2sf) =	vpush v34, $0x1;
	s18 =	sshll.u32 s17, $0x2;
	v5 =	vmul.f32 s1, v31;
	v37 =	vmul.f32 s1, v7  }
0x21e: {  	s0 =	spop (v2sf);
	v38 =	vmul.f32 s1, v8;
	(v2sf) =	vpush v0, $0xA;
	v2 =	vadd.f32 v6, v2;
	s19 =	sxor.u32 $0x1C, s18  }
0x21f: {  	v47 =	vld [tilespmem:s28+$0x5D70];
	s29 =	sxor.u32 $0xC, s18;
	(v2sf) =	vpush v45, $0x0;
	v35 =	vshll.u32 v30, s19;
	v1 =	vadd.f32 v32, v1  }
0x220: {  	s30 =	sxor.u32 $0x14, s18;
	s5 =	sxor.u32 $0x4, s18;
	v3 =	vadd.f32 v5, v3;
	v39 =	vshll.u32 v30, s29;
	v4 =	vadd.f32 v37, v4  }
0x221: {  	v40 =	vld [tilespmem:s28+$0x5D00];
	v42 =	vshll.u32 v30, s30;
	v43 =	vshll.u32 v30, s5;
	(v2sf) =	vpush v45, $0x1  }
0x222: {  	s9 =	spop (v2sf);
	v10 =	vshra.s32 v35, $0x1C;
	v8 =	vshra.s32 v39, $0x1C;
	v7 =	vshra.s32 v43, $0x1C  }
0x223: {  	p0 =	seq.s32 s17, $0x0;
	s31 =	spop (v2sf);
	(v2sf) =	vpush v0, $0xB;
	v36 =	vcvt.s32.f32 v10;
	v41 =	vcvt.s32.f32 v8  }
0x224: {  	s9 =	smov.u32 @p0 s0;
	v2 =	vadd.f32 v38, v2;
	s6 =	sshll.u32 s31, $0x2;
	v7 =	vcvt.s32.f32 v7;
	(v2sf) =	vpush v47, $0x0  }
0x225: {  	s11 =	sxor.u32 $0x1C, s6;
	s12 =	sxor.u32 $0xC, s6;
	(v2sf) =	vpush v47, $0x1;
	v5 =	vmul.f32 s9, v36;
	v6 =	vmul.f32 s9, v41  }
0x226: {  	v51 =	vld [tilespmem:s28+$0x5D90];
	s13 =	sxor.u32 $0x14, s6;
	s14 =	sxor.u32 $0x4, s6;
	v44 =	vshll.u32 v40, s11;
	v46 =	vshll.u32 v40, s12;
	v7 =	vmul.f32 s9, v7  }
0x227: {  	v52 =	vshll.u32 v40, s13;
	v53 =	vshll.u32 v40, s14;
	v8 =	vshra.s32 v44, $0x1C  }
0x228: {  	s11 =	spop (v2sf);
	v11 =	vshra.s32 v46, $0x1C;
	(v2sf) =	vpush v0, $0xC;
	v1 =	vadd.f32 v5, v1  }
0x229: {  	v54 =	vld [tilespmem:s28+$0x5DB0];
	v5 =	vshra.s32 v42, $0x1C;
	v8 =	vcvt.s32.f32 v8;
	v11 =	vcvt.s32.f32 v11  }
0x22a: {  	v50 =	vld [tilespmem:s28+$0x5D20];
	p0 =	seq.s32 s31, $0x0;
	s0 =	spop (v2sf);
	v3 =	vadd.f32 v6, v3;
	v2 =	vadd.f32 v7, v2;
	v6 =	vshra.s32 v52, $0x1C  }
0x22b: {  	(v2sf) =	vpush v51, $0x0;
	v5 =	vcvt.s32.f32 v5;
	s0 =	smov.u32 @p0 s11;
	v6 =	vcvt.s32.f32 v6  }
0x22c: {  	s16 =	spop (v2sf);
	(v2sf) =	vpush v51, $0x1;
	v48 =	vmul.f32 s0, v8;
	v49 =	vmul.f32 s0, v11  }
0x22d: {  	s17 =	sshll.u32 s16, $0x2;
	v8 =	vshra.s32 v53, $0x1C;
	(v2sf) =	vpush v0, $0xD;
	v5 =	vmul.f32 s9, v5  }
0x22e: {  	s18 =	sxor.u32 $0x1C, s17;
	v8 =	vcvt.s32.f32 v8;
	s19 =	sxor.u32 $0xC, s17;
	v57 =	vmul.f32 s0, v6;
	(v2sf) =	vpush v54, $0x0  }
0x22f: {  	v59 =	vld [tilespmem:s28+$0x5DD0];
	s29 =	sxor.u32 $0x14, s17;
	s1 =	sxor.u32 $0x4, s17;
	v3 =	vadd.f32 v49, v3;
	v55 =	vshll.u32 v50, s18;
	v56 =	vshll.u32 v50, s19  }
0x230: {  	v62 =	vld [tilespmem:s25+$0x2];
	s11 =	spop (v2sf);
	(v2sf) =	vpush v54, $0x1;
	v30 =	vshll.u32 v50, s29;
	v31 =	vshll.u32 v50, s1  }
0x231: {  	v4 =	vadd.f32 v5, v4;
	v5 =	vadd.f32 v48, v1;
	v10 =	vshra.s32 v55, $0x1C  }
0x232: {  	v60 =	vld [tilespmem:s28+$0x5D40];
	p0 =	seq.s32 s16, $0x0;
	v11 =	vshra.s32 v56, $0x1C;
	v8 =	vmul.f32 s0, v8;
	s4 =	spop (v2sf);
	v10 =	vcvt.s32.f32 v10  }
0x233: {  	v61 =	vld [tilespmem:s28+$0x5DF0];
	v58 =	vcvt.s32.f32 v11;
	(v2sf) =	vpush v0, $0xE;
	s4 =	smov.u32 @p0 s11;
	v4 =	vadd.f32 v57, v4  }
0x234: {  	v1 =	vadd.f32 v8, v2;
	(v2sf) =	vpush v59, $0x0;
	v10 =	vmul.f32 s4, v10  }
0x235: {  	s30 =	spop (v2sf);
	v8 =	vshrl.u32 v62, $0xE;
	v6 =	vmul.f32 s4, v58;
	(v2sf) =	vpush v59, $0x1  }
0x236: {  	s31 =	sshll.u32 s30, $0x2;
	s9 =	spop (v2sf);
	v8 =	vand.u32 $0x1, v8;
	(v2sf) =	vpush v0, $0xF;
	v5 =	vadd.f32 v10, v5  }
0x237: {  	s5 =	sxor.u32 $0x1C, s31;
	s6 =	sxor.u32 $0xC, s31;
	v63 =	vadd.f32 v6, v3;
	v3 =	vshra.s32 v30, $0x1C;
	v6 =	vshra.s32 v31, $0x1C  }
0x238: {  	v32 =	vld [tilespmem:s28+$0x5E10];
	s12 =	spop (v2sf);
	s1 =	sxor.u32 $0x4, s31;
	v33 =	vshll.u32 v60, s5;
	(v2sf) =	vpush v61, $0x0;
	v35 =	vshll.u32 v60, s6  }
0x239: {  	v34 =	vld [tilespmem:s28+$0x5D60];
	p0 =	seq.s32 s30, $0x0;
	v39 =	vshll.u32 v60, s1;
	v3 =	vcvt.s32.f32 v3;
	v6 =	vcvt.s32.f32 v6  }
0x23a: {  	s13 =	spop (v2sf);
	s12 =	smov.u32 @p0 s9;
	s9 =	sxor.u32 $0x14, s31;
	v0 =	vshra.s32 v33, $0x1C;
	(v2sf) =	vpush v61, $0x1;
	v9 =	vshra.s32 v35, $0x1C  }
0x23b: {  	s14 =	spop (v2sf);
	v37 =	vshll.u32 v60, s9;
	v0 =	vcvt.s32.f32 v0;
	(v2sf) =	vpush v8, $0xE  }
0x23c: {  	s16 =	sshll.u32 s13, $0x2;
	p0 =	seq.s32 s13, $0x0;
	v36 =	vcvt.s32.f32 v9;
	v38 =	vshra.s32 v37, $0x1C;
	v9 =	vshra.s32 v39, $0x1C  }
0x23d: {  	s11 =	sxor.u32 $0x1C, s16;
	s13 =	sxor.u32 $0xC, s16;
	v3 =	vmul.f32 s4, v3;
	v6 =	vmul.f32 s4, v6;
	s4 =	spop (v2sf);
	(v2sf) =	vpush v32, $0x0  }
0x23e: {  	v40 =	vshll.u32 v34, s11;
	v42 =	vcvt.s32.f32 v9;
	v45 =	vshll.u32 v34, s13  }
0x23f: {  	v0 =	vmul.f32 s12, v0;
	s17 =	spop (v2sf);
	(v2sf) =	vpush v32, $0x1;
	v11 =	vshra.s32 v40, $0x1C  }
0x240: {  	v41 =	vld [tilespmem:s28+$0x5D80];
	v44 =	vmul.f32 s12, v36;
	s18 =	spop (v2sf);
	(v2sf) =	vpush v8, $0xF;
	v8 =	vcvt.s32.f32 v38  }
0x241: {  	s4 =	smov.u32 @p0 s14;
	v47 =	vshra.s32 v45, $0x1C;
	s14 =	sxor.u32 $0x14, s16;
	s16 =	sxor.u32 $0x4, s16;
	v43 =	vcvt.s32.f32 v11;
	v46 =	vmul.f32 s12, v42  }
0x242: {  	v48 =	vshll.u32 v34, s14;
	v10 =	vshll.u32 v34, s16;
	v54 =	vadd.f32 v3, v4  }
0x243: {  	s19 =	sshll.u32 s17, $0x2;
	v1 =	vadd.f32 v6, v1;
	v5 =	vadd.f32 v0, v5;
	v0 =	vcvt.s32.f32 v47  }
0x244: {  	s30 =	sxor.u32 $0x1C, s19;
	v7 =	vshra.s32 v48, $0x1C;
	v10 =	vshra.s32 v10, $0x1C;
	v2 =	vadd.f32 v44, v63  }
0x245: {  	s31 =	sxor.u32 $0xC, s19;
	v8 =	vmul.f32 s12, v8;
	v9 =	vmul.f32 s4, v43;
	v14 =	vshll.u32 v41, s30  }
0x246: {  	v51 =	vld [tilespmem:s28+$0x5DA0];
	s0 =	spop (v2sf);
	s5 =	sxor.u32 $0x4, s19;
	v7 =	vcvt.s32.f32 v7;
	v10 =	vcvt.s32.f32 v10;
	v17 =	vshll.u32 v41, s31  }
0x247: {  	s11 =	spop (v2sf);
	v12 =	vshll.u32 v41, s5;
	v1 =	vadd.f32 v46, v1;
	v14 =	vshra.s32 v14, $0x1C  }
0x248: {  	p0 =	seq.s32 s17, $0x0;
	s9 =	spop (v2sf);
	v16 =	vmul.f32 s4, v0;
	v50 =	vshra.s32 v17, $0x1C;
	v14 =	vcvt.s32.f32 v14  }
0x249: {  	v15 =	vld [tilespmem:s28+$0x5E30];
	s0 =	smov.u32 @p0 s18;
	v12 =	vshra.s32 v12, $0x1C;
	s6 =	sshll.u32 s11, $0x2;
	s29 =	spop (v2sf);
	v18 =	vmul.f32 s4, v7;
	v49 =	vmul.f32 s4, v10  }
0x24a: {  	v9 =	vadd.f32 v9, v5;
	v7 =	vcvt.s32.f32 v50;
	s4 =	sxor.u32 $0x14, s19;
	v12 =	vcvt.s32.f32 v12;
	s5 =	sxor.u32 $0x1C, s6;
	s12 =	spop (v2sf)  }
0x24b: {  	p0 =	seq.s32 s11, $0x0;
	s11 =	sxor.u32 $0x14, s6;
	v8 =	vadd.f32 v8, v54;
	v52 =	vshll.u32 v41, s4;
	v19 =	vshll.u32 v51, s5;
	s14 =	spop (v2sf)  }
0x24c: {  	v21 =	vshll.u32 v51, s11;
	v2 =	vadd.f32 v16, v2;
	v14 =	vmul.f32 s0, v14;
	s30 =	spop (v2sf)  }
0x24d: {  	v53 =	vld [tilespmem:s28+$0x5DC0];
	s5 =	sxor.u32 $0xC, s6;
	v5 =	vshra.s32 v52, $0x1C;
	v57 =	vmul.f32 s0, v7;
	v58 =	vmul.f32 s0, v12;
	s16 =	spop (v2sf)  }
0x24e: {  	s6 =	sxor.u32 $0x4, s6;
	v59 =	vshra.s32 v19, $0x1C;
	v61 =	vshll.u32 v51, s5;
	(v2sf) =	vpush v15, $0x0;
	s17 =	spop (v2sf)  }
0x24f: {  	v10 =	vshll.u32 v51, s6;
	v8 =	vadd.f32 v18, v8;
	s31 =	spop (v2sf);
	(v2sf) =	vpush v15, $0x1  }
0x250: {  	v56 =	vld [tilespmem:s28+$0x5DE0];
	v0 =	vadd.f32 v49, v1;
	v55 =	vcvt.s32.f32 v5;
	s13 =	sshll.u32 s12, $0x2;
	v12 =	vcvt.s32.f32 v59  }
0x251: {  	s29 =	smov.u32 @p0 s9;
	v19 =	vshra.s32 v61, $0x1C;
	v48 =	vshra.s32 v10, $0x1C;
	v9 =	vadd.f32 v14, v9;
	s5 =	sxor.u32 $0xC, s13  }
0x252: {  	v20 =	vmul.f32 s0, v55;
	s0 =	sxor.u32 $0x1C, s13;
	v23 =	vshll.u32 v53, s5;
	s5 =	sxor.u32 $0x14, s13;
	v12 =	vmul.f32 s29, v12  }
0x253: {  	p0 =	seq.s32 s12, $0x0;
	v2 =	vadd.f32 v57, v2;
	s11 =	sshll.u32 s16, $0x2;
	v22 =	vshll.u32 v53, s0;
	v24 =	vshll.u32 v53, s5  }
0x254: {  	v3 =	vld [tilespmem:s28+$0x5E00];
	s30 =	smov.u32 @p0 s14;
	s6 =	sxor.u32 $0x1C, s11;
	v22 =	vshra.s32 v22, $0x1C;
	v62 =	vadd.f32 v12, v9;
	v9 =	vcvt.s32.f32 v19  }
0x255: {  	p0 =	seq.s32 s16, $0x0;
	s14 =	sxor.u32 $0xC, s11;
	v8 =	vadd.f32 v20, v8;
	v35 =	vshra.s32 v24, $0x1C;
	s18 =	spop (v2sf);
	v25 =	vshll.u32 v56, s6  }
0x256: {  	v22 =	vcvt.s32.f32 v22;
	s31 =	smov.u32 @p0 s17;
	v28 =	vshll.u32 v56, s14;
	v38 =	vcvt.s32.f32 v35;
	s19 =	spop (v2sf)  }
0x257: {  	v60 =	vld [tilespmem:s28+$0x5E20];
	s0 =	sshll.u32 s18, $0x2;
	v12 =	vshra.s32 v25, $0x1C;
	p0 =	seq.s32 s18, $0x0;
	v9 =	vmul.f32 s29, v9;
	v30 =	vshra.s32 v28, $0x1C;
	s18 =	sxor.u32 $0x4, s13  }
0x258: {  	s1 =	spop (v2sf);
	s9 =	sxor.u32 $0x1C, s0;
	v63 =	vmul.f32 s30, v22;
	v11 =	vcvt.s32.f32 v12;
	s16 =	sxor.u32 $0xC, s0;
	v39 =	vshll.u32 v53, s18  }
0x259: {  	s4 =	spop (v2sf);
	v26 =	vshll.u32 v3, s9;
	v2 =	vadd.f32 v9, v2;
	v31 =	vshll.u32 v3, s16  }
0x25a: {  	s1 =	smov.u32 @p0 s19;
	s19 =	sxor.u32 $0x14, s11;
	s6 =	sshll.u32 s4, $0x2;
	v6 =	vadd.f32 v63, v62;
	v11 =	vmul.f32 s31, v11;
	v22 =	vshra.s32 v26, $0x1C  }
0x25b: {  	v26 =	vshra.s32 v23, $0x1C;
	v14 =	vshra.s32 v31, $0x1C;
	v40 =	vshll.u32 v56, s19;
	s12 =	sxor.u32 $0x1C, s6  }
0x25c: {  	v12 =	vcvt.s32.f32 v22;
	v13 =	vcvt.s32.f32 v26;
	v27 =	vshll.u32 v60, s12  }
0x25d: {  	v34 =	vcvt.s32.f32 v14;
	v42 =	vshra.s32 v40, $0x1C;
	v25 =	vshra.s32 v27, $0x1C;
	s5 =	spop (v2sf)  }
0x25e: {  	p0 =	seq.s32 s4, $0x0;
	v6 =	vadd.f32 v11, v6;
	v12 =	vmul.f32 s1, v12;
	v11 =	vcvt.s32.f32 v25;
	s12 =	spop (v2sf)  }
0x25f: {  	v27 =	vshra.s32 v21, $0x1C;
	v29 =	vmul.f32 s30, v13;
	v13 =	vcvt.s32.f32 v30;
	s12 =	smov.u32 @p0 s5  }
0x260: {  	s17 =	sxor.u32 $0xC, s6;
	v9 =	vcvt.s32.f32 v27;
	v6 =	vadd.f32 v12, v6;
	v11 =	vmul.f32 s12, v11  }
0x261: {  	v32 =	vshll.u32 v60, s17;
	v2 =	vadd.f32 v29, v2;
	v33 =	vmul.f32 s31, v13;
	p0 =	sgt.u32 s21, $0x7B  }
0x262: {  	v9 =	vmul.f32 s29, v9;
	s5 =	sadd.s32 $0x5800, s28;
	s4 =	simm.s32 @!p0 $0x32;
	v6 =	vadd.f32 v6, v11;
	v11 =	vshra.s32 v32, $0x1C  }
0x263: {  	v36 =	vmul.f32 s1, v34;
	v2 =	vadd.f32 v33, v2;
	[tilespmem:s5], [sflag:s26] =	stream.indirect.gather @!p0 [hbm4b:s3+s4], $0x20, s22, s4, $0xb8;
	v11 =	vcvt.s32.f32 v11;
	[tilespmem:$0xD100] =	vst v63  }
0x264: {  	v45 =	vcvt.s32.f32 v42;
	v8 =	vadd.f32 v9, v8;
	v9 =	vmul.f32 s30, v38;
	s26 =	sxor.u32 $0x14, s0;
	[tilespmem:s24+$0xFFFFFFA0] =	vst v6  }
0x265: {  	v2 =	vadd.f32 v36, v2;
	s28 =	sxor.u32 $0x14, s6;
	v43 =	vshll.u32 v3, s26;
	[tilespmem:s24+$0xFFFFFFE0] =	vst v6;
	v41 =	vmul.f32 s12, v11  }
0x266: {  	v46 =	vadd.f32 v9, v8;
	v44 =	vshll.u32 v60, s28;
	v47 =	vshra.s32 v43, $0x1C;
	v37 =	vld [tilespmem:s23+$0xFFFFFFE0]  }
0x267: {  	v6 =	vmul.f32 s31, v45;
	v8 =	vcvt.s32.f32 v47;
	v2 =	vadd.f32 v2, v41  }
0x268: {  	v49 =	vcvt.s32.f32 v48;
	v50 =	vshra.s32 v39, $0x1C;
	v51 =	vshra.s32 v44, $0x1C  }
0x269: {  	v53 =	vcvt.s32.f32 v51;
	v1 =	vadd.f32 v6, v46;
	v52 =	vmul.f32 s1, v8;
	[tilespmem:s24+$0xFFFFFFB0] =	vst v2  }
0x26a: {  	v55 =	vcvt.s32.f32 v50;
	[tilespmem:s24+$0xFFFFFFF0] =	vst v2;
	v2 =	vmul.f32 s29, v49;
	s29 =	sxor.u32 $0x4, s11  }
0x26b: {  	v1 =	vadd.f32 v52, v1;
	[tilespmem:s24+$0x20] =	vst v37;
	v5 =	vshll.u32 v56, s29;
	v56 =	vmul.f32 s12, v53  }
0x26c: {  	v0 =	vadd.f32 v58, v0;
	v54 =	vld [tilespmem:s23+$0xFFFFFFF0]  }
0x26d: {  	v57 =	vmul.f32 s30, v55;
	s0 =	sxor.u32 $0x4, s0;
	v5 =	vshra.s32 v5, $0x1C;
	v1 =	vadd.f32 v1, v56  }
0x26e: {  	s30 =	sxor.u32 $0x4, s6;
	v3 =	vshll.u32 v3, s0;
	v0 =	vadd.f32 v2, v0;
	v5 =	vcvt.s32.f32 v5  }
0x26f: {  	v4 =	vshll.u32 v60, s30;
	v58 =	vshra.s32 v3, $0x1C;
	[tilespmem:s24+$0xFFFFFFC0] =	vst v1  }
0x270: {  	v2 =	vcvt.s32.f32 v58;
	v0 =	vadd.f32 v57, v0;
	v59 =	vmul.f32 s31, v5;
	[tilespmem:s24+$0x0] =	vst v1  }
0x271: {  	v4 =	vshra.s32 v4, $0x1C;
	[tilespmem:s24+$0x30] =	vst v54  }
0x272: {  	v61 =	vcvt.s32.f32 v4;
	v60 =	vmul.f32 s1, v2;
	v0 =	vadd.f32 v59, v0;
	v62 =	vld [tilespmem:s23+$0x0];
	_ =	sdelay $0x1  }
0x273: {  	v63 =	vmul.f32 s12, v61;
	v0 =	vadd.f32 v60, v0;
	_ =	sdelay $0x1  }
0x274: {  	v0 =	vadd.f32 v0, v63  }
0x275: {  	[tilespmem:s24+$0x40] =	vst v62  }
0x276: {  	[tilespmem:s24+$0xFFFFFFD0] =	vst v0  }
0x277: {  	s21 =	sadd.s32 $0x1, s21;
	[tilespmem:s24+$0x10] =	vst v0  }
0x278: {  	p0 =	sne.s32 s21, $0x80;
	v0 =	vld [tilespmem:s23+$0x10]  }
.Ltmp1:
0x279: {  	_ = 	snop;
	(pc) =	sbr.rel @p0 .LBB2_4-.Ltmp1, $3  }
0x27a: {  	_ =	sdelay $0x1  }
0x27b: {  	s25 =	sadd.s32 $0x38, s25  }
0x27c: {  	s22 =	sadd.s32 $0x38, s22;
	s23 =	sadd.s32 $0x40, s23;
	[tilespmem:s24+$0x50] =	vst v0;
	s24 =	sadd.s32 $0xC0, s24  }
0x27d: {  	s20 =	sadd.s32 $0x1, s20  }
0x27e: {  	p0 =	sne.s32 s20, s7  }
.Ltmp2:
0x27f: {  	s0 =	rddreg [dreg:$0x5];
	s1 =	simm.s32 $0x7100;
	(pc) =	sbr.rel @p0 .LBB2_1-.Ltmp2, $4  }
0x280: {  	[hbm4b:s0+s2] =	stream.linear.scatter [tilespmem:s1], [sflag:$0x5], $0x6000, $0x38;
	[tilespmem:$0xD100] =	vst v63  }
0x281: {  	_ =	swait.ge [sflag:s8], $0x6000  }
0x282: {  	[sflag:s8] =	ssyncset.done $0x0  }
0x283: {  	[sflag:s8] =	ssyncadd.s32 $0xFFFFA000  }
0x284: {  	_ =	sfence.sel $0x180000  }
0x285: {  	[bflag:$0x0] =	sbarrier.arrive $0xFFFF  }
0x286: {  	_ =	strace $0x90000047  }
0x287: {  	s0 =	stileid.u32;
	[bflag:$0x2] =	sbarrier.arrive $0xFFFF  }
0x288: {  	p0 =	sne.s32 s0, $0x0;
	s0 =	rddreg [dreg:$0x2]  }
0x289: {  	s0 =	sadd.s32 @!p0 $0x100000, s0  }
0x28a: {  	[sflag:s0] =	ssyncadd.tile.s32 @!p0 $0x1;
	_ =	shalt  }
.Lfunc_end2:
_tile_overlayer_lowered:
.L_overlay_start_2:
0x28b: {  	(tag) =	ssettag $0x2  }
0x28c: {  	s0 =	rddreg [dreg:$0x0];
	s2 =	stileid.u32  }
0x28d: {  	s1 =	rddreg [dreg:$0x1];
	p0 =	sne.s32 s2, $0x0  }
0x28e: {  	s3 =	rddreg [dreg:$0x2];
	[bflag:$0x3] =	sbarrier.arrive $0xFFFF;
	s2 =	simm.s32 @!p0 $0x1C05  }
0x28f: {  	[timem:s3], [sflag:s2] =	dma.local @!p0 [hbm:s0], s1  }
0x290: {  	s0 =	simm.s32 @!p0 $0x5  }
0x291: {  	_ =	swait.ge @!p0 [sflag:s0], s1  }
0x292: {  	s1 =	ssub.s32 @!p0 $0x0, s1;
	[sflag:s0] =	ssyncset.done @!p0 $0x0  }
0x293: {  	[sflag:s0] =	ssyncadd.s32 @!p0 s1  }
0x294: {  	[bflag:$0x3] =	sbarrier.arrive $0xFFFF  }
0x295: {  	_ =	shalt  }

</sc_bundles>
